<compile_context>
chip_gen: v7x
topology: tpu7x:2x2x1
jax: 0.10.2.dev20260603
libtpu: 0.0.44.dev20260713+nightly
codegen_flags: <defaults>
</compile_context>

<pallas_src>
import functools

import jax
import jax.numpy as jnp
from jax import lax
from jax.experimental import pallas as pl
from jax.experimental.pallas import tpu as pltpu
from jax.experimental.pallas import tpu_sc as plsc

_NC = 2
_NS = 16
_NW = _NC * _NS
_LANES = 16

_B = 16384
_F = 26
_K = 32
_V = 1_000_000

_RPT = _B // _NW
_IPW = _RPT * _F
_CH = 16
_NCH = _RPT // _CH
_IDXM = 104
_IPC = _CH * _F // _IDXM
_CHI = _CH * _F
_NBUF = 4





def _sc_body(idx_hbm, v_hbm, w_hbm, s_out, sq_out, wraw_out,
             idxv, vb0, vb1, vb2, vb3, wall, sbuf, sqbuf,
             sem0, sem1, sem2, sem3, wsem):
    wid = lax.axis_index("s") * _NC + lax.axis_index("c")

    pltpu.sync_copy(idx_hbm.at[pl.ds(wid * _IPW, _IPW)], idxv)

    def fire(c, vb, sem):
        for j in range(_IPC):
            off = c * _CHI + j * _IDXM
            pltpu.async_copy(v_hbm.at[idxv.at[pl.ds(off, _IDXM)]],
                             vb.at[pl.ds(j * _IDXM, _IDXM)], sem)
        for j in range(_IPC):
            off = c * _CHI + j * _IDXM
            pltpu.async_copy(w_hbm.at[idxv.at[pl.ds(off, _IDXM)]],
                             wall.at[pl.ds(off, _IDXM)], wsem)

    def drain(vb, sem):
        pltpu.make_async_copy(v_hbm.at[pl.ds(0, _CHI)], vb, sem).wait()

    def compute(c, vb):
        def row_body(r, carry):
            rb = r * _F
            acc0 = jnp.zeros((_LANES,), jnp.float32)
            acc1 = jnp.zeros((_LANES,), jnp.float32)
            asq = jnp.zeros((_LANES,), jnp.float32)
            for f in range(_F):
                v0 = vb[rb + f, 0:16]
                v1 = vb[rb + f, 16:32]
                acc0 = acc0 + v0
                acc1 = acc1 + v1
                asq = asq + v0 * v0
                asq = asq + v1 * v1
            g = (c * _CH + r) * _K
            sbuf[pl.ds(g, _LANES)] = acc0
            sbuf[pl.ds(g + _LANES, _LANES)] = acc1
            sqbuf[pl.ds((c * _CH + r) * _LANES, _LANES)] = asq
            return carry

        lax.fori_loop(0, _CH, row_body, 0)

    bufs = ((vb0, sem0), (vb1, sem1), (vb2, sem2), (vb3, sem3))
    for p in range(_NBUF - 1):
        fire(p, *bufs[p])

    def chunk_body(i, carry):
        for b in range(_NBUF):
            c = i * _NBUF + b
            vb, sem = bufs[b]
            nvb, nsem = bufs[(b + _NBUF - 1) % _NBUF]

            @pl.when(c + _NBUF - 1 < _NCH)
            def _():
                fire(c + _NBUF - 1, nvb, nsem)

            drain(vb, sem)
            compute(c, vb)
        return carry

    lax.fori_loop(0, _NCH // _NBUF, chunk_body, 0)

    pltpu.sync_copy(sbuf, s_out.at[pl.ds(wid * _RPT * _K, _RPT * _K)])
    pltpu.sync_copy(sqbuf, sq_out.at[pl.ds(wid * _RPT * _LANES,
                                           _RPT * _LANES)])
    pltpu.make_async_copy(w_hbm.at[pl.ds(0, _IPW)], wall, wsem).wait()
    pltpu.sync_copy(wall, wraw_out.at[pl.ds(wid * _IPW, _IPW)])


_sc_gather = functools.partial(
    pl.kernel,
    mesh=plsc.VectorSubcoreMesh(core_axis_name="c", subcore_axis_name="s"),
    compiler_params=pltpu.CompilerParams(use_tc_tiling_on_sc=False),
    out_type=[
        jax.ShapeDtypeStruct((_B * _K,), jnp.float32),
        jax.ShapeDtypeStruct((_B * _LANES,), jnp.float32),
        jax.ShapeDtypeStruct((_B * _F,), jnp.float32),
    ],
    scratch_types=[
        pltpu.VMEM((_IPW,), jnp.int32),
        pltpu.VMEM((_CHI, _K), jnp.float32),
        pltpu.VMEM((_CHI, _K), jnp.float32),
        pltpu.VMEM((_CHI, _K), jnp.float32),
        pltpu.VMEM((_CHI, _K), jnp.float32),
        pltpu.VMEM((_IPW,), jnp.float32),
        pltpu.VMEM((_RPT * _K,), jnp.float32),
        pltpu.VMEM((_RPT * _LANES,), jnp.float32),
        pltpu.SemaphoreType.DMA,
        pltpu.SemaphoreType.DMA,
        pltpu.SemaphoreType.DMA,
        pltpu.SemaphoreType.DMA,
        pltpu.SemaphoreType.DMA,
    ],
)(_sc_body)


def _tc_body(s_ref, sq_ref, wraw_ref, dense_ref, w0_ref, wdw_ref, wdb_ref,
             vdw_ref, vdb_ref, out_ref):
    dense = dense_ref[:]
    d = lax.dot_general(dense, vdw_ref[:], (((1,), (1,)), ((), ())),
                        preferred_element_type=jnp.float32) + vdb_ref[:]
    t = s_ref[:] + d
    second = (jnp.sum(t * t, axis=1, keepdims=True)
              - jnp.sum(sq_ref[:], axis=1, keepdims=True)
              - jnp.sum(d * d, axis=1, keepdims=True))
    first_sparse = jnp.sum(wraw_ref[:], axis=1, keepdims=True)
    first_dense = lax.dot_general(dense, wdw_ref[:], (((1,), (1,)), ((), ())),
                                  preferred_element_type=jnp.float32)
    out_ref[:] = (w0_ref[:] + first_sparse + first_dense + wdb_ref[:]
                  + 0.5 * second)


def kernel(sparse_features, dense_features, W0, W_sparse, W_dense_w,
           W_dense_b, V_sparse, V_dense_w, V_dense_b):
    idx = sparse_features.astype(jnp.int32).reshape(-1)
    w_flat = W_sparse.reshape(-1)

    s_flat, sq_flat, wraw = _sc_gather(idx, V_sparse, w_flat)

    blk = 2048
    grid = (_B // blk,)
    out = pl.pallas_call(
        _tc_body,
        grid=grid,
        in_specs=[
            pl.BlockSpec((blk, _K), lambda i: (i, 0)),
            pl.BlockSpec((blk, _LANES), lambda i: (i, 0)),
            pl.BlockSpec((blk, _F), lambda i: (i, 0)),
            pl.BlockSpec((blk, dense_features.shape[1]), lambda i: (i, 0)),
            pl.BlockSpec((1, 1), lambda i: (0, 0)),
            pl.BlockSpec(W_dense_w.shape, lambda i: (0, 0)),
            pl.BlockSpec((1, 1), lambda i: (0, 0)),
            pl.BlockSpec(V_dense_w.shape, lambda i: (0, 0)),
            pl.BlockSpec((1, _K), lambda i: (0, 0)),
        ],
        out_specs=pl.BlockSpec((blk, 1), lambda i: (i, 0)),
        out_shape=jax.ShapeDtypeStruct((_B, 1), jnp.float32),
    )(s_flat.reshape(_B, _K), sq_flat.reshape(_B, _LANES),
      wraw.reshape(_B, _F), dense_features, W0.reshape(1, 1),
      W_dense_w, W_dense_b.reshape(1, 1), V_dense_w,
      V_dense_b.reshape(1, _K))
    return out

# --- scband reference (transcript-rebuilt; emitter-appended) ---
"""Pipeline reference for scband-factorization-machine-21165598834997 (READ-ONLY COPY).

The authoritative reference and input builder live on the scoring server;
editing this copy changes nothing except your own understanding.
"""

import jax, jax.numpy as jnp
import numpy as np


def setup_inputs(seed: int = 0) -> dict:
    key = jax.random.key(seed)
    ks = jax.random.split(key, 8)
    B, F, V, D, K = 16384, 26, 1000000, 13, 32
    sparse_features = jax.random.randint(ks[0], (B, F), 0, V, dtype=jnp.int64) if jax.config.jax_enable_x64 else jax.random.randint(ks[0], (B, F), 0, V, dtype=jnp.int32)
    dense_features = jax.random.normal(ks[1], (B, D), dtype=jnp.float32)
    W0 = jnp.zeros((1,), dtype=jnp.float32)
    W_sparse = jax.random.normal(ks[2], (V, 1), dtype=jnp.float32) * 0.01
    W_dense_w = jax.random.normal(ks[3], (1, D), dtype=jnp.float32) * 0.1
    W_dense_b = jnp.zeros((1,), dtype=jnp.float32)
    V_sparse = jax.random.normal(ks[4], (V, K), dtype=jnp.float32) * 0.01
    V_dense_w = jax.random.normal(ks[5], (K, D), dtype=jnp.float32) * 0.1
    V_dense_b = jnp.zeros((K,), dtype=jnp.float32)
    return {
        "sparse_features": sparse_features,
        "dense_features": dense_features,
        "W0": W0,
        "W_sparse": W_sparse,
        "W_dense_w": W_dense_w,
        "W_dense_b": W_dense_b,
        "V_sparse": V_sparse,
        "V_dense_w": V_dense_w,
        "V_dense_b": V_dense_b,
    }


def reference(sparse_features, dense_features, W0, W_sparse, W_dense_w, W_dense_b, V_sparse, V_dense_w, V_dense_b):
    # first-order terms
    first_sparse_term = jnp.take(W_sparse, sparse_features, axis=0).sum(axis=1)  # [B, 1]
    first_dense_term = dense_features @ W_dense_w.T + W_dense_b                  # [B, 1]
    first_term = first_sparse_term + first_dense_term
    # second-order (pairwise) terms
    v_sparse = jnp.take(V_sparse, sparse_features, axis=0)                       # [B, F, K]
    v_dense = (dense_features @ V_dense_w.T + V_dense_b)[:, None, :]             # [B, 1, K]
    v = jnp.concatenate([v_sparse, v_dense], axis=1)                             # [B, F+1, K]
    sum_of_square = jnp.square(v.sum(axis=1))                                    # [B, K]
    squares_of_sum = jnp.square(v).sum(axis=1)                                   # [B, K]
    second_term = 0.5 * (sum_of_square - squares_of_sum).sum(axis=1, keepdims=True)  # [B, 1]
    logits = W0 + first_term + second_term
    return logits

if __name__ == "__main__":
    import jax
    _d = setup_inputs()
    print(jax.jit(kernel)(*tuple(_d.values())))

</pallas_src>

<mosaic_0001>
#map = affine_map<(d0, d1) -> (0)>
#map1 = affine_map<(d0, d1) -> (0, 0)>
module attributes {stable_mosaic.version = 14 : i64} {
  func.func @_sc_body(%arg0: i32, %arg1: i32, %arg2: memref<425984xi32, #tpu.memory_space<hbm>>, %arg3: memref<1000000x32xf32, #tpu.memory_space<hbm>>, %arg4: memref<1000000xf32, #tpu.memory_space<hbm>>, %arg5: memref<524288xf32, #tpu.memory_space<hbm>>, %arg6: memref<262144xf32, #tpu.memory_space<hbm>>, %arg7: memref<425984xf32, #tpu.memory_space<hbm>>, %arg8: memref<13312xi32, #tpu.memory_space<vmem>>, %arg9: memref<416x32xf32, #tpu.memory_space<vmem>>, %arg10: memref<416x32xf32, #tpu.memory_space<vmem>>, %arg11: memref<416x32xf32, #tpu.memory_space<vmem>>, %arg12: memref<416x32xf32, #tpu.memory_space<vmem>>, %arg13: memref<13312xf32, #tpu.memory_space<vmem>>, %arg14: memref<16384xf32, #tpu.memory_space<vmem>>, %arg15: memref<8192xf32, #tpu.memory_space<vmem>>, %arg16: memref<!tpu.dma_semaphore, #tpu.memory_space<semaphore_mem>>, %arg17: memref<!tpu.dma_semaphore, #tpu.memory_space<semaphore_mem>>, %arg18: memref<!tpu.dma_semaphore, #tpu.memory_space<semaphore_mem>>, %arg19: memref<!tpu.dma_semaphore, #tpu.memory_space<semaphore_mem>>, %arg20: memref<!tpu.dma_semaphore, #tpu.memory_space<semaphore_mem>>) attributes {dimension_semantics = [#tpu.dimension_semantics<core_parallel>, #tpu.dimension_semantics<subcore_parallel>], iteration_bounds = array<i64: 2, 16>, scalar_prefetch = 0 : i64, scratch_operands = 13 : i64, tpu.core_type = #tpu.core_type<sc_vector_subcore>, window_params = [{transform_indices = #map}, {transform_indices = #map1}, {transform_indices = #map}, {transform_indices = #map}, {transform_indices = #map}, {transform_indices = #map}]} {
    %mul3A = arith.constant 2 : i32
    %mul3A_0 = arith.muli %arg1, %mul3A : i32
    %add3A = arith.addi %mul3A_0, %arg0 : i32
    %mul3A_1 = arith.constant 13312 : i32
    %mul3A_2 = arith.muli %add3A, %mul3A_1 : i32
    "tpu.region"() ({
      %run_scoped3A = tpu.sem_alloc : memref<!tpu.dma_semaphore, #tpu.memory_space<semaphore_mem>>
      %dma_start3A_188 = tpu.memref_slice %arg2[%mul3A_2] : memref<425984xi32, #tpu.memory_space<hbm>> -> memref<13312xi32, #tpu.memory_space<hbm>>
      %dma_start3A_189 = tpu.memref_slice %arg2[%mul3A_2] : memref<425984xi32, #tpu.memory_space<hbm>> -> memref<13312xi32, #tpu.memory_space<hbm>>
      tpu.enqueue_dma source(%dma_start3A_189 : memref<13312xi32, #tpu.memory_space<hbm>>) target(%arg8 : memref<13312xi32, #tpu.memory_space<vmem>>) target_semaphore(%run_scoped3A : memref<!tpu.dma_semaphore, #tpu.memory_space<semaphore_mem>>)
      %dma_wait3A_190 = tpu.memref_slice %arg2[%mul3A_2] : memref<425984xi32, #tpu.memory_space<hbm>> -> memref<13312xi32, #tpu.memory_space<hbm>>
      %dma_wait3A_191 = tpu.memref_slice %arg2[%mul3A_2] : memref<425984xi32, #tpu.memory_space<hbm>> -> memref<13312xi32, #tpu.memory_space<hbm>>
      tpu.wait_dma2 semaphore(%run_scoped3A : memref<!tpu.dma_semaphore, #tpu.memory_space<semaphore_mem>>) src(%dma_wait3A_191 : memref<13312xi32, #tpu.memory_space<hbm>>) dst(%arg8 : memref<13312xi32, #tpu.memory_space<vmem>>)
      tpu.yield
    }) : () -> ()
    %dma_start3A = arith.constant 0 : i32
    %dma_start3A_3 = arith.constant 0 : i32
    %dma_start3A_4 = tpu.memref_slice %arg9[%dma_start3A, %dma_start3A_3] : memref<416x32xf32, #tpu.memory_space<vmem>> -> memref<104x32xf32, #tpu.memory_space<vmem>>
    %dma_start3A_5 = arith.constant 0 : i32
    %dma_start3A_6 = tpu.memref_slice %arg8[%dma_start3A_5] : memref<13312xi32, #tpu.memory_space<vmem>> -> memref<104xi32, #tpu.memory_space<vmem>>
    %dma_start3A_7 = arith.constant 0 : i32
    %dma_start3A_8 = arith.constant 0 : i32
    %dma_start3A_9 = tpu.memref_slice %arg3[%dma_start3A_7, %dma_start3A_8] : memref<1000000x32xf32, #tpu.memory_space<hbm>> -> memref<1000000x32xf32, #tpu.memory_space<hbm>>
    tpu.enqueue_indirect_dma source(%dma_start3A_9 : memref<1000000x32xf32, #tpu.memory_space<hbm>>) target(%dma_start3A_4 : memref<104x32xf32, #tpu.memory_space<vmem>>) offsets(%dma_start3A_6 : memref<104xi32, #tpu.memory_space<vmem>>) semaphore(%arg16 : memref<!tpu.dma_semaphore, #tpu.memory_space<semaphore_mem>>)
    %dma_start3A_10 = arith.constant 104 : i32
    %dma_start3A_11 = arith.constant 0 : i32
    %dma_start3A_12 = tpu.memref_slice %arg9[%dma_start3A_10, %dma_start3A_11] : memref<416x32xf32, #tpu.memory_space<vmem>> -> memref<104x32xf32, #tpu.memory_space<vmem>>
    %dma_start3A_13 = arith.constant 104 : i32
    %dma_start3A_14 = tpu.memref_slice %arg8[%dma_start3A_13] : memref<13312xi32, #tpu.memory_space<vmem>> -> memref<104xi32, #tpu.memory_space<vmem>>
    %dma_start3A_15 = arith.constant 0 : i32
    %dma_start3A_16 = arith.constant 0 : i32
    %dma_start3A_17 = tpu.memref_slice %arg3[%dma_start3A_15, %dma_start3A_16] : memref<1000000x32xf32, #tpu.memory_space<hbm>> -> memref<1000000x32xf32, #tpu.memory_space<hbm>>
    tpu.enqueue_indirect_dma source(%dma_start3A_17 : memref<1000000x32xf32, #tpu.memory_space<hbm>>) target(%dma_start3A_12 : memref<104x32xf32, #tpu.memory_space<vmem>>) offsets(%dma_start3A_14 : memref<104xi32, #tpu.memory_space<vmem>>) semaphore(%arg16 : memref<!tpu.dma_semaphore, #tpu.memory_space<semaphore_mem>>)
    %dma_start3A_18 = arith.constant 208 : i32
    %dma_start3A_19 = arith.constant 0 : i32
    %dma_start3A_20 = tpu.memref_slice %arg9[%dma_start3A_18, %dma_start3A_19] : memref<416x32xf32, #tpu.memory_space<vmem>> -> memref<104x32xf32, #tpu.memory_space<vmem>>
    %dma_start3A_21 = arith.constant 208 : i32
    %dma_start3A_22 = tpu.memref_slice %arg8[%dma_start3A_21] : memref<13312xi32, #tpu.memory_space<vmem>> -> memref<104xi32, #tpu.memory_space<vmem>>
    %dma_start3A_23 = arith.constant 0 : i32
    %dma_start3A_24 = arith.constant 0 : i32
    %dma_start3A_25 = tpu.memref_slice %arg3[%dma_start3A_23, %dma_start3A_24] : memref<1000000x32xf32, #tpu.memory_space<hbm>> -> memref<1000000x32xf32, #tpu.memory_space<hbm>>
    tpu.enqueue_indirect_dma source(%dma_start3A_25 : memref<1000000x32xf32, #tpu.memory_space<hbm>>) target(%dma_start3A_20 : memref<104x32xf32, #tpu.memory_space<vmem>>) offsets(%dma_start3A_22 : memref<104xi32, #tpu.memory_space<vmem>>) semaphore(%arg16 : memref<!tpu.dma_semaphore, #tpu.memory_space<semaphore_mem>>)
    %dma_start3A_26 = arith.constant 312 : i32
    %dma_start3A_27 = arith.constant 0 : i32
    %dma_start3A_28 = tpu.memref_slice %arg9[%dma_start3A_26, %dma_start3A_27] : memref<416x32xf32, #tpu.memory_space<vmem>> -> memref<104x32xf32, #tpu.memory_space<vmem>>
    %dma_start3A_29 = arith.constant 312 : i32
    %dma_start3A_30 = tpu.memref_slice %arg8[%dma_start3A_29] : memref<13312xi32, #tpu.memory_space<vmem>> -> memref<104xi32, #tpu.memory_space<vmem>>
    %dma_start3A_31 = arith.constant 0 : i32
    %dma_start3A_32 = arith.constant 0 : i32
    %dma_start3A_33 = tpu.memref_slice %arg3[%dma_start3A_31, %dma_start3A_32] : memref<1000000x32xf32, #tpu.memory_space<hbm>> -> memref<1000000x32xf32, #tpu.memory_space<hbm>>
    tpu.enqueue_indirect_dma source(%dma_start3A_33 : memref<1000000x32xf32, #tpu.memory_space<hbm>>) target(%dma_start3A_28 : memref<104x32xf32, #tpu.memory_space<vmem>>) offsets(%dma_start3A_30 : memref<104xi32, #tpu.memory_space<vmem>>) semaphore(%arg16 : memref<!tpu.dma_semaphore, #tpu.memory_space<semaphore_mem>>)
    %dma_start3A_34 = arith.constant 0 : i32
    %dma_start3A_35 = tpu.memref_slice %arg13[%dma_start3A_34] : memref<13312xf32, #tpu.memory_space<vmem>> -> memref<104xf32, #tpu.memory_space<vmem>>
    %dma_start3A_36 = arith.constant 0 : i32
    %dma_start3A_37 = tpu.memref_slice %arg8[%dma_start3A_36] : memref<13312xi32, #tpu.memory_space<vmem>> -> memref<104xi32, #tpu.memory_space<vmem>>
    %dma_start3A_38 = arith.constant 0 : i32
    %dma_start3A_39 = tpu.memref_slice %arg4[%dma_start3A_38] : memref<1000000xf32, #tpu.memory_space<hbm>> -> memref<1000000xf32, #tpu.memory_space<hbm>>
    tpu.enqueue_indirect_dma source(%dma_start3A_39 : memref<1000000xf32, #tpu.memory_space<hbm>>) target(%dma_start3A_35 : memref<104xf32, #tpu.memory_space<vmem>>) offsets(%dma_start3A_37 : memref<104xi32, #tpu.memory_space<vmem>>) semaphore(%arg20 : memref<!tpu.dma_semaphore, #tpu.memory_space<semaphore_mem>>)
    %dma_start3A_40 = arith.constant 104 : i32
    %dma_start3A_41 = tpu.memref_slice %arg13[%dma_start3A_40] : memref<13312xf32, #tpu.memory_space<vmem>> -> memref<104xf32, #tpu.memory_space<vmem>>
    %dma_start3A_42 = arith.constant 104 : i32
    %dma_start3A_43 = tpu.memref_slice %arg8[%dma_start3A_42] : memref<13312xi32, #tpu.memory_space<vmem>> -> memref<104xi32, #tpu.memory_space<vmem>>
    %dma_start3A_44 = arith.constant 0 : i32
    %dma_start3A_45 = tpu.memref_slice %arg4[%dma_start3A_44] : memref<1000000xf32, #tpu.memory_space<hbm>> -> memref<1000000xf32, #tpu.memory_space<hbm>>
    tpu.enqueue_indirect_dma source(%dma_start3A_45 : memref<1000000xf32, #tpu.memory_space<hbm>>) target(%dma_start3A_41 : memref<104xf32, #tpu.memory_space<vmem>>) offsets(%dma_start3A_43 : memref<104xi32, #tpu.memory_space<vmem>>) semaphore(%arg20 : memref<!tpu.dma_semaphore, #tpu.memory_space<semaphore_mem>>)
    %dma_start3A_46 = arith.constant 208 : i32
    %dma_start3A_47 = tpu.memref_slice %arg13[%dma_start3A_46] : memref<13312xf32, #tpu.memory_space<vmem>> -> memref<104xf32, #tpu.memory_space<vmem>>
    %dma_start3A_48 = arith.constant 208 : i32
    %dma_start3A_49 = tpu.memref_slice %arg8[%dma_start3A_48] : memref<13312xi32, #tpu.memory_space<vmem>> -> memref<104xi32, #tpu.memory_space<vmem>>
    %dma_start3A_50 = arith.constant 0 : i32
    %dma_start3A_51 = tpu.memref_slice %arg4[%dma_start3A_50] : memref<1000000xf32, #tpu.memory_space<hbm>> -> memref<1000000xf32, #tpu.memory_space<hbm>>
    tpu.enqueue_indirect_dma source(%dma_start3A_51 : memref<1000000xf32, #tpu.memory_space<hbm>>) target(%dma_start3A_47 : memref<104xf32, #tpu.memory_space<vmem>>) offsets(%dma_start3A_49 : memref<104xi32, #tpu.memory_space<vmem>>) semaphore(%arg20 : memref<!tpu.dma_semaphore, #tpu.memory_space<semaphore_mem>>)
    %dma_start3A_52 = arith.constant 312 : i32
    %dma_start3A_53 = tpu.memref_slice %arg13[%dma_start3A_52] : memref<13312xf32, #tpu.memory_space<vmem>> -> memref<104xf32, #tpu.memory_space<vmem>>
    %dma_start3A_54 = arith.constant 312 : i32
    %dma_start3A_55 = tpu.memref_slice %arg8[%dma_start3A_54] : memref<13312xi32, #tpu.memory_space<vmem>> -> memref<104xi32, #tpu.memory_space<vmem>>
    %dma_start3A_56 = arith.constant 0 : i32
    %dma_start3A_57 = tpu.memref_slice %arg4[%dma_start3A_56] : memref<1000000xf32, #tpu.memory_space<hbm>> -> memref<1000000xf32, #tpu.memory_space<hbm>>
    tpu.enqueue_indirect_dma source(%dma_start3A_57 : memref<1000000xf32, #tpu.memory_space<hbm>>) target(%dma_start3A_53 : memref<104xf32, #tpu.memory_space<vmem>>) offsets(%dma_start3A_55 : memref<104xi32, #tpu.memory_space<vmem>>) semaphore(%arg20 : memref<!tpu.dma_semaphore, #tpu.memory_space<semaphore_mem>>)
    %dma_start3A_58 = arith.constant 0 : i32
    %dma_start3A_59 = arith.constant 0 : i32
    %dma_start3A_60 = tpu.memref_slice %arg10[%dma_start3A_58, %dma_start3A_59] : memref<416x32xf32, #tpu.memory_space<vmem>> -> memref<104x32xf32, #tpu.memory_space<vmem>>
    %dma_start3A_61 = arith.constant 416 : i32
    %dma_start3A_62 = tpu.memref_slice %arg8[%dma_start3A_61] : memref<13312xi32, #tpu.memory_space<vmem>> -> memref<104xi32, #tpu.memory_space<vmem>>
    %dma_start3A_63 = arith.constant 0 : i32
    %dma_start3A_64 = arith.constant 0 : i32
    %dma_start3A_65 = tpu.memref_slice %arg3[%dma_start3A_63, %dma_start3A_64] : memref<1000000x32xf32, #tpu.memory_space<hbm>> -> memref<1000000x32xf32, #tpu.memory_space<hbm>>
    tpu.enqueue_indirect_dma source(%dma_start3A_65 : memref<1000000x32xf32, #tpu.memory_space<hbm>>) target(%dma_start3A_60 : memref<104x32xf32, #tpu.memory_space<vmem>>) offsets(%dma_start3A_62 : memref<104xi32, #tpu.memory_space<vmem>>) semaphore(%arg17 : memref<!tpu.dma_semaphore, #tpu.memory_space<semaphore_mem>>)
    %dma_start3A_66 = arith.constant 104 : i32
    %dma_start3A_67 = arith.constant 0 : i32
    %dma_start3A_68 = tpu.memref_slice %arg10[%dma_start3A_66, %dma_start3A_67] : memref<416x32xf32, #tpu.memory_space<vmem>> -> memref<104x32xf32, #tpu.memory_space<vmem>>
    %dma_start3A_69 = arith.constant 520 : i32
    %dma_start3A_70 = tpu.memref_slice %arg8[%dma_start3A_69] : memref<13312xi32, #tpu.memory_space<vmem>> -> memref<104xi32, #tpu.memory_space<vmem>>
    %dma_start3A_71 = arith.constant 0 : i32
    %dma_start3A_72 = arith.constant 0 : i32
    %dma_start3A_73 = tpu.memref_slice %arg3[%dma_start3A_71, %dma_start3A_72] : memref<1000000x32xf32, #tpu.memory_space<hbm>> -> memref<1000000x32xf32, #tpu.memory_space<hbm>>
    tpu.enqueue_indirect_dma source(%dma_start3A_73 : memref<1000000x32xf32, #tpu.memory_space<hbm>>) target(%dma_start3A_68 : memref<104x32xf32, #tpu.memory_space<vmem>>) offsets(%dma_start3A_70 : memref<104xi32, #tpu.memory_space<vmem>>) semaphore(%arg17 : memref<!tpu.dma_semaphore, #tpu.memory_space<semaphore_mem>>)
    %dma_start3A_74 = arith.constant 208 : i32
    %dma_start3A_75 = arith.constant 0 : i32
    %dma_start3A_76 = tpu.memref_slice %arg10[%dma_start3A_74, %dma_start3A_75] : memref<416x32xf32, #tpu.memory_space<vmem>> -> memref<104x32xf32, #tpu.memory_space<vmem>>
    %dma_start3A_77 = arith.constant 624 : i32
    %dma_start3A_78 = tpu.memref_slice %arg8[%dma_start3A_77] : memref<13312xi32, #tpu.memory_space<vmem>> -> memref<104xi32, #tpu.memory_space<vmem>>
    %dma_start3A_79 = arith.constant 0 : i32
    %dma_start3A_80 = arith.constant 0 : i32
    %dma_start3A_81 = tpu.memref_slice %arg3[%dma_start3A_79, %dma_start3A_80] : memref<1000000x32xf32, #tpu.memory_space<hbm>> -> memref<1000000x32xf32, #tpu.memory_space<hbm>>
    tpu.enqueue_indirect_dma source(%dma_start3A_81 : memref<1000000x32xf32, #tpu.memory_space<hbm>>) target(%dma_start3A_76 : memref<104x32xf32, #tpu.memory_space<vmem>>) offsets(%dma_start3A_78 : memref<104xi32, #tpu.memory_space<vmem>>) semaphore(%arg17 : memref<!tpu.dma_semaphore, #tpu.memory_space<semaphore_mem>>)
    %dma_start3A_82 = arith.constant 312 : i32
    %dma_start3A_83 = arith.constant 0 : i32
    %dma_start3A_84 = tpu.memref_slice %arg10[%dma_start3A_82, %dma_start3A_83] : memref<416x32xf32, #tpu.memory_space<vmem>> -> memref<104x32xf32, #tpu.memory_space<vmem>>
    %dma_start3A_85 = arith.constant 728 : i32
    %dma_start3A_86 = tpu.memref_slice %arg8[%dma_start3A_85] : memref<13312xi32, #tpu.memory_space<vmem>> -> memref<104xi32, #tpu.memory_space<vmem>>
    %dma_start3A_87 = arith.constant 0 : i32
    %dma_start3A_88 = arith.constant 0 : i32
    %dma_start3A_89 = tpu.memref_slice %arg3[%dma_start3A_87, %dma_start3A_88] : memref<1000000x32xf32, #tpu.memory_space<hbm>> -> memref<1000000x32xf32, #tpu.memory_space<hbm>>
    tpu.enqueue_indirect_dma source(%dma_start3A_89 : memref<1000000x32xf32, #tpu.memory_space<hbm>>) target(%dma_start3A_84 : memref<104x32xf32, #tpu.memory_space<vmem>>) offsets(%dma_start3A_86 : memref<104xi32, #tpu.memory_space<vmem>>) semaphore(%arg17 : memref<!tpu.dma_semaphore, #tpu.memory_space<semaphore_mem>>)
    %dma_start3A_90 = arith.constant 416 : i32
    %dma_start3A_91 = tpu.memref_slice %arg13[%dma_start3A_90] : memref<13312xf32, #tpu.memory_space<vmem>> -> memref<104xf32, #tpu.memory_space<vmem>>
    %dma_start3A_92 = arith.constant 416 : i32
    %dma_start3A_93 = tpu.memref_slice %arg8[%dma_start3A_92] : memref<13312xi32, #tpu.memory_space<vmem>> -> memref<104xi32, #tpu.memory_space<vmem>>
    %dma_start3A_94 = arith.constant 0 : i32
    %dma_start3A_95 = tpu.memref_slice %arg4[%dma_start3A_94] : memref<1000000xf32, #tpu.memory_space<hbm>> -> memref<1000000xf32, #tpu.memory_space<hbm>>
    tpu.enqueue_indirect_dma source(%dma_start3A_95 : memref<1000000xf32, #tpu.memory_space<hbm>>) target(%dma_start3A_91 : memref<104xf32, #tpu.memory_space<vmem>>) offsets(%dma_start3A_93 : memref<104xi32, #tpu.memory_space<vmem>>) semaphore(%arg20 : memref<!tpu.dma_semaphore, #tpu.memory_space<semaphore_mem>>)
    %dma_start3A_96 = arith.constant 520 : i32
    %dma_start3A_97 = tpu.memref_slice %arg13[%dma_start3A_96] : memref<13312xf32, #tpu.memory_space<vmem>> -> memref<104xf32, #tpu.memory_space<vmem>>
    %dma_start3A_98 = arith.constant 520 : i32
    %dma_start3A_99 = tpu.memref_slice %arg8[%dma_start3A_98] : memref<13312xi32, #tpu.memory_space<vmem>> -> memref<104xi32, #tpu.memory_space<vmem>>
    %dma_start3A_100 = arith.constant 0 : i32
    %dma_start3A_101 = tpu.memref_slice %arg4[%dma_start3A_100] : memref<1000000xf32, #tpu.memory_space<hbm>> -> memref<1000000xf32, #tpu.memory_space<hbm>>
    tpu.enqueue_indirect_dma source(%dma_start3A_101 : memref<1000000xf32, #tpu.memory_space<hbm>>) target(%dma_start3A_97 : memref<104xf32, #tpu.memory_space<vmem>>) offsets(%dma_start3A_99 : memref<104xi32, #tpu.memory_space<vmem>>) semaphore(%arg20 : memref<!tpu.dma_semaphore, #tpu.memory_space<semaphore_mem>>)
    %dma_start3A_102 = arith.constant 624 : i32
    %dma_start3A_103 = tpu.memref_slice %arg13[%dma_start3A_102] : memref<13312xf32, #tpu.memory_space<vmem>> -> memref<104xf32, #tpu.memory_space<vmem>>
    %dma_start3A_104 = arith.constant 624 : i32
    %dma_start3A_105 = tpu.memref_slice %arg8[%dma_start3A_104] : memref<13312xi32, #tpu.memory_space<vmem>> -> memref<104xi32, #tpu.memory_space<vmem>>
    %dma_start3A_106 = arith.constant 0 : i32
    %dma_start3A_107 = tpu.memref_slice %arg4[%dma_start3A_106] : memref<1000000xf32, #tpu.memory_space<hbm>> -> memref<1000000xf32, #tpu.memory_space<hbm>>
    tpu.enqueue_indirect_dma source(%dma_start3A_107 : memref<1000000xf32, #tpu.memory_space<hbm>>) target(%dma_start3A_103 : memref<104xf32, #tpu.memory_space<vmem>>) offsets(%dma_start3A_105 : memref<104xi32, #tpu.memory_space<vmem>>) semaphore(%arg20 : memref<!tpu.dma_semaphore, #tpu.memory_space<semaphore_mem>>)
    %dma_start3A_108 = arith.constant 728 : i32
    %dma_start3A_109 = tpu.memref_slice %arg13[%dma_start3A_108] : memref<13312xf32, #tpu.memory_space<vmem>> -> memref<104xf32, #tpu.memory_space<vmem>>
    %dma_start3A_110 = arith.constant 728 : i32
    %dma_start3A_111 = tpu.memref_slice %arg8[%dma_start3A_110] : memref<13312xi32, #tpu.memory_space<vmem>> -> memref<104xi32, #tpu.memory_space<vmem>>
    %dma_start3A_112 = arith.constant 0 : i32
    %dma_start3A_113 = tpu.memref_slice %arg4[%dma_start3A_112] : memref<1000000xf32, #tpu.memory_space<hbm>> -> memref<1000000xf32, #tpu.memory_space<hbm>>
    tpu.enqueue_indirect_dma source(%dma_start3A_113 : memref<1000000xf32, #tpu.memory_space<hbm>>) target(%dma_start3A_109 : memref<104xf32, #tpu.memory_space<vmem>>) offsets(%dma_start3A_111 : memref<104xi32, #tpu.memory_space<vmem>>) semaphore(%arg20 : memref<!tpu.dma_semaphore, #tpu.memory_space<semaphore_mem>>)
    %dma_start3A_114 = arith.constant 0 : i32
    %dma_start3A_115 = arith.constant 0 : i32
    %dma_start3A_116 = tpu.memref_slice %arg11[%dma_start3A_114, %dma_start3A_115] : memref<416x32xf32, #tpu.memory_space<vmem>> -> memref<104x32xf32, #tpu.memory_space<vmem>>
    %dma_start3A_117 = arith.constant 832 : i32
    %dma_start3A_118 = tpu.memref_slice %arg8[%dma_start3A_117] : memref<13312xi32, #tpu.memory_space<vmem>> -> memref<104xi32, #tpu.memory_space<vmem>>
    %dma_start3A_119 = arith.constant 0 : i32
    %dma_start3A_120 = arith.constant 0 : i32
    %dma_start3A_121 = tpu.memref_slice %arg3[%dma_start3A_119, %dma_start3A_120] : memref<1000000x32xf32, #tpu.memory_space<hbm>> -> memref<1000000x32xf32, #tpu.memory_space<hbm>>
    tpu.enqueue_indirect_dma source(%dma_start3A_121 : memref<1000000x32xf32, #tpu.memory_space<hbm>>) target(%dma_start3A_116 : memref<104x32xf32, #tpu.memory_space<vmem>>) offsets(%dma_start3A_118 : memref<104xi32, #tpu.memory_space<vmem>>) semaphore(%arg18 : memref<!tpu.dma_semaphore, #tpu.memory_space<semaphore_mem>>)
    %dma_start3A_122 = arith.constant 104 : i32
    %dma_start3A_123 = arith.constant 0 : i32
    %dma_start3A_124 = tpu.memref_slice %arg11[%dma_start3A_122, %dma_start3A_123] : memref<416x32xf32, #tpu.memory_space<vmem>> -> memref<104x32xf32, #tpu.memory_space<vmem>>
    %dma_start3A_125 = arith.constant 936 : i32
    %dma_start3A_126 = tpu.memref_slice %arg8[%dma_start3A_125] : memref<13312xi32, #tpu.memory_space<vmem>> -> memref<104xi32, #tpu.memory_space<vmem>>
    %dma_start3A_127 = arith.constant 0 : i32
    %dma_start3A_128 = arith.constant 0 : i32
    %dma_start3A_129 = tpu.memref_slice %arg3[%dma_start3A_127, %dma_start3A_128] : memref<1000000x32xf32, #tpu.memory_space<hbm>> -> memref<1000000x32xf32, #tpu.memory_space<hbm>>
    tpu.enqueue_indirect_dma source(%dma_start3A_129 : memref<1000000x32xf32, #tpu.memory_space<hbm>>) target(%dma_start3A_124 : memref<104x32xf32, #tpu.memory_space<vmem>>) offsets(%dma_start3A_126 : memref<104xi32, #tpu.memory_space<vmem>>) semaphore(%arg18 : memref<!tpu.dma_semaphore, #tpu.memory_space<semaphore_mem>>)
    %dma_start3A_130 = arith.constant 208 : i32
    %dma_start3A_131 = arith.constant 0 : i32
    %dma_start3A_132 = tpu.memref_slice %arg11[%dma_start3A_130, %dma_start3A_131] : memref<416x32xf32, #tpu.memory_space<vmem>> -> memref<104x32xf32, #tpu.memory_space<vmem>>
    %dma_start3A_133 = arith.constant 1040 : i32
    %dma_start3A_134 = tpu.memref_slice %arg8[%dma_start3A_133] : memref<13312xi32, #tpu.memory_space<vmem>> -> memref<104xi32, #tpu.memory_space<vmem>>
    %dma_start3A_135 = arith.constant 0 : i32
    %dma_start3A_136 = arith.constant 0 : i32
    %dma_start3A_137 = tpu.memref_slice %arg3[%dma_start3A_135, %dma_start3A_136] : memref<1000000x32xf32, #tpu.memory_space<hbm>> -> memref<1000000x32xf32, #tpu.memory_space<hbm>>
    tpu.enqueue_indirect_dma source(%dma_start3A_137 : memref<1000000x32xf32, #tpu.memory_space<hbm>>) target(%dma_start3A_132 : memref<104x32xf32, #tpu.memory_space<vmem>>) offsets(%dma_start3A_134 : memref<104xi32, #tpu.memory_space<vmem>>) semaphore(%arg18 : memref<!tpu.dma_semaphore, #tpu.memory_space<semaphore_mem>>)
    %dma_start3A_138 = arith.constant 312 : i32
    %dma_start3A_139 = arith.constant 0 : i32
    %dma_start3A_140 = tpu.memref_slice %arg11[%dma_start3A_138, %dma_start3A_139] : memref<416x32xf32, #tpu.memory_space<vmem>> -> memref<104x32xf32, #tpu.memory_space<vmem>>
    %dma_start3A_141 = arith.constant 1144 : i32
    %dma_start3A_142 = tpu.memref_slice %arg8[%dma_start3A_141] : memref<13312xi32, #tpu.memory_space<vmem>> -> memref<104xi32, #tpu.memory_space<vmem>>
    %dma_start3A_143 = arith.constant 0 : i32
    %dma_start3A_144 = arith.constant 0 : i32
    %dma_start3A_145 = tpu.memref_slice %arg3[%dma_start3A_143, %dma_start3A_144] : memref<1000000x32xf32, #tpu.memory_space<hbm>> -> memref<1000000x32xf32, #tpu.memory_space<hbm>>
    tpu.enqueue_indirect_dma source(%dma_start3A_145 : memref<1000000x32xf32, #tpu.memory_space<hbm>>) target(%dma_start3A_140 : memref<104x32xf32, #tpu.memory_space<vmem>>) offsets(%dma_start3A_142 : memref<104xi32, #tpu.memory_space<vmem>>) semaphore(%arg18 : memref<!tpu.dma_semaphore, #tpu.memory_space<semaphore_mem>>)
    %dma_start3A_146 = arith.constant 832 : i32
    %dma_start3A_147 = tpu.memref_slice %arg13[%dma_start3A_146] : memref<13312xf32, #tpu.memory_space<vmem>> -> memref<104xf32, #tpu.memory_space<vmem>>
    %dma_start3A_148 = arith.constant 832 : i32
    %dma_start3A_149 = tpu.memref_slice %arg8[%dma_start3A_148] : memref<13312xi32, #tpu.memory_space<vmem>> -> memref<104xi32, #tpu.memory_space<vmem>>
    %dma_start3A_150 = arith.constant 0 : i32
    %dma_start3A_151 = tpu.memref_slice %arg4[%dma_start3A_150] : memref<1000000xf32, #tpu.memory_space<hbm>> -> memref<1000000xf32, #tpu.memory_space<hbm>>
    tpu.enqueue_indirect_dma source(%dma_start3A_151 : memref<1000000xf32, #tpu.memory_space<hbm>>) target(%dma_start3A_147 : memref<104xf32, #tpu.memory_space<vmem>>) offsets(%dma_start3A_149 : memref<104xi32, #tpu.memory_space<vmem>>) semaphore(%arg20 : memref<!tpu.dma_semaphore, #tpu.memory_space<semaphore_mem>>)
    %dma_start3A_152 = arith.constant 936 : i32
    %dma_start3A_153 = tpu.memref_slice %arg13[%dma_start3A_152] : memref<13312xf32, #tpu.memory_space<vmem>> -> memref<104xf32, #tpu.memory_space<vmem>>
    %dma_start3A_154 = arith.constant 936 : i32
    %dma_start3A_155 = tpu.memref_slice %arg8[%dma_start3A_154] : memref<13312xi32, #tpu.memory_space<vmem>> -> memref<104xi32, #tpu.memory_space<vmem>>
    %dma_start3A_156 = arith.constant 0 : i32
    %dma_start3A_157 = tpu.memref_slice %arg4[%dma_start3A_156] : memref<1000000xf32, #tpu.memory_space<hbm>> -> memref<1000000xf32, #tpu.memory_space<hbm>>
    tpu.enqueue_indirect_dma source(%dma_start3A_157 : memref<1000000xf32, #tpu.memory_space<hbm>>) target(%dma_start3A_153 : memref<104xf32, #tpu.memory_space<vmem>>) offsets(%dma_start3A_155 : memref<104xi32, #tpu.memory_space<vmem>>) semaphore(%arg20 : memref<!tpu.dma_semaphore, #tpu.memory_space<semaphore_mem>>)
    %dma_start3A_158 = arith.constant 1040 : i32
    %dma_start3A_159 = tpu.memref_slice %arg13[%dma_start3A_158] : memref<13312xf32, #tpu.memory_space<vmem>> -> memref<104xf32, #tpu.memory_space<vmem>>
    %dma_start3A_160 = arith.constant 1040 : i32
    %dma_start3A_161 = tpu.memref_slice %arg8[%dma_start3A_160] : memref<13312xi32, #tpu.memory_space<vmem>> -> memref<104xi32, #tpu.memory_space<vmem>>
    %dma_start3A_162 = arith.constant 0 : i32
    %dma_start3A_163 = tpu.memref_slice %arg4[%dma_start3A_162] : memref<1000000xf32, #tpu.memory_space<hbm>> -> memref<1000000xf32, #tpu.memory_space<hbm>>
    tpu.enqueue_indirect_dma source(%dma_start3A_163 : memref<1000000xf32, #tpu.memory_space<hbm>>) target(%dma_start3A_159 : memref<104xf32, #tpu.memory_space<vmem>>) offsets(%dma_start3A_161 : memref<104xi32, #tpu.memory_space<vmem>>) semaphore(%arg20 : memref<!tpu.dma_semaphore, #tpu.memory_space<semaphore_mem>>)
    %dma_start3A_164 = arith.constant 1144 : i32
    %dma_start3A_165 = tpu.memref_slice %arg13[%dma_start3A_164] : memref<13312xf32, #tpu.memory_space<vmem>> -> memref<104xf32, #tpu.memory_space<vmem>>
    %dma_start3A_166 = arith.constant 1144 : i32
    %dma_start3A_167 = tpu.memref_slice %arg8[%dma_start3A_166] : memref<13312xi32, #tpu.memory_space<vmem>> -> memref<104xi32, #tpu.memory_space<vmem>>
    %dma_start3A_168 = arith.constant 0 : i32
    %dma_start3A_169 = tpu.memref_slice %arg4[%dma_start3A_168] : memref<1000000xf32, #tpu.memory_space<hbm>> -> memref<1000000xf32, #tpu.memory_space<hbm>>
    tpu.enqueue_indirect_dma source(%dma_start3A_169 : memref<1000000xf32, #tpu.memory_space<hbm>>) target(%dma_start3A_165 : memref<104xf32, #tpu.memory_space<vmem>>) offsets(%dma_start3A_167 : memref<104xi32, #tpu.memory_space<vmem>>) semaphore(%arg20 : memref<!tpu.dma_semaphore, #tpu.memory_space<semaphore_mem>>)
    %scan3A = arith.constant 0 : i32
    %scan3A_170 = arith.constant 0 : i32
    %scan3A_171 = arith.constant 8 : i32
    %scan3A_172 = arith.addi %scan3A_170, %scan3A_171 : i32
    %scan3A_173 = arith.constant 1 : i32
    scf.for %scan3A_188 = %scan3A_170 to %scan3A_172 step %scan3A_173  : i32 {
      %mul3A_189 = arith.constant 4 : i32
      %mul3A_190 = arith.muli %scan3A_188, %mul3A_189 : i32
      %add3A_191 = arith.constant 0 : i32
      %add3A_192 = arith.addi %mul3A_190, %add3A_191 : i32
      %add3A_193 = arith.constant 4 : i32
      %add3A_194 = arith.addi %add3A_192, %add3A_193 : i32
      %sub3A = arith.constant 1 : i32
      %sub3A_195 = arith.subi %add3A_194, %sub3A : i32
      %lt3A = arith.constant 32 : i32
      %lt3A_196 = arith.cmpi slt, %sub3A_195, %lt3A : i32
      %convert_element_type3A = arith.extui %lt3A_196 : i1 to i32
      %cond3A = arith.constant 0 : i32
      %cond3A_197 = arith.cmpi ne, %convert_element_type3A, %cond3A : i32
      scf.if %cond3A_197 {
        %add3A_285 = arith.constant 4 : i32
        %add3A_286 = arith.addi %add3A_192, %add3A_285 : i32
        %sub3A_287 = arith.constant 1 : i32
        %sub3A_288 = arith.subi %add3A_286, %sub3A_287 : i32
        %mul3A_289 = arith.constant 416 : i32
        %mul3A_290 = arith.muli %sub3A_288, %mul3A_289 : i32
        %add3A_291 = arith.constant 0 : i32
        %add3A_292 = arith.addi %mul3A_290, %add3A_291 : i32
        %dma_start3A_293 = arith.constant 0 : i32
        %dma_start3A_294 = arith.constant 0 : i32
        %dma_start3A_295 = tpu.memref_slice %arg12[%dma_start3A_293, %dma_start3A_294] : memref<416x32xf32, #tpu.memory_space<vmem>> -> memref<104x32xf32, #tpu.memory_space<vmem>>
        %dma_start3A_296 = tpu.memref_slice %arg8[%add3A_292] : memref<13312xi32, #tpu.memory_space<vmem>> -> memref<104xi32, #tpu.memory_space<vmem>>
        %dma_start3A_297 = arith.constant 0 : i32
        %dma_start3A_298 = arith.constant 0 : i32
        %dma_start3A_299 = tpu.memref_slice %arg3[%dma_start3A_297, %dma_start3A_298] : memref<1000000x32xf32, #tpu.memory_space<hbm>> -> memref<1000000x32xf32, #tpu.memory_space<hbm>>
        tpu.enqueue_indirect_dma source(%dma_start3A_299 : memref<1000000x32xf32, #tpu.memory_space<hbm>>) target(%dma_start3A_295 : memref<104x32xf32, #tpu.memory_space<vmem>>) offsets(%dma_start3A_296 : memref<104xi32, #tpu.memory_space<vmem>>) semaphore(%arg19 : memref<!tpu.dma_semaphore, #tpu.memory_space<semaphore_mem>>)
        %mul3A_300 = arith.constant 416 : i32
        %mul3A_301 = arith.muli %sub3A_288, %mul3A_300 : i32
        %add3A_302 = arith.constant 104 : i32
        %add3A_303 = arith.addi %mul3A_301, %add3A_302 : i32
        %dma_start3A_304 = arith.constant 104 : i32
        %dma_start3A_305 = arith.constant 0 : i32
        %dma_start3A_306 = tpu.memref_slice %arg12[%dma_start3A_304, %dma_start3A_305] : memref<416x32xf32, #tpu.memory_space<vmem>> -> memref<104x32xf32, #tpu.memory_space<vmem>>
        %dma_start3A_307 = tpu.memref_slice %arg8[%add3A_303] : memref<13312xi32, #tpu.memory_space<vmem>> -> memref<104xi32, #tpu.memory_space<vmem>>
        %dma_start3A_308 = arith.constant 0 : i32
        %dma_start3A_309 = arith.constant 0 : i32
        %dma_start3A_310 = tpu.memref_slice %arg3[%dma_start3A_308, %dma_start3A_309] : memref<1000000x32xf32, #tpu.memory_space<hbm>> -> memref<1000000x32xf32, #tpu.memory_space<hbm>>
        tpu.enqueue_indirect_dma source(%dma_start3A_310 : memref<1000000x32xf32, #tpu.memory_space<hbm>>) target(%dma_start3A_306 : memref<104x32xf32, #tpu.memory_space<vmem>>) offsets(%dma_start3A_307 : memref<104xi32, #tpu.memory_space<vmem>>) semaphore(%arg19 : memref<!tpu.dma_semaphore, #tpu.memory_space<semaphore_mem>>)
        %mul3A_311 = arith.constant 416 : i32
        %mul3A_312 = arith.muli %sub3A_288, %mul3A_311 : i32
        %add3A_313 = arith.constant 208 : i32
        %add3A_314 = arith.addi %mul3A_312, %add3A_313 : i32
        %dma_start3A_315 = arith.constant 208 : i32
        %dma_start3A_316 = arith.constant 0 : i32
        %dma_start3A_317 = tpu.memref_slice %arg12[%dma_start3A_315, %dma_start3A_316] : memref<416x32xf32, #tpu.memory_space<vmem>> -> memref<104x32xf32, #tpu.memory_space<vmem>>
        %dma_start3A_318 = tpu.memref_slice %arg8[%add3A_314] : memref<13312xi32, #tpu.memory_space<vmem>> -> memref<104xi32, #tpu.memory_space<vmem>>
        %dma_start3A_319 = arith.constant 0 : i32
        %dma_start3A_320 = arith.constant 0 : i32
        %dma_start3A_321 = tpu.memref_slice %arg3[%dma_start3A_319, %dma_start3A_320] : memref<1000000x32xf32, #tpu.memory_space<hbm>> -> memref<1000000x32xf32, #tpu.memory_space<hbm>>
        tpu.enqueue_indirect_dma source(%dma_start3A_321 : memref<1000000x32xf32, #tpu.memory_space<hbm>>) target(%dma_start3A_317 : memref<104x32xf32, #tpu.memory_space<vmem>>) offsets(%dma_start3A_318 : memref<104xi32, #tpu.memory_space<vmem>>) semaphore(%arg19 : memref<!tpu.dma_semaphore, #tpu.memory_space<semaphore_mem>>)
        %mul3A_322 = arith.constant 416 : i32
        %mul3A_323 = arith.muli %sub3A_288, %mul3A_322 : i32
        %add3A_324 = arith.constant 312 : i32
        %add3A_325 = arith.addi %mul3A_323, %add3A_324 : i32
        %dma_start3A_326 = arith.constant 312 : i32
        %dma_start3A_327 = arith.constant 0 : i32
        %dma_start3A_328 = tpu.memref_slice %arg12[%dma_start3A_326, %dma_start3A_327] : memref<416x32xf32, #tpu.memory_space<vmem>> -> memref<104x32xf32, #tpu.memory_space<vmem>>
        %dma_start3A_329 = tpu.memref_slice %arg8[%add3A_325] : memref<13312xi32, #tpu.memory_space<vmem>> -> memref<104xi32, #tpu.memory_space<vmem>>
        %dma_start3A_330 = arith.constant 0 : i32
        %dma_start3A_331 = arith.constant 0 : i32
        %dma_start3A_332 = tpu.memref_slice %arg3[%dma_start3A_330, %dma_start3A_331] : memref<1000000x32xf32, #tpu.memory_space<hbm>> -> memref<1000000x32xf32, #tpu.memory_space<hbm>>
        tpu.enqueue_indirect_dma source(%dma_start3A_332 : memref<1000000x32xf32, #tpu.memory_space<hbm>>) target(%dma_start3A_328 : memref<104x32xf32, #tpu.memory_space<vmem>>) offsets(%dma_start3A_329 : memref<104xi32, #tpu.memory_space<vmem>>) semaphore(%arg19 : memref<!tpu.dma_semaphore, #tpu.memory_space<semaphore_mem>>)
        %mul3A_333 = arith.constant 416 : i32
        %mul3A_334 = arith.muli %sub3A_288, %mul3A_333 : i32
        %add3A_335 = arith.constant 0 : i32
        %add3A_336 = arith.addi %mul3A_334, %add3A_335 : i32
        %dma_start3A_337 = tpu.memref_slice %arg13[%add3A_336] : memref<13312xf32, #tpu.memory_space<vmem>> -> memref<104xf32, #tpu.memory_space<vmem>>
        %dma_start3A_338 = tpu.memref_slice %arg8[%add3A_336] : memref<13312xi32, #tpu.memory_space<vmem>> -> memref<104xi32, #tpu.memory_space<vmem>>
        %dma_start3A_339 = arith.constant 0 : i32
        %dma_start3A_340 = tpu.memref_slice %arg4[%dma_start3A_339] : memref<1000000xf32, #tpu.memory_space<hbm>> -> memref<1000000xf32, #tpu.memory_space<hbm>>
        tpu.enqueue_indirect_dma source(%dma_start3A_340 : memref<1000000xf32, #tpu.memory_space<hbm>>) target(%dma_start3A_337 : memref<104xf32, #tpu.memory_space<vmem>>) offsets(%dma_start3A_338 : memref<104xi32, #tpu.memory_space<vmem>>) semaphore(%arg20 : memref<!tpu.dma_semaphore, #tpu.memory_space<semaphore_mem>>)
        %mul3A_341 = arith.constant 416 : i32
        %mul3A_342 = arith.muli %sub3A_288, %mul3A_341 : i32
        %add3A_343 = arith.constant 104 : i32
        %add3A_344 = arith.addi %mul3A_342, %add3A_343 : i32
        %dma_start3A_345 = tpu.memref_slice %arg13[%add3A_344] : memref<13312xf32, #tpu.memory_space<vmem>> -> memref<104xf32, #tpu.memory_space<vmem>>
        %dma_start3A_346 = tpu.memref_slice %arg8[%add3A_344] : memref<13312xi32, #tpu.memory_space<vmem>> -> memref<104xi32, #tpu.memory_space<vmem>>
        %dma_start3A_347 = arith.constant 0 : i32
        %dma_start3A_348 = tpu.memref_slice %arg4[%dma_start3A_347] : memref<1000000xf32, #tpu.memory_space<hbm>> -> memref<1000000xf32, #tpu.memory_space<hbm>>
        tpu.enqueue_indirect_dma source(%dma_start3A_348 : memref<1000000xf32, #tpu.memory_space<hbm>>) target(%dma_start3A_345 : memref<104xf32, #tpu.memory_space<vmem>>) offsets(%dma_start3A_346 : memref<104xi32, #tpu.memory_space<vmem>>) semaphore(%arg20 : memref<!tpu.dma_semaphore, #tpu.memory_space<semaphore_mem>>)
        %mul3A_349 = arith.constant 416 : i32
        %mul3A_350 = arith.muli %sub3A_288, %mul3A_349 : i32
        %add3A_351 = arith.constant 208 : i32
        %add3A_352 = arith.addi %mul3A_350, %add3A_351 : i32
        %dma_start3A_353 = tpu.memref_slice %arg13[%add3A_352] : memref<13312xf32, #tpu.memory_space<vmem>> -> memref<104xf32, #tpu.memory_space<vmem>>
        %dma_start3A_354 = tpu.memref_slice %arg8[%add3A_352] : memref<13312xi32, #tpu.memory_space<vmem>> -> memref<104xi32, #tpu.memory_space<vmem>>
        %dma_start3A_355 = arith.constant 0 : i32
        %dma_start3A_356 = tpu.memref_slice %arg4[%dma_start3A_355] : memref<1000000xf32, #tpu.memory_space<hbm>> -> memref<1000000xf32, #tpu.memory_space<hbm>>
        tpu.enqueue_indirect_dma source(%dma_start3A_356 : memref<1000000xf32, #tpu.memory_space<hbm>>) target(%dma_start3A_353 : memref<104xf32, #tpu.memory_space<vmem>>) offsets(%dma_start3A_354 : memref<104xi32, #tpu.memory_space<vmem>>) semaphore(%arg20 : memref<!tpu.dma_semaphore, #tpu.memory_space<semaphore_mem>>)
        %mul3A_357 = arith.constant 416 : i32
        %mul3A_358 = arith.muli %sub3A_288, %mul3A_357 : i32
        %add3A_359 = arith.constant 312 : i32
        %add3A_360 = arith.addi %mul3A_358, %add3A_359 : i32
        %dma_start3A_361 = tpu.memref_slice %arg13[%add3A_360] : memref<13312xf32, #tpu.memory_space<vmem>> -> memref<104xf32, #tpu.memory_space<vmem>>
        %dma_start3A_362 = tpu.memref_slice %arg8[%add3A_360] : memref<13312xi32, #tpu.memory_space<vmem>> -> memref<104xi32, #tpu.memory_space<vmem>>
        %dma_start3A_363 = arith.constant 0 : i32
        %dma_start3A_364 = tpu.memref_slice %arg4[%dma_start3A_363] : memref<1000000xf32, #tpu.memory_space<hbm>> -> memref<1000000xf32, #tpu.memory_space<hbm>>
        tpu.enqueue_indirect_dma source(%dma_start3A_364 : memref<1000000xf32, #tpu.memory_space<hbm>>) target(%dma_start3A_361 : memref<104xf32, #tpu.memory_space<vmem>>) offsets(%dma_start3A_362 : memref<104xi32, #tpu.memory_space<vmem>>) semaphore(%arg20 : memref<!tpu.dma_semaphore, #tpu.memory_space<semaphore_mem>>)
      } else {
      }
      %dma_wait3A_198 = arith.constant 0 : i32
      %dma_wait3A_199 = arith.constant 0 : i32
      %dma_wait3A_200 = tpu.memref_slice %arg3[%dma_wait3A_198, %dma_wait3A_199] : memref<1000000x32xf32, #tpu.memory_space<hbm>> -> memref<416x32xf32, #tpu.memory_space<hbm>>
      %dma_wait3A_201 = arith.constant 0 : i32
      %dma_wait3A_202 = arith.constant 0 : i32
      %dma_wait3A_203 = tpu.memref_slice %arg3[%dma_wait3A_201, %dma_wait3A_202] : memref<1000000x32xf32, #tpu.memory_space<hbm>> -> memref<416x32xf32, #tpu.memory_space<hbm>>
      tpu.wait_dma2 semaphore(%arg16 : memref<!tpu.dma_semaphore, #tpu.memory_space<semaphore_mem>>) src(%dma_wait3A_203 : memref<416x32xf32, #tpu.memory_space<hbm>>) dst(%arg9 : memref<416x32xf32, #tpu.memory_space<vmem>>)
      %scan3A_204 = arith.constant 0 : i32
      %scan3A_205 = arith.constant 0 : i32
      %scan3A_206 = arith.constant 16 : i32
      %scan3A_207 = arith.addi %scan3A_205, %scan3A_206 : i32
      %scan3A_208 = arith.constant 1 : i32
      scf.for %scan3A_285 = %scan3A_205 to %scan3A_207 step %scan3A_208  : i32 {
        %mul3A_286 = arith.constant 26 : i32
        %mul3A_287 = arith.muli %scan3A_285, %mul3A_286 : i32
        %broadcast_in_dim3A = arith.constant 0.000000e+00 : f32
        %broadcast_in_dim3A_288 = vector.broadcast %broadcast_in_dim3A : f32 to vector<16xf32>
        %broadcast_in_dim3A_289 = arith.constant 0.000000e+00 : f32
        %broadcast_in_dim3A_290 = vector.broadcast %broadcast_in_dim3A_289 : f32 to vector<16xf32>
        %broadcast_in_dim3A_291 = arith.constant 0.000000e+00 : f32
        %broadcast_in_dim3A_292 = vector.broadcast %broadcast_in_dim3A_291 : f32 to vector<16xf32>
        %add3A_293 = arith.constant 0 : i32
        %add3A_294 = arith.addi %mul3A_287, %add3A_293 : i32
        %get3A = arith.index_cast %add3A_294 : i32 to index
        %get3A_295 = arith.constant 0 : index
        %get3A_296 = tpu.vector_load %arg9[%get3A, %get3A_295] {strides = array<i32>} : memref<416x32xf32, #tpu.memory_space<vmem>>, vector<1x16xf32>,
        %get3A_297 = vector.shape_cast %get3A_296 : vector<1x16xf32> to vector<16xf32>
        %add3A_298 = arith.constant 0 : i32
        %add3A_299 = arith.addi %mul3A_287, %add3A_298 : i32
        %get3A_300 = arith.index_cast %add3A_299 : i32 to index
        %get3A_301 = arith.constant 16 : index
        %get3A_302 = tpu.vector_load %arg9[%get3A_300, %get3A_301] {strides = array<i32>} : memref<416x32xf32, #tpu.memory_space<vmem>>, vector<1x16xf32>,
        %get3A_303 = vector.shape_cast %get3A_302 : vector<1x16xf32> to vector<16xf32>
        %add3A_304 = arith.addf %broadcast_in_dim3A_288, %get3A_297 : vector<16xf32>
        %add3A_305 = arith.addf %broadcast_in_dim3A_290, %get3A_303 : vector<16xf32>
        %mul3A_306 = arith.mulf %get3A_297, %get3A_297 : vector<16xf32>
        %add3A_307 = arith.addf %broadcast_in_dim3A_292, %mul3A_306 : vector<16xf32>
        %mul3A_308 = arith.mulf %get3A_303, %get3A_303 : vector<16xf32>
        %add3A_309 = arith.addf %add3A_307, %mul3A_308 : vector<16xf32>
        %add3A_310 = arith.constant 1 : i32
        %add3A_311 = arith.addi %mul3A_287, %add3A_310 : i32
        %get3A_312 = arith.index_cast %add3A_311 : i32 to index
        %get3A_313 = arith.constant 0 : index
        %get3A_314 = tpu.vector_load %arg9[%get3A_312, %get3A_313] {strides = array<i32>} : memref<416x32xf32, #tpu.memory_space<vmem>>, vector<1x16xf32>,
        %get3A_315 = vector.shape_cast %get3A_314 : vector<1x16xf32> to vector<16xf32>
        %add3A_316 = arith.constant 1 : i32
        %add3A_317 = arith.addi %mul3A_287, %add3A_316 : i32
        %get3A_318 = arith.index_cast %add3A_317 : i32 to index
        %get3A_319 = arith.constant 16 : index
        %get3A_320 = tpu.vector_load %arg9[%get3A_318, %get3A_319] {strides = array<i32>} : memref<416x32xf32, #tpu.memory_space<vmem>>, vector<1x16xf32>,
        %get3A_321 = vector.shape_cast %get3A_320 : vector<1x16xf32> to vector<16xf32>
        %add3A_322 = arith.addf %add3A_304, %get3A_315 : vector<16xf32>
        %add3A_323 = arith.addf %add3A_305, %get3A_321 : vector<16xf32>
        %mul3A_324 = arith.mulf %get3A_315, %get3A_315 : vector<16xf32>
        %add3A_325 = arith.addf %add3A_309, %mul3A_324 : vector<16xf32>
        %mul3A_326 = arith.mulf %get3A_321, %get3A_321 : vector<16xf32>
        %add3A_327 = arith.addf %add3A_325, %mul3A_326 : vector<16xf32>
        %add3A_328 = arith.constant 2 : i32
        %add3A_329 = arith.addi %mul3A_287, %add3A_328 : i32
        %get3A_330 = arith.index_cast %add3A_329 : i32 to index
        %get3A_331 = arith.constant 0 : index
        %get3A_332 = tpu.vector_load %arg9[%get3A_330, %get3A_331] {strides = array<i32>} : memref<416x32xf32, #tpu.memory_space<vmem>>, vector<1x16xf32>,
        %get3A_333 = vector.shape_cast %get3A_332 : vector<1x16xf32> to vector<16xf32>
        %add3A_334 = arith.constant 2 : i32
        %add3A_335 = arith.addi %mul3A_287, %add3A_334 : i32
        %get3A_336 = arith.index_cast %add3A_335 : i32 to index
        %get3A_337 = arith.constant 16 : index
        %get3A_338 = tpu.vector_load %arg9[%get3A_336, %get3A_337] {strides = array<i32>} : memref<416x32xf32, #tpu.memory_space<vmem>>, vector<1x16xf32>,
        %get3A_339 = vector.shape_cast %get3A_338 : vector<1x16xf32> to vector<16xf32>
        %add3A_340 = arith.addf %add3A_322, %get3A_333 : vector<16xf32>
        %add3A_341 = arith.addf %add3A_323, %get3A_339 : vector<16xf32>
        %mul3A_342 = arith.mulf %get3A_333, %get3A_333 : vector<16xf32>
        %add3A_343 = arith.addf %add3A_327, %mul3A_342 : vector<16xf32>
        %mul3A_344 = arith.mulf %get3A_339, %get3A_339 : vector<16xf32>
        %add3A_345 = arith.addf %add3A_343, %mul3A_344 : vector<16xf32>
        %add3A_346 = arith.constant 3 : i32
        %add3A_347 = arith.addi %mul3A_287, %add3A_346 : i32
        %get3A_348 = arith.index_cast %add3A_347 : i32 to index
        %get3A_349 = arith.constant 0 : index
        %get3A_350 = tpu.vector_load %arg9[%get3A_348, %get3A_349] {strides = array<i32>} : memref<416x32xf32, #tpu.memory_space<vmem>>, vector<1x16xf32>,
        %get3A_351 = vector.shape_cast %get3A_350 : vector<1x16xf32> to vector<16xf32>
        %add3A_352 = arith.constant 3 : i32
        %add3A_353 = arith.addi %mul3A_287, %add3A_352 : i32
        %get3A_354 = arith.index_cast %add3A_353 : i32 to index
        %get3A_355 = arith.constant 16 : index
        %get3A_356 = tpu.vector_load %arg9[%get3A_354, %get3A_355] {strides = array<i32>} : memref<416x32xf32, #tpu.memory_space<vmem>>, vector<1x16xf32>,
        %get3A_357 = vector.shape_cast %get3A_356 : vector<1x16xf32> to vector<16xf32>
        %add3A_358 = arith.addf %add3A_340, %get3A_351 : vector<16xf32>
        %add3A_359 = arith.addf %add3A_341, %get3A_357 : vector<16xf32>
        %mul3A_360 = arith.mulf %get3A_351, %get3A_351 : vector<16xf32>
        %add3A_361 = arith.addf %add3A_345, %mul3A_360 : vector<16xf32>
        %mul3A_362 = arith.mulf %get3A_357, %get3A_357 : vector<16xf32>
        %add3A_363 = arith.addf %add3A_361, %mul3A_362 : vector<16xf32>
        %add3A_364 = arith.constant 4 : i32
        %add3A_365 = arith.addi %mul3A_287, %add3A_364 : i32
        %get3A_366 = arith.index_cast %add3A_365 : i32 to index
        %get3A_367 = arith.constant 0 : index
        %get3A_368 = tpu.vector_load %arg9[%get3A_366, %get3A_367] {strides = array<i32>} : memref<416x32xf32, #tpu.memory_space<vmem>>, vector<1x16xf32>,
        %get3A_369 = vector.shape_cast %get3A_368 : vector<1x16xf32> to vector<16xf32>
        %add3A_370 = arith.constant 4 : i32
        %add3A_371 = arith.addi %mul3A_287, %add3A_370 : i32
        %get3A_372 = arith.index_cast %add3A_371 : i32 to index
        %get3A_373 = arith.constant 16 : index
        %get3A_374 = tpu.vector_load %arg9[%get3A_372, %get3A_373] {strides = array<i32>} : memref<416x32xf32, #tpu.memory_space<vmem>>, vector<1x16xf32>,
        %get3A_375 = vector.shape_cast %get3A_374 : vector<1x16xf32> to vector<16xf32>
        %add3A_376 = arith.addf %add3A_358, %get3A_369 : vector<16xf32>
        %add3A_377 = arith.addf %add3A_359, %get3A_375 : vector<16xf32>
        %mul3A_378 = arith.mulf %get3A_369, %get3A_369 : vector<16xf32>
        %add3A_379 = arith.addf %add3A_363, %mul3A_378 : vector<16xf32>
        %mul3A_380 = arith.mulf %get3A_375, %get3A_375 : vector<16xf32>
        %add3A_381 = arith.addf %add3A_379, %mul3A_380 : vector<16xf32>
        %add3A_382 = arith.constant 5 : i32
        %add3A_383 = arith.addi %mul3A_287, %add3A_382 : i32
        %get3A_384 = arith.index_cast %add3A_383 : i32 to index
        %get3A_385 = arith.constant 0 : index
        %get3A_386 = tpu.vector_load %arg9[%get3A_384, %get3A_385] {strides = array<i32>} : memref<416x32xf32, #tpu.memory_space<vmem>>, vector<1x16xf32>,
        %get3A_387 = vector.shape_cast %get3A_386 : vector<1x16xf32> to vector<16xf32>
        %add3A_388 = arith.constant 5 : i32
        %add3A_389 = arith.addi %mul3A_287, %add3A_388 : i32
        %get3A_390 = arith.index_cast %add3A_389 : i32 to index
        %get3A_391 = arith.constant 16 : index
        %get3A_392 = tpu.vector_load %arg9[%get3A_390, %get3A_391] {strides = array<i32>} : memref<416x32xf32, #tpu.memory_space<vmem>>, vector<1x16xf32>,
        %get3A_393 = vector.shape_cast %get3A_392 : vector<1x16xf32> to vector<16xf32>
        %add3A_394 = arith.addf %add3A_376, %get3A_387 : vector<16xf32>
        %add3A_395 = arith.addf %add3A_377, %get3A_393 : vector<16xf32>
        %mul3A_396 = arith.mulf %get3A_387, %get3A_387 : vector<16xf32>
        %add3A_397 = arith.addf %add3A_381, %mul3A_396 : vector<16xf32>
        %mul3A_398 = arith.mulf %get3A_393, %get3A_393 : vector<16xf32>
        %add3A_399 = arith.addf %add3A_397, %mul3A_398 : vector<16xf32>
        %add3A_400 = arith.constant 6 : i32
        %add3A_401 = arith.addi %mul3A_287, %add3A_400 : i32
        %get3A_402 = arith.index_cast %add3A_401 : i32 to index
        %get3A_403 = arith.constant 0 : index
        %get3A_404 = tpu.vector_load %arg9[%get3A_402, %get3A_403] {strides = array<i32>} : memref<416x32xf32, #tpu.memory_space<vmem>>, vector<1x16xf32>,
        %get3A_405 = vector.shape_cast %get3A_404 : vector<1x16xf32> to vector<16xf32>
        %add3A_406 = arith.constant 6 : i32
        %add3A_407 = arith.addi %mul3A_287, %add3A_406 : i32
        %get3A_408 = arith.index_cast %add3A_407 : i32 to index
        %get3A_409 = arith.constant 16 : index
        %get3A_410 = tpu.vector_load %arg9[%get3A_408, %get3A_409] {strides = array<i32>} : memref<416x32xf32, #tpu.memory_space<vmem>>, vector<1x16xf32>,
        %get3A_411 = vector.shape_cast %get3A_410 : vector<1x16xf32> to vector<16xf32>
        %add3A_412 = arith.addf %add3A_394, %get3A_405 : vector<16xf32>
        %add3A_413 = arith.addf %add3A_395, %get3A_411 : vector<16xf32>
        %mul3A_414 = arith.mulf %get3A_405, %get3A_405 : vector<16xf32>
        %add3A_415 = arith.addf %add3A_399, %mul3A_414 : vector<16xf32>
        %mul3A_416 = arith.mulf %get3A_411, %get3A_411 : vector<16xf32>
        %add3A_417 = arith.addf %add3A_415, %mul3A_416 : vector<16xf32>
        %add3A_418 = arith.constant 7 : i32
        %add3A_419 = arith.addi %mul3A_287, %add3A_418 : i32
        %get3A_420 = arith.index_cast %add3A_419 : i32 to index
        %get3A_421 = arith.constant 0 : index
        %get3A_422 = tpu.vector_load %arg9[%get3A_420, %get3A_421] {strides = array<i32>} : memref<416x32xf32, #tpu.memory_space<vmem>>, vector<1x16xf32>,
        %get3A_423 = vector.shape_cast %get3A_422 : vector<1x16xf32> to vector<16xf32>
        %add3A_424 = arith.constant 7 : i32
        %add3A_425 = arith.addi %mul3A_287, %add3A_424 : i32
        %get3A_426 = arith.index_cast %add3A_425 : i32 to index
        %get3A_427 = arith.constant 16 : index
        %get3A_428 = tpu.vector_load %arg9[%get3A_426, %get3A_427] {strides = array<i32>} : memref<416x32xf32, #tpu.memory_space<vmem>>, vector<1x16xf32>,
        %get3A_429 = vector.shape_cast %get3A_428 : vector<1x16xf32> to vector<16xf32>
        %add3A_430 = arith.addf %add3A_412, %get3A_423 : vector<16xf32>
        %add3A_431 = arith.addf %add3A_413, %get3A_429 : vector<16xf32>
        %mul3A_432 = arith.mulf %get3A_423, %get3A_423 : vector<16xf32>
        %add3A_433 = arith.addf %add3A_417, %mul3A_432 : vector<16xf32>
        %mul3A_434 = arith.mulf %get3A_429, %get3A_429 : vector<16xf32>
        %add3A_435 = arith.addf %add3A_433, %mul3A_434 : vector<16xf32>
        %add3A_436 = arith.constant 8 : i32
        %add3A_437 = arith.addi %mul3A_287, %add3A_436 : i32
        %get3A_438 = arith.index_cast %add3A_437 : i32 to index
        %get3A_439 = arith.constant 0 : index
        %get3A_440 = tpu.vector_load %arg9[%get3A_438, %get3A_439] {strides = array<i32>} : memref<416x32xf32, #tpu.memory_space<vmem>>, vector<1x16xf32>,
        %get3A_441 = vector.shape_cast %get3A_440 : vector<1x16xf32> to vector<16xf32>
        %add3A_442 = arith.constant 8 : i32
        %add3A_443 = arith.addi %mul3A_287, %add3A_442 : i32
        %get3A_444 = arith.index_cast %add3A_443 : i32 to index
        %get3A_445 = arith.constant 16 : index
        %get3A_446 = tpu.vector_load %arg9[%get3A_444, %get3A_445] {strides = array<i32>} : memref<416x32xf32, #tpu.memory_space<vmem>>, vector<1x16xf32>,
        %get3A_447 = vector.shape_cast %get3A_446 : vector<1x16xf32> to vector<16xf32>
        %add3A_448 = arith.addf %add3A_430, %get3A_441 : vector<16xf32>
        %add3A_449 = arith.addf %add3A_431, %get3A_447 : vector<16xf32>
        %mul3A_450 = arith.mulf %get3A_441, %get3A_441 : vector<16xf32>
        %add3A_451 = arith.addf %add3A_435, %mul3A_450 : vector<16xf32>
        %mul3A_452 = arith.mulf %get3A_447, %get3A_447 : vector<16xf32>
        %add3A_453 = arith.addf %add3A_451, %mul3A_452 : vector<16xf32>
        %add3A_454 = arith.constant 9 : i32
        %add3A_455 = arith.addi %mul3A_287, %add3A_454 : i32
        %get3A_456 = arith.index_cast %add3A_455 : i32 to index
        %get3A_457 = arith.constant 0 : index
        %get3A_458 = tpu.vector_load %arg9[%get3A_456, %get3A_457] {strides = array<i32>} : memref<416x32xf32, #tpu.memory_space<vmem>>, vector<1x16xf32>,
        %get3A_459 = vector.shape_cast %get3A_458 : vector<1x16xf32> to vector<16xf32>
        %add3A_460 = arith.constant 9 : i32
        %add3A_461 = arith.addi %mul3A_287, %add3A_460 : i32
        %get3A_462 = arith.index_cast %add3A_461 : i32 to index
        %get3A_463 = arith.constant 16 : index
        %get3A_464 = tpu.vector_load %arg9[%get3A_462, %get3A_463] {strides = array<i32>} : memref<416x32xf32, #tpu.memory_space<vmem>>, vector<1x16xf32>,
        %get3A_465 = vector.shape_cast %get3A_464 : vector<1x16xf32> to vector<16xf32>
        %add3A_466 = arith.addf %add3A_448, %get3A_459 : vector<16xf32>
        %add3A_467 = arith.addf %add3A_449, %get3A_465 : vector<16xf32>
        %mul3A_468 = arith.mulf %get3A_459, %get3A_459 : vector<16xf32>
        %add3A_469 = arith.addf %add3A_453, %mul3A_468 : vector<16xf32>
        %mul3A_470 = arith.mulf %get3A_465, %get3A_465 : vector<16xf32>
        %add3A_471 = arith.addf %add3A_469, %mul3A_470 : vector<16xf32>
        %add3A_472 = arith.constant 10 : i32
        %add3A_473 = arith.addi %mul3A_287, %add3A_472 : i32
        %get3A_474 = arith.index_cast %add3A_473 : i32 to index
        %get3A_475 = arith.constant 0 : index
        %get3A_476 = tpu.vector_load %arg9[%get3A_474, %get3A_475] {strides = array<i32>} : memref<416x32xf32, #tpu.memory_space<vmem>>, vector<1x16xf32>,
        %get3A_477 = vector.shape_cast %get3A_476 : vector<1x16xf32> to vector<16xf32>
        %add3A_478 = arith.constant 10 : i32
        %add3A_479 = arith.addi %mul3A_287, %add3A_478 : i32
        %get3A_480 = arith.index_cast %add3A_479 : i32 to index
        %get3A_481 = arith.constant 16 : index
        %get3A_482 = tpu.vector_load %arg9[%get3A_480, %get3A_481] {strides = array<i32>} : memref<416x32xf32, #tpu.memory_space<vmem>>, vector<1x16xf32>,
        %get3A_483 = vector.shape_cast %get3A_482 : vector<1x16xf32> to vector<16xf32>
        %add3A_484 = arith.addf %add3A_466, %get3A_477 : vector<16xf32>
        %add3A_485 = arith.addf %add3A_467, %get3A_483 : vector<16xf32>
        %mul3A_486 = arith.mulf %get3A_477, %get3A_477 : vector<16xf32>
        %add3A_487 = arith.addf %add3A_471, %mul3A_486 : vector<16xf32>
        %mul3A_488 = arith.mulf %get3A_483, %get3A_483 : vector<16xf32>
        %add3A_489 = arith.addf %add3A_487, %mul3A_488 : vector<16xf32>
        %add3A_490 = arith.constant 11 : i32
        %add3A_491 = arith.addi %mul3A_287, %add3A_490 : i32
        %get3A_492 = arith.index_cast %add3A_491 : i32 to index
        %get3A_493 = arith.constant 0 : index
        %get3A_494 = tpu.vector_load %arg9[%get3A_492, %get3A_493] {strides = array<i32>} : memref<416x32xf32, #tpu.memory_space<vmem>>, vector<1x16xf32>,
        %get3A_495 = vector.shape_cast %get3A_494 : vector<1x16xf32> to vector<16xf32>
        %add3A_496 = arith.constant 11 : i32
        %add3A_497 = arith.addi %mul3A_287, %add3A_496 : i32
        %get3A_498 = arith.index_cast %add3A_497 : i32 to index
        %get3A_499 = arith.constant 16 : index
        %get3A_500 = tpu.vector_load %arg9[%get3A_498, %get3A_499] {strides = array<i32>} : memref<416x32xf32, #tpu.memory_space<vmem>>, vector<1x16xf32>,
        %get3A_501 = vector.shape_cast %get3A_500 : vector<1x16xf32> to vector<16xf32>
        %add3A_502 = arith.addf %add3A_484, %get3A_495 : vector<16xf32>
        %add3A_503 = arith.addf %add3A_485, %get3A_501 : vector<16xf32>
        %mul3A_504 = arith.mulf %get3A_495, %get3A_495 : vector<16xf32>
        %add3A_505 = arith.addf %add3A_489, %mul3A_504 : vector<16xf32>
        %mul3A_506 = arith.mulf %get3A_501, %get3A_501 : vector<16xf32>
        %add3A_507 = arith.addf %add3A_505, %mul3A_506 : vector<16xf32>
        %add3A_508 = arith.constant 12 : i32
        %add3A_509 = arith.addi %mul3A_287, %add3A_508 : i32
        %get3A_510 = arith.index_cast %add3A_509 : i32 to index
        %get3A_511 = arith.constant 0 : index
        %get3A_512 = tpu.vector_load %arg9[%get3A_510, %get3A_511] {strides = array<i32>} : memref<416x32xf32, #tpu.memory_space<vmem>>, vector<1x16xf32>,
        %get3A_513 = vector.shape_cast %get3A_512 : vector<1x16xf32> to vector<16xf32>
        %add3A_514 = arith.constant 12 : i32
        %add3A_515 = arith.addi %mul3A_287, %add3A_514 : i32
        %get3A_516 = arith.index_cast %add3A_515 : i32 to index
        %get3A_517 = arith.constant 16 : index
        %get3A_518 = tpu.vector_load %arg9[%get3A_516, %get3A_517] {strides = array<i32>} : memref<416x32xf32, #tpu.memory_space<vmem>>, vector<1x16xf32>,
        %get3A_519 = vector.shape_cast %get3A_518 : vector<1x16xf32> to vector<16xf32>
        %add3A_520 = arith.addf %add3A_502, %get3A_513 : vector<16xf32>
        %add3A_521 = arith.addf %add3A_503, %get3A_519 : vector<16xf32>
        %mul3A_522 = arith.mulf %get3A_513, %get3A_513 : vector<16xf32>
        %add3A_523 = arith.addf %add3A_507, %mul3A_522 : vector<16xf32>
        %mul3A_524 = arith.mulf %get3A_519, %get3A_519 : vector<16xf32>
        %add3A_525 = arith.addf %add3A_523, %mul3A_524 : vector<16xf32>
        %add3A_526 = arith.constant 13 : i32
        %add3A_527 = arith.addi %mul3A_287, %add3A_526 : i32
        %get3A_528 = arith.index_cast %add3A_527 : i32 to index
        %get3A_529 = arith.constant 0 : index
        %get3A_530 = tpu.vector_load %arg9[%get3A_528, %get3A_529] {strides = array<i32>} : memref<416x32xf32, #tpu.memory_space<vmem>>, vector<1x16xf32>,
        %get3A_531 = vector.shape_cast %get3A_530 : vector<1x16xf32> to vector<16xf32>
        %add3A_532 = arith.constant 13 : i32
        %add3A_533 = arith.addi %mul3A_287, %add3A_532 : i32
        %get3A_534 = arith.index_cast %add3A_533 : i32 to index
        %get3A_535 = arith.constant 16 : index
        %get3A_536 = tpu.vector_load %arg9[%get3A_534, %get3A_535] {strides = array<i32>} : memref<416x32xf32, #tpu.memory_space<vmem>>, vector<1x16xf32>,
        %get3A_537 = vector.shape_cast %get3A_536 : vector<1x16xf32> to vector<16xf32>
        %add3A_538 = arith.addf %add3A_520, %get3A_531 : vector<16xf32>
        %add3A_539 = arith.addf %add3A_521, %get3A_537 : vector<16xf32>
        %mul3A_540 = arith.mulf %get3A_531, %get3A_531 : vector<16xf32>
        %add3A_541 = arith.addf %add3A_525, %mul3A_540 : vector<16xf32>
        %mul3A_542 = arith.mulf %get3A_537, %get3A_537 : vector<16xf32>
        %add3A_543 = arith.addf %add3A_541, %mul3A_542 : vector<16xf32>
        %add3A_544 = arith.constant 14 : i32
        %add3A_545 = arith.addi %mul3A_287, %add3A_544 : i32
        %get3A_546 = arith.index_cast %add3A_545 : i32 to index
        %get3A_547 = arith.constant 0 : index
        %get3A_548 = tpu.vector_load %arg9[%get3A_546, %get3A_547] {strides = array<i32>} : memref<416x32xf32, #tpu.memory_space<vmem>>, vector<1x16xf32>,
        %get3A_549 = vector.shape_cast %get3A_548 : vector<1x16xf32> to vector<16xf32>
        %add3A_550 = arith.constant 14 : i32
        %add3A_551 = arith.addi %mul3A_287, %add3A_550 : i32
        %get3A_552 = arith.index_cast %add3A_551 : i32 to index
        %get3A_553 = arith.constant 16 : index
        %get3A_554 = tpu.vector_load %arg9[%get3A_552, %get3A_553] {strides = array<i32>} : memref<416x32xf32, #tpu.memory_space<vmem>>, vector<1x16xf32>,
        %get3A_555 = vector.shape_cast %get3A_554 : vector<1x16xf32> to vector<16xf32>
        %add3A_556 = arith.addf %add3A_538, %get3A_549 : vector<16xf32>
        %add3A_557 = arith.addf %add3A_539, %get3A_555 : vector<16xf32>
        %mul3A_558 = arith.mulf %get3A_549, %get3A_549 : vector<16xf32>
        %add3A_559 = arith.addf %add3A_543, %mul3A_558 : vector<16xf32>
        %mul3A_560 = arith.mulf %get3A_555, %get3A_555 : vector<16xf32>
        %add3A_561 = arith.addf %add3A_559, %mul3A_560 : vector<16xf32>
        %add3A_562 = arith.constant 15 : i32
        %add3A_563 = arith.addi %mul3A_287, %add3A_562 : i32
        %get3A_564 = arith.index_cast %add3A_563 : i32 to index
        %get3A_565 = arith.constant 0 : index
        %get3A_566 = tpu.vector_load %arg9[%get3A_564, %get3A_565] {strides = array<i32>} : memref<416x32xf32, #tpu.memory_space<vmem>>, vector<1x16xf32>,
        %get3A_567 = vector.shape_cast %get3A_566 : vector<1x16xf32> to vector<16xf32>
        %add3A_568 = arith.constant 15 : i32
        %add3A_569 = arith.addi %mul3A_287, %add3A_568 : i32
        %get3A_570 = arith.index_cast %add3A_569 : i32 to index
        %get3A_571 = arith.constant 16 : index
        %get3A_572 = tpu.vector_load %arg9[%get3A_570, %get3A_571] {strides = array<i32>} : memref<416x32xf32, #tpu.memory_space<vmem>>, vector<1x16xf32>,
        %get3A_573 = vector.shape_cast %get3A_572 : vector<1x16xf32> to vector<16xf32>
        %add3A_574 = arith.addf %add3A_556, %get3A_567 : vector<16xf32>
        %add3A_575 = arith.addf %add3A_557, %get3A_573 : vector<16xf32>
        %mul3A_576 = arith.mulf %get3A_567, %get3A_567 : vector<16xf32>
        %add3A_577 = arith.addf %add3A_561, %mul3A_576 : vector<16xf32>
        %mul3A_578 = arith.mulf %get3A_573, %get3A_573 : vector<16xf32>
        %add3A_579 = arith.addf %add3A_577, %mul3A_578 : vector<16xf32>
        %add3A_580 = arith.constant 16 : i32
        %add3A_581 = arith.addi %mul3A_287, %add3A_580 : i32
        %get3A_582 = arith.index_cast %add3A_581 : i32 to index
        %get3A_583 = arith.constant 0 : index
        %get3A_584 = tpu.vector_load %arg9[%get3A_582, %get3A_583] {strides = array<i32>} : memref<416x32xf32, #tpu.memory_space<vmem>>, vector<1x16xf32>,
        %get3A_585 = vector.shape_cast %get3A_584 : vector<1x16xf32> to vector<16xf32>
        %add3A_586 = arith.constant 16 : i32
        %add3A_587 = arith.addi %mul3A_287, %add3A_586 : i32
        %get3A_588 = arith.index_cast %add3A_587 : i32 to index
        %get3A_589 = arith.constant 16 : index
        %get3A_590 = tpu.vector_load %arg9[%get3A_588, %get3A_589] {strides = array<i32>} : memref<416x32xf32, #tpu.memory_space<vmem>>, vector<1x16xf32>,
        %get3A_591 = vector.shape_cast %get3A_590 : vector<1x16xf32> to vector<16xf32>
        %add3A_592 = arith.addf %add3A_574, %get3A_585 : vector<16xf32>
        %add3A_593 = arith.addf %add3A_575, %get3A_591 : vector<16xf32>
        %mul3A_594 = arith.mulf %get3A_585, %get3A_585 : vector<16xf32>
        %add3A_595 = arith.addf %add3A_579, %mul3A_594 : vector<16xf32>
        %mul3A_596 = arith.mulf %get3A_591, %get3A_591 : vector<16xf32>
        %add3A_597 = arith.addf %add3A_595, %mul3A_596 : vector<16xf32>
        %add3A_598 = arith.constant 17 : i32
        %add3A_599 = arith.addi %mul3A_287, %add3A_598 : i32
        %get3A_600 = arith.index_cast %add3A_599 : i32 to index
        %get3A_601 = arith.constant 0 : index
        %get3A_602 = tpu.vector_load %arg9[%get3A_600, %get3A_601] {strides = array<i32>} : memref<416x32xf32, #tpu.memory_space<vmem>>, vector<1x16xf32>,
        %get3A_603 = vector.shape_cast %get3A_602 : vector<1x16xf32> to vector<16xf32>
        %add3A_604 = arith.constant 17 : i32
        %add3A_605 = arith.addi %mul3A_287, %add3A_604 : i32
        %get3A_606 = arith.index_cast %add3A_605 : i32 to index
        %get3A_607 = arith.constant 16 : index
        %get3A_608 = tpu.vector_load %arg9[%get3A_606, %get3A_607] {strides = array<i32>} : memref<416x32xf32, #tpu.memory_space<vmem>>, vector<1x16xf32>,
        %get3A_609 = vector.shape_cast %get3A_608 : vector<1x16xf32> to vector<16xf32>
        %add3A_610 = arith.addf %add3A_592, %get3A_603 : vector<16xf32>
        %add3A_611 = arith.addf %add3A_593, %get3A_609 : vector<16xf32>
        %mul3A_612 = arith.mulf %get3A_603, %get3A_603 : vector<16xf32>
        %add3A_613 = arith.addf %add3A_597, %mul3A_612 : vector<16xf32>
        %mul3A_614 = arith.mulf %get3A_609, %get3A_609 : vector<16xf32>
        %add3A_615 = arith.addf %add3A_613, %mul3A_614 : vector<16xf32>
        %add3A_616 = arith.constant 18 : i32
        %add3A_617 = arith.addi %mul3A_287, %add3A_616 : i32
        %get3A_618 = arith.index_cast %add3A_617 : i32 to index
        %get3A_619 = arith.constant 0 : index
        %get3A_620 = tpu.vector_load %arg9[%get3A_618, %get3A_619] {strides = array<i32>} : memref<416x32xf32, #tpu.memory_space<vmem>>, vector<1x16xf32>,
        %get3A_621 = vector.shape_cast %get3A_620 : vector<1x16xf32> to vector<16xf32>
        %add3A_622 = arith.constant 18 : i32
        %add3A_623 = arith.addi %mul3A_287, %add3A_622 : i32
        %get3A_624 = arith.index_cast %add3A_623 : i32 to index
        %get3A_625 = arith.constant 16 : index
        %get3A_626 = tpu.vector_load %arg9[%get3A_624, %get3A_625] {strides = array<i32>} : memref<416x32xf32, #tpu.memory_space<vmem>>, vector<1x16xf32>,
        %get3A_627 = vector.shape_cast %get3A_626 : vector<1x16xf32> to vector<16xf32>
        %add3A_628 = arith.addf %add3A_610, %get3A_621 : vector<16xf32>
        %add3A_629 = arith.addf %add3A_611, %get3A_627 : vector<16xf32>
        %mul3A_630 = arith.mulf %get3A_621, %get3A_621 : vector<16xf32>
        %add3A_631 = arith.addf %add3A_615, %mul3A_630 : vector<16xf32>
        %mul3A_632 = arith.mulf %get3A_627, %get3A_627 : vector<16xf32>
        %add3A_633 = arith.addf %add3A_631, %mul3A_632 : vector<16xf32>
        %add3A_634 = arith.constant 19 : i32
        %add3A_635 = arith.addi %mul3A_287, %add3A_634 : i32
        %get3A_636 = arith.index_cast %add3A_635 : i32 to index
        %get3A_637 = arith.constant 0 : index
        %get3A_638 = tpu.vector_load %arg9[%get3A_636, %get3A_637] {strides = array<i32>} : memref<416x32xf32, #tpu.memory_space<vmem>>, vector<1x16xf32>,
        %get3A_639 = vector.shape_cast %get3A_638 : vector<1x16xf32> to vector<16xf32>
        %add3A_640 = arith.constant 19 : i32
        %add3A_641 = arith.addi %mul3A_287, %add3A_640 : i32
        %get3A_642 = arith.index_cast %add3A_641 : i32 to index
        %get3A_643 = arith.constant 16 : index
        %get3A_644 = tpu.vector_load %arg9[%get3A_642, %get3A_643] {strides = array<i32>} : memref<416x32xf32, #tpu.memory_space<vmem>>, vector<1x16xf32>,
        %get3A_645 = vector.shape_cast %get3A_644 : vector<1x16xf32> to vector<16xf32>
        %add3A_646 = arith.addf %add3A_628, %get3A_639 : vector<16xf32>
        %add3A_647 = arith.addf %add3A_629, %get3A_645 : vector<16xf32>
        %mul3A_648 = arith.mulf %get3A_639, %get3A_639 : vector<16xf32>
        %add3A_649 = arith.addf %add3A_633, %mul3A_648 : vector<16xf32>
        %mul3A_650 = arith.mulf %get3A_645, %get3A_645 : vector<16xf32>
        %add3A_651 = arith.addf %add3A_649, %mul3A_650 : vector<16xf32>
        %add3A_652 = arith.constant 20 : i32
        %add3A_653 = arith.addi %mul3A_287, %add3A_652 : i32
        %get3A_654 = arith.index_cast %add3A_653 : i32 to index
        %get3A_655 = arith.constant 0 : index
        %get3A_656 = tpu.vector_load %arg9[%get3A_654, %get3A_655] {strides = array<i32>} : memref<416x32xf32, #tpu.memory_space<vmem>>, vector<1x16xf32>,
        %get3A_657 = vector.shape_cast %get3A_656 : vector<1x16xf32> to vector<16xf32>
        %add3A_658 = arith.constant 20 : i32
        %add3A_659 = arith.addi %mul3A_287, %add3A_658 : i32
        %get3A_660 = arith.index_cast %add3A_659 : i32 to index
        %get3A_661 = arith.constant 16 : index
        %get3A_662 = tpu.vector_load %arg9[%get3A_660, %get3A_661] {strides = array<i32>} : memref<416x32xf32, #tpu.memory_space<vmem>>, vector<1x16xf32>,
        %get3A_663 = vector.shape_cast %get3A_662 : vector<1x16xf32> to vector<16xf32>
        %add3A_664 = arith.addf %add3A_646, %get3A_657 : vector<16xf32>
        %add3A_665 = arith.addf %add3A_647, %get3A_663 : vector<16xf32>
        %mul3A_666 = arith.mulf %get3A_657, %get3A_657 : vector<16xf32>
        %add3A_667 = arith.addf %add3A_651, %mul3A_666 : vector<16xf32>
        %mul3A_668 = arith.mulf %get3A_663, %get3A_663 : vector<16xf32>
        %add3A_669 = arith.addf %add3A_667, %mul3A_668 : vector<16xf32>
        %add3A_670 = arith.constant 21 : i32
        %add3A_671 = arith.addi %mul3A_287, %add3A_670 : i32
        %get3A_672 = arith.index_cast %add3A_671 : i32 to index
        %get3A_673 = arith.constant 0 : index
        %get3A_674 = tpu.vector_load %arg9[%get3A_672, %get3A_673] {strides = array<i32>} : memref<416x32xf32, #tpu.memory_space<vmem>>, vector<1x16xf32>,
        %get3A_675 = vector.shape_cast %get3A_674 : vector<1x16xf32> to vector<16xf32>
        %add3A_676 = arith.constant 21 : i32
        %add3A_677 = arith.addi %mul3A_287, %add3A_676 : i32
        %get3A_678 = arith.index_cast %add3A_677 : i32 to index
        %get3A_679 = arith.constant 16 : index
        %get3A_680 = tpu.vector_load %arg9[%get3A_678, %get3A_679] {strides = array<i32>} : memref<416x32xf32, #tpu.memory_space<vmem>>, vector<1x16xf32>,
        %get3A_681 = vector.shape_cast %get3A_680 : vector<1x16xf32> to vector<16xf32>
        %add3A_682 = arith.addf %add3A_664, %get3A_675 : vector<16xf32>
        %add3A_683 = arith.addf %add3A_665, %get3A_681 : vector<16xf32>
        %mul3A_684 = arith.mulf %get3A_675, %get3A_675 : vector<16xf32>
        %add3A_685 = arith.addf %add3A_669, %mul3A_684 : vector<16xf32>
        %mul3A_686 = arith.mulf %get3A_681, %get3A_681 : vector<16xf32>
        %add3A_687 = arith.addf %add3A_685, %mul3A_686 : vector<16xf32>
        %add3A_688 = arith.constant 22 : i32
        %add3A_689 = arith.addi %mul3A_287, %add3A_688 : i32
        %get3A_690 = arith.index_cast %add3A_689 : i32 to index
        %get3A_691 = arith.constant 0 : index
        %get3A_692 = tpu.vector_load %arg9[%get3A_690, %get3A_691] {strides = array<i32>} : memref<416x32xf32, #tpu.memory_space<vmem>>, vector<1x16xf32>,
        %get3A_693 = vector.shape_cast %get3A_692 : vector<1x16xf32> to vector<16xf32>
        %add3A_694 = arith.constant 22 : i32
        %add3A_695 = arith.addi %mul3A_287, %add3A_694 : i32
        %get3A_696 = arith.index_cast %add3A_695 : i32 to index
        %get3A_697 = arith.constant 16 : index
        %get3A_698 = tpu.vector_load %arg9[%get3A_696, %get3A_697] {strides = array<i32>} : memref<416x32xf32, #tpu.memory_space<vmem>>, vector<1x16xf32>,
        %get3A_699 = vector.shape_cast %get3A_698 : vector<1x16xf32> to vector<16xf32>
        %add3A_700 = arith.addf %add3A_682, %get3A_693 : vector<16xf32>
        %add3A_701 = arith.addf %add3A_683, %get3A_699 : vector<16xf32>
        %mul3A_702 = arith.mulf %get3A_693, %get3A_693 : vector<16xf32>
        %add3A_703 = arith.addf %add3A_687, %mul3A_702 : vector<16xf32>
        %mul3A_704 = arith.mulf %get3A_699, %get3A_699 : vector<16xf32>
        %add3A_705 = arith.addf %add3A_703, %mul3A_704 : vector<16xf32>
        %add3A_706 = arith.constant 23 : i32
        %add3A_707 = arith.addi %mul3A_287, %add3A_706 : i32
        %get3A_708 = arith.index_cast %add3A_707 : i32 to index
        %get3A_709 = arith.constant 0 : index
        %get3A_710 = tpu.vector_load %arg9[%get3A_708, %get3A_709] {strides = array<i32>} : memref<416x32xf32, #tpu.memory_space<vmem>>, vector<1x16xf32>,
        %get3A_711 = vector.shape_cast %get3A_710 : vector<1x16xf32> to vector<16xf32>
        %add3A_712 = arith.constant 23 : i32
        %add3A_713 = arith.addi %mul3A_287, %add3A_712 : i32
        %get3A_714 = arith.index_cast %add3A_713 : i32 to index
        %get3A_715 = arith.constant 16 : index
        %get3A_716 = tpu.vector_load %arg9[%get3A_714, %get3A_715] {strides = array<i32>} : memref<416x32xf32, #tpu.memory_space<vmem>>, vector<1x16xf32>,
        %get3A_717 = vector.shape_cast %get3A_716 : vector<1x16xf32> to vector<16xf32>
        %add3A_718 = arith.addf %add3A_700, %get3A_711 : vector<16xf32>
        %add3A_719 = arith.addf %add3A_701, %get3A_717 : vector<16xf32>
        %mul3A_720 = arith.mulf %get3A_711, %get3A_711 : vector<16xf32>
        %add3A_721 = arith.addf %add3A_705, %mul3A_720 : vector<16xf32>
        %mul3A_722 = arith.mulf %get3A_717, %get3A_717 : vector<16xf32>
        %add3A_723 = arith.addf %add3A_721, %mul3A_722 : vector<16xf32>
        %add3A_724 = arith.constant 24 : i32
        %add3A_725 = arith.addi %mul3A_287, %add3A_724 : i32
        %get3A_726 = arith.index_cast %add3A_725 : i32 to index
        %get3A_727 = arith.constant 0 : index
        %get3A_728 = tpu.vector_load %arg9[%get3A_726, %get3A_727] {strides = array<i32>} : memref<416x32xf32, #tpu.memory_space<vmem>>, vector<1x16xf32>,
        %get3A_729 = vector.shape_cast %get3A_728 : vector<1x16xf32> to vector<16xf32>
        %add3A_730 = arith.constant 24 : i32
        %add3A_731 = arith.addi %mul3A_287, %add3A_730 : i32
        %get3A_732 = arith.index_cast %add3A_731 : i32 to index
        %get3A_733 = arith.constant 16 : index
        %get3A_734 = tpu.vector_load %arg9[%get3A_732, %get3A_733] {strides = array<i32>} : memref<416x32xf32, #tpu.memory_space<vmem>>, vector<1x16xf32>,
        %get3A_735 = vector.shape_cast %get3A_734 : vector<1x16xf32> to vector<16xf32>
        %add3A_736 = arith.addf %add3A_718, %get3A_729 : vector<16xf32>
        %add3A_737 = arith.addf %add3A_719, %get3A_735 : vector<16xf32>
        %mul3A_738 = arith.mulf %get3A_729, %get3A_729 : vector<16xf32>
        %add3A_739 = arith.addf %add3A_723, %mul3A_738 : vector<16xf32>
        %mul3A_740 = arith.mulf %get3A_735, %get3A_735 : vector<16xf32>
        %add3A_741 = arith.addf %add3A_739, %mul3A_740 : vector<16xf32>
        %add3A_742 = arith.constant 25 : i32
        %add3A_743 = arith.addi %mul3A_287, %add3A_742 : i32
        %get3A_744 = arith.index_cast %add3A_743 : i32 to index
        %get3A_745 = arith.constant 0 : index
        %get3A_746 = tpu.vector_load %arg9[%get3A_744, %get3A_745] {strides = array<i32>} : memref<416x32xf32, #tpu.memory_space<vmem>>, vector<1x16xf32>,
        %get3A_747 = vector.shape_cast %get3A_746 : vector<1x16xf32> to vector<16xf32>
        %add3A_748 = arith.constant 25 : i32
        %add3A_749 = arith.addi %mul3A_287, %add3A_748 : i32
        %get3A_750 = arith.index_cast %add3A_749 : i32 to index
        %get3A_751 = arith.constant 16 : index
        %get3A_752 = tpu.vector_load %arg9[%get3A_750, %get3A_751] {strides = array<i32>} : memref<416x32xf32, #tpu.memory_space<vmem>>, vector<1x16xf32>,
        %get3A_753 = vector.shape_cast %get3A_752 : vector<1x16xf32> to vector<16xf32>
        %add3A_754 = arith.addf %add3A_736, %get3A_747 : vector<16xf32>
        %add3A_755 = arith.addf %add3A_737, %get3A_753 : vector<16xf32>
        %mul3A_756 = arith.mulf %get3A_747, %get3A_747 : vector<16xf32>
        %add3A_757 = arith.addf %add3A_741, %mul3A_756 : vector<16xf32>
        %mul3A_758 = arith.mulf %get3A_753, %get3A_753 : vector<16xf32>
        %add3A_759 = arith.addf %add3A_757, %mul3A_758 : vector<16xf32>
        %mul3A_760 = arith.constant 16 : i32
        %mul3A_761 = arith.muli %add3A_192, %mul3A_760 : i32
        %add3A_762 = arith.addi %mul3A_761, %scan3A_285 : i32
        %mul3A_763 = arith.constant 32 : i32
        %mul3A_764 = arith.muli %add3A_762, %mul3A_763 : i32
        %swap3A = arith.index_cast %mul3A_764 : i32 to index
        %swap3A_765 = tpu.vector_load %arg14[%swap3A] {strides = array<i32>} : memref<16384xf32, #tpu.memory_space<vmem>>, vector<16xf32>,
        %swap3A_766 = vector.shape_cast %swap3A_765 : vector<16xf32> to vector<16xf32>
        %swap3A_767 = vector.shape_cast %add3A_754 : vector<16xf32> to vector<16xf32>
        tpu.vector_store %arg14[%swap3A], %swap3A_767 {strides = array<i32>} : memref<16384xf32, #tpu.memory_space<vmem>>, vector<16xf32>,
        %add3A_768 = arith.constant 16 : i32
        %add3A_769 = arith.addi %mul3A_764, %add3A_768 : i32
        %swap3A_770 = arith.index_cast %add3A_769 : i32 to index
        %swap3A_771 = tpu.vector_load %arg14[%swap3A_770] {strides = array<i32>} : memref<16384xf32, #tpu.memory_space<vmem>>, vector<16xf32>,
        %swap3A_772 = vector.shape_cast %swap3A_771 : vector<16xf32> to vector<16xf32>
        %swap3A_773 = vector.shape_cast %add3A_755 : vector<16xf32> to vector<16xf32>
        tpu.vector_store %arg14[%swap3A_770], %swap3A_773 {strides = array<i32>} : memref<16384xf32, #tpu.memory_space<vmem>>, vector<16xf32>,
        %mul3A_774 = arith.constant 16 : i32
        %mul3A_775 = arith.muli %add3A_192, %mul3A_774 : i32
        %add3A_776 = arith.addi %mul3A_775, %scan3A_285 : i32
        %mul3A_777 = arith.constant 16 : i32
        %mul3A_778 = arith.muli %add3A_776, %mul3A_777 : i32
        %swap3A_779 = arith.index_cast %mul3A_778 : i32 to index
        %swap3A_780 = tpu.vector_load %arg15[%swap3A_779] {strides = array<i32>} : memref<8192xf32, #tpu.memory_space<vmem>>, vector<16xf32>,
        %swap3A_781 = vector.shape_cast %swap3A_780 : vector<16xf32> to vector<16xf32>
        %swap3A_782 = vector.shape_cast %add3A_759 : vector<16xf32> to vector<16xf32>
        tpu.vector_store %arg15[%swap3A_779], %swap3A_782 {strides = array<i32>} : memref<8192xf32, #tpu.memory_space<vmem>>, vector<16xf32>,
      }
      %scan3A_209 = arith.constant 16 : i32
      %mul3A_210 = arith.constant 4 : i32
      %mul3A_211 = arith.muli %scan3A_188, %mul3A_210 : i32
      %add3A_212 = arith.constant 1 : i32
      %add3A_213 = arith.addi %mul3A_211, %add3A_212 : i32
      %add3A_214 = arith.constant 4 : i32
      %add3A_215 = arith.addi %add3A_213, %add3A_214 : i32
      %sub3A_216 = arith.constant 1 : i32
      %sub3A_217 = arith.subi %add3A_215, %sub3A_216 : i32
      %lt3A_218 = arith.constant 32 : i32
      %lt3A_219 = arith.cmpi slt, %sub3A_217, %lt3A_218 : i32
      %convert_element_type3A_220 = arith.extui %lt3A_219 : i1 to i32
      %cond3A_221 = arith.constant 0 : i32
      %cond3A_222 = arith.cmpi ne, %convert_element_type3A_220, %cond3A_221 : i32
      scf.if %cond3A_222 {
        %add3A_285 = arith.constant 4 : i32
        %add3A_286 = arith.addi %add3A_213, %add3A_285 : i32
        %sub3A_287 = arith.constant 1 : i32
        %sub3A_288 = arith.subi %add3A_286, %sub3A_287 : i32
        %mul3A_289 = arith.constant 416 : i32
        %mul3A_290 = arith.muli %sub3A_288, %mul3A_289 : i32
        %add3A_291 = arith.constant 0 : i32
        %add3A_292 = arith.addi %mul3A_290, %add3A_291 : i32
        %dma_start3A_293 = arith.constant 0 : i32
        %dma_start3A_294 = arith.constant 0 : i32
        %dma_start3A_295 = tpu.memref_slice %arg9[%dma_start3A_293, %dma_start3A_294] : memref<416x32xf32, #tpu.memory_space<vmem>> -> memref<104x32xf32, #tpu.memory_space<vmem>>
        %dma_start3A_296 = tpu.memref_slice %arg8[%add3A_292] : memref<13312xi32, #tpu.memory_space<vmem>> -> memref<104xi32, #tpu.memory_space<vmem>>
        %dma_start3A_297 = arith.constant 0 : i32
        %dma_start3A_298 = arith.constant 0 : i32
        %dma_start3A_299 = tpu.memref_slice %arg3[%dma_start3A_297, %dma_start3A_298] : memref<1000000x32xf32, #tpu.memory_space<hbm>> -> memref<1000000x32xf32, #tpu.memory_space<hbm>>
        tpu.enqueue_indirect_dma source(%dma_start3A_299 : memref<1000000x32xf32, #tpu.memory_space<hbm>>) target(%dma_start3A_295 : memref<104x32xf32, #tpu.memory_space<vmem>>) offsets(%dma_start3A_296 : memref<104xi32, #tpu.memory_space<vmem>>) semaphore(%arg16 : memref<!tpu.dma_semaphore, #tpu.memory_space<semaphore_mem>>)
        %mul3A_300 = arith.constant 416 : i32
        %mul3A_301 = arith.muli %sub3A_288, %mul3A_300 : i32
        %add3A_302 = arith.constant 104 : i32
        %add3A_303 = arith.addi %mul3A_301, %add3A_302 : i32
        %dma_start3A_304 = arith.constant 104 : i32
        %dma_start3A_305 = arith.constant 0 : i32
        %dma_start3A_306 = tpu.memref_slice %arg9[%dma_start3A_304, %dma_start3A_305] : memref<416x32xf32, #tpu.memory_space<vmem>> -> memref<104x32xf32, #tpu.memory_space<vmem>>
        %dma_start3A_307 = tpu.memref_slice %arg8[%add3A_303] : memref<13312xi32, #tpu.memory_space<vmem>> -> memref<104xi32, #tpu.memory_space<vmem>>
        %dma_start3A_308 = arith.constant 0 : i32
        %dma_start3A_309 = arith.constant 0 : i32
        %dma_start3A_310 = tpu.memref_slice %arg3[%dma_start3A_308, %dma_start3A_309] : memref<1000000x32xf32, #tpu.memory_space<hbm>> -> memref<1000000x32xf32, #tpu.memory_space<hbm>>
        tpu.enqueue_indirect_dma source(%dma_start3A_310 : memref<1000000x32xf32, #tpu.memory_space<hbm>>) target(%dma_start3A_306 : memref<104x32xf32, #tpu.memory_space<vmem>>) offsets(%dma_start3A_307 : memref<104xi32, #tpu.memory_space<vmem>>) semaphore(%arg16 : memref<!tpu.dma_semaphore, #tpu.memory_space<semaphore_mem>>)
        %mul3A_311 = arith.constant 416 : i32
        %mul3A_312 = arith.muli %sub3A_288, %mul3A_311 : i32
        %add3A_313 = arith.constant 208 : i32
        %add3A_314 = arith.addi %mul3A_312, %add3A_313 : i32
        %dma_start3A_315 = arith.constant 208 : i32
        %dma_start3A_316 = arith.constant 0 : i32
        %dma_start3A_317 = tpu.memref_slice %arg9[%dma_start3A_315, %dma_start3A_316] : memref<416x32xf32, #tpu.memory_space<vmem>> -> memref<104x32xf32, #tpu.memory_space<vmem>>
        %dma_start3A_318 = tpu.memref_slice %arg8[%add3A_314] : memref<13312xi32, #tpu.memory_space<vmem>> -> memref<104xi32, #tpu.memory_space<vmem>>
        %dma_start3A_319 = arith.constant 0 : i32
        %dma_start3A_320 = arith.constant 0 : i32
        %dma_start3A_321 = tpu.memref_slice %arg3[%dma_start3A_319, %dma_start3A_320] : memref<1000000x32xf32, #tpu.memory_space<hbm>> -> memref<1000000x32xf32, #tpu.memory_space<hbm>>
        tpu.enqueue_indirect_dma source(%dma_start3A_321 : memref<1000000x32xf32, #tpu.memory_space<hbm>>) target(%dma_start3A_317 : memref<104x32xf32, #tpu.memory_space<vmem>>) offsets(%dma_start3A_318 : memref<104xi32, #tpu.memory_space<vmem>>) semaphore(%arg16 : memref<!tpu.dma_semaphore, #tpu.memory_space<semaphore_mem>>)
        %mul3A_322 = arith.constant 416 : i32
        %mul3A_323 = arith.muli %sub3A_288, %mul3A_322 : i32
        %add3A_324 = arith.constant 312 : i32
        %add3A_325 = arith.addi %mul3A_323, %add3A_324 : i32
        %dma_start3A_326 = arith.constant 312 : i32
        %dma_start3A_327 = arith.constant 0 : i32
        %dma_start3A_328 = tpu.memref_slice %arg9[%dma_start3A_326, %dma_start3A_327] : memref<416x32xf32, #tpu.memory_space<vmem>> -> memref<104x32xf32, #tpu.memory_space<vmem>>
        %dma_start3A_329 = tpu.memref_slice %arg8[%add3A_325] : memref<13312xi32, #tpu.memory_space<vmem>> -> memref<104xi32, #tpu.memory_space<vmem>>
        %dma_start3A_330 = arith.constant 0 : i32
        %dma_start3A_331 = arith.constant 0 : i32
        %dma_start3A_332 = tpu.memref_slice %arg3[%dma_start3A_330, %dma_start3A_331] : memref<1000000x32xf32, #tpu.memory_space<hbm>> -> memref<1000000x32xf32, #tpu.memory_space<hbm>>
        tpu.enqueue_indirect_dma source(%dma_start3A_332 : memref<1000000x32xf32, #tpu.memory_space<hbm>>) target(%dma_start3A_328 : memref<104x32xf32, #tpu.memory_space<vmem>>) offsets(%dma_start3A_329 : memref<104xi32, #tpu.memory_space<vmem>>) semaphore(%arg16 : memref<!tpu.dma_semaphore, #tpu.memory_space<semaphore_mem>>)
        %mul3A_333 = arith.constant 416 : i32
        %mul3A_334 = arith.muli %sub3A_288, %mul3A_333 : i32
        %add3A_335 = arith.constant 0 : i32
        %add3A_336 = arith.addi %mul3A_334, %add3A_335 : i32
        %dma_start3A_337 = tpu.memref_slice %arg13[%add3A_336] : memref<13312xf32, #tpu.memory_space<vmem>> -> memref<104xf32, #tpu.memory_space<vmem>>
        %dma_start3A_338 = tpu.memref_slice %arg8[%add3A_336] : memref<13312xi32, #tpu.memory_space<vmem>> -> memref<104xi32, #tpu.memory_space<vmem>>
        %dma_start3A_339 = arith.constant 0 : i32
        %dma_start3A_340 = tpu.memref_slice %arg4[%dma_start3A_339] : memref<1000000xf32, #tpu.memory_space<hbm>> -> memref<1000000xf32, #tpu.memory_space<hbm>>
        tpu.enqueue_indirect_dma source(%dma_start3A_340 : memref<1000000xf32, #tpu.memory_space<hbm>>) target(%dma_start3A_337 : memref<104xf32, #tpu.memory_space<vmem>>) offsets(%dma_start3A_338 : memref<104xi32, #tpu.memory_space<vmem>>) semaphore(%arg20 : memref<!tpu.dma_semaphore, #tpu.memory_space<semaphore_mem>>)
        %mul3A_341 = arith.constant 416 : i32
        %mul3A_342 = arith.muli %sub3A_288, %mul3A_341 : i32
        %add3A_343 = arith.constant 104 : i32
        %add3A_344 = arith.addi %mul3A_342, %add3A_343 : i32
        %dma_start3A_345 = tpu.memref_slice %arg13[%add3A_344] : memref<13312xf32, #tpu.memory_space<vmem>> -> memref<104xf32, #tpu.memory_space<vmem>>
        %dma_start3A_346 = tpu.memref_slice %arg8[%add3A_344] : memref<13312xi32, #tpu.memory_space<vmem>> -> memref<104xi32, #tpu.memory_space<vmem>>
        %dma_start3A_347 = arith.constant 0 : i32
        %dma_start3A_348 = tpu.memref_slice %arg4[%dma_start3A_347] : memref<1000000xf32, #tpu.memory_space<hbm>> -> memref<1000000xf32, #tpu.memory_space<hbm>>
        tpu.enqueue_indirect_dma source(%dma_start3A_348 : memref<1000000xf32, #tpu.memory_space<hbm>>) target(%dma_start3A_345 : memref<104xf32, #tpu.memory_space<vmem>>) offsets(%dma_start3A_346 : memref<104xi32, #tpu.memory_space<vmem>>) semaphore(%arg20 : memref<!tpu.dma_semaphore, #tpu.memory_space<semaphore_mem>>)
        %mul3A_349 = arith.constant 416 : i32
        %mul3A_350 = arith.muli %sub3A_288, %mul3A_349 : i32
        %add3A_351 = arith.constant 208 : i32
        %add3A_352 = arith.addi %mul3A_350, %add3A_351 : i32
        %dma_start3A_353 = tpu.memref_slice %arg13[%add3A_352] : memref<13312xf32, #tpu.memory_space<vmem>> -> memref<104xf32, #tpu.memory_space<vmem>>
        %dma_start3A_354 = tpu.memref_slice %arg8[%add3A_352] : memref<13312xi32, #tpu.memory_space<vmem>> -> memref<104xi32, #tpu.memory_space<vmem>>
        %dma_start3A_355 = arith.constant 0 : i32
        %dma_start3A_356 = tpu.memref_slice %arg4[%dma_start3A_355] : memref<1000000xf32, #tpu.memory_space<hbm>> -> memref<1000000xf32, #tpu.memory_space<hbm>>
        tpu.enqueue_indirect_dma source(%dma_start3A_356 : memref<1000000xf32, #tpu.memory_space<hbm>>) target(%dma_start3A_353 : memref<104xf32, #tpu.memory_space<vmem>>) offsets(%dma_start3A_354 : memref<104xi32, #tpu.memory_space<vmem>>) semaphore(%arg20 : memref<!tpu.dma_semaphore, #tpu.memory_space<semaphore_mem>>)
        %mul3A_357 = arith.constant 416 : i32
        %mul3A_358 = arith.muli %sub3A_288, %mul3A_357 : i32
        %add3A_359 = arith.constant 312 : i32
        %add3A_360 = arith.addi %mul3A_358, %add3A_359 : i32
        %dma_start3A_361 = tpu.memref_slice %arg13[%add3A_360] : memref<13312xf32, #tpu.memory_space<vmem>> -> memref<104xf32, #tpu.memory_space<vmem>>
        %dma_start3A_362 = tpu.memref_slice %arg8[%add3A_360] : memref<13312xi32, #tpu.memory_space<vmem>> -> memref<104xi32, #tpu.memory_space<vmem>>
        %dma_start3A_363 = arith.constant 0 : i32
        %dma_start3A_364 = tpu.memref_slice %arg4[%dma_start3A_363] : memref<1000000xf32, #tpu.memory_space<hbm>> -> memref<1000000xf32, #tpu.memory_space<hbm>>
        tpu.enqueue_indirect_dma source(%dma_start3A_364 : memref<1000000xf32, #tpu.memory_space<hbm>>) target(%dma_start3A_361 : memref<104xf32, #tpu.memory_space<vmem>>) offsets(%dma_start3A_362 : memref<104xi32, #tpu.memory_space<vmem>>) semaphore(%arg20 : memref<!tpu.dma_semaphore, #tpu.memory_space<semaphore_mem>>)
      } else {
      }
      %dma_wait3A_223 = arith.constant 0 : i32
      %dma_wait3A_224 = arith.constant 0 : i32
      %dma_wait3A_225 = tpu.memref_slice %arg3[%dma_wait3A_223, %dma_wait3A_224] : memref<1000000x32xf32, #tpu.memory_space<hbm>> -> memref<416x32xf32, #tpu.memory_space<hbm>>
      %dma_wait3A_226 = arith.constant 0 : i32
      %dma_wait3A_227 = arith.constant 0 : i32
      %dma_wait3A_228 = tpu.memref_slice %arg3[%dma_wait3A_226, %dma_wait3A_227] : memref<1000000x32xf32, #tpu.memory_space<hbm>> -> memref<416x32xf32, #tpu.memory_space<hbm>>
      tpu.wait_dma2 semaphore(%arg17 : memref<!tpu.dma_semaphore, #tpu.memory_space<semaphore_mem>>) src(%dma_wait3A_228 : memref<416x32xf32, #tpu.memory_space<hbm>>) dst(%arg10 : memref<416x32xf32, #tpu.memory_space<vmem>>)
      %scan3A_229 = arith.constant 0 : i32
      %scan3A_230 = arith.constant 0 : i32
      %scan3A_231 = arith.constant 16 : i32
      %scan3A_232 = arith.addi %scan3A_230, %scan3A_231 : i32
      %scan3A_233 = arith.constant 1 : i32
      scf.for %scan3A_285 = %scan3A_230 to %scan3A_232 step %scan3A_233  : i32 {
        %mul3A_286 = arith.constant 26 : i32
        %mul3A_287 = arith.muli %scan3A_285, %mul3A_286 : i32
        %broadcast_in_dim3A = arith.constant 0.000000e+00 : f32
        %broadcast_in_dim3A_288 = vector.broadcast %broadcast_in_dim3A : f32 to vector<16xf32>
        %broadcast_in_dim3A_289 = arith.constant 0.000000e+00 : f32
        %broadcast_in_dim3A_290 = vector.broadcast %broadcast_in_dim3A_289 : f32 to vector<16xf32>
        %broadcast_in_dim3A_291 = arith.constant 0.000000e+00 : f32
        %broadcast_in_dim3A_292 = vector.broadcast %broadcast_in_dim3A_291 : f32 to vector<16xf32>
        %add3A_293 = arith.constant 0 : i32
        %add3A_294 = arith.addi %mul3A_287, %add3A_293 : i32
        %get3A = arith.index_cast %add3A_294 : i32 to index
        %get3A_295 = arith.constant 0 : index
        %get3A_296 = tpu.vector_load %arg10[%get3A, %get3A_295] {strides = array<i32>} : memref<416x32xf32, #tpu.memory_space<vmem>>, vector<1x16xf32>,
        %get3A_297 = vector.shape_cast %get3A_296 : vector<1x16xf32> to vector<16xf32>
        %add3A_298 = arith.constant 0 : i32
        %add3A_299 = arith.addi %mul3A_287, %add3A_298 : i32
        %get3A_300 = arith.index_cast %add3A_299 : i32 to index
        %get3A_301 = arith.constant 16 : index
        %get3A_302 = tpu.vector_load %arg10[%get3A_300, %get3A_301] {strides = array<i32>} : memref<416x32xf32, #tpu.memory_space<vmem>>, vector<1x16xf32>,
        %get3A_303 = vector.shape_cast %get3A_302 : vector<1x16xf32> to vector<16xf32>
        %add3A_304 = arith.addf %broadcast_in_dim3A_288, %get3A_297 : vector<16xf32>
        %add3A_305 = arith.addf %broadcast_in_dim3A_290, %get3A_303 : vector<16xf32>
        %mul3A_306 = arith.mulf %get3A_297, %get3A_297 : vector<16xf32>
        %add3A_307 = arith.addf %broadcast_in_dim3A_292, %mul3A_306 : vector<16xf32>
        %mul3A_308 = arith.mulf %get3A_303, %get3A_303 : vector<16xf32>
        %add3A_309 = arith.addf %add3A_307, %mul3A_308 : vector<16xf32>
        %add3A_310 = arith.constant 1 : i32
        %add3A_311 = arith.addi %mul3A_287, %add3A_310 : i32
        %get3A_312 = arith.index_cast %add3A_311 : i32 to index
        %get3A_313 = arith.constant 0 : index
        %get3A_314 = tpu.vector_load %arg10[%get3A_312, %get3A_313] {strides = array<i32>} : memref<416x32xf32, #tpu.memory_space<vmem>>, vector<1x16xf32>,
        %get3A_315 = vector.shape_cast %get3A_314 : vector<1x16xf32> to vector<16xf32>
        %add3A_316 = arith.constant 1 : i32
        %add3A_317 = arith.addi %mul3A_287, %add3A_316 : i32
        %get3A_318 = arith.index_cast %add3A_317 : i32 to index
        %get3A_319 = arith.constant 16 : index
        %get3A_320 = tpu.vector_load %arg10[%get3A_318, %get3A_319] {strides = array<i32>} : memref<416x32xf32, #tpu.memory_space<vmem>>, vector<1x16xf32>,
        %get3A_321 = vector.shape_cast %get3A_320 : vector<1x16xf32> to vector<16xf32>
        %add3A_322 = arith.addf %add3A_304, %get3A_315 : vector<16xf32>
        %add3A_323 = arith.addf %add3A_305, %get3A_321 : vector<16xf32>
        %mul3A_324 = arith.mulf %get3A_315, %get3A_315 : vector<16xf32>
        %add3A_325 = arith.addf %add3A_309, %mul3A_324 : vector<16xf32>
        %mul3A_326 = arith.mulf %get3A_321, %get3A_321 : vector<16xf32>
        %add3A_327 = arith.addf %add3A_325, %mul3A_326 : vector<16xf32>
        %add3A_328 = arith.constant 2 : i32
        %add3A_329 = arith.addi %mul3A_287, %add3A_328 : i32
        %get3A_330 = arith.index_cast %add3A_329 : i32 to index
        %get3A_331 = arith.constant 0 : index
        %get3A_332 = tpu.vector_load %arg10[%get3A_330, %get3A_331] {strides = array<i32>} : memref<416x32xf32, #tpu.memory_space<vmem>>, vector<1x16xf32>,
        %get3A_333 = vector.shape_cast %get3A_332 : vector<1x16xf32> to vector<16xf32>
        %add3A_334 = arith.constant 2 : i32
        %add3A_335 = arith.addi %mul3A_287, %add3A_334 : i32
        %get3A_336 = arith.index_cast %add3A_335 : i32 to index
        %get3A_337 = arith.constant 16 : index
        %get3A_338 = tpu.vector_load %arg10[%get3A_336, %get3A_337] {strides = array<i32>} : memref<416x32xf32, #tpu.memory_space<vmem>>, vector<1x16xf32>,
        %get3A_339 = vector.shape_cast %get3A_338 : vector<1x16xf32> to vector<16xf32>
        %add3A_340 = arith.addf %add3A_322, %get3A_333 : vector<16xf32>
        %add3A_341 = arith.addf %add3A_323, %get3A_339 : vector<16xf32>
        %mul3A_342 = arith.mulf %get3A_333, %get3A_333 : vector<16xf32>
        %add3A_343 = arith.addf %add3A_327, %mul3A_342 : vector<16xf32>
        %mul3A_344 = arith.mulf %get3A_339, %get3A_339 : vector<16xf32>
        %add3A_345 = arith.addf %add3A_343, %mul3A_344 : vector<16xf32>
        %add3A_346 = arith.constant 3 : i32
        %add3A_347 = arith.addi %mul3A_287, %add3A_346 : i32
        %get3A_348 = arith.index_cast %add3A_347 : i32 to index
        %get3A_349 = arith.constant 0 : index
        %get3A_350 = tpu.vector_load %arg10[%get3A_348, %get3A_349] {strides = array<i32>} : memref<416x32xf32, #tpu.memory_space<vmem>>, vector<1x16xf32>,
        %get3A_351 = vector.shape_cast %get3A_350 : vector<1x16xf32> to vector<16xf32>
        %add3A_352 = arith.constant 3 : i32
        %add3A_353 = arith.addi %mul3A_287, %add3A_352 : i32
        %get3A_354 = arith.index_cast %add3A_353 : i32 to index
        %get3A_355 = arith.constant 16 : index
        %get3A_356 = tpu.vector_load %arg10[%get3A_354, %get3A_355] {strides = array<i32>} : memref<416x32xf32, #tpu.memory_space<vmem>>, vector<1x16xf32>,
        %get3A_357 = vector.shape_cast %get3A_356 : vector<1x16xf32> to vector<16xf32>
        %add3A_358 = arith.addf %add3A_340, %get3A_351 : vector<16xf32>
        %add3A_359 = arith.addf %add3A_341, %get3A_357 : vector<16xf32>
        %mul3A_360 = arith.mulf %get3A_351, %get3A_351 : vector<16xf32>
        %add3A_361 = arith.addf %add3A_345, %mul3A_360 : vector<16xf32>
        %mul3A_362 = arith.mulf %get3A_357, %get3A_357 : vector<16xf32>
        %add3A_363 = arith.addf %add3A_361, %mul3A_362 : vector<16xf32>
        %add3A_364 = arith.constant 4 : i32
        %add3A_365 = arith.addi %mul3A_287, %add3A_364 : i32
        %get3A_366 = arith.index_cast %add3A_365 : i32 to index
        %get3A_367 = arith.constant 0 : index
        %get3A_368 = tpu.vector_load %arg10[%get3A_366, %get3A_367] {strides = array<i32>} : memref<416x32xf32, #tpu.memory_space<vmem>>, vector<1x16xf32>,
        %get3A_369 = vector.shape_cast %get3A_368 : vector<1x16xf32> to vector<16xf32>
        %add3A_370 = arith.constant 4 : i32
        %add3A_371 = arith.addi %mul3A_287, %add3A_370 : i32
        %get3A_372 = arith.index_cast %add3A_371 : i32 to index
        %get3A_373 = arith.constant 16 : index
        %get3A_374 = tpu.vector_load %arg10[%get3A_372, %get3A_373] {strides = array<i32>} : memref<416x32xf32, #tpu.memory_space<vmem>>, vector<1x16xf32>,
        %get3A_375 = vector.shape_cast %get3A_374 : vector<1x16xf32> to vector<16xf32>
        %add3A_376 = arith.addf %add3A_358, %get3A_369 : vector<16xf32>
        %add3A_377 = arith.addf %add3A_359, %get3A_375 : vector<16xf32>
        %mul3A_378 = arith.mulf %get3A_369, %get3A_369 : vector<16xf32>
        %add3A_379 = arith.addf %add3A_363, %mul3A_378 : vector<16xf32>
        %mul3A_380 = arith.mulf %get3A_375, %get3A_375 : vector<16xf32>
        %add3A_381 = arith.addf %add3A_379, %mul3A_380 : vector<16xf32>
        %add3A_382 = arith.constant 5 : i32
        %add3A_383 = arith.addi %mul3A_287, %add3A_382 : i32
        %get3A_384 = arith.index_cast %add3A_383 : i32 to index
        %get3A_385 = arith.constant 0 : index
        %get3A_386 = tpu.vector_load %arg10[%get3A_384, %get3A_385] {strides = array<i32>} : memref<416x32xf32, #tpu.memory_space<vmem>>, vector<1x16xf32>,
        %get3A_387 = vector.shape_cast %get3A_386 : vector<1x16xf32> to vector<16xf32>
        %add3A_388 = arith.constant 5 : i32
        %add3A_389 = arith.addi %mul3A_287, %add3A_388 : i32
        %get3A_390 = arith.index_cast %add3A_389 : i32 to index
        %get3A_391 = arith.constant 16 : index
        %get3A_392 = tpu.vector_load %arg10[%get3A_390, %get3A_391] {strides = array<i32>} : memref<416x32xf32, #tpu.memory_space<vmem>>, vector<1x16xf32>,
        %get3A_393 = vector.shape_cast %get3A_392 : vector<1x16xf32> to vector<16xf32>
        %add3A_394 = arith.addf %add3A_376, %get3A_387 : vector<16xf32>
        %add3A_395 = arith.addf %add3A_377, %get3A_393 : vector<16xf32>
        %mul3A_396 = arith.mulf %get3A_387, %get3A_387 : vector<16xf32>
        %add3A_397 = arith.addf %add3A_381, %mul3A_396 : vector<16xf32>
        %mul3A_398 = arith.mulf %get3A_393, %get3A_393 : vector<16xf32>
        %add3A_399 = arith.addf %add3A_397, %mul3A_398 : vector<16xf32>
        %add3A_400 = arith.constant 6 : i32
        %add3A_401 = arith.addi %mul3A_287, %add3A_400 : i32
        %get3A_402 = arith.index_cast %add3A_401 : i32 to index
        %get3A_403 = arith.constant 0 : index
        %get3A_404 = tpu.vector_load %arg10[%get3A_402, %get3A_403] {strides = array<i32>} : memref<416x32xf32, #tpu.memory_space<vmem>>, vector<1x16xf32>,
        %get3A_405 = vector.shape_cast %get3A_404 : vector<1x16xf32> to vector<16xf32>
        %add3A_406 = arith.constant 6 : i32
        %add3A_407 = arith.addi %mul3A_287, %add3A_406 : i32
        %get3A_408 = arith.index_cast %add3A_407 : i32 to index
        %get3A_409 = arith.constant 16 : index
        %get3A_410 = tpu.vector_load %arg10[%get3A_408, %get3A_409] {strides = array<i32>} : memref<416x32xf32, #tpu.memory_space<vmem>>, vector<1x16xf32>,
        %get3A_411 = vector.shape_cast %get3A_410 : vector<1x16xf32> to vector<16xf32>
        %add3A_412 = arith.addf %add3A_394, %get3A_405 : vector<16xf32>
        %add3A_413 = arith.addf %add3A_395, %get3A_411 : vector<16xf32>
        %mul3A_414 = arith.mulf %get3A_405, %get3A_405 : vector<16xf32>
        %add3A_415 = arith.addf %add3A_399, %mul3A_414 : vector<16xf32>
        %mul3A_416 = arith.mulf %get3A_411, %get3A_411 : vector<16xf32>
        %add3A_417 = arith.addf %add3A_415, %mul3A_416 : vector<16xf32>
        %add3A_418 = arith.constant 7 : i32
        %add3A_419 = arith.addi %mul3A_287, %add3A_418 : i32
        %get3A_420 = arith.index_cast %add3A_419 : i32 to index
        %get3A_421 = arith.constant 0 : index
        %get3A_422 = tpu.vector_load %arg10[%get3A_420, %get3A_421] {strides = array<i32>} : memref<416x32xf32, #tpu.memory_space<vmem>>, vector<1x16xf32>,
        %get3A_423 = vector.shape_cast %get3A_422 : vector<1x16xf32> to vector<16xf32>
        %add3A_424 = arith.constant 7 : i32
        %add3A_425 = arith.addi %mul3A_287, %add3A_424 : i32
        %get3A_426 = arith.index_cast %add3A_425 : i32 to index
        %get3A_427 = arith.constant 16 : index
        %get3A_428 = tpu.vector_load %arg10[%get3A_426, %get3A_427] {strides = array<i32>} : memref<416x32xf32, #tpu.memory_space<vmem>>, vector<1x16xf32>,
        %get3A_429 = vector.shape_cast %get3A_428 : vector<1x16xf32> to vector<16xf32>
        %add3A_430 = arith.addf %add3A_412, %get3A_423 : vector<16xf32>
        %add3A_431 = arith.addf %add3A_413, %get3A_429 : vector<16xf32>
        %mul3A_432 = arith.mulf %get3A_423, %get3A_423 : vector<16xf32>
        %add3A_433 = arith.addf %add3A_417, %mul3A_432 : vector<16xf32>
        %mul3A_434 = arith.mulf %get3A_429, %get3A_429 : vector<16xf32>
        %add3A_435 = arith.addf %add3A_433, %mul3A_434 : vector<16xf32>
        %add3A_436 = arith.constant 8 : i32
        %add3A_437 = arith.addi %mul3A_287, %add3A_436 : i32
        %get3A_438 = arith.index_cast %add3A_437 : i32 to index
        %get3A_439 = arith.constant 0 : index
        %get3A_440 = tpu.vector_load %arg10[%get3A_438, %get3A_439] {strides = array<i32>} : memref<416x32xf32, #tpu.memory_space<vmem>>, vector<1x16xf32>,
        %get3A_441 = vector.shape_cast %get3A_440 : vector<1x16xf32> to vector<16xf32>
        %add3A_442 = arith.constant 8 : i32
        %add3A_443 = arith.addi %mul3A_287, %add3A_442 : i32
        %get3A_444 = arith.index_cast %add3A_443 : i32 to index
        %get3A_445 = arith.constant 16 : index
        %get3A_446 = tpu.vector_load %arg10[%get3A_444, %get3A_445] {strides = array<i32>} : memref<416x32xf32, #tpu.memory_space<vmem>>, vector<1x16xf32>,
        %get3A_447 = vector.shape_cast %get3A_446 : vector<1x16xf32> to vector<16xf32>
        %add3A_448 = arith.addf %add3A_430, %get3A_441 : vector<16xf32>
        %add3A_449 = arith.addf %add3A_431, %get3A_447 : vector<16xf32>
        %mul3A_450 = arith.mulf %get3A_441, %get3A_441 : vector<16xf32>
        %add3A_451 = arith.addf %add3A_435, %mul3A_450 : vector<16xf32>
        %mul3A_452 = arith.mulf %get3A_447, %get3A_447 : vector<16xf32>
        %add3A_453 = arith.addf %add3A_451, %mul3A_452 : vector<16xf32>
        %add3A_454 = arith.constant 9 : i32
        %add3A_455 = arith.addi %mul3A_287, %add3A_454 : i32
        %get3A_456 = arith.index_cast %add3A_455 : i32 to index
        %get3A_457 = arith.constant 0 : index
        %get3A_458 = tpu.vector_load %arg10[%get3A_456, %get3A_457] {strides = array<i32>} : memref<416x32xf32, #tpu.memory_space<vmem>>, vector<1x16xf32>,
        %get3A_459 = vector.shape_cast %get3A_458 : vector<1x16xf32> to vector<16xf32>
        %add3A_460 = arith.constant 9 : i32
        %add3A_461 = arith.addi %mul3A_287, %add3A_460 : i32
        %get3A_462 = arith.index_cast %add3A_461 : i32 to index
        %get3A_463 = arith.constant 16 : index
        %get3A_464 = tpu.vector_load %arg10[%get3A_462, %get3A_463] {strides = array<i32>} : memref<416x32xf32, #tpu.memory_space<vmem>>, vector<1x16xf32>,
        %get3A_465 = vector.shape_cast %get3A_464 : vector<1x16xf32> to vector<16xf32>
        %add3A_466 = arith.addf %add3A_448, %get3A_459 : vector<16xf32>
        %add3A_467 = arith.addf %add3A_449, %get3A_465 : vector<16xf32>
        %mul3A_468 = arith.mulf %get3A_459, %get3A_459 : vector<16xf32>
        %add3A_469 = arith.addf %add3A_453, %mul3A_468 : vector<16xf32>
        %mul3A_470 = arith.mulf %get3A_465, %get3A_465 : vector<16xf32>
        %add3A_471 = arith.addf %add3A_469, %mul3A_470 : vector<16xf32>
        %add3A_472 = arith.constant 10 : i32
        %add3A_473 = arith.addi %mul3A_287, %add3A_472 : i32
        %get3A_474 = arith.index_cast %add3A_473 : i32 to index
        %get3A_475 = arith.constant 0 : index
        %get3A_476 = tpu.vector_load %arg10[%get3A_474, %get3A_475] {strides = array<i32>} : memref<416x32xf32, #tpu.memory_space<vmem>>, vector<1x16xf32>,
        %get3A_477 = vector.shape_cast %get3A_476 : vector<1x16xf32> to vector<16xf32>
        %add3A_478 = arith.constant 10 : i32
        %add3A_479 = arith.addi %mul3A_287, %add3A_478 : i32
        %get3A_480 = arith.index_cast %add3A_479 : i32 to index
        %get3A_481 = arith.constant 16 : index
        %get3A_482 = tpu.vector_load %arg10[%get3A_480, %get3A_481] {strides = array<i32>} : memref<416x32xf32, #tpu.memory_space<vmem>>, vector<1x16xf32>,
        %get3A_483 = vector.shape_cast %get3A_482 : vector<1x16xf32> to vector<16xf32>
        %add3A_484 = arith.addf %add3A_466, %get3A_477 : vector<16xf32>
        %add3A_485 = arith.addf %add3A_467, %get3A_483 : vector<16xf32>
        %mul3A_486 = arith.mulf %get3A_477, %get3A_477 : vector<16xf32>
        %add3A_487 = arith.addf %add3A_471, %mul3A_486 : vector<16xf32>
        %mul3A_488 = arith.mulf %get3A_483, %get3A_483 : vector<16xf32>
        %add3A_489 = arith.addf %add3A_487, %mul3A_488 : vector<16xf32>
        %add3A_490 = arith.constant 11 : i32
        %add3A_491 = arith.addi %mul3A_287, %add3A_490 : i32
        %get3A_492 = arith.index_cast %add3A_491 : i32 to index
        %get3A_493 = arith.constant 0 : index
        %get3A_494 = tpu.vector_load %arg10[%get3A_492, %get3A_493] {strides = array<i32>} : memref<416x32xf32, #tpu.memory_space<vmem>>, vector<1x16xf32>,
        %get3A_495 = vector.shape_cast %get3A_494 : vector<1x16xf32> to vector<16xf32>
        %add3A_496 = arith.constant 11 : i32
        %add3A_497 = arith.addi %mul3A_287, %add3A_496 : i32
        %get3A_498 = arith.index_cast %add3A_497 : i32 to index
        %get3A_499 = arith.constant 16 : index
        %get3A_500 = tpu.vector_load %arg10[%get3A_498, %get3A_499] {strides = array<i32>} : memref<416x32xf32, #tpu.memory_space<vmem>>, vector<1x16xf32>,
        %get3A_501 = vector.shape_cast %get3A_500 : vector<1x16xf32> to vector<16xf32>
        %add3A_502 = arith.addf %add3A_484, %get3A_495 : vector<16xf32>
        %add3A_503 = arith.addf %add3A_485, %get3A_501 : vector<16xf32>
        %mul3A_504 = arith.mulf %get3A_495, %get3A_495 : vector<16xf32>
        %add3A_505 = arith.addf %add3A_489, %mul3A_504 : vector<16xf32>
        %mul3A_506 = arith.mulf %get3A_501, %get3A_501 : vector<16xf32>
        %add3A_507 = arith.addf %add3A_505, %mul3A_506 : vector<16xf32>
        %add3A_508 = arith.constant 12 : i32
        %add3A_509 = arith.addi %mul3A_287, %add3A_508 : i32
        %get3A_510 = arith.index_cast %add3A_509 : i32 to index
        %get3A_511 = arith.constant 0 : index
        %get3A_512 = tpu.vector_load %arg10[%get3A_510, %get3A_511] {strides = array<i32>} : memref<416x32xf32, #tpu.memory_space<vmem>>, vector<1x16xf32>,
        %get3A_513 = vector.shape_cast %get3A_512 : vector<1x16xf32> to vector<16xf32>
        %add3A_514 = arith.constant 12 : i32
        %add3A_515 = arith.addi %mul3A_287, %add3A_514 : i32
        %get3A_516 = arith.index_cast %add3A_515 : i32 to index
        %get3A_517 = arith.constant 16 : index
        %get3A_518 = tpu.vector_load %arg10[%get3A_516, %get3A_517] {strides = array<i32>} : memref<416x32xf32, #tpu.memory_space<vmem>>, vector<1x16xf32>,
        %get3A_519 = vector.shape_cast %get3A_518 : vector<1x16xf32> to vector<16xf32>
        %add3A_520 = arith.addf %add3A_502, %get3A_513 : vector<16xf32>
        %add3A_521 = arith.addf %add3A_503, %get3A_519 : vector<16xf32>
        %mul3A_522 = arith.mulf %get3A_513, %get3A_513 : vector<16xf32>
        %add3A_523 = arith.addf %add3A_507, %mul3A_522 : vector<16xf32>
        %mul3A_524 = arith.mulf %get3A_519, %get3A_519 : vector<16xf32>
        %add3A_525 = arith.addf %add3A_523, %mul3A_524 : vector<16xf32>
        %add3A_526 = arith.constant 13 : i32
        %add3A_527 = arith.addi %mul3A_287, %add3A_526 : i32
        %get3A_528 = arith.index_cast %add3A_527 : i32 to index
        %get3A_529 = arith.constant 0 : index
        %get3A_530 = tpu.vector_load %arg10[%get3A_528, %get3A_529] {strides = array<i32>} : memref<416x32xf32, #tpu.memory_space<vmem>>, vector<1x16xf32>,
        %get3A_531 = vector.shape_cast %get3A_530 : vector<1x16xf32> to vector<16xf32>
        %add3A_532 = arith.constant 13 : i32
        %add3A_533 = arith.addi %mul3A_287, %add3A_532 : i32
        %get3A_534 = arith.index_cast %add3A_533 : i32 to index
        %get3A_535 = arith.constant 16 : index
        %get3A_536 = tpu.vector_load %arg10[%get3A_534, %get3A_535] {strides = array<i32>} : memref<416x32xf32, #tpu.memory_space<vmem>>, vector<1x16xf32>,
        %get3A_537 = vector.shape_cast %get3A_536 : vector<1x16xf32> to vector<16xf32>
        %add3A_538 = arith.addf %add3A_520, %get3A_531 : vector<16xf32>
        %add3A_539 = arith.addf %add3A_521, %get3A_537 : vector<16xf32>
        %mul3A_540 = arith.mulf %get3A_531, %get3A_531 : vector<16xf32>
        %add3A_541 = arith.addf %add3A_525, %mul3A_540 : vector<16xf32>
        %mul3A_542 = arith.mulf %get3A_537, %get3A_537 : vector<16xf32>
        %add3A_543 = arith.addf %add3A_541, %mul3A_542 : vector<16xf32>
        %add3A_544 = arith.constant 14 : i32
        %add3A_545 = arith.addi %mul3A_287, %add3A_544 : i32
        %get3A_546 = arith.index_cast %add3A_545 : i32 to index
        %get3A_547 = arith.constant 0 : index
        %get3A_548 = tpu.vector_load %arg10[%get3A_546, %get3A_547] {strides = array<i32>} : memref<416x32xf32, #tpu.memory_space<vmem>>, vector<1x16xf32>,
        %get3A_549 = vector.shape_cast %get3A_548 : vector<1x16xf32> to vector<16xf32>
        %add3A_550 = arith.constant 14 : i32
        %add3A_551 = arith.addi %mul3A_287, %add3A_550 : i32
        %get3A_552 = arith.index_cast %add3A_551 : i32 to index
        %get3A_553 = arith.constant 16 : index
        %get3A_554 = tpu.vector_load %arg10[%get3A_552, %get3A_553] {strides = array<i32>} : memref<416x32xf32, #tpu.memory_space<vmem>>, vector<1x16xf32>,
        %get3A_555 = vector.shape_cast %get3A_554 : vector<1x16xf32> to vector<16xf32>
        %add3A_556 = arith.addf %add3A_538, %get3A_549 : vector<16xf32>
        %add3A_557 = arith.addf %add3A_539, %get3A_555 : vector<16xf32>
        %mul3A_558 = arith.mulf %get3A_549, %get3A_549 : vector<16xf32>
        %add3A_559 = arith.addf %add3A_543, %mul3A_558 : vector<16xf32>
        %mul3A_560 = arith.mulf %get3A_555, %get3A_555 : vector<16xf32>
        %add3A_561 = arith.addf %add3A_559, %mul3A_560 : vector<16xf32>
        %add3A_562 = arith.constant 15 : i32
        %add3A_563 = arith.addi %mul3A_287, %add3A_562 : i32
        %get3A_564 = arith.index_cast %add3A_563 : i32 to index
        %get3A_565 = arith.constant 0 : index
        %get3A_566 = tpu.vector_load %arg10[%get3A_564, %get3A_565] {strides = array<i32>} : memref<416x32xf32, #tpu.memory_space<vmem>>, vector<1x16xf32>,
        %get3A_567 = vector.shape_cast %get3A_566 : vector<1x16xf32> to vector<16xf32>
        %add3A_568 = arith.constant 15 : i32
        %add3A_569 = arith.addi %mul3A_287, %add3A_568 : i32
        %get3A_570 = arith.index_cast %add3A_569 : i32 to index
        %get3A_571 = arith.constant 16 : index
        %get3A_572 = tpu.vector_load %arg10[%get3A_570, %get3A_571] {strides = array<i32>} : memref<416x32xf32, #tpu.memory_space<vmem>>, vector<1x16xf32>,
        %get3A_573 = vector.shape_cast %get3A_572 : vector<1x16xf32> to vector<16xf32>
        %add3A_574 = arith.addf %add3A_556, %get3A_567 : vector<16xf32>
        %add3A_575 = arith.addf %add3A_557, %get3A_573 : vector<16xf32>
        %mul3A_576 = arith.mulf %get3A_567, %get3A_567 : vector<16xf32>
        %add3A_577 = arith.addf %add3A_561, %mul3A_576 : vector<16xf32>
        %mul3A_578 = arith.mulf %get3A_573, %get3A_573 : vector<16xf32>
        %add3A_579 = arith.addf %add3A_577, %mul3A_578 : vector<16xf32>
        %add3A_580 = arith.constant 16 : i32
        %add3A_581 = arith.addi %mul3A_287, %add3A_580 : i32
        %get3A_582 = arith.index_cast %add3A_581 : i32 to index
        %get3A_583 = arith.constant 0 : index
        %get3A_584 = tpu.vector_load %arg10[%get3A_582, %get3A_583] {strides = array<i32>} : memref<416x32xf32, #tpu.memory_space<vmem>>, vector<1x16xf32>,
        %get3A_585 = vector.shape_cast %get3A_584 : vector<1x16xf32> to vector<16xf32>
        %add3A_586 = arith.constant 16 : i32
        %add3A_587 = arith.addi %mul3A_287, %add3A_586 : i32
        %get3A_588 = arith.index_cast %add3A_587 : i32 to index
        %get3A_589 = arith.constant 16 : index
        %get3A_590 = tpu.vector_load %arg10[%get3A_588, %get3A_589] {strides = array<i32>} : memref<416x32xf32, #tpu.memory_space<vmem>>, vector<1x16xf32>,
        %get3A_591 = vector.shape_cast %get3A_590 : vector<1x16xf32> to vector<16xf32>
        %add3A_592 = arith.addf %add3A_574, %get3A_585 : vector<16xf32>
        %add3A_593 = arith.addf %add3A_575, %get3A_591 : vector<16xf32>
        %mul3A_594 = arith.mulf %get3A_585, %get3A_585 : vector<16xf32>
        %add3A_595 = arith.addf %add3A_579, %mul3A_594 : vector<16xf32>
        %mul3A_596 = arith.mulf %get3A_591, %get3A_591 : vector<16xf32>
        %add3A_597 = arith.addf %add3A_595, %mul3A_596 : vector<16xf32>
        %add3A_598 = arith.constant 17 : i32
        %add3A_599 = arith.addi %mul3A_287, %add3A_598 : i32
        %get3A_600 = arith.index_cast %add3A_599 : i32 to index
        %get3A_601 = arith.constant 0 : index
        %get3A_602 = tpu.vector_load %arg10[%get3A_600, %get3A_601] {strides = array<i32>} : memref<416x32xf32, #tpu.memory_space<vmem>>, vector<1x16xf32>,
        %get3A_603 = vector.shape_cast %get3A_602 : vector<1x16xf32> to vector<16xf32>
        %add3A_604 = arith.constant 17 : i32
        %add3A_605 = arith.addi %mul3A_287, %add3A_604 : i32
        %get3A_606 = arith.index_cast %add3A_605 : i32 to index
        %get3A_607 = arith.constant 16 : index
        %get3A_608 = tpu.vector_load %arg10[%get3A_606, %get3A_607] {strides = array<i32>} : memref<416x32xf32, #tpu.memory_space<vmem>>, vector<1x16xf32>,
        %get3A_609 = vector.shape_cast %get3A_608 : vector<1x16xf32> to vector<16xf32>
        %add3A_610 = arith.addf %add3A_592, %get3A_603 : vector<16xf32>
        %add3A_611 = arith.addf %add3A_593, %get3A_609 : vector<16xf32>
        %mul3A_612 = arith.mulf %get3A_603, %get3A_603 : vector<16xf32>
        %add3A_613 = arith.addf %add3A_597, %mul3A_612 : vector<16xf32>
        %mul3A_614 = arith.mulf %get3A_609, %get3A_609 : vector<16xf32>
        %add3A_615 = arith.addf %add3A_613, %mul3A_614 : vector<16xf32>
        %add3A_616 = arith.constant 18 : i32
        %add3A_617 = arith.addi %mul3A_287, %add3A_616 : i32
        %get3A_618 = arith.index_cast %add3A_617 : i32 to index
        %get3A_619 = arith.constant 0 : index
        %get3A_620 = tpu.vector_load %arg10[%get3A_618, %get3A_619] {strides = array<i32>} : memref<416x32xf32, #tpu.memory_space<vmem>>, vector<1x16xf32>,
        %get3A_621 = vector.shape_cast %get3A_620 : vector<1x16xf32> to vector<16xf32>
        %add3A_622 = arith.constant 18 : i32
        %add3A_623 = arith.addi %mul3A_287, %add3A_622 : i32
        %get3A_624 = arith.index_cast %add3A_623 : i32 to index
        %get3A_625 = arith.constant 16 : index
        %get3A_626 = tpu.vector_load %arg10[%get3A_624, %get3A_625] {strides = array<i32>} : memref<416x32xf32, #tpu.memory_space<vmem>>, vector<1x16xf32>,
        %get3A_627 = vector.shape_cast %get3A_626 : vector<1x16xf32> to vector<16xf32>
        %add3A_628 = arith.addf %add3A_610, %get3A_621 : vector<16xf32>
        %add3A_629 = arith.addf %add3A_611, %get3A_627 : vector<16xf32>
        %mul3A_630 = arith.mulf %get3A_621, %get3A_621 : vector<16xf32>
        %add3A_631 = arith.addf %add3A_615, %mul3A_630 : vector<16xf32>
        %mul3A_632 = arith.mulf %get3A_627, %get3A_627 : vector<16xf32>
        %add3A_633 = arith.addf %add3A_631, %mul3A_632 : vector<16xf32>
        %add3A_634 = arith.constant 19 : i32
        %add3A_635 = arith.addi %mul3A_287, %add3A_634 : i32
        %get3A_636 = arith.index_cast %add3A_635 : i32 to index
        %get3A_637 = arith.constant 0 : index
        %get3A_638 = tpu.vector_load %arg10[%get3A_636, %get3A_637] {strides = array<i32>} : memref<416x32xf32, #tpu.memory_space<vmem>>, vector<1x16xf32>,
        %get3A_639 = vector.shape_cast %get3A_638 : vector<1x16xf32> to vector<16xf32>
        %add3A_640 = arith.constant 19 : i32
        %add3A_641 = arith.addi %mul3A_287, %add3A_640 : i32
        %get3A_642 = arith.index_cast %add3A_641 : i32 to index
        %get3A_643 = arith.constant 16 : index
        %get3A_644 = tpu.vector_load %arg10[%get3A_642, %get3A_643] {strides = array<i32>} : memref<416x32xf32, #tpu.memory_space<vmem>>, vector<1x16xf32>,
        %get3A_645 = vector.shape_cast %get3A_644 : vector<1x16xf32> to vector<16xf32>
        %add3A_646 = arith.addf %add3A_628, %get3A_639 : vector<16xf32>
        %add3A_647 = arith.addf %add3A_629, %get3A_645 : vector<16xf32>
        %mul3A_648 = arith.mulf %get3A_639, %get3A_639 : vector<16xf32>
        %add3A_649 = arith.addf %add3A_633, %mul3A_648 : vector<16xf32>
        %mul3A_650 = arith.mulf %get3A_645, %get3A_645 : vector<16xf32>
        %add3A_651 = arith.addf %add3A_649, %mul3A_650 : vector<16xf32>
        %add3A_652 = arith.constant 20 : i32
        %add3A_653 = arith.addi %mul3A_287, %add3A_652 : i32
        %get3A_654 = arith.index_cast %add3A_653 : i32 to index
        %get3A_655 = arith.constant 0 : index
        %get3A_656 = tpu.vector_load %arg10[%get3A_654, %get3A_655] {strides = array<i32>} : memref<416x32xf32, #tpu.memory_space<vmem>>, vector<1x16xf32>,
        %get3A_657 = vector.shape_cast %get3A_656 : vector<1x16xf32> to vector<16xf32>
        %add3A_658 = arith.constant 20 : i32
        %add3A_659 = arith.addi %mul3A_287, %add3A_658 : i32
        %get3A_660 = arith.index_cast %add3A_659 : i32 to index
        %get3A_661 = arith.constant 16 : index
        %get3A_662 = tpu.vector_load %arg10[%get3A_660, %get3A_661] {strides = array<i32>} : memref<416x32xf32, #tpu.memory_space<vmem>>, vector<1x16xf32>,
        %get3A_663 = vector.shape_cast %get3A_662 : vector<1x16xf32> to vector<16xf32>
        %add3A_664 = arith.addf %add3A_646, %get3A_657 : vector<16xf32>
        %add3A_665 = arith.addf %add3A_647, %get3A_663 : vector<16xf32>
        %mul3A_666 = arith.mulf %get3A_657, %get3A_657 : vector<16xf32>
        %add3A_667 = arith.addf %add3A_651, %mul3A_666 : vector<16xf32>
        %mul3A_668 = arith.mulf %get3A_663, %get3A_663 : vector<16xf32>
        %add3A_669 = arith.addf %add3A_667, %mul3A_668 : vector<16xf32>
        %add3A_670 = arith.constant 21 : i32
        %add3A_671 = arith.addi %mul3A_287, %add3A_670 : i32
        %get3A_672 = arith.index_cast %add3A_671 : i32 to index
        %get3A_673 = arith.constant 0 : index
        %get3A_674 = tpu.vector_load %arg10[%get3A_672, %get3A_673] {strides = array<i32>} : memref<416x32xf32, #tpu.memory_space<vmem>>, vector<1x16xf32>,
        %get3A_675 = vector.shape_cast %get3A_674 : vector<1x16xf32> to vector<16xf32>
        %add3A_676 = arith.constant 21 : i32
        %add3A_677 = arith.addi %mul3A_287, %add3A_676 : i32
        %get3A_678 = arith.index_cast %add3A_677 : i32 to index
        %get3A_679 = arith.constant 16 : index
        %get3A_680 = tpu.vector_load %arg10[%get3A_678, %get3A_679] {strides = array<i32>} : memref<416x32xf32, #tpu.memory_space<vmem>>, vector<1x16xf32>,
        %get3A_681 = vector.shape_cast %get3A_680 : vector<1x16xf32> to vector<16xf32>
        %add3A_682 = arith.addf %add3A_664, %get3A_675 : vector<16xf32>
        %add3A_683 = arith.addf %add3A_665, %get3A_681 : vector<16xf32>
        %mul3A_684 = arith.mulf %get3A_675, %get3A_675 : vector<16xf32>
        %add3A_685 = arith.addf %add3A_669, %mul3A_684 : vector<16xf32>
        %mul3A_686 = arith.mulf %get3A_681, %get3A_681 : vector<16xf32>
        %add3A_687 = arith.addf %add3A_685, %mul3A_686 : vector<16xf32>
        %add3A_688 = arith.constant 22 : i32
        %add3A_689 = arith.addi %mul3A_287, %add3A_688 : i32
        %get3A_690 = arith.index_cast %add3A_689 : i32 to index
        %get3A_691 = arith.constant 0 : index
        %get3A_692 = tpu.vector_load %arg10[%get3A_690, %get3A_691] {strides = array<i32>} : memref<416x32xf32, #tpu.memory_space<vmem>>, vector<1x16xf32>,
        %get3A_693 = vector.shape_cast %get3A_692 : vector<1x16xf32> to vector<16xf32>
        %add3A_694 = arith.constant 22 : i32
        %add3A_695 = arith.addi %mul3A_287, %add3A_694 : i32
        %get3A_696 = arith.index_cast %add3A_695 : i32 to index
        %get3A_697 = arith.constant 16 : index
        %get3A_698 = tpu.vector_load %arg10[%get3A_696, %get3A_697] {strides = array<i32>} : memref<416x32xf32, #tpu.memory_space<vmem>>, vector<1x16xf32>,
        %get3A_699 = vector.shape_cast %get3A_698 : vector<1x16xf32> to vector<16xf32>
        %add3A_700 = arith.addf %add3A_682, %get3A_693 : vector<16xf32>
        %add3A_701 = arith.addf %add3A_683, %get3A_699 : vector<16xf32>
        %mul3A_702 = arith.mulf %get3A_693, %get3A_693 : vector<16xf32>
        %add3A_703 = arith.addf %add3A_687, %mul3A_702 : vector<16xf32>
        %mul3A_704 = arith.mulf %get3A_699, %get3A_699 : vector<16xf32>
        %add3A_705 = arith.addf %add3A_703, %mul3A_704 : vector<16xf32>
        %add3A_706 = arith.constant 23 : i32
        %add3A_707 = arith.addi %mul3A_287, %add3A_706 : i32
        %get3A_708 = arith.index_cast %add3A_707 : i32 to index
        %get3A_709 = arith.constant 0 : index
        %get3A_710 = tpu.vector_load %arg10[%get3A_708, %get3A_709] {strides = array<i32>} : memref<416x32xf32, #tpu.memory_space<vmem>>, vector<1x16xf32>,
        %get3A_711 = vector.shape_cast %get3A_710 : vector<1x16xf32> to vector<16xf32>
        %add3A_712 = arith.constant 23 : i32
        %add3A_713 = arith.addi %mul3A_287, %add3A_712 : i32
        %get3A_714 = arith.index_cast %add3A_713 : i32 to index
        %get3A_715 = arith.constant 16 : index
        %get3A_716 = tpu.vector_load %arg10[%get3A_714, %get3A_715] {strides = array<i32>} : memref<416x32xf32, #tpu.memory_space<vmem>>, vector<1x16xf32>,
        %get3A_717 = vector.shape_cast %get3A_716 : vector<1x16xf32> to vector<16xf32>
        %add3A_718 = arith.addf %add3A_700, %get3A_711 : vector<16xf32>
        %add3A_719 = arith.addf %add3A_701, %get3A_717 : vector<16xf32>
        %mul3A_720 = arith.mulf %get3A_711, %get3A_711 : vector<16xf32>
        %add3A_721 = arith.addf %add3A_705, %mul3A_720 : vector<16xf32>
        %mul3A_722 = arith.mulf %get3A_717, %get3A_717 : vector<16xf32>
        %add3A_723 = arith.addf %add3A_721, %mul3A_722 : vector<16xf32>
        %add3A_724 = arith.constant 24 : i32
        %add3A_725 = arith.addi %mul3A_287, %add3A_724 : i32
        %get3A_726 = arith.index_cast %add3A_725 : i32 to index
        %get3A_727 = arith.constant 0 : index
        %get3A_728 = tpu.vector_load %arg10[%get3A_726, %get3A_727] {strides = array<i32>} : memref<416x32xf32, #tpu.memory_space<vmem>>, vector<1x16xf32>,
        %get3A_729 = vector.shape_cast %get3A_728 : vector<1x16xf32> to vector<16xf32>
        %add3A_730 = arith.constant 24 : i32
        %add3A_731 = arith.addi %mul3A_287, %add3A_730 : i32
        %get3A_732 = arith.index_cast %add3A_731 : i32 to index
        %get3A_733 = arith.constant 16 : index
        %get3A_734 = tpu.vector_load %arg10[%get3A_732, %get3A_733] {strides = array<i32>} : memref<416x32xf32, #tpu.memory_space<vmem>>, vector<1x16xf32>,
        %get3A_735 = vector.shape_cast %get3A_734 : vector<1x16xf32> to vector<16xf32>
        %add3A_736 = arith.addf %add3A_718, %get3A_729 : vector<16xf32>
        %add3A_737 = arith.addf %add3A_719, %get3A_735 : vector<16xf32>
        %mul3A_738 = arith.mulf %get3A_729, %get3A_729 : vector<16xf32>
        %add3A_739 = arith.addf %add3A_723, %mul3A_738 : vector<16xf32>
        %mul3A_740 = arith.mulf %get3A_735, %get3A_735 : vector<16xf32>
        %add3A_741 = arith.addf %add3A_739, %mul3A_740 : vector<16xf32>
        %add3A_742 = arith.constant 25 : i32
        %add3A_743 = arith.addi %mul3A_287, %add3A_742 : i32
        %get3A_744 = arith.index_cast %add3A_743 : i32 to index
        %get3A_745 = arith.constant 0 : index
        %get3A_746 = tpu.vector_load %arg10[%get3A_744, %get3A_745] {strides = array<i32>} : memref<416x32xf32, #tpu.memory_space<vmem>>, vector<1x16xf32>,
        %get3A_747 = vector.shape_cast %get3A_746 : vector<1x16xf32> to vector<16xf32>
        %add3A_748 = arith.constant 25 : i32
        %add3A_749 = arith.addi %mul3A_287, %add3A_748 : i32
        %get3A_750 = arith.index_cast %add3A_749 : i32 to index
        %get3A_751 = arith.constant 16 : index
        %get3A_752 = tpu.vector_load %arg10[%get3A_750, %get3A_751] {strides = array<i32>} : memref<416x32xf32, #tpu.memory_space<vmem>>, vector<1x16xf32>,
        %get3A_753 = vector.shape_cast %get3A_752 : vector<1x16xf32> to vector<16xf32>
        %add3A_754 = arith.addf %add3A_736, %get3A_747 : vector<16xf32>
        %add3A_755 = arith.addf %add3A_737, %get3A_753 : vector<16xf32>
        %mul3A_756 = arith.mulf %get3A_747, %get3A_747 : vector<16xf32>
        %add3A_757 = arith.addf %add3A_741, %mul3A_756 : vector<16xf32>
        %mul3A_758 = arith.mulf %get3A_753, %get3A_753 : vector<16xf32>
        %add3A_759 = arith.addf %add3A_757, %mul3A_758 : vector<16xf32>
        %mul3A_760 = arith.constant 16 : i32
        %mul3A_761 = arith.muli %add3A_213, %mul3A_760 : i32
        %add3A_762 = arith.addi %mul3A_761, %scan3A_285 : i32
        %mul3A_763 = arith.constant 32 : i32
        %mul3A_764 = arith.muli %add3A_762, %mul3A_763 : i32
        %swap3A = arith.index_cast %mul3A_764 : i32 to index
        %swap3A_765 = tpu.vector_load %arg14[%swap3A] {strides = array<i32>} : memref<16384xf32, #tpu.memory_space<vmem>>, vector<16xf32>,
        %swap3A_766 = vector.shape_cast %swap3A_765 : vector<16xf32> to vector<16xf32>
        %swap3A_767 = vector.shape_cast %add3A_754 : vector<16xf32> to vector<16xf32>
        tpu.vector_store %arg14[%swap3A], %swap3A_767 {strides = array<i32>} : memref<16384xf32, #tpu.memory_space<vmem>>, vector<16xf32>,
        %add3A_768 = arith.constant 16 : i32
        %add3A_769 = arith.addi %mul3A_764, %add3A_768 : i32
        %swap3A_770 = arith.index_cast %add3A_769 : i32 to index
        %swap3A_771 = tpu.vector_load %arg14[%swap3A_770] {strides = array<i32>} : memref<16384xf32, #tpu.memory_space<vmem>>, vector<16xf32>,
        %swap3A_772 = vector.shape_cast %swap3A_771 : vector<16xf32> to vector<16xf32>
        %swap3A_773 = vector.shape_cast %add3A_755 : vector<16xf32> to vector<16xf32>
        tpu.vector_store %arg14[%swap3A_770], %swap3A_773 {strides = array<i32>} : memref<16384xf32, #tpu.memory_space<vmem>>, vector<16xf32>,
        %mul3A_774 = arith.constant 16 : i32
        %mul3A_775 = arith.muli %add3A_213, %mul3A_774 : i32
        %add3A_776 = arith.addi %mul3A_775, %scan3A_285 : i32
        %mul3A_777 = arith.constant 16 : i32
        %mul3A_778 = arith.muli %add3A_776, %mul3A_777 : i32
        %swap3A_779 = arith.index_cast %mul3A_778 : i32 to index
        %swap3A_780 = tpu.vector_load %arg15[%swap3A_779] {strides = array<i32>} : memref<8192xf32, #tpu.memory_space<vmem>>, vector<16xf32>,
        %swap3A_781 = vector.shape_cast %swap3A_780 : vector<16xf32> to vector<16xf32>
        %swap3A_782 = vector.shape_cast %add3A_759 : vector<16xf32> to vector<16xf32>
        tpu.vector_store %arg15[%swap3A_779], %swap3A_782 {strides = array<i32>} : memref<8192xf32, #tpu.memory_space<vmem>>, vector<16xf32>,
      }
      %scan3A_234 = arith.constant 16 : i32
      %mul3A_235 = arith.constant 4 : i32
      %mul3A_236 = arith.muli %scan3A_188, %mul3A_235 : i32
      %add3A_237 = arith.constant 2 : i32
      %add3A_238 = arith.addi %mul3A_236, %add3A_237 : i32
      %add3A_239 = arith.constant 4 : i32
      %add3A_240 = arith.addi %add3A_238, %add3A_239 : i32
      %sub3A_241 = arith.constant 1 : i32
      %sub3A_242 = arith.subi %add3A_240, %sub3A_241 : i32
      %lt3A_243 = arith.constant 32 : i32
      %lt3A_244 = arith.cmpi slt, %sub3A_242, %lt3A_243 : i32
      %convert_element_type3A_245 = arith.extui %lt3A_244 : i1 to i32
      %cond3A_246 = arith.constant 0 : i32
      %cond3A_247 = arith.cmpi ne, %convert_element_type3A_245, %cond3A_246 : i32
      scf.if %cond3A_247 {
        %add3A_285 = arith.constant 4 : i32
        %add3A_286 = arith.addi %add3A_238, %add3A_285 : i32
        %sub3A_287 = arith.constant 1 : i32
        %sub3A_288 = arith.subi %add3A_286, %sub3A_287 : i32
        %mul3A_289 = arith.constant 416 : i32
        %mul3A_290 = arith.muli %sub3A_288, %mul3A_289 : i32
        %add3A_291 = arith.constant 0 : i32
        %add3A_292 = arith.addi %mul3A_290, %add3A_291 : i32
        %dma_start3A_293 = arith.constant 0 : i32
        %dma_start3A_294 = arith.constant 0 : i32
        %dma_start3A_295 = tpu.memref_slice %arg10[%dma_start3A_293, %dma_start3A_294] : memref<416x32xf32, #tpu.memory_space<vmem>> -> memref<104x32xf32, #tpu.memory_space<vmem>>
        %dma_start3A_296 = tpu.memref_slice %arg8[%add3A_292] : memref<13312xi32, #tpu.memory_space<vmem>> -> memref<104xi32, #tpu.memory_space<vmem>>
        %dma_start3A_297 = arith.constant 0 : i32
        %dma_start3A_298 = arith.constant 0 : i32
        %dma_start3A_299 = tpu.memref_slice %arg3[%dma_start3A_297, %dma_start3A_298] : memref<1000000x32xf32, #tpu.memory_space<hbm>> -> memref<1000000x32xf32, #tpu.memory_space<hbm>>
        tpu.enqueue_indirect_dma source(%dma_start3A_299 : memref<1000000x32xf32, #tpu.memory_space<hbm>>) target(%dma_start3A_295 : memref<104x32xf32, #tpu.memory_space<vmem>>) offsets(%dma_start3A_296 : memref<104xi32, #tpu.memory_space<vmem>>) semaphore(%arg17 : memref<!tpu.dma_semaphore, #tpu.memory_space<semaphore_mem>>)
        %mul3A_300 = arith.constant 416 : i32
        %mul3A_301 = arith.muli %sub3A_288, %mul3A_300 : i32
        %add3A_302 = arith.constant 104 : i32
        %add3A_303 = arith.addi %mul3A_301, %add3A_302 : i32
        %dma_start3A_304 = arith.constant 104 : i32
        %dma_start3A_305 = arith.constant 0 : i32
        %dma_start3A_306 = tpu.memref_slice %arg10[%dma_start3A_304, %dma_start3A_305] : memref<416x32xf32, #tpu.memory_space<vmem>> -> memref<104x32xf32, #tpu.memory_space<vmem>>
        %dma_start3A_307 = tpu.memref_slice %arg8[%add3A_303] : memref<13312xi32, #tpu.memory_space<vmem>> -> memref<104xi32, #tpu.memory_space<vmem>>
        %dma_start3A_308 = arith.constant 0 : i32
        %dma_start3A_309 = arith.constant 0 : i32
        %dma_start3A_310 = tpu.memref_slice %arg3[%dma_start3A_308, %dma_start3A_309] : memref<1000000x32xf32, #tpu.memory_space<hbm>> -> memref<1000000x32xf32, #tpu.memory_space<hbm>>
        tpu.enqueue_indirect_dma source(%dma_start3A_310 : memref<1000000x32xf32, #tpu.memory_space<hbm>>) target(%dma_start3A_306 : memref<104x32xf32, #tpu.memory_space<vmem>>) offsets(%dma_start3A_307 : memref<104xi32, #tpu.memory_space<vmem>>) semaphore(%arg17 : memref<!tpu.dma_semaphore, #tpu.memory_space<semaphore_mem>>)
        %mul3A_311 = arith.constant 416 : i32
        %mul3A_312 = arith.muli %sub3A_288, %mul3A_311 : i32
        %add3A_313 = arith.constant 208 : i32
        %add3A_314 = arith.addi %mul3A_312, %add3A_313 : i32
        %dma_start3A_315 = arith.constant 208 : i32
        %dma_start3A_316 = arith.constant 0 : i32
        %dma_start3A_317 = tpu.memref_slice %arg10[%dma_start3A_315, %dma_start3A_316] : memref<416x32xf32, #tpu.memory_space<vmem>> -> memref<104x32xf32, #tpu.memory_space<vmem>>
        %dma_start3A_318 = tpu.memref_slice %arg8[%add3A_314] : memref<13312xi32, #tpu.memory_space<vmem>> -> memref<104xi32, #tpu.memory_space<vmem>>
        %dma_start3A_319 = arith.constant 0 : i32
        %dma_start3A_320 = arith.constant 0 : i32
        %dma_start3A_321 = tpu.memref_slice %arg3[%dma_start3A_319, %dma_start3A_320] : memref<1000000x32xf32, #tpu.memory_space<hbm>> -> memref<1000000x32xf32, #tpu.memory_space<hbm>>
        tpu.enqueue_indirect_dma source(%dma_start3A_321 : memref<1000000x32xf32, #tpu.memory_space<hbm>>) target(%dma_start3A_317 : memref<104x32xf32, #tpu.memory_space<vmem>>) offsets(%dma_start3A_318 : memref<104xi32, #tpu.memory_space<vmem>>) semaphore(%arg17 : memref<!tpu.dma_semaphore, #tpu.memory_space<semaphore_mem>>)
        %mul3A_322 = arith.constant 416 : i32
        %mul3A_323 = arith.muli %sub3A_288, %mul3A_322 : i32
        %add3A_324 = arith.constant 312 : i32
        %add3A_325 = arith.addi %mul3A_323, %add3A_324 : i32
        %dma_start3A_326 = arith.constant 312 : i32
        %dma_start3A_327 = arith.constant 0 : i32
        %dma_start3A_328 = tpu.memref_slice %arg10[%dma_start3A_326, %dma_start3A_327] : memref<416x32xf32, #tpu.memory_space<vmem>> -> memref<104x32xf32, #tpu.memory_space<vmem>>
        %dma_start3A_329 = tpu.memref_slice %arg8[%add3A_325] : memref<13312xi32, #tpu.memory_space<vmem>> -> memref<104xi32, #tpu.memory_space<vmem>>
        %dma_start3A_330 = arith.constant 0 : i32
        %dma_start3A_331 = arith.constant 0 : i32
        %dma_start3A_332 = tpu.memref_slice %arg3[%dma_start3A_330, %dma_start3A_331] : memref<1000000x32xf32, #tpu.memory_space<hbm>> -> memref<1000000x32xf32, #tpu.memory_space<hbm>>
        tpu.enqueue_indirect_dma source(%dma_start3A_332 : memref<1000000x32xf32, #tpu.memory_space<hbm>>) target(%dma_start3A_328 : memref<104x32xf32, #tpu.memory_space<vmem>>) offsets(%dma_start3A_329 : memref<104xi32, #tpu.memory_space<vmem>>) semaphore(%arg17 : memref<!tpu.dma_semaphore, #tpu.memory_space<semaphore_mem>>)
        %mul3A_333 = arith.constant 416 : i32
        %mul3A_334 = arith.muli %sub3A_288, %mul3A_333 : i32
        %add3A_335 = arith.constant 0 : i32
        %add3A_336 = arith.addi %mul3A_334, %add3A_335 : i32
        %dma_start3A_337 = tpu.memref_slice %arg13[%add3A_336] : memref<13312xf32, #tpu.memory_space<vmem>> -> memref<104xf32, #tpu.memory_space<vmem>>
        %dma_start3A_338 = tpu.memref_slice %arg8[%add3A_336] : memref<13312xi32, #tpu.memory_space<vmem>> -> memref<104xi32, #tpu.memory_space<vmem>>
        %dma_start3A_339 = arith.constant 0 : i32
        %dma_start3A_340 = tpu.memref_slice %arg4[%dma_start3A_339] : memref<1000000xf32, #tpu.memory_space<hbm>> -> memref<1000000xf32, #tpu.memory_space<hbm>>
        tpu.enqueue_indirect_dma source(%dma_start3A_340 : memref<1000000xf32, #tpu.memory_space<hbm>>) target(%dma_start3A_337 : memref<104xf32, #tpu.memory_space<vmem>>) offsets(%dma_start3A_338 : memref<104xi32, #tpu.memory_space<vmem>>) semaphore(%arg20 : memref<!tpu.dma_semaphore, #tpu.memory_space<semaphore_mem>>)
        %mul3A_341 = arith.constant 416 : i32
        %mul3A_342 = arith.muli %sub3A_288, %mul3A_341 : i32
        %add3A_343 = arith.constant 104 : i32
        %add3A_344 = arith.addi %mul3A_342, %add3A_343 : i32
        %dma_start3A_345 = tpu.memref_slice %arg13[%add3A_344] : memref<13312xf32, #tpu.memory_space<vmem>> -> memref<104xf32, #tpu.memory_space<vmem>>
        %dma_start3A_346 = tpu.memref_slice %arg8[%add3A_344] : memref<13312xi32, #tpu.memory_space<vmem>> -> memref<104xi32, #tpu.memory_space<vmem>>
        %dma_start3A_347 = arith.constant 0 : i32
        %dma_start3A_348 = tpu.memref_slice %arg4[%dma_start3A_347] : memref<1000000xf32, #tpu.memory_space<hbm>> -> memref<1000000xf32, #tpu.memory_space<hbm>>
        tpu.enqueue_indirect_dma source(%dma_start3A_348 : memref<1000000xf32, #tpu.memory_space<hbm>>) target(%dma_start3A_345 : memref<104xf32, #tpu.memory_space<vmem>>) offsets(%dma_start3A_346 : memref<104xi32, #tpu.memory_space<vmem>>) semaphore(%arg20 : memref<!tpu.dma_semaphore, #tpu.memory_space<semaphore_mem>>)
        %mul3A_349 = arith.constant 416 : i32
        %mul3A_350 = arith.muli %sub3A_288, %mul3A_349 : i32
        %add3A_351 = arith.constant 208 : i32
        %add3A_352 = arith.addi %mul3A_350, %add3A_351 : i32
        %dma_start3A_353 = tpu.memref_slice %arg13[%add3A_352] : memref<13312xf32, #tpu.memory_space<vmem>> -> memref<104xf32, #tpu.memory_space<vmem>>
        %dma_start3A_354 = tpu.memref_slice %arg8[%add3A_352] : memref<13312xi32, #tpu.memory_space<vmem>> -> memref<104xi32, #tpu.memory_space<vmem>>
        %dma_start3A_355 = arith.constant 0 : i32
        %dma_start3A_356 = tpu.memref_slice %arg4[%dma_start3A_355] : memref<1000000xf32, #tpu.memory_space<hbm>> -> memref<1000000xf32, #tpu.memory_space<hbm>>
        tpu.enqueue_indirect_dma source(%dma_start3A_356 : memref<1000000xf32, #tpu.memory_space<hbm>>) target(%dma_start3A_353 : memref<104xf32, #tpu.memory_space<vmem>>) offsets(%dma_start3A_354 : memref<104xi32, #tpu.memory_space<vmem>>) semaphore(%arg20 : memref<!tpu.dma_semaphore, #tpu.memory_space<semaphore_mem>>)
        %mul3A_357 = arith.constant 416 : i32
        %mul3A_358 = arith.muli %sub3A_288, %mul3A_357 : i32
        %add3A_359 = arith.constant 312 : i32
        %add3A_360 = arith.addi %mul3A_358, %add3A_359 : i32
        %dma_start3A_361 = tpu.memref_slice %arg13[%add3A_360] : memref<13312xf32, #tpu.memory_space<vmem>> -> memref<104xf32, #tpu.memory_space<vmem>>
        %dma_start3A_362 = tpu.memref_slice %arg8[%add3A_360] : memref<13312xi32, #tpu.memory_space<vmem>> -> memref<104xi32, #tpu.memory_space<vmem>>
        %dma_start3A_363 = arith.constant 0 : i32
        %dma_start3A_364 = tpu.memref_slice %arg4[%dma_start3A_363] : memref<1000000xf32, #tpu.memory_space<hbm>> -> memref<1000000xf32, #tpu.memory_space<hbm>>
        tpu.enqueue_indirect_dma source(%dma_start3A_364 : memref<1000000xf32, #tpu.memory_space<hbm>>) target(%dma_start3A_361 : memref<104xf32, #tpu.memory_space<vmem>>) offsets(%dma_start3A_362 : memref<104xi32, #tpu.memory_space<vmem>>) semaphore(%arg20 : memref<!tpu.dma_semaphore, #tpu.memory_space<semaphore_mem>>)
      } else {
      }
      %dma_wait3A_248 = arith.constant 0 : i32
      %dma_wait3A_249 = arith.constant 0 : i32
      %dma_wait3A_250 = tpu.memref_slice %arg3[%dma_wait3A_248, %dma_wait3A_249] : memref<1000000x32xf32, #tpu.memory_space<hbm>> -> memref<416x32xf32, #tpu.memory_space<hbm>>
      %dma_wait3A_251 = arith.constant 0 : i32
      %dma_wait3A_252 = arith.constant 0 : i32
      %dma_wait3A_253 = tpu.memref_slice %arg3[%dma_wait3A_251, %dma_wait3A_252] : memref<1000000x32xf32, #tpu.memory_space<hbm>> -> memref<416x32xf32, #tpu.memory_space<hbm>>
      tpu.wait_dma2 semaphore(%arg18 : memref<!tpu.dma_semaphore, #tpu.memory_space<semaphore_mem>>) src(%dma_wait3A_253 : memref<416x32xf32, #tpu.memory_space<hbm>>) dst(%arg11 : memref<416x32xf32, #tpu.memory_space<vmem>>)
      %scan3A_254 = arith.constant 0 : i32
      %scan3A_255 = arith.constant 0 : i32
      %scan3A_256 = arith.constant 16 : i32
      %scan3A_257 = arith.addi %scan3A_255, %scan3A_256 : i32
      %scan3A_258 = arith.constant 1 : i32
      scf.for %scan3A_285 = %scan3A_255 to %scan3A_257 step %scan3A_258  : i32 {
        %mul3A_286 = arith.constant 26 : i32
        %mul3A_287 = arith.muli %scan3A_285, %mul3A_286 : i32
        %broadcast_in_dim3A = arith.constant 0.000000e+00 : f32
        %broadcast_in_dim3A_288 = vector.broadcast %broadcast_in_dim3A : f32 to vector<16xf32>
        %broadcast_in_dim3A_289 = arith.constant 0.000000e+00 : f32
        %broadcast_in_dim3A_290 = vector.broadcast %broadcast_in_dim3A_289 : f32 to vector<16xf32>
        %broadcast_in_dim3A_291 = arith.constant 0.000000e+00 : f32
        %broadcast_in_dim3A_292 = vector.broadcast %broadcast_in_dim3A_291 : f32 to vector<16xf32>
        %add3A_293 = arith.constant 0 : i32
        %add3A_294 = arith.addi %mul3A_287, %add3A_293 : i32
        %get3A = arith.index_cast %add3A_294 : i32 to index
        %get3A_295 = arith.constant 0 : index
        %get3A_296 = tpu.vector_load %arg11[%get3A, %get3A_295] {strides = array<i32>} : memref<416x32xf32, #tpu.memory_space<vmem>>, vector<1x16xf32>,
        %get3A_297 = vector.shape_cast %get3A_296 : vector<1x16xf32> to vector<16xf32>
        %add3A_298 = arith.constant 0 : i32
        %add3A_299 = arith.addi %mul3A_287, %add3A_298 : i32
        %get3A_300 = arith.index_cast %add3A_299 : i32 to index
        %get3A_301 = arith.constant 16 : index
        %get3A_302 = tpu.vector_load %arg11[%get3A_300, %get3A_301] {strides = array<i32>} : memref<416x32xf32, #tpu.memory_space<vmem>>, vector<1x16xf32>,
        %get3A_303 = vector.shape_cast %get3A_302 : vector<1x16xf32> to vector<16xf32>
        %add3A_304 = arith.addf %broadcast_in_dim3A_288, %get3A_297 : vector<16xf32>
        %add3A_305 = arith.addf %broadcast_in_dim3A_290, %get3A_303 : vector<16xf32>
        %mul3A_306 = arith.mulf %get3A_297, %get3A_297 : vector<16xf32>
        %add3A_307 = arith.addf %broadcast_in_dim3A_292, %mul3A_306 : vector<16xf32>
        %mul3A_308 = arith.mulf %get3A_303, %get3A_303 : vector<16xf32>
        %add3A_309 = arith.addf %add3A_307, %mul3A_308 : vector<16xf32>
        %add3A_310 = arith.constant 1 : i32
        %add3A_311 = arith.addi %mul3A_287, %add3A_310 : i32
        %get3A_312 = arith.index_cast %add3A_311 : i32 to index
        %get3A_313 = arith.constant 0 : index
        %get3A_314 = tpu.vector_load %arg11[%get3A_312, %get3A_313] {strides = array<i32>} : memref<416x32xf32, #tpu.memory_space<vmem>>, vector<1x16xf32>,
        %get3A_315 = vector.shape_cast %get3A_314 : vector<1x16xf32> to vector<16xf32>
        %add3A_316 = arith.constant 1 : i32
        %add3A_317 = arith.addi %mul3A_287, %add3A_316 : i32
        %get3A_318 = arith.index_cast %add3A_317 : i32 to index
        %get3A_319 = arith.constant 16 : index
        %get3A_320 = tpu.vector_load %arg11[%get3A_318, %get3A_319] {strides = array<i32>} : memref<416x32xf32, #tpu.memory_space<vmem>>, vector<1x16xf32>,
        %get3A_321 = vector.shape_cast %get3A_320 : vector<1x16xf32> to vector<16xf32>
        %add3A_322 = arith.addf %add3A_304, %get3A_315 : vector<16xf32>
        %add3A_323 = arith.addf %add3A_305, %get3A_321 : vector<16xf32>
        %mul3A_324 = arith.mulf %get3A_315, %get3A_315 : vector<16xf32>
        %add3A_325 = arith.addf %add3A_309, %mul3A_324 : vector<16xf32>
        %mul3A_326 = arith.mulf %get3A_321, %get3A_321 : vector<16xf32>
        %add3A_327 = arith.addf %add3A_325, %mul3A_326 : vector<16xf32>
        %add3A_328 = arith.constant 2 : i32
        %add3A_329 = arith.addi %mul3A_287, %add3A_328 : i32
        %get3A_330 = arith.index_cast %add3A_329 : i32 to index
        %get3A_331 = arith.constant 0 : index
        %get3A_332 = tpu.vector_load %arg11[%get3A_330, %get3A_331] {strides = array<i32>} : memref<416x32xf32, #tpu.memory_space<vmem>>, vector<1x16xf32>,
        %get3A_333 = vector.shape_cast %get3A_332 : vector<1x16xf32> to vector<16xf32>
        %add3A_334 = arith.constant 2 : i32
        %add3A_335 = arith.addi %mul3A_287, %add3A_334 : i32
        %get3A_336 = arith.index_cast %add3A_335 : i32 to index
        %get3A_337 = arith.constant 16 : index
        %get3A_338 = tpu.vector_load %arg11[%get3A_336, %get3A_337] {strides = array<i32>} : memref<416x32xf32, #tpu.memory_space<vmem>>, vector<1x16xf32>,
        %get3A_339 = vector.shape_cast %get3A_338 : vector<1x16xf32> to vector<16xf32>
        %add3A_340 = arith.addf %add3A_322, %get3A_333 : vector<16xf32>
        %add3A_341 = arith.addf %add3A_323, %get3A_339 : vector<16xf32>
        %mul3A_342 = arith.mulf %get3A_333, %get3A_333 : vector<16xf32>
        %add3A_343 = arith.addf %add3A_327, %mul3A_342 : vector<16xf32>
        %mul3A_344 = arith.mulf %get3A_339, %get3A_339 : vector<16xf32>
        %add3A_345 = arith.addf %add3A_343, %mul3A_344 : vector<16xf32>
        %add3A_346 = arith.constant 3 : i32
        %add3A_347 = arith.addi %mul3A_287, %add3A_346 : i32
        %get3A_348 = arith.index_cast %add3A_347 : i32 to index
        %get3A_349 = arith.constant 0 : index
        %get3A_350 = tpu.vector_load %arg11[%get3A_348, %get3A_349] {strides = array<i32>} : memref<416x32xf32, #tpu.memory_space<vmem>>, vector<1x16xf32>,
        %get3A_351 = vector.shape_cast %get3A_350 : vector<1x16xf32> to vector<16xf32>
        %add3A_352 = arith.constant 3 : i32
        %add3A_353 = arith.addi %mul3A_287, %add3A_352 : i32
        %get3A_354 = arith.index_cast %add3A_353 : i32 to index
        %get3A_355 = arith.constant 16 : index
        %get3A_356 = tpu.vector_load %arg11[%get3A_354, %get3A_355] {strides = array<i32>} : memref<416x32xf32, #tpu.memory_space<vmem>>, vector<1x16xf32>,
        %get3A_357 = vector.shape_cast %get3A_356 : vector<1x16xf32> to vector<16xf32>
        %add3A_358 = arith.addf %add3A_340, %get3A_351 : vector<16xf32>
        %add3A_359 = arith.addf %add3A_341, %get3A_357 : vector<16xf32>
        %mul3A_360 = arith.mulf %get3A_351, %get3A_351 : vector<16xf32>
        %add3A_361 = arith.addf %add3A_345, %mul3A_360 : vector<16xf32>
        %mul3A_362 = arith.mulf %get3A_357, %get3A_357 : vector<16xf32>
        %add3A_363 = arith.addf %add3A_361, %mul3A_362 : vector<16xf32>
        %add3A_364 = arith.constant 4 : i32
        %add3A_365 = arith.addi %mul3A_287, %add3A_364 : i32
        %get3A_366 = arith.index_cast %add3A_365 : i32 to index
        %get3A_367 = arith.constant 0 : index
        %get3A_368 = tpu.vector_load %arg11[%get3A_366, %get3A_367] {strides = array<i32>} : memref<416x32xf32, #tpu.memory_space<vmem>>, vector<1x16xf32>,
        %get3A_369 = vector.shape_cast %get3A_368 : vector<1x16xf32> to vector<16xf32>
        %add3A_370 = arith.constant 4 : i32
        %add3A_371 = arith.addi %mul3A_287, %add3A_370 : i32
        %get3A_372 = arith.index_cast %add3A_371 : i32 to index
        %get3A_373 = arith.constant 16 : index
        %get3A_374 = tpu.vector_load %arg11[%get3A_372, %get3A_373] {strides = array<i32>} : memref<416x32xf32, #tpu.memory_space<vmem>>, vector<1x16xf32>,
        %get3A_375 = vector.shape_cast %get3A_374 : vector<1x16xf32> to vector<16xf32>
        %add3A_376 = arith.addf %add3A_358, %get3A_369 : vector<16xf32>
        %add3A_377 = arith.addf %add3A_359, %get3A_375 : vector<16xf32>
        %mul3A_378 = arith.mulf %get3A_369, %get3A_369 : vector<16xf32>
        %add3A_379 = arith.addf %add3A_363, %mul3A_378 : vector<16xf32>
        %mul3A_380 = arith.mulf %get3A_375, %get3A_375 : vector<16xf32>
        %add3A_381 = arith.addf %add3A_379, %mul3A_380 : vector<16xf32>
        %add3A_382 = arith.constant 5 : i32
        %add3A_383 = arith.addi %mul3A_287, %add3A_382 : i32
        %get3A_384 = arith.index_cast %add3A_383 : i32 to index
        %get3A_385 = arith.constant 0 : index
        %get3A_386 = tpu.vector_load %arg11[%get3A_384, %get3A_385] {strides = array<i32>} : memref<416x32xf32, #tpu.memory_space<vmem>>, vector<1x16xf32>,
        %get3A_387 = vector.shape_cast %get3A_386 : vector<1x16xf32> to vector<16xf32>
        %add3A_388 = arith.constant 5 : i32
        %add3A_389 = arith.addi %mul3A_287, %add3A_388 : i32
        %get3A_390 = arith.index_cast %add3A_389 : i32 to index
        %get3A_391 = arith.constant 16 : index
        %get3A_392 = tpu.vector_load %arg11[%get3A_390, %get3A_391] {strides = array<i32>} : memref<416x32xf32, #tpu.memory_space<vmem>>, vector<1x16xf32>,
        %get3A_393 = vector.shape_cast %get3A_392 : vector<1x16xf32> to vector<16xf32>
        %add3A_394 = arith.addf %add3A_376, %get3A_387 : vector<16xf32>
        %add3A_395 = arith.addf %add3A_377, %get3A_393 : vector<16xf32>
        %mul3A_396 = arith.mulf %get3A_387, %get3A_387 : vector<16xf32>
        %add3A_397 = arith.addf %add3A_381, %mul3A_396 : vector<16xf32>
        %mul3A_398 = arith.mulf %get3A_393, %get3A_393 : vector<16xf32>
        %add3A_399 = arith.addf %add3A_397, %mul3A_398 : vector<16xf32>
        %add3A_400 = arith.constant 6 : i32
        %add3A_401 = arith.addi %mul3A_287, %add3A_400 : i32
        %get3A_402 = arith.index_cast %add3A_401 : i32 to index
        %get3A_403 = arith.constant 0 : index
        %get3A_404 = tpu.vector_load %arg11[%get3A_402, %get3A_403] {strides = array<i32>} : memref<416x32xf32, #tpu.memory_space<vmem>>, vector<1x16xf32>,
        %get3A_405 = vector.shape_cast %get3A_404 : vector<1x16xf32> to vector<16xf32>
        %add3A_406 = arith.constant 6 : i32
        %add3A_407 = arith.addi %mul3A_287, %add3A_406 : i32
        %get3A_408 = arith.index_cast %add3A_407 : i32 to index
        %get3A_409 = arith.constant 16 : index
        %get3A_410 = tpu.vector_load %arg11[%get3A_408, %get3A_409] {strides = array<i32>} : memref<416x32xf32, #tpu.memory_space<vmem>>, vector<1x16xf32>,
        %get3A_411 = vector.shape_cast %get3A_410 : vector<1x16xf32> to vector<16xf32>
        %add3A_412 = arith.addf %add3A_394, %get3A_405 : vector<16xf32>
        %add3A_413 = arith.addf %add3A_395, %get3A_411 : vector<16xf32>
        %mul3A_414 = arith.mulf %get3A_405, %get3A_405 : vector<16xf32>
        %add3A_415 = arith.addf %add3A_399, %mul3A_414 : vector<16xf32>
        %mul3A_416 = arith.mulf %get3A_411, %get3A_411 : vector<16xf32>
        %add3A_417 = arith.addf %add3A_415, %mul3A_416 : vector<16xf32>
        %add3A_418 = arith.constant 7 : i32
        %add3A_419 = arith.addi %mul3A_287, %add3A_418 : i32
        %get3A_420 = arith.index_cast %add3A_419 : i32 to index
        %get3A_421 = arith.constant 0 : index
        %get3A_422 = tpu.vector_load %arg11[%get3A_420, %get3A_421] {strides = array<i32>} : memref<416x32xf32, #tpu.memory_space<vmem>>, vector<1x16xf32>,
        %get3A_423 = vector.shape_cast %get3A_422 : vector<1x16xf32> to vector<16xf32>
        %add3A_424 = arith.constant 7 : i32
        %add3A_425 = arith.addi %mul3A_287, %add3A_424 : i32
        %get3A_426 = arith.index_cast %add3A_425 : i32 to index
        %get3A_427 = arith.constant 16 : index
        %get3A_428 = tpu.vector_load %arg11[%get3A_426, %get3A_427] {strides = array<i32>} : memref<416x32xf32, #tpu.memory_space<vmem>>, vector<1x16xf32>,
        %get3A_429 = vector.shape_cast %get3A_428 : vector<1x16xf32> to vector<16xf32>
        %add3A_430 = arith.addf %add3A_412, %get3A_423 : vector<16xf32>
        %add3A_431 = arith.addf %add3A_413, %get3A_429 : vector<16xf32>
        %mul3A_432 = arith.mulf %get3A_423, %get3A_423 : vector<16xf32>
        %add3A_433 = arith.addf %add3A_417, %mul3A_432 : vector<16xf32>
        %mul3A_434 = arith.mulf %get3A_429, %get3A_429 : vector<16xf32>
        %add3A_435 = arith.addf %add3A_433, %mul3A_434 : vector<16xf32>
        %add3A_436 = arith.constant 8 : i32
        %add3A_437 = arith.addi %mul3A_287, %add3A_436 : i32
        %get3A_438 = arith.index_cast %add3A_437 : i32 to index
        %get3A_439 = arith.constant 0 : index
        %get3A_440 = tpu.vector_load %arg11[%get3A_438, %get3A_439] {strides = array<i32>} : memref<416x32xf32, #tpu.memory_space<vmem>>, vector<1x16xf32>,
        %get3A_441 = vector.shape_cast %get3A_440 : vector<1x16xf32> to vector<16xf32>
        %add3A_442 = arith.constant 8 : i32
        %add3A_443 = arith.addi %mul3A_287, %add3A_442 : i32
        %get3A_444 = arith.index_cast %add3A_443 : i32 to index
        %get3A_445 = arith.constant 16 : index
        %get3A_446 = tpu.vector_load %arg11[%get3A_444, %get3A_445] {strides = array<i32>} : memref<416x32xf32, #tpu.memory_space<vmem>>, vector<1x16xf32>,
        %get3A_447 = vector.shape_cast %get3A_446 : vector<1x16xf32> to vector<16xf32>
        %add3A_448 = arith.addf %add3A_430, %get3A_441 : vector<16xf32>
        %add3A_449 = arith.addf %add3A_431, %get3A_447 : vector<16xf32>
        %mul3A_450 = arith.mulf %get3A_441, %get3A_441 : vector<16xf32>
        %add3A_451 = arith.addf %add3A_435, %mul3A_450 : vector<16xf32>
        %mul3A_452 = arith.mulf %get3A_447, %get3A_447 : vector<16xf32>
        %add3A_453 = arith.addf %add3A_451, %mul3A_452 : vector<16xf32>
        %add3A_454 = arith.constant 9 : i32
        %add3A_455 = arith.addi %mul3A_287, %add3A_454 : i32
        %get3A_456 = arith.index_cast %add3A_455 : i32 to index
        %get3A_457 = arith.constant 0 : index
        %get3A_458 = tpu.vector_load %arg11[%get3A_456, %get3A_457] {strides = array<i32>} : memref<416x32xf32, #tpu.memory_space<vmem>>, vector<1x16xf32>,
        %get3A_459 = vector.shape_cast %get3A_458 : vector<1x16xf32> to vector<16xf32>
        %add3A_460 = arith.constant 9 : i32
        %add3A_461 = arith.addi %mul3A_287, %add3A_460 : i32
        %get3A_462 = arith.index_cast %add3A_461 : i32 to index
        %get3A_463 = arith.constant 16 : index
        %get3A_464 = tpu.vector_load %arg11[%get3A_462, %get3A_463] {strides = array<i32>} : memref<416x32xf32, #tpu.memory_space<vmem>>, vector<1x16xf32>,
        %get3A_465 = vector.shape_cast %get3A_464 : vector<1x16xf32> to vector<16xf32>
        %add3A_466 = arith.addf %add3A_448, %get3A_459 : vector<16xf32>
        %add3A_467 = arith.addf %add3A_449, %get3A_465 : vector<16xf32>
        %mul3A_468 = arith.mulf %get3A_459, %get3A_459 : vector<16xf32>
        %add3A_469 = arith.addf %add3A_453, %mul3A_468 : vector<16xf32>
        %mul3A_470 = arith.mulf %get3A_465, %get3A_465 : vector<16xf32>
        %add3A_471 = arith.addf %add3A_469, %mul3A_470 : vector<16xf32>
        %add3A_472 = arith.constant 10 : i32
        %add3A_473 = arith.addi %mul3A_287, %add3A_472 : i32
        %get3A_474 = arith.index_cast %add3A_473 : i32 to index
        %get3A_475 = arith.constant 0 : index
        %get3A_476 = tpu.vector_load %arg11[%get3A_474, %get3A_475] {strides = array<i32>} : memref<416x32xf32, #tpu.memory_space<vmem>>, vector<1x16xf32>,
        %get3A_477 = vector.shape_cast %get3A_476 : vector<1x16xf32> to vector<16xf32>
        %add3A_478 = arith.constant 10 : i32
        %add3A_479 = arith.addi %mul3A_287, %add3A_478 : i32
        %get3A_480 = arith.index_cast %add3A_479 : i32 to index
        %get3A_481 = arith.constant 16 : index
        %get3A_482 = tpu.vector_load %arg11[%get3A_480, %get3A_481] {strides = array<i32>} : memref<416x32xf32, #tpu.memory_space<vmem>>, vector<1x16xf32>,
        %get3A_483 = vector.shape_cast %get3A_482 : vector<1x16xf32> to vector<16xf32>
        %add3A_484 = arith.addf %add3A_466, %get3A_477 : vector<16xf32>
        %add3A_485 = arith.addf %add3A_467, %get3A_483 : vector<16xf32>
        %mul3A_486 = arith.mulf %get3A_477, %get3A_477 : vector<16xf32>
        %add3A_487 = arith.addf %add3A_471, %mul3A_486 : vector<16xf32>
        %mul3A_488 = arith.mulf %get3A_483, %get3A_483 : vector<16xf32>
        %add3A_489 = arith.addf %add3A_487, %mul3A_488 : vector<16xf32>
        %add3A_490 = arith.constant 11 : i32
        %add3A_491 = arith.addi %mul3A_287, %add3A_490 : i32
        %get3A_492 = arith.index_cast %add3A_491 : i32 to index
        %get3A_493 = arith.constant 0 : index
        %get3A_494 = tpu.vector_load %arg11[%get3A_492, %get3A_493] {strides = array<i32>} : memref<416x32xf32, #tpu.memory_space<vmem>>, vector<1x16xf32>,
        %get3A_495 = vector.shape_cast %get3A_494 : vector<1x16xf32> to vector<16xf32>
        %add3A_496 = arith.constant 11 : i32
        %add3A_497 = arith.addi %mul3A_287, %add3A_496 : i32
        %get3A_498 = arith.index_cast %add3A_497 : i32 to index
        %get3A_499 = arith.constant 16 : index
        %get3A_500 = tpu.vector_load %arg11[%get3A_498, %get3A_499] {strides = array<i32>} : memref<416x32xf32, #tpu.memory_space<vmem>>, vector<1x16xf32>,
        %get3A_501 = vector.shape_cast %get3A_500 : vector<1x16xf32> to vector<16xf32>
        %add3A_502 = arith.addf %add3A_484, %get3A_495 : vector<16xf32>
        %add3A_503 = arith.addf %add3A_485, %get3A_501 : vector<16xf32>
        %mul3A_504 = arith.mulf %get3A_495, %get3A_495 : vector<16xf32>
        %add3A_505 = arith.addf %add3A_489, %mul3A_504 : vector<16xf32>
        %mul3A_506 = arith.mulf %get3A_501, %get3A_501 : vector<16xf32>
        %add3A_507 = arith.addf %add3A_505, %mul3A_506 : vector<16xf32>
        %add3A_508 = arith.constant 12 : i32
        %add3A_509 = arith.addi %mul3A_287, %add3A_508 : i32
        %get3A_510 = arith.index_cast %add3A_509 : i32 to index
        %get3A_511 = arith.constant 0 : index
        %get3A_512 = tpu.vector_load %arg11[%get3A_510, %get3A_511] {strides = array<i32>} : memref<416x32xf32, #tpu.memory_space<vmem>>, vector<1x16xf32>,
        %get3A_513 = vector.shape_cast %get3A_512 : vector<1x16xf32> to vector<16xf32>
        %add3A_514 = arith.constant 12 : i32
        %add3A_515 = arith.addi %mul3A_287, %add3A_514 : i32
        %get3A_516 = arith.index_cast %add3A_515 : i32 to index
        %get3A_517 = arith.constant 16 : index
        %get3A_518 = tpu.vector_load %arg11[%get3A_516, %get3A_517] {strides = array<i32>} : memref<416x32xf32, #tpu.memory_space<vmem>>, vector<1x16xf32>,
        %get3A_519 = vector.shape_cast %get3A_518 : vector<1x16xf32> to vector<16xf32>
        %add3A_520 = arith.addf %add3A_502, %get3A_513 : vector<16xf32>
        %add3A_521 = arith.addf %add3A_503, %get3A_519 : vector<16xf32>
        %mul3A_522 = arith.mulf %get3A_513, %get3A_513 : vector<16xf32>
        %add3A_523 = arith.addf %add3A_507, %mul3A_522 : vector<16xf32>
        %mul3A_524 = arith.mulf %get3A_519, %get3A_519 : vector<16xf32>
        %add3A_525 = arith.addf %add3A_523, %mul3A_524 : vector<16xf32>
        %add3A_526 = arith.constant 13 : i32
        %add3A_527 = arith.addi %mul3A_287, %add3A_526 : i32
        %get3A_528 = arith.index_cast %add3A_527 : i32 to index
        %get3A_529 = arith.constant 0 : index
        %get3A_530 = tpu.vector_load %arg11[%get3A_528, %get3A_529] {strides = array<i32>} : memref<416x32xf32, #tpu.memory_space<vmem>>, vector<1x16xf32>,
        %get3A_531 = vector.shape_cast %get3A_530 : vector<1x16xf32> to vector<16xf32>
        %add3A_532 = arith.constant 13 : i32
        %add3A_533 = arith.addi %mul3A_287, %add3A_532 : i32
        %get3A_534 = arith.index_cast %add3A_533 : i32 to index
        %get3A_535 = arith.constant 16 : index
        %get3A_536 = tpu.vector_load %arg11[%get3A_534, %get3A_535] {strides = array<i32>} : memref<416x32xf32, #tpu.memory_space<vmem>>, vector<1x16xf32>,
        %get3A_537 = vector.shape_cast %get3A_536 : vector<1x16xf32> to vector<16xf32>
        %add3A_538 = arith.addf %add3A_520, %get3A_531 : vector<16xf32>
        %add3A_539 = arith.addf %add3A_521, %get3A_537 : vector<16xf32>
        %mul3A_540 = arith.mulf %get3A_531, %get3A_531 : vector<16xf32>
        %add3A_541 = arith.addf %add3A_525, %mul3A_540 : vector<16xf32>
        %mul3A_542 = arith.mulf %get3A_537, %get3A_537 : vector<16xf32>
        %add3A_543 = arith.addf %add3A_541, %mul3A_542 : vector<16xf32>
        %add3A_544 = arith.constant 14 : i32
        %add3A_545 = arith.addi %mul3A_287, %add3A_544 : i32
        %get3A_546 = arith.index_cast %add3A_545 : i32 to index
        %get3A_547 = arith.constant 0 : index
        %get3A_548 = tpu.vector_load %arg11[%get3A_546, %get3A_547] {strides = array<i32>} : memref<416x32xf32, #tpu.memory_space<vmem>>, vector<1x16xf32>,
        %get3A_549 = vector.shape_cast %get3A_548 : vector<1x16xf32> to vector<16xf32>
        %add3A_550 = arith.constant 14 : i32
        %add3A_551 = arith.addi %mul3A_287, %add3A_550 : i32
        %get3A_552 = arith.index_cast %add3A_551 : i32 to index
        %get3A_553 = arith.constant 16 : index
        %get3A_554 = tpu.vector_load %arg11[%get3A_552, %get3A_553] {strides = array<i32>} : memref<416x32xf32, #tpu.memory_space<vmem>>, vector<1x16xf32>,
        %get3A_555 = vector.shape_cast %get3A_554 : vector<1x16xf32> to vector<16xf32>
        %add3A_556 = arith.addf %add3A_538, %get3A_549 : vector<16xf32>
        %add3A_557 = arith.addf %add3A_539, %get3A_555 : vector<16xf32>
        %mul3A_558 = arith.mulf %get3A_549, %get3A_549 : vector<16xf32>
        %add3A_559 = arith.addf %add3A_543, %mul3A_558 : vector<16xf32>
        %mul3A_560 = arith.mulf %get3A_555, %get3A_555 : vector<16xf32>
        %add3A_561 = arith.addf %add3A_559, %mul3A_560 : vector<16xf32>
        %add3A_562 = arith.constant 15 : i32
        %add3A_563 = arith.addi %mul3A_287, %add3A_562 : i32
        %get3A_564 = arith.index_cast %add3A_563 : i32 to index
        %get3A_565 = arith.constant 0 : index
        %get3A_566 = tpu.vector_load %arg11[%get3A_564, %get3A_565] {strides = array<i32>} : memref<416x32xf32, #tpu.memory_space<vmem>>, vector<1x16xf32>,
        %get3A_567 = vector.shape_cast %get3A_566 : vector<1x16xf32> to vector<16xf32>
        %add3A_568 = arith.constant 15 : i32
        %add3A_569 = arith.addi %mul3A_287, %add3A_568 : i32
        %get3A_570 = arith.index_cast %add3A_569 : i32 to index
        %get3A_571 = arith.constant 16 : index
        %get3A_572 = tpu.vector_load %arg11[%get3A_570, %get3A_571] {strides = array<i32>} : memref<416x32xf32, #tpu.memory_space<vmem>>, vector<1x16xf32>,
        %get3A_573 = vector.shape_cast %get3A_572 : vector<1x16xf32> to vector<16xf32>
        %add3A_574 = arith.addf %add3A_556, %get3A_567 : vector<16xf32>
        %add3A_575 = arith.addf %add3A_557, %get3A_573 : vector<16xf32>
        %mul3A_576 = arith.mulf %get3A_567, %get3A_567 : vector<16xf32>
        %add3A_577 = arith.addf %add3A_561, %mul3A_576 : vector<16xf32>
        %mul3A_578 = arith.mulf %get3A_573, %get3A_573 : vector<16xf32>
        %add3A_579 = arith.addf %add3A_577, %mul3A_578 : vector<16xf32>
        %add3A_580 = arith.constant 16 : i32
        %add3A_581 = arith.addi %mul3A_287, %add3A_580 : i32
        %get3A_582 = arith.index_cast %add3A_581 : i32 to index
        %get3A_583 = arith.constant 0 : index
        %get3A_584 = tpu.vector_load %arg11[%get3A_582, %get3A_583] {strides = array<i32>} : memref<416x32xf32, #tpu.memory_space<vmem>>, vector<1x16xf32>,
        %get3A_585 = vector.shape_cast %get3A_584 : vector<1x16xf32> to vector<16xf32>
        %add3A_586 = arith.constant 16 : i32
        %add3A_587 = arith.addi %mul3A_287, %add3A_586 : i32
        %get3A_588 = arith.index_cast %add3A_587 : i32 to index
        %get3A_589 = arith.constant 16 : index
        %get3A_590 = tpu.vector_load %arg11[%get3A_588, %get3A_589] {strides = array<i32>} : memref<416x32xf32, #tpu.memory_space<vmem>>, vector<1x16xf32>,
        %get3A_591 = vector.shape_cast %get3A_590 : vector<1x16xf32> to vector<16xf32>
        %add3A_592 = arith.addf %add3A_574, %get3A_585 : vector<16xf32>
        %add3A_593 = arith.addf %add3A_575, %get3A_591 : vector<16xf32>
        %mul3A_594 = arith.mulf %get3A_585, %get3A_585 : vector<16xf32>
        %add3A_595 = arith.addf %add3A_579, %mul3A_594 : vector<16xf32>
        %mul3A_596 = arith.mulf %get3A_591, %get3A_591 : vector<16xf32>
        %add3A_597 = arith.addf %add3A_595, %mul3A_596 : vector<16xf32>
        %add3A_598 = arith.constant 17 : i32
        %add3A_599 = arith.addi %mul3A_287, %add3A_598 : i32
        %get3A_600 = arith.index_cast %add3A_599 : i32 to index
        %get3A_601 = arith.constant 0 : index
        %get3A_602 = tpu.vector_load %arg11[%get3A_600, %get3A_601] {strides = array<i32>} : memref<416x32xf32, #tpu.memory_space<vmem>>, vector<1x16xf32>,
        %get3A_603 = vector.shape_cast %get3A_602 : vector<1x16xf32> to vector<16xf32>
        %add3A_604 = arith.constant 17 : i32
        %add3A_605 = arith.addi %mul3A_287, %add3A_604 : i32
        %get3A_606 = arith.index_cast %add3A_605 : i32 to index
        %get3A_607 = arith.constant 16 : index
        %get3A_608 = tpu.vector_load %arg11[%get3A_606, %get3A_607] {strides = array<i32>} : memref<416x32xf32, #tpu.memory_space<vmem>>, vector<1x16xf32>,
        %get3A_609 = vector.shape_cast %get3A_608 : vector<1x16xf32> to vector<16xf32>
        %add3A_610 = arith.addf %add3A_592, %get3A_603 : vector<16xf32>
        %add3A_611 = arith.addf %add3A_593, %get3A_609 : vector<16xf32>
        %mul3A_612 = arith.mulf %get3A_603, %get3A_603 : vector<16xf32>
        %add3A_613 = arith.addf %add3A_597, %mul3A_612 : vector<16xf32>
        %mul3A_614 = arith.mulf %get3A_609, %get3A_609 : vector<16xf32>
        %add3A_615 = arith.addf %add3A_613, %mul3A_614 : vector<16xf32>
        %add3A_616 = arith.constant 18 : i32
        %add3A_617 = arith.addi %mul3A_287, %add3A_616 : i32
        %get3A_618 = arith.index_cast %add3A_617 : i32 to index
        %get3A_619 = arith.constant 0 : index
        %get3A_620 = tpu.vector_load %arg11[%get3A_618, %get3A_619] {strides = array<i32>} : memref<416x32xf32, #tpu.memory_space<vmem>>, vector<1x16xf32>,
        %get3A_621 = vector.shape_cast %get3A_620 : vector<1x16xf32> to vector<16xf32>
        %add3A_622 = arith.constant 18 : i32
        %add3A_623 = arith.addi %mul3A_287, %add3A_622 : i32
        %get3A_624 = arith.index_cast %add3A_623 : i32 to index
        %get3A_625 = arith.constant 16 : index
        %get3A_626 = tpu.vector_load %arg11[%get3A_624, %get3A_625] {strides = array<i32>} : memref<416x32xf32, #tpu.memory_space<vmem>>, vector<1x16xf32>,
        %get3A_627 = vector.shape_cast %get3A_626 : vector<1x16xf32> to vector<16xf32>
        %add3A_628 = arith.addf %add3A_610, %get3A_621 : vector<16xf32>
        %add3A_629 = arith.addf %add3A_611, %get3A_627 : vector<16xf32>
        %mul3A_630 = arith.mulf %get3A_621, %get3A_621 : vector<16xf32>
        %add3A_631 = arith.addf %add3A_615, %mul3A_630 : vector<16xf32>
        %mul3A_632 = arith.mulf %get3A_627, %get3A_627 : vector<16xf32>
        %add3A_633 = arith.addf %add3A_631, %mul3A_632 : vector<16xf32>
        %add3A_634 = arith.constant 19 : i32
        %add3A_635 = arith.addi %mul3A_287, %add3A_634 : i32
        %get3A_636 = arith.index_cast %add3A_635 : i32 to index
        %get3A_637 = arith.constant 0 : index
        %get3A_638 = tpu.vector_load %arg11[%get3A_636, %get3A_637] {strides = array<i32>} : memref<416x32xf32, #tpu.memory_space<vmem>>, vector<1x16xf32>,
        %get3A_639 = vector.shape_cast %get3A_638 : vector<1x16xf32> to vector<16xf32>
        %add3A_640 = arith.constant 19 : i32
        %add3A_641 = arith.addi %mul3A_287, %add3A_640 : i32
        %get3A_642 = arith.index_cast %add3A_641 : i32 to index
        %get3A_643 = arith.constant 16 : index
        %get3A_644 = tpu.vector_load %arg11[%get3A_642, %get3A_643] {strides = array<i32>} : memref<416x32xf32, #tpu.memory_space<vmem>>, vector<1x16xf32>,
        %get3A_645 = vector.shape_cast %get3A_644 : vector<1x16xf32> to vector<16xf32>
        %add3A_646 = arith.addf %add3A_628, %get3A_639 : vector<16xf32>
        %add3A_647 = arith.addf %add3A_629, %get3A_645 : vector<16xf32>
        %mul3A_648 = arith.mulf %get3A_639, %get3A_639 : vector<16xf32>
        %add3A_649 = arith.addf %add3A_633, %mul3A_648 : vector<16xf32>
        %mul3A_650 = arith.mulf %get3A_645, %get3A_645 : vector<16xf32>
        %add3A_651 = arith.addf %add3A_649, %mul3A_650 : vector<16xf32>
        %add3A_652 = arith.constant 20 : i32
        %add3A_653 = arith.addi %mul3A_287, %add3A_652 : i32
        %get3A_654 = arith.index_cast %add3A_653 : i32 to index
        %get3A_655 = arith.constant 0 : index
        %get3A_656 = tpu.vector_load %arg11[%get3A_654, %get3A_655] {strides = array<i32>} : memref<416x32xf32, #tpu.memory_space<vmem>>, vector<1x16xf32>,
        %get3A_657 = vector.shape_cast %get3A_656 : vector<1x16xf32> to vector<16xf32>
        %add3A_658 = arith.constant 20 : i32
        %add3A_659 = arith.addi %mul3A_287, %add3A_658 : i32
        %get3A_660 = arith.index_cast %add3A_659 : i32 to index
        %get3A_661 = arith.constant 16 : index
        %get3A_662 = tpu.vector_load %arg11[%get3A_660, %get3A_661] {strides = array<i32>} : memref<416x32xf32, #tpu.memory_space<vmem>>, vector<1x16xf32>,
        %get3A_663 = vector.shape_cast %get3A_662 : vector<1x16xf32> to vector<16xf32>
        %add3A_664 = arith.addf %add3A_646, %get3A_657 : vector<16xf32>
        %add3A_665 = arith.addf %add3A_647, %get3A_663 : vector<16xf32>
        %mul3A_666 = arith.mulf %get3A_657, %get3A_657 : vector<16xf32>
        %add3A_667 = arith.addf %add3A_651, %mul3A_666 : vector<16xf32>
        %mul3A_668 = arith.mulf %get3A_663, %get3A_663 : vector<16xf32>
        %add3A_669 = arith.addf %add3A_667, %mul3A_668 : vector<16xf32>
        %add3A_670 = arith.constant 21 : i32
        %add3A_671 = arith.addi %mul3A_287, %add3A_670 : i32
        %get3A_672 = arith.index_cast %add3A_671 : i32 to index
        %get3A_673 = arith.constant 0 : index
        %get3A_674 = tpu.vector_load %arg11[%get3A_672, %get3A_673] {strides = array<i32>} : memref<416x32xf32, #tpu.memory_space<vmem>>, vector<1x16xf32>,
        %get3A_675 = vector.shape_cast %get3A_674 : vector<1x16xf32> to vector<16xf32>
        %add3A_676 = arith.constant 21 : i32
        %add3A_677 = arith.addi %mul3A_287, %add3A_676 : i32
        %get3A_678 = arith.index_cast %add3A_677 : i32 to index
        %get3A_679 = arith.constant 16 : index
        %get3A_680 = tpu.vector_load %arg11[%get3A_678, %get3A_679] {strides = array<i32>} : memref<416x32xf32, #tpu.memory_space<vmem>>, vector<1x16xf32>,
        %get3A_681 = vector.shape_cast %get3A_680 : vector<1x16xf32> to vector<16xf32>
        %add3A_682 = arith.addf %add3A_664, %get3A_675 : vector<16xf32>
        %add3A_683 = arith.addf %add3A_665, %get3A_681 : vector<16xf32>
        %mul3A_684 = arith.mulf %get3A_675, %get3A_675 : vector<16xf32>
        %add3A_685 = arith.addf %add3A_669, %mul3A_684 : vector<16xf32>
        %mul3A_686 = arith.mulf %get3A_681, %get3A_681 : vector<16xf32>
        %add3A_687 = arith.addf %add3A_685, %mul3A_686 : vector<16xf32>
        %add3A_688 = arith.constant 22 : i32
        %add3A_689 = arith.addi %mul3A_287, %add3A_688 : i32
        %get3A_690 = arith.index_cast %add3A_689 : i32 to index
        %get3A_691 = arith.constant 0 : index
        %get3A_692 = tpu.vector_load %arg11[%get3A_690, %get3A_691] {strides = array<i32>} : memref<416x32xf32, #tpu.memory_space<vmem>>, vector<1x16xf32>,
        %get3A_693 = vector.shape_cast %get3A_692 : vector<1x16xf32> to vector<16xf32>
        %add3A_694 = arith.constant 22 : i32
        %add3A_695 = arith.addi %mul3A_287, %add3A_694 : i32
        %get3A_696 = arith.index_cast %add3A_695 : i32 to index
        %get3A_697 = arith.constant 16 : index
        %get3A_698 = tpu.vector_load %arg11[%get3A_696, %get3A_697] {strides = array<i32>} : memref<416x32xf32, #tpu.memory_space<vmem>>, vector<1x16xf32>,
        %get3A_699 = vector.shape_cast %get3A_698 : vector<1x16xf32> to vector<16xf32>
        %add3A_700 = arith.addf %add3A_682, %get3A_693 : vector<16xf32>
        %add3A_701 = arith.addf %add3A_683, %get3A_699 : vector<16xf32>
        %mul3A_702 = arith.mulf %get3A_693, %get3A_693 : vector<16xf32>
        %add3A_703 = arith.addf %add3A_687, %mul3A_702 : vector<16xf32>
        %mul3A_704 = arith.mulf %get3A_699, %get3A_699 : vector<16xf32>
        %add3A_705 = arith.addf %add3A_703, %mul3A_704 : vector<16xf32>
        %add3A_706 = arith.constant 23 : i32
        %add3A_707 = arith.addi %mul3A_287, %add3A_706 : i32
        %get3A_708 = arith.index_cast %add3A_707 : i32 to index
        %get3A_709 = arith.constant 0 : index
        %get3A_710 = tpu.vector_load %arg11[%get3A_708, %get3A_709] {strides = array<i32>} : memref<416x32xf32, #tpu.memory_space<vmem>>, vector<1x16xf32>,
        %get3A_711 = vector.shape_cast %get3A_710 : vector<1x16xf32> to vector<16xf32>
        %add3A_712 = arith.constant 23 : i32
        %add3A_713 = arith.addi %mul3A_287, %add3A_712 : i32
        %get3A_714 = arith.index_cast %add3A_713 : i32 to index
        %get3A_715 = arith.constant 16 : index
        %get3A_716 = tpu.vector_load %arg11[%get3A_714, %get3A_715] {strides = array<i32>} : memref<416x32xf32, #tpu.memory_space<vmem>>, vector<1x16xf32>,
        %get3A_717 = vector.shape_cast %get3A_716 : vector<1x16xf32> to vector<16xf32>
        %add3A_718 = arith.addf %add3A_700, %get3A_711 : vector<16xf32>
        %add3A_719 = arith.addf %add3A_701, %get3A_717 : vector<16xf32>
        %mul3A_720 = arith.mulf %get3A_711, %get3A_711 : vector<16xf32>
        %add3A_721 = arith.addf %add3A_705, %mul3A_720 : vector<16xf32>
        %mul3A_722 = arith.mulf %get3A_717, %get3A_717 : vector<16xf32>
        %add3A_723 = arith.addf %add3A_721, %mul3A_722 : vector<16xf32>
        %add3A_724 = arith.constant 24 : i32
        %add3A_725 = arith.addi %mul3A_287, %add3A_724 : i32
        %get3A_726 = arith.index_cast %add3A_725 : i32 to index
        %get3A_727 = arith.constant 0 : index
        %get3A_728 = tpu.vector_load %arg11[%get3A_726, %get3A_727] {strides = array<i32>} : memref<416x32xf32, #tpu.memory_space<vmem>>, vector<1x16xf32>,
        %get3A_729 = vector.shape_cast %get3A_728 : vector<1x16xf32> to vector<16xf32>
        %add3A_730 = arith.constant 24 : i32
        %add3A_731 = arith.addi %mul3A_287, %add3A_730 : i32
        %get3A_732 = arith.index_cast %add3A_731 : i32 to index
        %get3A_733 = arith.constant 16 : index
        %get3A_734 = tpu.vector_load %arg11[%get3A_732, %get3A_733] {strides = array<i32>} : memref<416x32xf32, #tpu.memory_space<vmem>>, vector<1x16xf32>,
        %get3A_735 = vector.shape_cast %get3A_734 : vector<1x16xf32> to vector<16xf32>
        %add3A_736 = arith.addf %add3A_718, %get3A_729 : vector<16xf32>
        %add3A_737 = arith.addf %add3A_719, %get3A_735 : vector<16xf32>
        %mul3A_738 = arith.mulf %get3A_729, %get3A_729 : vector<16xf32>
        %add3A_739 = arith.addf %add3A_723, %mul3A_738 : vector<16xf32>
        %mul3A_740 = arith.mulf %get3A_735, %get3A_735 : vector<16xf32>
        %add3A_741 = arith.addf %add3A_739, %mul3A_740 : vector<16xf32>
        %add3A_742 = arith.constant 25 : i32
        %add3A_743 = arith.addi %mul3A_287, %add3A_742 : i32
        %get3A_744 = arith.index_cast %add3A_743 : i32 to index
        %get3A_745 = arith.constant 0 : index
        %get3A_746 = tpu.vector_load %arg11[%get3A_744, %get3A_745] {strides = array<i32>} : memref<416x32xf32, #tpu.memory_space<vmem>>, vector<1x16xf32>,
        %get3A_747 = vector.shape_cast %get3A_746 : vector<1x16xf32> to vector<16xf32>
        %add3A_748 = arith.constant 25 : i32
        %add3A_749 = arith.addi %mul3A_287, %add3A_748 : i32
        %get3A_750 = arith.index_cast %add3A_749 : i32 to index
        %get3A_751 = arith.constant 16 : index
        %get3A_752 = tpu.vector_load %arg11[%get3A_750, %get3A_751] {strides = array<i32>} : memref<416x32xf32, #tpu.memory_space<vmem>>, vector<1x16xf32>,
        %get3A_753 = vector.shape_cast %get3A_752 : vector<1x16xf32> to vector<16xf32>
        %add3A_754 = arith.addf %add3A_736, %get3A_747 : vector<16xf32>
        %add3A_755 = arith.addf %add3A_737, %get3A_753 : vector<16xf32>
        %mul3A_756 = arith.mulf %get3A_747, %get3A_747 : vector<16xf32>
        %add3A_757 = arith.addf %add3A_741, %mul3A_756 : vector<16xf32>
        %mul3A_758 = arith.mulf %get3A_753, %get3A_753 : vector<16xf32>
        %add3A_759 = arith.addf %add3A_757, %mul3A_758 : vector<16xf32>
        %mul3A_760 = arith.constant 16 : i32
        %mul3A_761 = arith.muli %add3A_238, %mul3A_760 : i32
        %add3A_762 = arith.addi %mul3A_761, %scan3A_285 : i32
        %mul3A_763 = arith.constant 32 : i32
        %mul3A_764 = arith.muli %add3A_762, %mul3A_763 : i32
        %swap3A = arith.index_cast %mul3A_764 : i32 to index
        %swap3A_765 = tpu.vector_load %arg14[%swap3A] {strides = array<i32>} : memref<16384xf32, #tpu.memory_space<vmem>>, vector<16xf32>,
        %swap3A_766 = vector.shape_cast %swap3A_765 : vector<16xf32> to vector<16xf32>
        %swap3A_767 = vector.shape_cast %add3A_754 : vector<16xf32> to vector<16xf32>
        tpu.vector_store %arg14[%swap3A], %swap3A_767 {strides = array<i32>} : memref<16384xf32, #tpu.memory_space<vmem>>, vector<16xf32>,
        %add3A_768 = arith.constant 16 : i32
        %add3A_769 = arith.addi %mul3A_764, %add3A_768 : i32
        %swap3A_770 = arith.index_cast %add3A_769 : i32 to index
        %swap3A_771 = tpu.vector_load %arg14[%swap3A_770] {strides = array<i32>} : memref<16384xf32, #tpu.memory_space<vmem>>, vector<16xf32>,
        %swap3A_772 = vector.shape_cast %swap3A_771 : vector<16xf32> to vector<16xf32>
        %swap3A_773 = vector.shape_cast %add3A_755 : vector<16xf32> to vector<16xf32>
        tpu.vector_store %arg14[%swap3A_770], %swap3A_773 {strides = array<i32>} : memref<16384xf32, #tpu.memory_space<vmem>>, vector<16xf32>,
        %mul3A_774 = arith.constant 16 : i32
        %mul3A_775 = arith.muli %add3A_238, %mul3A_774 : i32
        %add3A_776 = arith.addi %mul3A_775, %scan3A_285 : i32
        %mul3A_777 = arith.constant 16 : i32
        %mul3A_778 = arith.muli %add3A_776, %mul3A_777 : i32
        %swap3A_779 = arith.index_cast %mul3A_778 : i32 to index
        %swap3A_780 = tpu.vector_load %arg15[%swap3A_779] {strides = array<i32>} : memref<8192xf32, #tpu.memory_space<vmem>>, vector<16xf32>,
        %swap3A_781 = vector.shape_cast %swap3A_780 : vector<16xf32> to vector<16xf32>
        %swap3A_782 = vector.shape_cast %add3A_759 : vector<16xf32> to vector<16xf32>
        tpu.vector_store %arg15[%swap3A_779], %swap3A_782 {strides = array<i32>} : memref<8192xf32, #tpu.memory_space<vmem>>, vector<16xf32>,
      }
      %scan3A_259 = arith.constant 16 : i32
      %mul3A_260 = arith.constant 4 : i32
      %mul3A_261 = arith.muli %scan3A_188, %mul3A_260 : i32
      %add3A_262 = arith.constant 3 : i32
      %add3A_263 = arith.addi %mul3A_261, %add3A_262 : i32
      %add3A_264 = arith.constant 4 : i32
      %add3A_265 = arith.addi %add3A_263, %add3A_264 : i32
      %sub3A_266 = arith.constant 1 : i32
      %sub3A_267 = arith.subi %add3A_265, %sub3A_266 : i32
      %lt3A_268 = arith.constant 32 : i32
      %lt3A_269 = arith.cmpi slt, %sub3A_267, %lt3A_268 : i32
      %convert_element_type3A_270 = arith.extui %lt3A_269 : i1 to i32
      %cond3A_271 = arith.constant 0 : i32
      %cond3A_272 = arith.cmpi ne, %convert_element_type3A_270, %cond3A_271 : i32
      scf.if %cond3A_272 {
        %add3A_285 = arith.constant 4 : i32
        %add3A_286 = arith.addi %add3A_263, %add3A_285 : i32
        %sub3A_287 = arith.constant 1 : i32
        %sub3A_288 = arith.subi %add3A_286, %sub3A_287 : i32
        %mul3A_289 = arith.constant 416 : i32
        %mul3A_290 = arith.muli %sub3A_288, %mul3A_289 : i32
        %add3A_291 = arith.constant 0 : i32
        %add3A_292 = arith.addi %mul3A_290, %add3A_291 : i32
        %dma_start3A_293 = arith.constant 0 : i32
        %dma_start3A_294 = arith.constant 0 : i32
        %dma_start3A_295 = tpu.memref_slice %arg11[%dma_start3A_293, %dma_start3A_294] : memref<416x32xf32, #tpu.memory_space<vmem>> -> memref<104x32xf32, #tpu.memory_space<vmem>>
        %dma_start3A_296 = tpu.memref_slice %arg8[%add3A_292] : memref<13312xi32, #tpu.memory_space<vmem>> -> memref<104xi32, #tpu.memory_space<vmem>>
        %dma_start3A_297 = arith.constant 0 : i32
        %dma_start3A_298 = arith.constant 0 : i32
        %dma_start3A_299 = tpu.memref_slice %arg3[%dma_start3A_297, %dma_start3A_298] : memref<1000000x32xf32, #tpu.memory_space<hbm>> -> memref<1000000x32xf32, #tpu.memory_space<hbm>>
        tpu.enqueue_indirect_dma source(%dma_start3A_299 : memref<1000000x32xf32, #tpu.memory_space<hbm>>) target(%dma_start3A_295 : memref<104x32xf32, #tpu.memory_space<vmem>>) offsets(%dma_start3A_296 : memref<104xi32, #tpu.memory_space<vmem>>) semaphore(%arg18 : memref<!tpu.dma_semaphore, #tpu.memory_space<semaphore_mem>>)
        %mul3A_300 = arith.constant 416 : i32
        %mul3A_301 = arith.muli %sub3A_288, %mul3A_300 : i32
        %add3A_302 = arith.constant 104 : i32
        %add3A_303 = arith.addi %mul3A_301, %add3A_302 : i32
        %dma_start3A_304 = arith.constant 104 : i32
        %dma_start3A_305 = arith.constant 0 : i32
        %dma_start3A_306 = tpu.memref_slice %arg11[%dma_start3A_304, %dma_start3A_305] : memref<416x32xf32, #tpu.memory_space<vmem>> -> memref<104x32xf32, #tpu.memory_space<vmem>>
        %dma_start3A_307 = tpu.memref_slice %arg8[%add3A_303] : memref<13312xi32, #tpu.memory_space<vmem>> -> memref<104xi32, #tpu.memory_space<vmem>>
        %dma_start3A_308 = arith.constant 0 : i32
        %dma_start3A_309 = arith.constant 0 : i32
        %dma_start3A_310 = tpu.memref_slice %arg3[%dma_start3A_308, %dma_start3A_309] : memref<1000000x32xf32, #tpu.memory_space<hbm>> -> memref<1000000x32xf32, #tpu.memory_space<hbm>>
        tpu.enqueue_indirect_dma source(%dma_start3A_310 : memref<1000000x32xf32, #tpu.memory_space<hbm>>) target(%dma_start3A_306 : memref<104x32xf32, #tpu.memory_space<vmem>>) offsets(%dma_start3A_307 : memref<104xi32, #tpu.memory_space<vmem>>) semaphore(%arg18 : memref<!tpu.dma_semaphore, #tpu.memory_space<semaphore_mem>>)
        %mul3A_311 = arith.constant 416 : i32
        %mul3A_312 = arith.muli %sub3A_288, %mul3A_311 : i32
        %add3A_313 = arith.constant 208 : i32
        %add3A_314 = arith.addi %mul3A_312, %add3A_313 : i32
        %dma_start3A_315 = arith.constant 208 : i32
        %dma_start3A_316 = arith.constant 0 : i32
        %dma_start3A_317 = tpu.memref_slice %arg11[%dma_start3A_315, %dma_start3A_316] : memref<416x32xf32, #tpu.memory_space<vmem>> -> memref<104x32xf32, #tpu.memory_space<vmem>>
        %dma_start3A_318 = tpu.memref_slice %arg8[%add3A_314] : memref<13312xi32, #tpu.memory_space<vmem>> -> memref<104xi32, #tpu.memory_space<vmem>>
        %dma_start3A_319 = arith.constant 0 : i32
        %dma_start3A_320 = arith.constant 0 : i32
        %dma_start3A_321 = tpu.memref_slice %arg3[%dma_start3A_319, %dma_start3A_320] : memref<1000000x32xf32, #tpu.memory_space<hbm>> -> memref<1000000x32xf32, #tpu.memory_space<hbm>>
        tpu.enqueue_indirect_dma source(%dma_start3A_321 : memref<1000000x32xf32, #tpu.memory_space<hbm>>) target(%dma_start3A_317 : memref<104x32xf32, #tpu.memory_space<vmem>>) offsets(%dma_start3A_318 : memref<104xi32, #tpu.memory_space<vmem>>) semaphore(%arg18 : memref<!tpu.dma_semaphore, #tpu.memory_space<semaphore_mem>>)
        %mul3A_322 = arith.constant 416 : i32
        %mul3A_323 = arith.muli %sub3A_288, %mul3A_322 : i32
        %add3A_324 = arith.constant 312 : i32
        %add3A_325 = arith.addi %mul3A_323, %add3A_324 : i32
        %dma_start3A_326 = arith.constant 312 : i32
        %dma_start3A_327 = arith.constant 0 : i32
        %dma_start3A_328 = tpu.memref_slice %arg11[%dma_start3A_326, %dma_start3A_327] : memref<416x32xf32, #tpu.memory_space<vmem>> -> memref<104x32xf32, #tpu.memory_space<vmem>>
        %dma_start3A_329 = tpu.memref_slice %arg8[%add3A_325] : memref<13312xi32, #tpu.memory_space<vmem>> -> memref<104xi32, #tpu.memory_space<vmem>>
        %dma_start3A_330 = arith.constant 0 : i32
        %dma_start3A_331 = arith.constant 0 : i32
        %dma_start3A_332 = tpu.memref_slice %arg3[%dma_start3A_330, %dma_start3A_331] : memref<1000000x32xf32, #tpu.memory_space<hbm>> -> memref<1000000x32xf32, #tpu.memory_space<hbm>>
        tpu.enqueue_indirect_dma source(%dma_start3A_332 : memref<1000000x32xf32, #tpu.memory_space<hbm>>) target(%dma_start3A_328 : memref<104x32xf32, #tpu.memory_space<vmem>>) offsets(%dma_start3A_329 : memref<104xi32, #tpu.memory_space<vmem>>) semaphore(%arg18 : memref<!tpu.dma_semaphore, #tpu.memory_space<semaphore_mem>>)
        %mul3A_333 = arith.constant 416 : i32
        %mul3A_334 = arith.muli %sub3A_288, %mul3A_333 : i32
        %add3A_335 = arith.constant 0 : i32
        %add3A_336 = arith.addi %mul3A_334, %add3A_335 : i32
        %dma_start3A_337 = tpu.memref_slice %arg13[%add3A_336] : memref<13312xf32, #tpu.memory_space<vmem>> -> memref<104xf32, #tpu.memory_space<vmem>>
        %dma_start3A_338 = tpu.memref_slice %arg8[%add3A_336] : memref<13312xi32, #tpu.memory_space<vmem>> -> memref<104xi32, #tpu.memory_space<vmem>>
        %dma_start3A_339 = arith.constant 0 : i32
        %dma_start3A_340 = tpu.memref_slice %arg4[%dma_start3A_339] : memref<1000000xf32, #tpu.memory_space<hbm>> -> memref<1000000xf32, #tpu.memory_space<hbm>>
        tpu.enqueue_indirect_dma source(%dma_start3A_340 : memref<1000000xf32, #tpu.memory_space<hbm>>) target(%dma_start3A_337 : memref<104xf32, #tpu.memory_space<vmem>>) offsets(%dma_start3A_338 : memref<104xi32, #tpu.memory_space<vmem>>) semaphore(%arg20 : memref<!tpu.dma_semaphore, #tpu.memory_space<semaphore_mem>>)
        %mul3A_341 = arith.constant 416 : i32
        %mul3A_342 = arith.muli %sub3A_288, %mul3A_341 : i32
        %add3A_343 = arith.constant 104 : i32
        %add3A_344 = arith.addi %mul3A_342, %add3A_343 : i32
        %dma_start3A_345 = tpu.memref_slice %arg13[%add3A_344] : memref<13312xf32, #tpu.memory_space<vmem>> -> memref<104xf32, #tpu.memory_space<vmem>>
        %dma_start3A_346 = tpu.memref_slice %arg8[%add3A_344] : memref<13312xi32, #tpu.memory_space<vmem>> -> memref<104xi32, #tpu.memory_space<vmem>>
        %dma_start3A_347 = arith.constant 0 : i32
        %dma_start3A_348 = tpu.memref_slice %arg4[%dma_start3A_347] : memref<1000000xf32, #tpu.memory_space<hbm>> -> memref<1000000xf32, #tpu.memory_space<hbm>>
        tpu.enqueue_indirect_dma source(%dma_start3A_348 : memref<1000000xf32, #tpu.memory_space<hbm>>) target(%dma_start3A_345 : memref<104xf32, #tpu.memory_space<vmem>>) offsets(%dma_start3A_346 : memref<104xi32, #tpu.memory_space<vmem>>) semaphore(%arg20 : memref<!tpu.dma_semaphore, #tpu.memory_space<semaphore_mem>>)
        %mul3A_349 = arith.constant 416 : i32
        %mul3A_350 = arith.muli %sub3A_288, %mul3A_349 : i32
        %add3A_351 = arith.constant 208 : i32
        %add3A_352 = arith.addi %mul3A_350, %add3A_351 : i32
        %dma_start3A_353 = tpu.memref_slice %arg13[%add3A_352] : memref<13312xf32, #tpu.memory_space<vmem>> -> memref<104xf32, #tpu.memory_space<vmem>>
        %dma_start3A_354 = tpu.memref_slice %arg8[%add3A_352] : memref<13312xi32, #tpu.memory_space<vmem>> -> memref<104xi32, #tpu.memory_space<vmem>>
        %dma_start3A_355 = arith.constant 0 : i32
        %dma_start3A_356 = tpu.memref_slice %arg4[%dma_start3A_355] : memref<1000000xf32, #tpu.memory_space<hbm>> -> memref<1000000xf32, #tpu.memory_space<hbm>>
        tpu.enqueue_indirect_dma source(%dma_start3A_356 : memref<1000000xf32, #tpu.memory_space<hbm>>) target(%dma_start3A_353 : memref<104xf32, #tpu.memory_space<vmem>>) offsets(%dma_start3A_354 : memref<104xi32, #tpu.memory_space<vmem>>) semaphore(%arg20 : memref<!tpu.dma_semaphore, #tpu.memory_space<semaphore_mem>>)
        %mul3A_357 = arith.constant 416 : i32
        %mul3A_358 = arith.muli %sub3A_288, %mul3A_357 : i32
        %add3A_359 = arith.constant 312 : i32
        %add3A_360 = arith.addi %mul3A_358, %add3A_359 : i32
        %dma_start3A_361 = tpu.memref_slice %arg13[%add3A_360] : memref<13312xf32, #tpu.memory_space<vmem>> -> memref<104xf32, #tpu.memory_space<vmem>>
        %dma_start3A_362 = tpu.memref_slice %arg8[%add3A_360] : memref<13312xi32, #tpu.memory_space<vmem>> -> memref<104xi32, #tpu.memory_space<vmem>>
        %dma_start3A_363 = arith.constant 0 : i32
        %dma_start3A_364 = tpu.memref_slice %arg4[%dma_start3A_363] : memref<1000000xf32, #tpu.memory_space<hbm>> -> memref<1000000xf32, #tpu.memory_space<hbm>>
        tpu.enqueue_indirect_dma source(%dma_start3A_364 : memref<1000000xf32, #tpu.memory_space<hbm>>) target(%dma_start3A_361 : memref<104xf32, #tpu.memory_space<vmem>>) offsets(%dma_start3A_362 : memref<104xi32, #tpu.memory_space<vmem>>) semaphore(%arg20 : memref<!tpu.dma_semaphore, #tpu.memory_space<semaphore_mem>>)
      } else {
      }
      %dma_wait3A_273 = arith.constant 0 : i32
      %dma_wait3A_274 = arith.constant 0 : i32
      %dma_wait3A_275 = tpu.memref_slice %arg3[%dma_wait3A_273, %dma_wait3A_274] : memref<1000000x32xf32, #tpu.memory_space<hbm>> -> memref<416x32xf32, #tpu.memory_space<hbm>>
      %dma_wait3A_276 = arith.constant 0 : i32
      %dma_wait3A_277 = arith.constant 0 : i32
      %dma_wait3A_278 = tpu.memref_slice %arg3[%dma_wait3A_276, %dma_wait3A_277] : memref<1000000x32xf32, #tpu.memory_space<hbm>> -> memref<416x32xf32, #tpu.memory_space<hbm>>
      tpu.wait_dma2 semaphore(%arg19 : memref<!tpu.dma_semaphore, #tpu.memory_space<semaphore_mem>>) src(%dma_wait3A_278 : memref<416x32xf32, #tpu.memory_space<hbm>>) dst(%arg12 : memref<416x32xf32, #tpu.memory_space<vmem>>)
      %scan3A_279 = arith.constant 0 : i32
      %scan3A_280 = arith.constant 0 : i32
      %scan3A_281 = arith.constant 16 : i32
      %scan3A_282 = arith.addi %scan3A_280, %scan3A_281 : i32
      %scan3A_283 = arith.constant 1 : i32
      scf.for %scan3A_285 = %scan3A_280 to %scan3A_282 step %scan3A_283  : i32 {
        %mul3A_286 = arith.constant 26 : i32
        %mul3A_287 = arith.muli %scan3A_285, %mul3A_286 : i32
        %broadcast_in_dim3A = arith.constant 0.000000e+00 : f32
        %broadcast_in_dim3A_288 = vector.broadcast %broadcast_in_dim3A : f32 to vector<16xf32>
        %broadcast_in_dim3A_289 = arith.constant 0.000000e+00 : f32
        %broadcast_in_dim3A_290 = vector.broadcast %broadcast_in_dim3A_289 : f32 to vector<16xf32>
        %broadcast_in_dim3A_291 = arith.constant 0.000000e+00 : f32
        %broadcast_in_dim3A_292 = vector.broadcast %broadcast_in_dim3A_291 : f32 to vector<16xf32>
        %add3A_293 = arith.constant 0 : i32
        %add3A_294 = arith.addi %mul3A_287, %add3A_293 : i32
        %get3A = arith.index_cast %add3A_294 : i32 to index
        %get3A_295 = arith.constant 0 : index
        %get3A_296 = tpu.vector_load %arg12[%get3A, %get3A_295] {strides = array<i32>} : memref<416x32xf32, #tpu.memory_space<vmem>>, vector<1x16xf32>,
        %get3A_297 = vector.shape_cast %get3A_296 : vector<1x16xf32> to vector<16xf32>
        %add3A_298 = arith.constant 0 : i32
        %add3A_299 = arith.addi %mul3A_287, %add3A_298 : i32
        %get3A_300 = arith.index_cast %add3A_299 : i32 to index
        %get3A_301 = arith.constant 16 : index
        %get3A_302 = tpu.vector_load %arg12[%get3A_300, %get3A_301] {strides = array<i32>} : memref<416x32xf32, #tpu.memory_space<vmem>>, vector<1x16xf32>,
        %get3A_303 = vector.shape_cast %get3A_302 : vector<1x16xf32> to vector<16xf32>
        %add3A_304 = arith.addf %broadcast_in_dim3A_288, %get3A_297 : vector<16xf32>
        %add3A_305 = arith.addf %broadcast_in_dim3A_290, %get3A_303 : vector<16xf32>
        %mul3A_306 = arith.mulf %get3A_297, %get3A_297 : vector<16xf32>
        %add3A_307 = arith.addf %broadcast_in_dim3A_292, %mul3A_306 : vector<16xf32>
        %mul3A_308 = arith.mulf %get3A_303, %get3A_303 : vector<16xf32>
        %add3A_309 = arith.addf %add3A_307, %mul3A_308 : vector<16xf32>
        %add3A_310 = arith.constant 1 : i32
        %add3A_311 = arith.addi %mul3A_287, %add3A_310 : i32
        %get3A_312 = arith.index_cast %add3A_311 : i32 to index
        %get3A_313 = arith.constant 0 : index
        %get3A_314 = tpu.vector_load %arg12[%get3A_312, %get3A_313] {strides = array<i32>} : memref<416x32xf32, #tpu.memory_space<vmem>>, vector<1x16xf32>,
        %get3A_315 = vector.shape_cast %get3A_314 : vector<1x16xf32> to vector<16xf32>
        %add3A_316 = arith.constant 1 : i32
        %add3A_317 = arith.addi %mul3A_287, %add3A_316 : i32
        %get3A_318 = arith.index_cast %add3A_317 : i32 to index
        %get3A_319 = arith.constant 16 : index
        %get3A_320 = tpu.vector_load %arg12[%get3A_318, %get3A_319] {strides = array<i32>} : memref<416x32xf32, #tpu.memory_space<vmem>>, vector<1x16xf32>,
        %get3A_321 = vector.shape_cast %get3A_320 : vector<1x16xf32> to vector<16xf32>
        %add3A_322 = arith.addf %add3A_304, %get3A_315 : vector<16xf32>
        %add3A_323 = arith.addf %add3A_305, %get3A_321 : vector<16xf32>
        %mul3A_324 = arith.mulf %get3A_315, %get3A_315 : vector<16xf32>
        %add3A_325 = arith.addf %add3A_309, %mul3A_324 : vector<16xf32>
        %mul3A_326 = arith.mulf %get3A_321, %get3A_321 : vector<16xf32>
        %add3A_327 = arith.addf %add3A_325, %mul3A_326 : vector<16xf32>
        %add3A_328 = arith.constant 2 : i32
        %add3A_329 = arith.addi %mul3A_287, %add3A_328 : i32
        %get3A_330 = arith.index_cast %add3A_329 : i32 to index
        %get3A_331 = arith.constant 0 : index
        %get3A_332 = tpu.vector_load %arg12[%get3A_330, %get3A_331] {strides = array<i32>} : memref<416x32xf32, #tpu.memory_space<vmem>>, vector<1x16xf32>,
        %get3A_333 = vector.shape_cast %get3A_332 : vector<1x16xf32> to vector<16xf32>
        %add3A_334 = arith.constant 2 : i32
        %add3A_335 = arith.addi %mul3A_287, %add3A_334 : i32
        %get3A_336 = arith.index_cast %add3A_335 : i32 to index
        %get3A_337 = arith.constant 16 : index
        %get3A_338 = tpu.vector_load %arg12[%get3A_336, %get3A_337] {strides = array<i32>} : memref<416x32xf32, #tpu.memory_space<vmem>>, vector<1x16xf32>,
        %get3A_339 = vector.shape_cast %get3A_338 : vector<1x16xf32> to vector<16xf32>
        %add3A_340 = arith.addf %add3A_322, %get3A_333 : vector<16xf32>
        %add3A_341 = arith.addf %add3A_323, %get3A_339 : vector<16xf32>
        %mul3A_342 = arith.mulf %get3A_333, %get3A_333 : vector<16xf32>
        %add3A_343 = arith.addf %add3A_327, %mul3A_342 : vector<16xf32>
        %mul3A_344 = arith.mulf %get3A_339, %get3A_339 : vector<16xf32>
        %add3A_345 = arith.addf %add3A_343, %mul3A_344 : vector<16xf32>
        %add3A_346 = arith.constant 3 : i32
        %add3A_347 = arith.addi %mul3A_287, %add3A_346 : i32
        %get3A_348 = arith.index_cast %add3A_347 : i32 to index
        %get3A_349 = arith.constant 0 : index
        %get3A_350 = tpu.vector_load %arg12[%get3A_348, %get3A_349] {strides = array<i32>} : memref<416x32xf32, #tpu.memory_space<vmem>>, vector<1x16xf32>,
        %get3A_351 = vector.shape_cast %get3A_350 : vector<1x16xf32> to vector<16xf32>
        %add3A_352 = arith.constant 3 : i32
        %add3A_353 = arith.addi %mul3A_287, %add3A_352 : i32
        %get3A_354 = arith.index_cast %add3A_353 : i32 to index
        %get3A_355 = arith.constant 16 : index
        %get3A_356 = tpu.vector_load %arg12[%get3A_354, %get3A_355] {strides = array<i32>} : memref<416x32xf32, #tpu.memory_space<vmem>>, vector<1x16xf32>,
        %get3A_357 = vector.shape_cast %get3A_356 : vector<1x16xf32> to vector<16xf32>
        %add3A_358 = arith.addf %add3A_340, %get3A_351 : vector<16xf32>
        %add3A_359 = arith.addf %add3A_341, %get3A_357 : vector<16xf32>
        %mul3A_360 = arith.mulf %get3A_351, %get3A_351 : vector<16xf32>
        %add3A_361 = arith.addf %add3A_345, %mul3A_360 : vector<16xf32>
        %mul3A_362 = arith.mulf %get3A_357, %get3A_357 : vector<16xf32>
        %add3A_363 = arith.addf %add3A_361, %mul3A_362 : vector<16xf32>
        %add3A_364 = arith.constant 4 : i32
        %add3A_365 = arith.addi %mul3A_287, %add3A_364 : i32
        %get3A_366 = arith.index_cast %add3A_365 : i32 to index
        %get3A_367 = arith.constant 0 : index
        %get3A_368 = tpu.vector_load %arg12[%get3A_366, %get3A_367] {strides = array<i32>} : memref<416x32xf32, #tpu.memory_space<vmem>>, vector<1x16xf32>,
        %get3A_369 = vector.shape_cast %get3A_368 : vector<1x16xf32> to vector<16xf32>
        %add3A_370 = arith.constant 4 : i32
        %add3A_371 = arith.addi %mul3A_287, %add3A_370 : i32
        %get3A_372 = arith.index_cast %add3A_371 : i32 to index
        %get3A_373 = arith.constant 16 : index
        %get3A_374 = tpu.vector_load %arg12[%get3A_372, %get3A_373] {strides = array<i32>} : memref<416x32xf32, #tpu.memory_space<vmem>>, vector<1x16xf32>,
        %get3A_375 = vector.shape_cast %get3A_374 : vector<1x16xf32> to vector<16xf32>
        %add3A_376 = arith.addf %add3A_358, %get3A_369 : vector<16xf32>
        %add3A_377 = arith.addf %add3A_359, %get3A_375 : vector<16xf32>
        %mul3A_378 = arith.mulf %get3A_369, %get3A_369 : vector<16xf32>
        %add3A_379 = arith.addf %add3A_363, %mul3A_378 : vector<16xf32>
        %mul3A_380 = arith.mulf %get3A_375, %get3A_375 : vector<16xf32>
        %add3A_381 = arith.addf %add3A_379, %mul3A_380 : vector<16xf32>
        %add3A_382 = arith.constant 5 : i32
        %add3A_383 = arith.addi %mul3A_287, %add3A_382 : i32
        %get3A_384 = arith.index_cast %add3A_383 : i32 to index
        %get3A_385 = arith.constant 0 : index
        %get3A_386 = tpu.vector_load %arg12[%get3A_384, %get3A_385] {strides = array<i32>} : memref<416x32xf32, #tpu.memory_space<vmem>>, vector<1x16xf32>,
        %get3A_387 = vector.shape_cast %get3A_386 : vector<1x16xf32> to vector<16xf32>
        %add3A_388 = arith.constant 5 : i32
        %add3A_389 = arith.addi %mul3A_287, %add3A_388 : i32
        %get3A_390 = arith.index_cast %add3A_389 : i32 to index
        %get3A_391 = arith.constant 16 : index
        %get3A_392 = tpu.vector_load %arg12[%get3A_390, %get3A_391] {strides = array<i32>} : memref<416x32xf32, #tpu.memory_space<vmem>>, vector<1x16xf32>,
        %get3A_393 = vector.shape_cast %get3A_392 : vector<1x16xf32> to vector<16xf32>
        %add3A_394 = arith.addf %add3A_376, %get3A_387 : vector<16xf32>
        %add3A_395 = arith.addf %add3A_377, %get3A_393 : vector<16xf32>
        %mul3A_396 = arith.mulf %get3A_387, %get3A_387 : vector<16xf32>
        %add3A_397 = arith.addf %add3A_381, %mul3A_396 : vector<16xf32>
        %mul3A_398 = arith.mulf %get3A_393, %get3A_393 : vector<16xf32>
        %add3A_399 = arith.addf %add3A_397, %mul3A_398 : vector<16xf32>
        %add3A_400 = arith.constant 6 : i32
        %add3A_401 = arith.addi %mul3A_287, %add3A_400 : i32
        %get3A_402 = arith.index_cast %add3A_401 : i32 to index
        %get3A_403 = arith.constant 0 : index
        %get3A_404 = tpu.vector_load %arg12[%get3A_402, %get3A_403] {strides = array<i32>} : memref<416x32xf32, #tpu.memory_space<vmem>>, vector<1x16xf32>,
        %get3A_405 = vector.shape_cast %get3A_404 : vector<1x16xf32> to vector<16xf32>
        %add3A_406 = arith.constant 6 : i32
        %add3A_407 = arith.addi %mul3A_287, %add3A_406 : i32
        %get3A_408 = arith.index_cast %add3A_407 : i32 to index
        %get3A_409 = arith.constant 16 : index
        %get3A_410 = tpu.vector_load %arg12[%get3A_408, %get3A_409] {strides = array<i32>} : memref<416x32xf32, #tpu.memory_space<vmem>>, vector<1x16xf32>,
        %get3A_411 = vector.shape_cast %get3A_410 : vector<1x16xf32> to vector<16xf32>
        %add3A_412 = arith.addf %add3A_394, %get3A_405 : vector<16xf32>
        %add3A_413 = arith.addf %add3A_395, %get3A_411 : vector<16xf32>
        %mul3A_414 = arith.mulf %get3A_405, %get3A_405 : vector<16xf32>
        %add3A_415 = arith.addf %add3A_399, %mul3A_414 : vector<16xf32>
        %mul3A_416 = arith.mulf %get3A_411, %get3A_411 : vector<16xf32>
        %add3A_417 = arith.addf %add3A_415, %mul3A_416 : vector<16xf32>
        %add3A_418 = arith.constant 7 : i32
        %add3A_419 = arith.addi %mul3A_287, %add3A_418 : i32
        %get3A_420 = arith.index_cast %add3A_419 : i32 to index
        %get3A_421 = arith.constant 0 : index
        %get3A_422 = tpu.vector_load %arg12[%get3A_420, %get3A_421] {strides = array<i32>} : memref<416x32xf32, #tpu.memory_space<vmem>>, vector<1x16xf32>,
        %get3A_423 = vector.shape_cast %get3A_422 : vector<1x16xf32> to vector<16xf32>
        %add3A_424 = arith.constant 7 : i32
        %add3A_425 = arith.addi %mul3A_287, %add3A_424 : i32
        %get3A_426 = arith.index_cast %add3A_425 : i32 to index
        %get3A_427 = arith.constant 16 : index
        %get3A_428 = tpu.vector_load %arg12[%get3A_426, %get3A_427] {strides = array<i32>} : memref<416x32xf32, #tpu.memory_space<vmem>>, vector<1x16xf32>,
        %get3A_429 = vector.shape_cast %get3A_428 : vector<1x16xf32> to vector<16xf32>
        %add3A_430 = arith.addf %add3A_412, %get3A_423 : vector<16xf32>
        %add3A_431 = arith.addf %add3A_413, %get3A_429 : vector<16xf32>
        %mul3A_432 = arith.mulf %get3A_423, %get3A_423 : vector<16xf32>
        %add3A_433 = arith.addf %add3A_417, %mul3A_432 : vector<16xf32>
        %mul3A_434 = arith.mulf %get3A_429, %get3A_429 : vector<16xf32>
        %add3A_435 = arith.addf %add3A_433, %mul3A_434 : vector<16xf32>
        %add3A_436 = arith.constant 8 : i32
        %add3A_437 = arith.addi %mul3A_287, %add3A_436 : i32
        %get3A_438 = arith.index_cast %add3A_437 : i32 to index
        %get3A_439 = arith.constant 0 : index
        %get3A_440 = tpu.vector_load %arg12[%get3A_438, %get3A_439] {strides = array<i32>} : memref<416x32xf32, #tpu.memory_space<vmem>>, vector<1x16xf32>,
        %get3A_441 = vector.shape_cast %get3A_440 : vector<1x16xf32> to vector<16xf32>
        %add3A_442 = arith.constant 8 : i32
        %add3A_443 = arith.addi %mul3A_287, %add3A_442 : i32
        %get3A_444 = arith.index_cast %add3A_443 : i32 to index
        %get3A_445 = arith.constant 16 : index
        %get3A_446 = tpu.vector_load %arg12[%get3A_444, %get3A_445] {strides = array<i32>} : memref<416x32xf32, #tpu.memory_space<vmem>>, vector<1x16xf32>,
        %get3A_447 = vector.shape_cast %get3A_446 : vector<1x16xf32> to vector<16xf32>
        %add3A_448 = arith.addf %add3A_430, %get3A_441 : vector<16xf32>
        %add3A_449 = arith.addf %add3A_431, %get3A_447 : vector<16xf32>
        %mul3A_450 = arith.mulf %get3A_441, %get3A_441 : vector<16xf32>
        %add3A_451 = arith.addf %add3A_435, %mul3A_450 : vector<16xf32>
        %mul3A_452 = arith.mulf %get3A_447, %get3A_447 : vector<16xf32>
        %add3A_453 = arith.addf %add3A_451, %mul3A_452 : vector<16xf32>
        %add3A_454 = arith.constant 9 : i32
        %add3A_455 = arith.addi %mul3A_287, %add3A_454 : i32
        %get3A_456 = arith.index_cast %add3A_455 : i32 to index
        %get3A_457 = arith.constant 0 : index
        %get3A_458 = tpu.vector_load %arg12[%get3A_456, %get3A_457] {strides = array<i32>} : memref<416x32xf32, #tpu.memory_space<vmem>>, vector<1x16xf32>,
        %get3A_459 = vector.shape_cast %get3A_458 : vector<1x16xf32> to vector<16xf32>
        %add3A_460 = arith.constant 9 : i32
        %add3A_461 = arith.addi %mul3A_287, %add3A_460 : i32
        %get3A_462 = arith.index_cast %add3A_461 : i32 to index
        %get3A_463 = arith.constant 16 : index
        %get3A_464 = tpu.vector_load %arg12[%get3A_462, %get3A_463] {strides = array<i32>} : memref<416x32xf32, #tpu.memory_space<vmem>>, vector<1x16xf32>,
        %get3A_465 = vector.shape_cast %get3A_464 : vector<1x16xf32> to vector<16xf32>
        %add3A_466 = arith.addf %add3A_448, %get3A_459 : vector<16xf32>
        %add3A_467 = arith.addf %add3A_449, %get3A_465 : vector<16xf32>
        %mul3A_468 = arith.mulf %get3A_459, %get3A_459 : vector<16xf32>
        %add3A_469 = arith.addf %add3A_453, %mul3A_468 : vector<16xf32>
        %mul3A_470 = arith.mulf %get3A_465, %get3A_465 : vector<16xf32>
        %add3A_471 = arith.addf %add3A_469, %mul3A_470 : vector<16xf32>
        %add3A_472 = arith.constant 10 : i32
        %add3A_473 = arith.addi %mul3A_287, %add3A_472 : i32
        %get3A_474 = arith.index_cast %add3A_473 : i32 to index
        %get3A_475 = arith.constant 0 : index
        %get3A_476 = tpu.vector_load %arg12[%get3A_474, %get3A_475] {strides = array<i32>} : memref<416x32xf32, #tpu.memory_space<vmem>>, vector<1x16xf32>,
        %get3A_477 = vector.shape_cast %get3A_476 : vector<1x16xf32> to vector<16xf32>
        %add3A_478 = arith.constant 10 : i32
        %add3A_479 = arith.addi %mul3A_287, %add3A_478 : i32
        %get3A_480 = arith.index_cast %add3A_479 : i32 to index
        %get3A_481 = arith.constant 16 : index
        %get3A_482 = tpu.vector_load %arg12[%get3A_480, %get3A_481] {strides = array<i32>} : memref<416x32xf32, #tpu.memory_space<vmem>>, vector<1x16xf32>,
        %get3A_483 = vector.shape_cast %get3A_482 : vector<1x16xf32> to vector<16xf32>
        %add3A_484 = arith.addf %add3A_466, %get3A_477 : vector<16xf32>
        %add3A_485 = arith.addf %add3A_467, %get3A_483 : vector<16xf32>
        %mul3A_486 = arith.mulf %get3A_477, %get3A_477 : vector<16xf32>
        %add3A_487 = arith.addf %add3A_471, %mul3A_486 : vector<16xf32>
        %mul3A_488 = arith.mulf %get3A_483, %get3A_483 : vector<16xf32>
        %add3A_489 = arith.addf %add3A_487, %mul3A_488 : vector<16xf32>
        %add3A_490 = arith.constant 11 : i32
        %add3A_491 = arith.addi %mul3A_287, %add3A_490 : i32
        %get3A_492 = arith.index_cast %add3A_491 : i32 to index
        %get3A_493 = arith.constant 0 : index
        %get3A_494 = tpu.vector_load %arg12[%get3A_492, %get3A_493] {strides = array<i32>} : memref<416x32xf32, #tpu.memory_space<vmem>>, vector<1x16xf32>,
        %get3A_495 = vector.shape_cast %get3A_494 : vector<1x16xf32> to vector<16xf32>
        %add3A_496 = arith.constant 11 : i32
        %add3A_497 = arith.addi %mul3A_287, %add3A_496 : i32
        %get3A_498 = arith.index_cast %add3A_497 : i32 to index
        %get3A_499 = arith.constant 16 : index
        %get3A_500 = tpu.vector_load %arg12[%get3A_498, %get3A_499] {strides = array<i32>} : memref<416x32xf32, #tpu.memory_space<vmem>>, vector<1x16xf32>,
        %get3A_501 = vector.shape_cast %get3A_500 : vector<1x16xf32> to vector<16xf32>
        %add3A_502 = arith.addf %add3A_484, %get3A_495 : vector<16xf32>
        %add3A_503 = arith.addf %add3A_485, %get3A_501 : vector<16xf32>
        %mul3A_504 = arith.mulf %get3A_495, %get3A_495 : vector<16xf32>
        %add3A_505 = arith.addf %add3A_489, %mul3A_504 : vector<16xf32>
        %mul3A_506 = arith.mulf %get3A_501, %get3A_501 : vector<16xf32>
        %add3A_507 = arith.addf %add3A_505, %mul3A_506 : vector<16xf32>
        %add3A_508 = arith.constant 12 : i32
        %add3A_509 = arith.addi %mul3A_287, %add3A_508 : i32
        %get3A_510 = arith.index_cast %add3A_509 : i32 to index
        %get3A_511 = arith.constant 0 : index
        %get3A_512 = tpu.vector_load %arg12[%get3A_510, %get3A_511] {strides = array<i32>} : memref<416x32xf32, #tpu.memory_space<vmem>>, vector<1x16xf32>,
        %get3A_513 = vector.shape_cast %get3A_512 : vector<1x16xf32> to vector<16xf32>
        %add3A_514 = arith.constant 12 : i32
        %add3A_515 = arith.addi %mul3A_287, %add3A_514 : i32
        %get3A_516 = arith.index_cast %add3A_515 : i32 to index
        %get3A_517 = arith.constant 16 : index
        %get3A_518 = tpu.vector_load %arg12[%get3A_516, %get3A_517] {strides = array<i32>} : memref<416x32xf32, #tpu.memory_space<vmem>>, vector<1x16xf32>,
        %get3A_519 = vector.shape_cast %get3A_518 : vector<1x16xf32> to vector<16xf32>
        %add3A_520 = arith.addf %add3A_502, %get3A_513 : vector<16xf32>
        %add3A_521 = arith.addf %add3A_503, %get3A_519 : vector<16xf32>
        %mul3A_522 = arith.mulf %get3A_513, %get3A_513 : vector<16xf32>
        %add3A_523 = arith.addf %add3A_507, %mul3A_522 : vector<16xf32>
        %mul3A_524 = arith.mulf %get3A_519, %get3A_519 : vector<16xf32>
        %add3A_525 = arith.addf %add3A_523, %mul3A_524 : vector<16xf32>
        %add3A_526 = arith.constant 13 : i32
        %add3A_527 = arith.addi %mul3A_287, %add3A_526 : i32
        %get3A_528 = arith.index_cast %add3A_527 : i32 to index
        %get3A_529 = arith.constant 0 : index
        %get3A_530 = tpu.vector_load %arg12[%get3A_528, %get3A_529] {strides = array<i32>} : memref<416x32xf32, #tpu.memory_space<vmem>>, vector<1x16xf32>,
        %get3A_531 = vector.shape_cast %get3A_530 : vector<1x16xf32> to vector<16xf32>
        %add3A_532 = arith.constant 13 : i32
        %add3A_533 = arith.addi %mul3A_287, %add3A_532 : i32
        %get3A_534 = arith.index_cast %add3A_533 : i32 to index
        %get3A_535 = arith.constant 16 : index
        %get3A_536 = tpu.vector_load %arg12[%get3A_534, %get3A_535] {strides = array<i32>} : memref<416x32xf32, #tpu.memory_space<vmem>>, vector<1x16xf32>,
        %get3A_537 = vector.shape_cast %get3A_536 : vector<1x16xf32> to vector<16xf32>
        %add3A_538 = arith.addf %add3A_520, %get3A_531 : vector<16xf32>
        %add3A_539 = arith.addf %add3A_521, %get3A_537 : vector<16xf32>
        %mul3A_540 = arith.mulf %get3A_531, %get3A_531 : vector<16xf32>
        %add3A_541 = arith.addf %add3A_525, %mul3A_540 : vector<16xf32>
        %mul3A_542 = arith.mulf %get3A_537, %get3A_537 : vector<16xf32>
        %add3A_543 = arith.addf %add3A_541, %mul3A_542 : vector<16xf32>
        %add3A_544 = arith.constant 14 : i32
        %add3A_545 = arith.addi %mul3A_287, %add3A_544 : i32
        %get3A_546 = arith.index_cast %add3A_545 : i32 to index
        %get3A_547 = arith.constant 0 : index
        %get3A_548 = tpu.vector_load %arg12[%get3A_546, %get3A_547] {strides = array<i32>} : memref<416x32xf32, #tpu.memory_space<vmem>>, vector<1x16xf32>,
        %get3A_549 = vector.shape_cast %get3A_548 : vector<1x16xf32> to vector<16xf32>
        %add3A_550 = arith.constant 14 : i32
        %add3A_551 = arith.addi %mul3A_287, %add3A_550 : i32
        %get3A_552 = arith.index_cast %add3A_551 : i32 to index
        %get3A_553 = arith.constant 16 : index
        %get3A_554 = tpu.vector_load %arg12[%get3A_552, %get3A_553] {strides = array<i32>} : memref<416x32xf32, #tpu.memory_space<vmem>>, vector<1x16xf32>,
        %get3A_555 = vector.shape_cast %get3A_554 : vector<1x16xf32> to vector<16xf32>
        %add3A_556 = arith.addf %add3A_538, %get3A_549 : vector<16xf32>
        %add3A_557 = arith.addf %add3A_539, %get3A_555 : vector<16xf32>
        %mul3A_558 = arith.mulf %get3A_549, %get3A_549 : vector<16xf32>
        %add3A_559 = arith.addf %add3A_543, %mul3A_558 : vector<16xf32>
        %mul3A_560 = arith.mulf %get3A_555, %get3A_555 : vector<16xf32>
        %add3A_561 = arith.addf %add3A_559, %mul3A_560 : vector<16xf32>
        %add3A_562 = arith.constant 15 : i32
        %add3A_563 = arith.addi %mul3A_287, %add3A_562 : i32
        %get3A_564 = arith.index_cast %add3A_563 : i32 to index
        %get3A_565 = arith.constant 0 : index
        %get3A_566 = tpu.vector_load %arg12[%get3A_564, %get3A_565] {strides = array<i32>} : memref<416x32xf32, #tpu.memory_space<vmem>>, vector<1x16xf32>,
        %get3A_567 = vector.shape_cast %get3A_566 : vector<1x16xf32> to vector<16xf32>
        %add3A_568 = arith.constant 15 : i32
        %add3A_569 = arith.addi %mul3A_287, %add3A_568 : i32
        %get3A_570 = arith.index_cast %add3A_569 : i32 to index
        %get3A_571 = arith.constant 16 : index
        %get3A_572 = tpu.vector_load %arg12[%get3A_570, %get3A_571] {strides = array<i32>} : memref<416x32xf32, #tpu.memory_space<vmem>>, vector<1x16xf32>,
        %get3A_573 = vector.shape_cast %get3A_572 : vector<1x16xf32> to vector<16xf32>
        %add3A_574 = arith.addf %add3A_556, %get3A_567 : vector<16xf32>
        %add3A_575 = arith.addf %add3A_557, %get3A_573 : vector<16xf32>
        %mul3A_576 = arith.mulf %get3A_567, %get3A_567 : vector<16xf32>
        %add3A_577 = arith.addf %add3A_561, %mul3A_576 : vector<16xf32>
        %mul3A_578 = arith.mulf %get3A_573, %get3A_573 : vector<16xf32>
        %add3A_579 = arith.addf %add3A_577, %mul3A_578 : vector<16xf32>
        %add3A_580 = arith.constant 16 : i32
        %add3A_581 = arith.addi %mul3A_287, %add3A_580 : i32
        %get3A_582 = arith.index_cast %add3A_581 : i32 to index
        %get3A_583 = arith.constant 0 : index
        %get3A_584 = tpu.vector_load %arg12[%get3A_582, %get3A_583] {strides = array<i32>} : memref<416x32xf32, #tpu.memory_space<vmem>>, vector<1x16xf32>,
        %get3A_585 = vector.shape_cast %get3A_584 : vector<1x16xf32> to vector<16xf32>
        %add3A_586 = arith.constant 16 : i32
        %add3A_587 = arith.addi %mul3A_287, %add3A_586 : i32
        %get3A_588 = arith.index_cast %add3A_587 : i32 to index
        %get3A_589 = arith.constant 16 : index
        %get3A_590 = tpu.vector_load %arg12[%get3A_588, %get3A_589] {strides = array<i32>} : memref<416x32xf32, #tpu.memory_space<vmem>>, vector<1x16xf32>,
        %get3A_591 = vector.shape_cast %get3A_590 : vector<1x16xf32> to vector<16xf32>
        %add3A_592 = arith.addf %add3A_574, %get3A_585 : vector<16xf32>
        %add3A_593 = arith.addf %add3A_575, %get3A_591 : vector<16xf32>
        %mul3A_594 = arith.mulf %get3A_585, %get3A_585 : vector<16xf32>
        %add3A_595 = arith.addf %add3A_579, %mul3A_594 : vector<16xf32>
        %mul3A_596 = arith.mulf %get3A_591, %get3A_591 : vector<16xf32>
        %add3A_597 = arith.addf %add3A_595, %mul3A_596 : vector<16xf32>
        %add3A_598 = arith.constant 17 : i32
        %add3A_599 = arith.addi %mul3A_287, %add3A_598 : i32
        %get3A_600 = arith.index_cast %add3A_599 : i32 to index
        %get3A_601 = arith.constant 0 : index
        %get3A_602 = tpu.vector_load %arg12[%get3A_600, %get3A_601] {strides = array<i32>} : memref<416x32xf32, #tpu.memory_space<vmem>>, vector<1x16xf32>,
        %get3A_603 = vector.shape_cast %get3A_602 : vector<1x16xf32> to vector<16xf32>
        %add3A_604 = arith.constant 17 : i32
        %add3A_605 = arith.addi %mul3A_287, %add3A_604 : i32
        %get3A_606 = arith.index_cast %add3A_605 : i32 to index
        %get3A_607 = arith.constant 16 : index
        %get3A_608 = tpu.vector_load %arg12[%get3A_606, %get3A_607] {strides = array<i32>} : memref<416x32xf32, #tpu.memory_space<vmem>>, vector<1x16xf32>,
        %get3A_609 = vector.shape_cast %get3A_608 : vector<1x16xf32> to vector<16xf32>
        %add3A_610 = arith.addf %add3A_592, %get3A_603 : vector<16xf32>
        %add3A_611 = arith.addf %add3A_593, %get3A_609 : vector<16xf32>
        %mul3A_612 = arith.mulf %get3A_603, %get3A_603 : vector<16xf32>
        %add3A_613 = arith.addf %add3A_597, %mul3A_612 : vector<16xf32>
        %mul3A_614 = arith.mulf %get3A_609, %get3A_609 : vector<16xf32>
        %add3A_615 = arith.addf %add3A_613, %mul3A_614 : vector<16xf32>
        %add3A_616 = arith.constant 18 : i32
        %add3A_617 = arith.addi %mul3A_287, %add3A_616 : i32
        %get3A_618 = arith.index_cast %add3A_617 : i32 to index
        %get3A_619 = arith.constant 0 : index
        %get3A_620 = tpu.vector_load %arg12[%get3A_618, %get3A_619] {strides = array<i32>} : memref<416x32xf32, #tpu.memory_space<vmem>>, vector<1x16xf32>,
        %get3A_621 = vector.shape_cast %get3A_620 : vector<1x16xf32> to vector<16xf32>
        %add3A_622 = arith.constant 18 : i32
        %add3A_623 = arith.addi %mul3A_287, %add3A_622 : i32
        %get3A_624 = arith.index_cast %add3A_623 : i32 to index
        %get3A_625 = arith.constant 16 : index
        %get3A_626 = tpu.vector_load %arg12[%get3A_624, %get3A_625] {strides = array<i32>} : memref<416x32xf32, #tpu.memory_space<vmem>>, vector<1x16xf32>,
        %get3A_627 = vector.shape_cast %get3A_626 : vector<1x16xf32> to vector<16xf32>
        %add3A_628 = arith.addf %add3A_610, %get3A_621 : vector<16xf32>
        %add3A_629 = arith.addf %add3A_611, %get3A_627 : vector<16xf32>
        %mul3A_630 = arith.mulf %get3A_621, %get3A_621 : vector<16xf32>
        %add3A_631 = arith.addf %add3A_615, %mul3A_630 : vector<16xf32>
        %mul3A_632 = arith.mulf %get3A_627, %get3A_627 : vector<16xf32>
        %add3A_633 = arith.addf %add3A_631, %mul3A_632 : vector<16xf32>
        %add3A_634 = arith.constant 19 : i32
        %add3A_635 = arith.addi %mul3A_287, %add3A_634 : i32
        %get3A_636 = arith.index_cast %add3A_635 : i32 to index
        %get3A_637 = arith.constant 0 : index
        %get3A_638 = tpu.vector_load %arg12[%get3A_636, %get3A_637] {strides = array<i32>} : memref<416x32xf32, #tpu.memory_space<vmem>>, vector<1x16xf32>,
        %get3A_639 = vector.shape_cast %get3A_638 : vector<1x16xf32> to vector<16xf32>
        %add3A_640 = arith.constant 19 : i32
        %add3A_641 = arith.addi %mul3A_287, %add3A_640 : i32
        %get3A_642 = arith.index_cast %add3A_641 : i32 to index
        %get3A_643 = arith.constant 16 : index
        %get3A_644 = tpu.vector_load %arg12[%get3A_642, %get3A_643] {strides = array<i32>} : memref<416x32xf32, #tpu.memory_space<vmem>>, vector<1x16xf32>,
        %get3A_645 = vector.shape_cast %get3A_644 : vector<1x16xf32> to vector<16xf32>
        %add3A_646 = arith.addf %add3A_628, %get3A_639 : vector<16xf32>
        %add3A_647 = arith.addf %add3A_629, %get3A_645 : vector<16xf32>
        %mul3A_648 = arith.mulf %get3A_639, %get3A_639 : vector<16xf32>
        %add3A_649 = arith.addf %add3A_633, %mul3A_648 : vector<16xf32>
        %mul3A_650 = arith.mulf %get3A_645, %get3A_645 : vector<16xf32>
        %add3A_651 = arith.addf %add3A_649, %mul3A_650 : vector<16xf32>
        %add3A_652 = arith.constant 20 : i32
        %add3A_653 = arith.addi %mul3A_287, %add3A_652 : i32
        %get3A_654 = arith.index_cast %add3A_653 : i32 to index
        %get3A_655 = arith.constant 0 : index
        %get3A_656 = tpu.vector_load %arg12[%get3A_654, %get3A_655] {strides = array<i32>} : memref<416x32xf32, #tpu.memory_space<vmem>>, vector<1x16xf32>,
        %get3A_657 = vector.shape_cast %get3A_656 : vector<1x16xf32> to vector<16xf32>
        %add3A_658 = arith.constant 20 : i32
        %add3A_659 = arith.addi %mul3A_287, %add3A_658 : i32
        %get3A_660 = arith.index_cast %add3A_659 : i32 to index
        %get3A_661 = arith.constant 16 : index
        %get3A_662 = tpu.vector_load %arg12[%get3A_660, %get3A_661] {strides = array<i32>} : memref<416x32xf32, #tpu.memory_space<vmem>>, vector<1x16xf32>,
        %get3A_663 = vector.shape_cast %get3A_662 : vector<1x16xf32> to vector<16xf32>
        %add3A_664 = arith.addf %add3A_646, %get3A_657 : vector<16xf32>
        %add3A_665 = arith.addf %add3A_647, %get3A_663 : vector<16xf32>
        %mul3A_666 = arith.mulf %get3A_657, %get3A_657 : vector<16xf32>
        %add3A_667 = arith.addf %add3A_651, %mul3A_666 : vector<16xf32>
        %mul3A_668 = arith.mulf %get3A_663, %get3A_663 : vector<16xf32>
        %add3A_669 = arith.addf %add3A_667, %mul3A_668 : vector<16xf32>
        %add3A_670 = arith.constant 21 : i32
        %add3A_671 = arith.addi %mul3A_287, %add3A_670 : i32
        %get3A_672 = arith.index_cast %add3A_671 : i32 to index
        %get3A_673 = arith.constant 0 : index
        %get3A_674 = tpu.vector_load %arg12[%get3A_672, %get3A_673] {strides = array<i32>} : memref<416x32xf32, #tpu.memory_space<vmem>>, vector<1x16xf32>,
        %get3A_675 = vector.shape_cast %get3A_674 : vector<1x16xf32> to vector<16xf32>
        %add3A_676 = arith.constant 21 : i32
        %add3A_677 = arith.addi %mul3A_287, %add3A_676 : i32
        %get3A_678 = arith.index_cast %add3A_677 : i32 to index
        %get3A_679 = arith.constant 16 : index
        %get3A_680 = tpu.vector_load %arg12[%get3A_678, %get3A_679] {strides = array<i32>} : memref<416x32xf32, #tpu.memory_space<vmem>>, vector<1x16xf32>,
        %get3A_681 = vector.shape_cast %get3A_680 : vector<1x16xf32> to vector<16xf32>
        %add3A_682 = arith.addf %add3A_664, %get3A_675 : vector<16xf32>
        %add3A_683 = arith.addf %add3A_665, %get3A_681 : vector<16xf32>
        %mul3A_684 = arith.mulf %get3A_675, %get3A_675 : vector<16xf32>
        %add3A_685 = arith.addf %add3A_669, %mul3A_684 : vector<16xf32>
        %mul3A_686 = arith.mulf %get3A_681, %get3A_681 : vector<16xf32>
        %add3A_687 = arith.addf %add3A_685, %mul3A_686 : vector<16xf32>
        %add3A_688 = arith.constant 22 : i32
        %add3A_689 = arith.addi %mul3A_287, %add3A_688 : i32
        %get3A_690 = arith.index_cast %add3A_689 : i32 to index
        %get3A_691 = arith.constant 0 : index
        %get3A_692 = tpu.vector_load %arg12[%get3A_690, %get3A_691] {strides = array<i32>} : memref<416x32xf32, #tpu.memory_space<vmem>>, vector<1x16xf32>,
        %get3A_693 = vector.shape_cast %get3A_692 : vector<1x16xf32> to vector<16xf32>
        %add3A_694 = arith.constant 22 : i32
        %add3A_695 = arith.addi %mul3A_287, %add3A_694 : i32
        %get3A_696 = arith.index_cast %add3A_695 : i32 to index
        %get3A_697 = arith.constant 16 : index
        %get3A_698 = tpu.vector_load %arg12[%get3A_696, %get3A_697] {strides = array<i32>} : memref<416x32xf32, #tpu.memory_space<vmem>>, vector<1x16xf32>,
        %get3A_699 = vector.shape_cast %get3A_698 : vector<1x16xf32> to vector<16xf32>
        %add3A_700 = arith.addf %add3A_682, %get3A_693 : vector<16xf32>
        %add3A_701 = arith.addf %add3A_683, %get3A_699 : vector<16xf32>
        %mul3A_702 = arith.mulf %get3A_693, %get3A_693 : vector<16xf32>
        %add3A_703 = arith.addf %add3A_687, %mul3A_702 : vector<16xf32>
        %mul3A_704 = arith.mulf %get3A_699, %get3A_699 : vector<16xf32>
        %add3A_705 = arith.addf %add3A_703, %mul3A_704 : vector<16xf32>
        %add3A_706 = arith.constant 23 : i32
        %add3A_707 = arith.addi %mul3A_287, %add3A_706 : i32
        %get3A_708 = arith.index_cast %add3A_707 : i32 to index
        %get3A_709 = arith.constant 0 : index
        %get3A_710 = tpu.vector_load %arg12[%get3A_708, %get3A_709] {strides = array<i32>} : memref<416x32xf32, #tpu.memory_space<vmem>>, vector<1x16xf32>,
        %get3A_711 = vector.shape_cast %get3A_710 : vector<1x16xf32> to vector<16xf32>
        %add3A_712 = arith.constant 23 : i32
        %add3A_713 = arith.addi %mul3A_287, %add3A_712 : i32
        %get3A_714 = arith.index_cast %add3A_713 : i32 to index
        %get3A_715 = arith.constant 16 : index
        %get3A_716 = tpu.vector_load %arg12[%get3A_714, %get3A_715] {strides = array<i32>} : memref<416x32xf32, #tpu.memory_space<vmem>>, vector<1x16xf32>,
        %get3A_717 = vector.shape_cast %get3A_716 : vector<1x16xf32> to vector<16xf32>
        %add3A_718 = arith.addf %add3A_700, %get3A_711 : vector<16xf32>
        %add3A_719 = arith.addf %add3A_701, %get3A_717 : vector<16xf32>
        %mul3A_720 = arith.mulf %get3A_711, %get3A_711 : vector<16xf32>
        %add3A_721 = arith.addf %add3A_705, %mul3A_720 : vector<16xf32>
        %mul3A_722 = arith.mulf %get3A_717, %get3A_717 : vector<16xf32>
        %add3A_723 = arith.addf %add3A_721, %mul3A_722 : vector<16xf32>
        %add3A_724 = arith.constant 24 : i32
        %add3A_725 = arith.addi %mul3A_287, %add3A_724 : i32
        %get3A_726 = arith.index_cast %add3A_725 : i32 to index
        %get3A_727 = arith.constant 0 : index
        %get3A_728 = tpu.vector_load %arg12[%get3A_726, %get3A_727] {strides = array<i32>} : memref<416x32xf32, #tpu.memory_space<vmem>>, vector<1x16xf32>,
        %get3A_729 = vector.shape_cast %get3A_728 : vector<1x16xf32> to vector<16xf32>
        %add3A_730 = arith.constant 24 : i32
        %add3A_731 = arith.addi %mul3A_287, %add3A_730 : i32
        %get3A_732 = arith.index_cast %add3A_731 : i32 to index
        %get3A_733 = arith.constant 16 : index
        %get3A_734 = tpu.vector_load %arg12[%get3A_732, %get3A_733] {strides = array<i32>} : memref<416x32xf32, #tpu.memory_space<vmem>>, vector<1x16xf32>,
        %get3A_735 = vector.shape_cast %get3A_734 : vector<1x16xf32> to vector<16xf32>
        %add3A_736 = arith.addf %add3A_718, %get3A_729 : vector<16xf32>
        %add3A_737 = arith.addf %add3A_719, %get3A_735 : vector<16xf32>
        %mul3A_738 = arith.mulf %get3A_729, %get3A_729 : vector<16xf32>
        %add3A_739 = arith.addf %add3A_723, %mul3A_738 : vector<16xf32>
        %mul3A_740 = arith.mulf %get3A_735, %get3A_735 : vector<16xf32>
        %add3A_741 = arith.addf %add3A_739, %mul3A_740 : vector<16xf32>
        %add3A_742 = arith.constant 25 : i32
        %add3A_743 = arith.addi %mul3A_287, %add3A_742 : i32
        %get3A_744 = arith.index_cast %add3A_743 : i32 to index
        %get3A_745 = arith.constant 0 : index
        %get3A_746 = tpu.vector_load %arg12[%get3A_744, %get3A_745] {strides = array<i32>} : memref<416x32xf32, #tpu.memory_space<vmem>>, vector<1x16xf32>,
        %get3A_747 = vector.shape_cast %get3A_746 : vector<1x16xf32> to vector<16xf32>
        %add3A_748 = arith.constant 25 : i32
        %add3A_749 = arith.addi %mul3A_287, %add3A_748 : i32
        %get3A_750 = arith.index_cast %add3A_749 : i32 to index
        %get3A_751 = arith.constant 16 : index
        %get3A_752 = tpu.vector_load %arg12[%get3A_750, %get3A_751] {strides = array<i32>} : memref<416x32xf32, #tpu.memory_space<vmem>>, vector<1x16xf32>,
        %get3A_753 = vector.shape_cast %get3A_752 : vector<1x16xf32> to vector<16xf32>
        %add3A_754 = arith.addf %add3A_736, %get3A_747 : vector<16xf32>
        %add3A_755 = arith.addf %add3A_737, %get3A_753 : vector<16xf32>
        %mul3A_756 = arith.mulf %get3A_747, %get3A_747 : vector<16xf32>
        %add3A_757 = arith.addf %add3A_741, %mul3A_756 : vector<16xf32>
        %mul3A_758 = arith.mulf %get3A_753, %get3A_753 : vector<16xf32>
        %add3A_759 = arith.addf %add3A_757, %mul3A_758 : vector<16xf32>
        %mul3A_760 = arith.constant 16 : i32
        %mul3A_761 = arith.muli %add3A_263, %mul3A_760 : i32
        %add3A_762 = arith.addi %mul3A_761, %scan3A_285 : i32
        %mul3A_763 = arith.constant 32 : i32
        %mul3A_764 = arith.muli %add3A_762, %mul3A_763 : i32
        %swap3A = arith.index_cast %mul3A_764 : i32 to index
        %swap3A_765 = tpu.vector_load %arg14[%swap3A] {strides = array<i32>} : memref<16384xf32, #tpu.memory_space<vmem>>, vector<16xf32>,
        %swap3A_766 = vector.shape_cast %swap3A_765 : vector<16xf32> to vector<16xf32>
        %swap3A_767 = vector.shape_cast %add3A_754 : vector<16xf32> to vector<16xf32>
        tpu.vector_store %arg14[%swap3A], %swap3A_767 {strides = array<i32>} : memref<16384xf32, #tpu.memory_space<vmem>>, vector<16xf32>,
        %add3A_768 = arith.constant 16 : i32
        %add3A_769 = arith.addi %mul3A_764, %add3A_768 : i32
        %swap3A_770 = arith.index_cast %add3A_769 : i32 to index
        %swap3A_771 = tpu.vector_load %arg14[%swap3A_770] {strides = array<i32>} : memref<16384xf32, #tpu.memory_space<vmem>>, vector<16xf32>,
        %swap3A_772 = vector.shape_cast %swap3A_771 : vector<16xf32> to vector<16xf32>
        %swap3A_773 = vector.shape_cast %add3A_755 : vector<16xf32> to vector<16xf32>
        tpu.vector_store %arg14[%swap3A_770], %swap3A_773 {strides = array<i32>} : memref<16384xf32, #tpu.memory_space<vmem>>, vector<16xf32>,
        %mul3A_774 = arith.constant 16 : i32
        %mul3A_775 = arith.muli %add3A_263, %mul3A_774 : i32
        %add3A_776 = arith.addi %mul3A_775, %scan3A_285 : i32
        %mul3A_777 = arith.constant 16 : i32
        %mul3A_778 = arith.muli %add3A_776, %mul3A_777 : i32
        %swap3A_779 = arith.index_cast %mul3A_778 : i32 to index
        %swap3A_780 = tpu.vector_load %arg15[%swap3A_779] {strides = array<i32>} : memref<8192xf32, #tpu.memory_space<vmem>>, vector<16xf32>,
        %swap3A_781 = vector.shape_cast %swap3A_780 : vector<16xf32> to vector<16xf32>
        %swap3A_782 = vector.shape_cast %add3A_759 : vector<16xf32> to vector<16xf32>
        tpu.vector_store %arg15[%swap3A_779], %swap3A_782 {strides = array<i32>} : memref<8192xf32, #tpu.memory_space<vmem>>, vector<16xf32>,
      }
      %scan3A_284 = arith.constant 16 : i32
    }
    %scan3A_174 = arith.constant 8 : i32
    %mul3A_175 = arith.constant 512 : i32
    %mul3A_176 = arith.muli %add3A, %mul3A_175 : i32
    %mul3A_177 = arith.constant 32 : i32
    %mul3A_178 = arith.muli %mul3A_176, %mul3A_177 : i32
    "tpu.region"() ({
      %run_scoped3A = tpu.sem_alloc : memref<!tpu.dma_semaphore, #tpu.memory_space<semaphore_mem>>
      %dma_start3A_188 = tpu.memref_slice %arg5[%mul3A_178] : memref<524288xf32, #tpu.memory_space<hbm>> -> memref<16384xf32, #tpu.memory_space<hbm>>
      %dma_start3A_189 = tpu.memref_slice %arg5[%mul3A_178] : memref<524288xf32, #tpu.memory_space<hbm>> -> memref<16384xf32, #tpu.memory_space<hbm>>
      tpu.enqueue_dma source(%arg14 : memref<16384xf32, #tpu.memory_space<vmem>>) target(%dma_start3A_189 : memref<16384xf32, #tpu.memory_space<hbm>>) target_semaphore(%run_scoped3A : memref<!tpu.dma_semaphore, #tpu.memory_space<semaphore_mem>>)
      %dma_wait3A_190 = tpu.memref_slice %arg5[%mul3A_178] : memref<524288xf32, #tpu.memory_space<hbm>> -> memref<16384xf32, #tpu.memory_space<hbm>>
      %dma_wait3A_191 = tpu.memref_slice %arg5[%mul3A_178] : memref<524288xf32, #tpu.memory_space<hbm>> -> memref<16384xf32, #tpu.memory_space<hbm>>
      tpu.wait_dma2 semaphore(%run_scoped3A : memref<!tpu.dma_semaphore, #tpu.memory_space<semaphore_mem>>) src(%arg14 : memref<16384xf32, #tpu.memory_space<vmem>>) dst(%dma_wait3A_191 : memref<16384xf32, #tpu.memory_space<hbm>>)
      tpu.yield
    }) : () -> ()
    %mul3A_179 = arith.constant 512 : i32
    %mul3A_180 = arith.muli %add3A, %mul3A_179 : i32
    %mul3A_181 = arith.constant 16 : i32
    %mul3A_182 = arith.muli %mul3A_180, %mul3A_181 : i32
    "tpu.region"() ({
      %run_scoped3A = tpu.sem_alloc : memref<!tpu.dma_semaphore, #tpu.memory_space<semaphore_mem>>
      %dma_start3A_188 = tpu.memref_slice %arg6[%mul3A_182] : memref<262144xf32, #tpu.memory_space<hbm>> -> memref<8192xf32, #tpu.memory_space<hbm>>
      %dma_start3A_189 = tpu.memref_slice %arg6[%mul3A_182] : memref<262144xf32, #tpu.memory_space<hbm>> -> memref<8192xf32, #tpu.memory_space<hbm>>
      tpu.enqueue_dma source(%arg15 : memref<8192xf32, #tpu.memory_space<vmem>>) target(%dma_start3A_189 : memref<8192xf32, #tpu.memory_space<hbm>>) target_semaphore(%run_scoped3A : memref<!tpu.dma_semaphore, #tpu.memory_space<semaphore_mem>>)
      %dma_wait3A_190 = tpu.memref_slice %arg6[%mul3A_182] : memref<262144xf32, #tpu.memory_space<hbm>> -> memref<8192xf32, #tpu.memory_space<hbm>>
      %dma_wait3A_191 = tpu.memref_slice %arg6[%mul3A_182] : memref<262144xf32, #tpu.memory_space<hbm>> -> memref<8192xf32, #tpu.memory_space<hbm>>
      tpu.wait_dma2 semaphore(%run_scoped3A : memref<!tpu.dma_semaphore, #tpu.memory_space<semaphore_mem>>) src(%arg15 : memref<8192xf32, #tpu.memory_space<vmem>>) dst(%dma_wait3A_191 : memref<8192xf32, #tpu.memory_space<hbm>>)
      tpu.yield
    }) : () -> ()
    %dma_wait3A = arith.constant 0 : i32
    %dma_wait3A_183 = tpu.memref_slice %arg4[%dma_wait3A] : memref<1000000xf32, #tpu.memory_space<hbm>> -> memref<13312xf32, #tpu.memory_space<hbm>>
    %dma_wait3A_184 = arith.constant 0 : i32
    %dma_wait3A_185 = tpu.memref_slice %arg4[%dma_wait3A_184] : memref<1000000xf32, #tpu.memory_space<hbm>> -> memref<13312xf32, #tpu.memory_space<hbm>>
    tpu.wait_dma2 semaphore(%arg20 : memref<!tpu.dma_semaphore, #tpu.memory_space<semaphore_mem>>) src(%dma_wait3A_185 : memref<13312xf32, #tpu.memory_space<hbm>>) dst(%arg13 : memref<13312xf32, #tpu.memory_space<vmem>>)
    %mul3A_186 = arith.constant 13312 : i32
    %mul3A_187 = arith.muli %add3A, %mul3A_186 : i32
    "tpu.region"() ({
      %run_scoped3A = tpu.sem_alloc : memref<!tpu.dma_semaphore, #tpu.memory_space<semaphore_mem>>
      %dma_start3A_188 = tpu.memref_slice %arg7[%mul3A_187] : memref<425984xf32, #tpu.memory_space<hbm>> -> memref<13312xf32, #tpu.memory_space<hbm>>
      %dma_start3A_189 = tpu.memref_slice %arg7[%mul3A_187] : memref<425984xf32, #tpu.memory_space<hbm>> -> memref<13312xf32, #tpu.memory_space<hbm>>
      tpu.enqueue_dma source(%arg13 : memref<13312xf32, #tpu.memory_space<vmem>>) target(%dma_start3A_189 : memref<13312xf32, #tpu.memory_space<hbm>>) target_semaphore(%run_scoped3A : memref<!tpu.dma_semaphore, #tpu.memory_space<semaphore_mem>>)
      %dma_wait3A_190 = tpu.memref_slice %arg7[%mul3A_187] : memref<425984xf32, #tpu.memory_space<hbm>> -> memref<13312xf32, #tpu.memory_space<hbm>>
      %dma_wait3A_191 = tpu.memref_slice %arg7[%mul3A_187] : memref<425984xf32, #tpu.memory_space<hbm>> -> memref<13312xf32, #tpu.memory_space<hbm>>
      tpu.wait_dma2 semaphore(%run_scoped3A : memref<!tpu.dma_semaphore, #tpu.memory_space<semaphore_mem>>) src(%arg13 : memref<13312xf32, #tpu.memory_space<vmem>>) dst(%dma_wait3A_191 : memref<13312xf32, #tpu.memory_space<hbm>>)
      tpu.yield
    }) : () -> ()
    return
  }
}

module attributes {stable_mosaic.version = 14 : i64} {
  func.func @_tc_body(%arg0: i32, %arg1: memref<2048x32xf32, #tpu.memory_space<vmem>>, %arg2: memref<2048x16xf32, #tpu.memory_space<vmem>>, %arg3: memref<2048x26xf32, #tpu.memory_space<vmem>>, %arg4: memref<2048x13xf32, #tpu.memory_space<vmem>>, %arg5: memref<1x1xf32, #tpu.memory_space<vmem>>, %arg6: memref<1x13xf32, #tpu.memory_space<vmem>>, %arg7: memref<1x1xf32, #tpu.memory_space<vmem>>, %arg8: memref<32x13xf32, #tpu.memory_space<vmem>>, %arg9: memref<1x32xf32, #tpu.memory_space<vmem>>, %arg10: memref<2048x1xf32, #tpu.memory_space<vmem>>) attributes {dimension_semantics = [#tpu.dimension_semantics<arbitrary>], iteration_bounds = array<i64: 8>, scalar_prefetch = 0 : i64, scratch_operands = 0 : i64, tpu.core_type = #tpu.core_type<tc>, window_params = [{transform_indices = @transform_0, window_bounds = array<i64: 2048, 32>}, {transform_indices = @transform_1, window_bounds = array<i64: 2048, 16>}, {transform_indices = @transform_2, window_bounds = array<i64: 2048, 26>}, {transform_indices = @transform_3, window_bounds = array<i64: 2048, 13>}, {pipeline_mode = #tpu.pipeline_mode<synchronous>, transform_indices = @transform_4, window_bounds = array<i64: 1, 1>}, {pipeline_mode = #tpu.pipeline_mode<synchronous>, transform_indices = @transform_5, window_bounds = array<i64: 1, 13>}, {pipeline_mode = #tpu.pipeline_mode<synchronous>, transform_indices = @transform_6, window_bounds = array<i64: 1, 1>}, {pipeline_mode = #tpu.pipeline_mode<synchronous>, transform_indices = @transform_7, window_bounds = array<i64: 32, 13>}, {pipeline_mode = #tpu.pipeline_mode<synchronous>, transform_indices = @transform_8, window_bounds = array<i64: 1, 32>}, {transform_indices = @transform_9, window_bounds = array<i64: 2048, 1>}]} {
    %get3A = arith.constant 0 : index
    %get3A_0 = arith.constant 0 : index
    %get3A_1 = vector.load %arg4[%get3A, %get3A_0] : memref<2048x13xf32, #tpu.memory_space<vmem>>, vector<2048x13xf32>
    %get3A_2 = arith.constant 0 : index
    %get3A_3 = arith.constant 0 : index
    %get3A_4 = vector.load %arg8[%get3A_2, %get3A_3] : memref<32x13xf32, #tpu.memory_space<vmem>>, vector<32x13xf32>
    %dot_general3A = arith.constant dense<0.000000e+00> : vector<2048x32xf32>
    %dot_general3A_5 = tpu.matmul %get3A_1, %get3A_4, %dot_general3A {dimension_numbers = #tpu.dot_dimension_numbers<[1], [1], [0], [0], [0, 0, 1, 0], [], []>, transpose_lhs_hint = false} : vector<2048x13xf32>, vector<32x13xf32>, vector<2048x32xf32> -> vector<2048x32xf32>
    %get3A_6 = arith.constant 0 : index
    %get3A_7 = arith.constant 0 : index
    %get3A_8 = vector.load %arg9[%get3A_6, %get3A_7] : memref<1x32xf32, #tpu.memory_space<vmem>>, vector<1x32xf32>
    %add3A = vector.broadcast %get3A_8 : vector<1x32xf32> to vector<2048x32xf32>
    %add3A_9 = arith.addf %dot_general3A_5, %add3A : vector<2048x32xf32>
    %get3A_10 = arith.constant 0 : index
    %get3A_11 = arith.constant 0 : index
    %get3A_12 = vector.load %arg1[%get3A_10, %get3A_11] : memref<2048x32xf32, #tpu.memory_space<vmem>>, vector<2048x32xf32>
    %add3A_13 = arith.addf %get3A_12, %add3A_9 : vector<2048x32xf32>
    %mul3A = arith.mulf %add3A_13, %add3A_13 : vector<2048x32xf32>
    %reduce_sum3A = arith.constant dense<0.000000e+00> : vector<2048xf32>
    %reduce_sum3A_14 = vector.multi_reduction <add>, %mul3A, %reduce_sum3A [1] : vector<2048x32xf32> to vector<2048xf32>
    %broadcast_in_dim3A = vector.shape_cast %reduce_sum3A_14 : vector<2048xf32> to vector<2048x1xf32>
    %get3A_15 = arith.constant 0 : index
    %get3A_16 = arith.constant 0 : index
    %get3A_17 = vector.load %arg2[%get3A_15, %get3A_16] : memref<2048x16xf32, #tpu.memory_space<vmem>>, vector<2048x16xf32>
    %reduce_sum3A_18 = arith.constant dense<0.000000e+00> : vector<2048xf32>
    %reduce_sum3A_19 = vector.multi_reduction <add>, %get3A_17, %reduce_sum3A_18 [1] : vector<2048x16xf32> to vector<2048xf32>
    %broadcast_in_dim3A_20 = vector.shape_cast %reduce_sum3A_19 : vector<2048xf32> to vector<2048x1xf32>
    %sub3A = arith.subf %broadcast_in_dim3A, %broadcast_in_dim3A_20 : vector<2048x1xf32>
    %mul3A_21 = arith.mulf %add3A_9, %add3A_9 : vector<2048x32xf32>
    %reduce_sum3A_22 = arith.constant dense<0.000000e+00> : vector<2048xf32>
    %reduce_sum3A_23 = vector.multi_reduction <add>, %mul3A_21, %reduce_sum3A_22 [1] : vector<2048x32xf32> to vector<2048xf32>
    %broadcast_in_dim3A_24 = vector.shape_cast %reduce_sum3A_23 : vector<2048xf32> to vector<2048x1xf32>
    %sub3A_25 = arith.subf %sub3A, %broadcast_in_dim3A_24 : vector<2048x1xf32>
    %get3A_26 = arith.constant 0 : index
    %get3A_27 = arith.constant 0 : index
    %get3A_28 = vector.load %arg3[%get3A_26, %get3A_27] : memref<2048x26xf32, #tpu.memory_space<vmem>>, vector<2048x26xf32>
    %reduce_sum3A_29 = arith.constant dense<0.000000e+00> : vector<2048xf32>
    %reduce_sum3A_30 = vector.multi_reduction <add>, %get3A_28, %reduce_sum3A_29 [1] : vector<2048x26xf32> to vector<2048xf32>
    %broadcast_in_dim3A_31 = vector.shape_cast %reduce_sum3A_30 : vector<2048xf32> to vector<2048x1xf32>
    %get3A_32 = arith.constant 0 : index
    %get3A_33 = arith.constant 0 : index
    %get3A_34 = vector.load %arg6[%get3A_32, %get3A_33] : memref<1x13xf32, #tpu.memory_space<vmem>>, vector<1x13xf32>
    %dot_general3A_35 = arith.constant dense<0.000000e+00> : vector<2048x1xf32>
    %dot_general3A_36 = tpu.matmul %get3A_1, %get3A_34, %dot_general3A_35 {dimension_numbers = #tpu.dot_dimension_numbers<[1], [1], [0], [0], [0, 0, 1, 0], [], []>, transpose_lhs_hint = false} : vector<2048x13xf32>, vector<1x13xf32>, vector<2048x1xf32> -> vector<2048x1xf32>
    %get3A_37 = arith.constant 0 : index
    %get3A_38 = arith.constant 0 : index
    %get3A_39 = vector.load %arg5[%get3A_37, %get3A_38] : memref<1x1xf32, #tpu.memory_space<vmem>>, vector<1x1xf32>
    %add3A_40 = vector.broadcast %get3A_39 : vector<1x1xf32> to vector<2048x1xf32>
    %add3A_41 = arith.addf %add3A_40, %broadcast_in_dim3A_31 : vector<2048x1xf32>
    %add3A_42 = arith.addf %add3A_41, %dot_general3A_36 : vector<2048x1xf32>
    %get3A_43 = arith.constant 0 : index
    %get3A_44 = arith.constant 0 : index
    %get3A_45 = vector.load %arg7[%get3A_43, %get3A_44] : memref<1x1xf32, #tpu.memory_space<vmem>>, vector<1x1xf32>
    %add3A_46 = vector.broadcast %get3A_45 : vector<1x1xf32> to vector<2048x1xf32>
    %add3A_47 = arith.addf %add3A_42, %add3A_46 : vector<2048x1xf32>
    %mul3A_48 = arith.constant 5.000000e-01 : f32
    %mul3A_49 = vector.broadcast %mul3A_48 : f32 to vector<2048x1xf32>
    %mul3A_50 = arith.mulf %mul3A_49, %sub3A_25 : vector<2048x1xf32>
    %add3A_51 = arith.addf %add3A_47, %mul3A_50 : vector<2048x1xf32>
    %swap3A = arith.constant 0 : index
    %swap3A_52 = arith.constant 0 : index
    %swap3A_53 = vector.load %arg10[%swap3A, %swap3A_52] : memref<2048x1xf32, #tpu.memory_space<vmem>>, vector<2048x1xf32>
    tpu.vector_store %arg10[%swap3A, %swap3A_52], %add3A_51 {strides = array<i32>} : memref<2048x1xf32, #tpu.memory_space<vmem>>, vector<2048x1xf32>,
    return
  }
  func.func @transform_0(%arg0: i32) -> (i32, i32) {
    %c0_i32 = arith.constant 0 : i32
    %c0_i32_0 = arith.constant 0 : i32
    return %arg0, %c0_i32 : i32, i32
  }
  func.func @transform_1(%arg0: i32) -> (i32, i32) {
    %c0_i32 = arith.constant 0 : i32
    %c0_i32_0 = arith.constant 0 : i32
    return %arg0, %c0_i32 : i32, i32
  }
  func.func @transform_2(%arg0: i32) -> (i32, i32) {
    %c0_i32 = arith.constant 0 : i32
    %c0_i32_0 = arith.constant 0 : i32
    return %arg0, %c0_i32 : i32, i32
  }
  func.func @transform_3(%arg0: i32) -> (i32, i32) {
    %c0_i32 = arith.constant 0 : i32
    %c0_i32_0 = arith.constant 0 : i32
    return %arg0, %c0_i32 : i32, i32
  }
  func.func @transform_4(%arg0: i32) -> (i32, i32) {
    %c0_i32 = arith.constant 0 : i32
    %c0_i32_0 = arith.constant 0 : i32
    %c0_i32_1 = arith.constant 0 : i32
    return %c0_i32, %c0_i32_0 : i32, i32
  }
  func.func @transform_5(%arg0: i32) -> (i32, i32) {
    %c0_i32 = arith.constant 0 : i32
    %c0_i32_0 = arith.constant 0 : i32
    %c0_i32_1 = arith.constant 0 : i32
    return %c0_i32, %c0_i32_0 : i32, i32
  }
  func.func @transform_6(%arg0: i32) -> (i32, i32) {
    %c0_i32 = arith.constant 0 : i32
    %c0_i32_0 = arith.constant 0 : i32
    %c0_i32_1 = arith.constant 0 : i32
    return %c0_i32, %c0_i32_0 : i32, i32
  }
  func.func @transform_7(%arg0: i32) -> (i32, i32) {
    %c0_i32 = arith.constant 0 : i32
    %c0_i32_0 = arith.constant 0 : i32
    %c0_i32_1 = arith.constant 0 : i32
    return %c0_i32, %c0_i32_0 : i32, i32
  }
  func.func @transform_8(%arg0: i32) -> (i32, i32) {
    %c0_i32 = arith.constant 0 : i32
    %c0_i32_0 = arith.constant 0 : i32
    %c0_i32_1 = arith.constant 0 : i32
    return %c0_i32, %c0_i32_0 : i32, i32
  }
  func.func @transform_9(%arg0: i32) -> (i32, i32) {
    %c0_i32 = arith.constant 0 : i32
    %c0_i32_0 = arith.constant 0 : i32
    return %arg0, %c0_i32 : i32, i32
  }
}

</mosaic_0001>

<sc_bundles>
// kernel: kernel.4.cloned.1.call-start
scs
__scs_entry_jumppad:
0x0: {  	(pc) =	sbr.rel $0x88, $3  }
0x1: {  	(tag) =	ssettag $0x0;
	lr =	simm.s32 $0x1  }
0x2: {  	[smem:$0x3F98] =	sst lr;
	_ =	strace $0xD0000000  }
0x3: {  	_ = 	snop  }
0x4: {  	_ = 	snop  }
0x5: {  	_ = 	snop  }
0x6: {  	_ = 	snop  }
0x7: {  	_ = 	snop  }
__scs_overlays_trampoline_lowered:
0x8: {  	[smem:$0x3FA7] =	sst s0  }
0x9: {  	[smem:$0x3FA8] =	sst s1  }
0xa: {  	[smem:$0x3FA9] =	sst s2  }
0xb: {  	[smem:$0x3FAA] =	sst s3  }
0xc: {  	[smem:$0x3FAB] =	sst s4  }
0xd: {  	[smem:$0x3FAC] =	sst s5  }
0xe: {  	[smem:$0x3FAD] =	sst s6  }
0xf: {  	[smem:$0x3FAE] =	sst s7  }
0x10: {  	[smem:$0x3FAF] =	sst s8  }
0x11: {  	[smem:$0x3FB0] =	sst s9;
	s0 =	simm.s32 @!p0 $0x0  }
0x12: {  	s1 =	sld [smem:$0x3F96];
	s0 =	simm.s32 @p0 $0x1  }
0x13: {  	[smem:$0x3FB1] =	sst s0;
	s0 =	simm.s32 @!p1 $0x0  }
0x14: {  	s2 =	sld [smem:$0x3F95];
	s0 =	simm.s32 @p1 $0x1  }
0x15: {  	[smem:$0x3FB2] =	sst s0;
	s0 =	simm.s32 @!p2 $0x0  }
0x16: {  	s3 =	sld [smem:$0x3FDB];
	s0 =	simm.s32 @p2 $0x1  }
0x17: {  	s4 =	simm.s32 $0x1BF5;
	[smem:$0x3FB4] =	sst s0  }
0x18: {  	s0 =	sld [smem:$0x3F97];
	_ =	swait.ge [sflag:s4], $0x0  }
0x19: {  	s7 =	sld [smem:$0x3F98]  }
0x1a: {  	s8 =	sadd.s32 $0xFFFFE003, lr  }
0x1b: {  	s9 =	sadd.s32 $0xFFFFFEF7, lr;
	s5 =	simm.s32 $0xFFFFFFFF;
	p2 =	slt.u32 s8, $0xFFFFF086  }
0x1c: {  	p1 =	slt.u32 s9, $0xF7A;
	s5 =	simm.s32 @!p2 $0x0  }
0x1d: {  	s5 =	simm.s32 @p1 $0x1;
	p0 =	seq.s32 s7, s2  }
0x1e: {  	s7 =	smul.u32 @!p0 $0xF7A, s2;
	p2 =	seq.s32 @!p0 s5, $0x0  }
0x1f: {  	s9 =	smul.u32 $0xF7A, s1;
	s8 =	simm.s32 @!p0 $0x1BF5;
	p2 =	por !p2, p0  }
0x20: {  	[sflag:s8] =	ssyncset.s32 @!p0 $0xFFFFF086;
	s6 =	sadd.s32 @!p0 s3, s7;
	s7 =	simm.s32 @!p0 $0x108  }
0x21: {  	s3 =	sadd.s32 s3, s9;
	s6 =	sadd.s32 @!p0 $0x88, s6;
	s7 =	simm.s32 @p2 $0x1082  }
0x22: {  	[simem:s7], [sflag:s8] =	dma.local @!p0 [hbm:s6], $0xF7A  }
0x23: {  	s9 =	sor.u32 $0xD0000000, s2;
	s6 =	simm.s32 $0x108;
	_ =	swait.ge @!p0 [sflag:s8], $0x0  }
0x24: {  	s3 =	sadd.s32 $0x88, s3;
	s6 =	simm.s32 @!p1 $0x1082;
	[sflag:s4] =	ssyncset.s32 $0xFFFFF086  }
0x25: {  	[simem:s6], [sflag:s4] =	dma.local [hbm:s3], $0xF7A  }
0x26: {  	[smem:$0x3F98] =	sst s1;
	(tag) =	ssettag s2;
	_ =	strace s9  }
0x27: {  	s1 =	sld [smem:$0x3FA8]  }
0x28: {  	s2 =	sld [smem:$0x3FA9]  }
0x29: {  	s4 =	sld [smem:$0x3FAB]  }
0x2a: {  	p0 =	seq.s32 s5, $0x0;
	s5 =	sld [smem:$0x3FAC]  }
0x2b: {  	s6 =	sld [smem:$0x3FAD]  }
0x2c: {  	s7 =	sld [smem:$0x3FAE]  }
0x2d: {  	s3 =	simm.s32 $0x108;
	s8 =	sld [smem:$0x3FAF]  }
0x2e: {  	s3 =	simm.s32 @!p0 $0x1082;
	s9 =	sld [smem:$0x3FB0]  }
0x2f: {  	lr =	sadd.s32 s0, s3;
	s0 =	sld [smem:$0x3FA7]  }
0x30: {  	s3 =	sld [smem:$0x3FAA]  }
0x31: {  	[smem:$0x3FB3] =	sst s10  }
0x32: {  	s10 =	sld [smem:$0x3FB1];
	_ =	sdelay $0x3  }
0x33: {  	p0 =	seq.s32 s10, $0x1;
	s10 =	sld [smem:$0x3FB3];
	_ =	sdelay $0x3  }
0x34: {  	[smem:$0x3FB3] =	sst s10  }
0x35: {  	s10 =	sld [smem:$0x3FB2];
	_ =	sdelay $0x3  }
0x36: {  	p1 =	seq.s32 s10, $0x1;
	s10 =	sld [smem:$0x3FB3];
	_ =	sdelay $0x3  }
0x37: {  	[smem:$0x3FB3] =	sst s10  }
0x38: {  	s10 =	sld [smem:$0x3FB4]  }
0x39: {  	_ = 	snop;
	(pc) =	sbr.ind lr, $3  }
0x3a: {  	_ = 	snop  }
0x3b: {  	_ = 	snop  }
0x3c: {  	p2 =	seq.s32 s10, $0x1;
	s10 =	sld [smem:$0x3FB3]  }
0x3d: {  	_ =	shalt  }
0x3e: {  	_ =	shalt  }
0x3f: {  	_ =	shalt  }
0x40: {  	_ =	shalt  }
0x41: {  	_ =	shalt  }
0x42: {  	_ =	shalt  }
0x43: {  	_ =	shalt  }
0x44: {  	_ =	shalt  }
0x45: {  	_ =	shalt  }
0x46: {  	_ =	shalt  }
0x47: {  	_ =	shalt  }
0x48: {  	_ =	shalt  }
0x49: {  	_ =	shalt  }
0x4a: {  	_ =	shalt  }
0x4b: {  	_ =	shalt  }
0x4c: {  	_ =	shalt  }
0x4d: {  	_ =	shalt  }
0x4e: {  	_ =	shalt  }
0x4f: {  	_ =	shalt  }
0x50: {  	_ =	shalt  }
0x51: {  	_ =	shalt  }
0x52: {  	_ =	shalt  }
0x53: {  	_ =	shalt  }
0x54: {  	_ =	shalt  }
0x55: {  	_ =	shalt  }
0x56: {  	_ =	shalt  }
0x57: {  	_ =	shalt  }
0x58: {  	_ =	shalt  }
0x59: {  	_ =	shalt  }
0x5a: {  	_ =	shalt  }
0x5b: {  	_ =	shalt  }
0x5c: {  	_ =	shalt  }
0x5d: {  	_ =	shalt  }
0x5e: {  	_ =	shalt  }
0x5f: {  	_ =	shalt  }
0x60: {  	_ =	shalt  }
0x61: {  	_ =	shalt  }
0x62: {  	_ =	shalt  }
0x63: {  	_ =	shalt  }
0x64: {  	_ =	shalt  }
0x65: {  	_ =	shalt  }
0x66: {  	_ =	shalt  }
0x67: {  	_ =	shalt  }
0x68: {  	_ =	shalt  }
0x69: {  	_ =	shalt  }
0x6a: {  	_ =	shalt  }
0x6b: {  	_ =	shalt  }
0x6c: {  	_ =	shalt  }
0x6d: {  	_ =	shalt  }
0x6e: {  	_ =	shalt  }
0x6f: {  	_ =	shalt  }
0x70: {  	_ =	shalt  }
0x71: {  	_ =	shalt  }
0x72: {  	_ =	shalt  }
0x73: {  	_ =	shalt  }
0x74: {  	_ =	shalt  }
0x75: {  	_ =	shalt  }
0x76: {  	_ =	shalt  }
0x77: {  	_ =	shalt  }
0x78: {  	_ =	shalt  }
0x79: {  	_ =	shalt  }
0x7a: {  	_ =	shalt  }
0x7b: {  	_ =	shalt  }
0x7c: {  	_ =	shalt  }
0x7d: {  	_ =	shalt  }
0x7e: {  	_ =	shalt  }
0x7f: {  	_ =	shalt  }
0x80: {  	_ =	shalt  }
0x81: {  	_ =	shalt  }
0x82: {  	_ =	shalt  }
0x83: {  	_ =	shalt  }
0x84: {  	_ =	shalt  }
0x85: {  	_ =	shalt  }
0x86: {  	_ =	shalt  }
0x87: {  	_ =	shalt  }
.Lfunc_end0:
.L_simem_size_0:
called_computation_lowered:
.L_overlay_start_0:
0x88: {  	s2 =	sld [smem:$0x3FD9]  }
0x89: {  	s3 =	sld [smem:$0x3FFE];
	_ =	sdelay $0x1  }
0x8a: {  	s1 =	srdreg.scid  }
0x8b: {  	s0 =	sand.u32 $0x1, s1  }
0x8c: {  	s16 =	sshll.u32 s0, $0xA;
	s2 =	sadd.s32 s3, s2  }
0x8d: {  	s2 =	sadd.s32 s2, s16  }
0x8e: {  	[smem:$0x3FBF] =	sst s2  }
0x8f: {  	_ = 	snop  }
0x90: {  	(tm) =	ssettm $0x1  }
0x91: {  	s17 =	sld [smem:$0x3FFB];
	_ =	sdelay $0x3  }
0x92: {  	_ =	strace s17  }
0x93: {  	s2 =	sld [smem:$0x3FFC];
	_ =	sdelay $0x3  }
0x94: {  	_ =	strace s2  }
0x95: {  	s2 =	sld [smem:$0x3FFD];
	_ =	sdelay $0x3  }
0x96: {  	_ =	strace s2  }
0x97: {  	_ =	strace $0x8FFFFFFF  }
0x98: {  	s18 =	sld [smem:$0x3FDB];
	_ =	sdelay $0x1  }
0x99: {  	s19 =	simm.s32 $_scs_section_size  }
0x9a: {  	s4 =	simm.s32 $_size__tile_overlayer_lowered;
	s5 =	simm.s32 $_tile_overlayer_lowered  }
0x9b: {  	s22 =	simm.s32 $0x1BFF;
	s21 =	sshll.u32 s5, $0x1;
	s2 =	sadd.s32 s19, s18  }
0x9c: {  	s6 =	simm.s32 $0x0;
	s20 =	sshll.u32 s4, $0x1;
	s4 =	sadd.s32 s21, s2  }
0x9d: {  	[timem:s6], [sflag:s22] =	dma.local [hbm:s4], s20  }
0x9e: {  	_ =	swait.ge [sflag:s22], s20  }
0x9f: {  	s3 =	ssub.s32 $0x0, s20;
	[sflag:s22] =	ssyncset.done $0x0  }
0xa0: {  	[sflag:s22] =	ssyncadd.s32 s3;
	_ =	sdelay $0x1  }
0xa1: {  	s23 =	simm.s32 $0x1B8B  }
0xa2: {  	_ =	swait.ge [sflag:s23], $0x1  }
0xa3: {  	[sflag:s23] =	ssyncset.done $0x0  }
0xa4: {  	s25 =	simm.s32 $0x1B8E;
	s24 =	sld [smem:$0x3FFE];
	[sflag:s23] =	ssyncadd.s32 $0xFFFFFFFF  }
0xa5: {  	s26 =	simm.s32 $execute0_lowered;
	[smem:$0x3FD2] =	sst s25  }
0xa6: {  	s4 =	sshll.u32 s26, $0x1;
	_ =	strace $0x80000046;
	[dreg:$0x1] =	wrdreg $0xFFFFFFFF  }
0xa7: {  	s28 =	simm.s32 $_size_execute0_lowered;
	s2 =	sadd.s32 s2, s4;
	[dreg:$0x0] =	wrdreg $0x0  }
0xa8: {  	s4 =	sshll.u32 s28, $0x1;
	[dreg:$0x2] =	wrdreg s2  }
0xa9: {  	[dreg:$0x3] =	wrdreg s4  }
0xaa: {  	[dreg:$0x4] =	wrdreg $0xC0  }
0xab: {  	_ =	task [dreg:s6], $0x5FFFF  }
0xac: {  	[dreg:$0x1] =	wrdreg $0xFFFFFFFF  }
0xad: {  	[dreg:$0x0] =	wrdreg $0x60  }
0xae: {  	[dreg:$0x2] =	wrdreg s24  }
0xaf: {  	[dreg:$0x3] =	wrdreg $0x9  }
0xb0: {  	_ =	task.clear_ibuf [dreg:s6], $0x4FFFF;
	_ =	strace $0x90000046  }
0xb1: {  	s29 =	simm.s32 $0x9;
	_ =	strace $0x80000048  }
0xb2: {  	_ =	swait.ge [sflag:s29], $0x1  }
0xb3: {  	[sflag:s29] =	ssyncadd.s32 $0xFFFFFFFF  }
0xb4: {  	_ =	strace $0x90000048  }
0xb5: {  	_ =	sfence  }
0xb6: {  	s30 =	sld [smem:$0x0];
	_ =	sdelay $0x2  }
0xb7: {  	s31 =	sshll.u32 s1, $0xD;
	s1 =	sshrl.u32 s1, $0x2  }
0xb8: {  	s3 =	sand.u32 $0x4000, s31;
	s1 =	sadd.s32 s1, s30  }
0xb9: {  	s0 =	sor.u32 s3, s0;
	s1 =	sshll.u32 s1, $0x11  }
0xba: {  	s0 =	sor.u32 s1, s0  }
0xbb: {  	s0 =	sadd.s32 $0x8F2B, s0  }
0xbc: {  	[sflag:s0] =	ssyncadd.remote.s32 $0x1  }
0xbd: {  	_ =	sfence.sel $0xFFFF  }
0xbe: {  	[dreg:$0x0] =	wrdreg $0xFFFFFFFF;
	(pc) =	sbr.abs _section_cstart, $3  }
0xbf: {  	[dreg:$0x1] =	wrdreg $0xFFFFFFFF  }
0xc0: {  	_ =	task.clear_ibuf [dreg:s6], $0x2FFFF;
	_ =	strace $0x9FFFFFFF  }
0xc1: {  	(tm) =	ssettm $0x7FFFFFFF  }
tec
execute0_lowered:
.L_overlay_start_1:
0x0: {  	(tag) =	ssettag $0x1  }
0x1: {  	s0 =	rddreg [dreg:$0x0]  }
0x2: {  	s2 =	simm.s32 $0x0;
	s1 =	srdreg.scid;
	s3 =	stileid.u32  }
0x3: {  	s10 =	simm.s32 $0x6;
	s11 =	simm.s32 $0x68;
	s8 =	simm.s32 $0x10400  }
0x4: {  	s12 =	simm.s32 $0xDD00;
	s15 =	simm.s32 $0xEA00;
	s19 =	simm.s32 $0xF700  }
0x5: {  	s21 =	simm.s32 $0x1;
	s28 =	simm.s32 $0x3;
	s30 =	simm.s32 $0x4  }
0x6: {  	[smem:$0x7FF] =	sst s2;
	s1 =	sand.u32 $0x1, s1;
	s4 =	sshll.u32 s3, $0x1  }
0x7: {  	s3 =	sadd.s32 $0xF43800, s0;
	_ =	strace $0x80000047;
	s5 =	sor.u32 s1, s4  }
0x8: {  	s4 =	sadd.s32 $0xE400, s0;
	s1 =	ssub.s32 $0x2, s1;
	s6 =	sshll.u32 s5, $0xB  }
0x9: {  	s7 =	smul.u32 $0x680, s5;
	s5 =	sshll.u32 s5, $0xA;
	s6 =	sadd.s32 s6, s0  }
0xa: {  	s25 =	sshrl.u32 s1, $0x1;
	s5 =	sadd.s32 s5, s0;
	s6 =	sadd.s32 $0x2CE00, s6  }
0xb: {  	s1 =	ssub.s32 s1, s25;
	s5 =	sadd.s32 $0x3CE00, s5;
	[dreg:$0x3] =	wrdreg s6  }
0xc: {  	s0 =	sadd.s32 s7, s0;
	s29 =	smax.u32 s1, $0x1;
	[dreg:$0x4] =	wrdreg s5  }
0xd: {  	s31 =	simm.s32 $0x5;
	s26 =	sadd.s32 $0x1400, s0;
	[dreg:$0x6] =	wrdreg s29  }
0xe: {  	s25 =	simm.s32 $0x2;
	s0 =	sadd.s32 $0x44E00, s0;
	[dreg:$0x2] =	wrdreg s26  }
0xf: {  	s1 =	simm.s32 $0xD000;
	[dreg:$0x5] =	wrdreg s0;
	s0 =	simm.s32 $0x0  }
.LBB2_1:
0x10: {  	s5 =	rddreg [dreg:$0x2]  }
0x11: {  	[tilespmem:s2], [sflag:$0x6] =	stream.linear.gather [hbm4b:s5+s2], $0x3400, $0x38;
	[tilespmem:$0x19800] =	vst v63  }
0x12: {  	_ =	swait.ge [sflag:s10], $0x3400  }
0x13: {  	[sflag:s10] =	ssyncset.done $0x0  }
0x14: {  	s16 =	simm.s32 $0x3400;
	[sflag:s10] =	ssyncadd.s32 $0xFFFFCC00  }
0x15: {  	[tilespmem:s16], [sflag:$0x1] =	stream.indirect.gather [hbm4b:s3+s11], $0x20, s2, s11, $0xb8;
	[tilespmem:$0x19800] =	vst v63  }
0x16: {  	s17 =	simm.s32 $0x4100  }
0x17: {  	[tilespmem:s17], [sflag:$0x1] =	stream.indirect.gather [hbm4b:s3+s11], $0x20, s11, s11, $0xb8;
	[tilespmem:$0x19800] =	vst v63  }
0x18: {  	s18 =	simm.s32 $0xD0;
	s6 =	simm.s32 $0x4E00  }
0x19: {  	[tilespmem:s6], [sflag:$0x1] =	stream.indirect.gather [hbm4b:s3+s11], $0x20, s18, s11, $0xb8;
	[tilespmem:$0x19800] =	vst v63  }
0x1a: {  	s20 =	simm.s32 $0x138;
	s7 =	simm.s32 $0x5B00  }
0x1b: {  	[tilespmem:s7], [sflag:$0x1] =	stream.indirect.gather [hbm4b:s3+s11], $0x20, s20, s11, $0xb8;
	[tilespmem:$0x19800] =	vst v63  }
0x1c: {  	_ = 	snop  }
0x1d: {  	[tilespmem:s8], [sflag:$0x5] =	stream.indirect.gather [hbm4b:s4+s11], $0x1, s2, s11, $0xb8;
	[tilespmem:$0x19800] =	vst v63  }
0x1e: {  	s22 =	simm.s32 $0x10468  }
0x1f: {  	[tilespmem:s22], [sflag:$0x5] =	stream.indirect.gather [hbm4b:s4+s11], $0x1, s11, s11, $0xb8;
	[tilespmem:$0x19800] =	vst v63  }
0x20: {  	s23 =	simm.s32 $0x104D0  }
0x21: {  	[tilespmem:s23], [sflag:$0x5] =	stream.indirect.gather [hbm4b:s4+s11], $0x1, s18, s11, $0xb8;
	[tilespmem:$0x19800] =	vst v63  }
0x22: {  	s24 =	simm.s32 $0x10538  }
0x23: {  	[tilespmem:s24], [sflag:$0x5] =	stream.indirect.gather [hbm4b:s4+s11], $0x1, s20, s11, $0xb8;
	[tilespmem:$0x19800] =	vst v63  }
0x24: {  	s26 =	simm.s32 $0x1A0;
	s9 =	simm.s32 $0x6800  }
0x25: {  	[tilespmem:s9], [sflag:$0x2] =	stream.indirect.gather [hbm4b:s3+s11], $0x20, s26, s11, $0xb8;
	[tilespmem:$0x19800] =	vst v63  }
0x26: {  	s13 =	simm.s32 $0x208;
	s14 =	simm.s32 $0x7500  }
0x27: {  	[tilespmem:s14], [sflag:$0x2] =	stream.indirect.gather [hbm4b:s3+s11], $0x20, s13, s11, $0xb8;
	[tilespmem:$0x19800] =	vst v63  }
0x28: {  	s16 =	simm.s32 $0x270;
	s17 =	simm.s32 $0x8200  }
0x29: {  	[tilespmem:s17], [sflag:$0x2] =	stream.indirect.gather [hbm4b:s3+s11], $0x20, s16, s11, $0xb8;
	[tilespmem:$0x19800] =	vst v63  }
0x2a: {  	s18 =	simm.s32 $0x2D8;
	s9 =	simm.s32 $0x8F00  }
0x2b: {  	[tilespmem:s9], [sflag:$0x2] =	stream.indirect.gather [hbm4b:s3+s11], $0x20, s18, s11, $0xb8;
	[tilespmem:$0x19800] =	vst v63  }
0x2c: {  	s20 =	simm.s32 $0x105A0  }
0x2d: {  	[tilespmem:s20], [sflag:$0x5] =	stream.indirect.gather [hbm4b:s4+s11], $0x1, s26, s11, $0xb8;
	[tilespmem:$0x19800] =	vst v63  }
0x2e: {  	s22 =	simm.s32 $0x10608  }
0x2f: {  	[tilespmem:s22], [sflag:$0x5] =	stream.indirect.gather [hbm4b:s4+s11], $0x1, s13, s11, $0xb8;
	[tilespmem:$0x19800] =	vst v63  }
0x30: {  	s23 =	simm.s32 $0x10670  }
0x31: {  	[tilespmem:s23], [sflag:$0x5] =	stream.indirect.gather [hbm4b:s4+s11], $0x1, s16, s11, $0xb8;
	[tilespmem:$0x19800] =	vst v63  }
0x32: {  	s24 =	simm.s32 $0x106D8  }
0x33: {  	[tilespmem:s24], [sflag:$0x5] =	stream.indirect.gather [hbm4b:s4+s11], $0x1, s18, s11, $0xb8;
	[tilespmem:$0x19800] =	vst v63  }
0x34: {  	s9 =	simm.s32 $0x9C00;
	s26 =	simm.s32 $0x340  }
0x35: {  	[tilespmem:s9], [sflag:$0x3] =	stream.indirect.gather [hbm4b:s3+s11], $0x20, s26, s11, $0xb8;
	[tilespmem:$0x19800] =	vst v63  }
0x36: {  	s14 =	simm.s32 $0xA900;
	s13 =	simm.s32 $0x3A8  }
0x37: {  	[tilespmem:s14], [sflag:$0x3] =	stream.indirect.gather [hbm4b:s3+s11], $0x20, s13, s11, $0xb8;
	[tilespmem:$0x19800] =	vst v63  }
0x38: {  	s17 =	simm.s32 $0xB600;
	s16 =	simm.s32 $0x410  }
0x39: {  	[tilespmem:s17], [sflag:$0x3] =	stream.indirect.gather [hbm4b:s3+s11], $0x20, s16, s11, $0xb8;
	[tilespmem:$0x19800] =	vst v63  }
0x3a: {  	s20 =	simm.s32 $0xC300;
	s18 =	simm.s32 $0x478  }
0x3b: {  	[tilespmem:s20], [sflag:$0x3] =	stream.indirect.gather [hbm4b:s3+s11], $0x20, s18, s11, $0xb8;
	[tilespmem:$0x19800] =	vst v63  }
0x3c: {  	s22 =	simm.s32 $0x10740  }
0x3d: {  	[tilespmem:s22], [sflag:$0x5] =	stream.indirect.gather [hbm4b:s4+s11], $0x1, s26, s11, $0xb8;
	[tilespmem:$0x19800] =	vst v63  }
0x3e: {  	s29 =	simm.s32 $0x17B00;
	s5 =	simm.s32 $0x13A10;
	s23 =	simm.s32 $0x107A8  }
0x3f: {  	[tilespmem:s23], [sflag:$0x5] =	stream.indirect.gather [hbm4b:s4+s11], $0x1, s13, s11, $0xb8;
	[tilespmem:$0x19800] =	vst v63  }
0x40: {  	s24 =	simm.s32 $0x10810;
	s14 =	simm.s32 $0x13810;
	s17 =	simm.s32 $0x0  }
0x41: {  	[tilespmem:s24], [sflag:$0x5] =	stream.indirect.gather [hbm4b:s4+s11], $0x1, s16, s11, $0xb8;
	[tilespmem:$0x19800] =	vst v63  }
0x42: {  	s26 =	simm.s32 $0x10878;
	s22 =	simm.s32 $0x17A00;
	s13 =	simm.s32 $0x17800  }
0x43: {  	[tilespmem:s26], [sflag:$0x5] =	stream.indirect.gather [hbm4b:s4+s11], $0x1, s18, s11, $0xb8;
	[tilespmem:$0x19800] =	vst v63  }
0x44: {  	s16 =	simm.s32 $0x17900;
	s24 =	simm.s32 $0x13C10;
	s26 =	simm.s32 $0x13E10  }
.LBB2_2:
0x45: {  	s6 =	sshllo.u32 s17, $0x2  }
0x46: {  	s6 =	smul.u32 $0x1A0, s6;
	_ =	sdelay $0x1  }
0x47: {  	[tilespmem:s1], [sflag:$0x4] =	stream.indirect.gather [hbm4b:s3+s11], $0x20, s6, s11, $0xb8;
	[tilespmem:$0x19800] =	vst v63  }
0x48: {  	s7 =	sadd.s32 $0x68, s6  }
0x49: {  	[tilespmem:s12], [sflag:$0x4] =	stream.indirect.gather [hbm4b:s3+s11], $0x20, s7, s11, $0xb8;
	[tilespmem:$0x19800] =	vst v63  }
0x4a: {  	s18 =	sadd.s32 $0xD0, s6  }
0x4b: {  	[tilespmem:s15], [sflag:$0x4] =	stream.indirect.gather [hbm4b:s3+s11], $0x20, s18, s11, $0xb8;
	[tilespmem:$0x19800] =	vst v63  }
0x4c: {  	s20 =	sadd.s32 $0x138, s6  }
0x4d: {  	[tilespmem:s19], [sflag:$0x4] =	stream.indirect.gather [hbm4b:s3+s11], $0x20, s20, s11, $0xb8;
	[tilespmem:$0x19800] =	vst v63  }
0x4e: {  	s23 =	sadd.s32 $0x10400, s6  }
0x4f: {  	[tilespmem:s23], [sflag:$0x5] =	stream.indirect.gather [hbm4b:s4+s11], $0x1, s6, s11, $0xb8;
	[tilespmem:$0x19800] =	vst v63  }
0x50: {  	s8 =	sadd.s32 $0x10468, s6  }
0x51: {  	[tilespmem:s8], [sflag:$0x5] =	stream.indirect.gather [hbm4b:s4+s11], $0x1, s7, s11, $0xb8;
	[tilespmem:$0x19800] =	vst v63  }
0x52: {  	s9 =	sadd.s32 $0x104D0, s6  }
0x53: {  	[tilespmem:s9], [sflag:$0x5] =	stream.indirect.gather [hbm4b:s4+s11], $0x1, s18, s11, $0xb8;
	[tilespmem:$0x19800] =	vst v63  }
0x54: {  	s6 =	sadd.s32 $0x10538, s6  }
0x55: {  	[tilespmem:s6], [sflag:$0x5] =	stream.indirect.gather [hbm4b:s4+s11], $0x1, s20, s11, $0xb8;
	[tilespmem:$0x19800] =	vst v63  }
0x56: {  	_ =	swait.ge [sflag:s21], $0x3400  }
0x57: {  	[sflag:s21] =	ssyncset.done $0x0  }
0x58: {  	s20 =	simm.s32 $0x35A0;
	[sflag:s21] =	ssyncadd.s32 $0xFFFFCC00  }
0x59: {  	v0 =	vld [tilespmem:s20+$0xFFFFFE60]  }
0x5a: {  	v1 =	vld [tilespmem:s20+$0xFFFFFE70];
	_ =	sdelay $0x1  }
0x5b: {  	v2 =	vld [tilespmem:s20+$0xFFFFFE80];
	_ =	sdelay $0x1  }
0x5c: {  	v3 =	vld [tilespmem:s20+$0xFFFFFE90]  }
0x5d: {  	v4 =	vmul.f32 v0, v0;
	v5 =	vmul.f32 v1, v1  }
0x5e: {  	v6 =	vld [tilespmem:s20+$0xFFFFFEA0]  }
0x5f: {  	v35 =	vmul.f32 v2, v2;
	v4 =	vadd.f32 v5, v4  }
0x60: {  	v7 =	vld [tilespmem:s20+$0xFFFFFEB0]  }
0x61: {  	v36 =	vmul.f32 v3, v3;
	v4 =	vadd.f32 v35, v4  }
0x62: {  	v8 =	vld [tilespmem:s20+$0xFFFFFEC0]  }
0x63: {  	v37 =	vmul.f32 v6, v6;
	v4 =	vadd.f32 v36, v4  }
0x64: {  	v9 =	vld [tilespmem:s20+$0xFFFFFED0]  }
0x65: {  	v38 =	vmul.f32 v7, v7;
	v4 =	vadd.f32 v37, v4  }
0x66: {  	v10 =	vld [tilespmem:s20+$0xFFFFFEE0]  }
0x67: {  	v39 =	vmul.f32 v8, v8;
	v4 =	vadd.f32 v38, v4  }
0x68: {  	v11 =	vld [tilespmem:s20+$0xFFFFFEF0]  }
0x69: {  	v40 =	vmul.f32 v9, v9;
	v4 =	vadd.f32 v39, v4  }
0x6a: {  	v12 =	vld [tilespmem:s20+$0xFFFFFF00]  }
0x6b: {  	v41 =	vmul.f32 v10, v10;
	v4 =	vadd.f32 v40, v4  }
0x6c: {  	v13 =	vld [tilespmem:s20+$0xFFFFFF10]  }
0x6d: {  	v42 =	vmul.f32 v11, v11;
	v4 =	vadd.f32 v41, v4  }
0x6e: {  	v14 =	vld [tilespmem:s20+$0xFFFFFF20]  }
0x6f: {  	v43 =	vmul.f32 v12, v12;
	v4 =	vadd.f32 v42, v4  }
0x70: {  	v15 =	vld [tilespmem:s20+$0xFFFFFF30]  }
0x71: {  	v44 =	vmul.f32 v13, v13;
	v4 =	vadd.f32 v43, v4  }
0x72: {  	v16 =	vld [tilespmem:s20+$0xFFFFFF40]  }
0x73: {  	v45 =	vmul.f32 v14, v14;
	v4 =	vadd.f32 v44, v4  }
0x74: {  	v17 =	vld [tilespmem:s20+$0xFFFFFF50]  }
0x75: {  	v46 =	vmul.f32 v15, v15;
	v4 =	vadd.f32 v45, v4  }
0x76: {  	v18 =	vld [tilespmem:s20+$0xFFFFFF60]  }
0x77: {  	v47 =	vmul.f32 v16, v16;
	v4 =	vadd.f32 v46, v4  }
0x78: {  	v19 =	vld [tilespmem:s20+$0xFFFFFF70]  }
0x79: {  	v48 =	vmul.f32 v17, v17;
	v4 =	vadd.f32 v47, v4  }
0x7a: {  	v20 =	vld [tilespmem:s20+$0xFFFFFF80]  }
0x7b: {  	v49 =	vmul.f32 v18, v18;
	v4 =	vadd.f32 v48, v4  }
0x7c: {  	v21 =	vld [tilespmem:s20+$0xFFFFFF90]  }
0x7d: {  	v50 =	vmul.f32 v19, v19;
	v4 =	vadd.f32 v49, v4  }
0x7e: {  	v22 =	vld [tilespmem:s20+$0xFFFFFFA0]  }
0x7f: {  	v51 =	vmul.f32 v20, v20;
	v4 =	vadd.f32 v50, v4  }
0x80: {  	v23 =	vld [tilespmem:s20+$0xFFFFFFB0]  }
0x81: {  	v52 =	vmul.f32 v21, v21;
	v4 =	vadd.f32 v51, v4  }
0x82: {  	v24 =	vld [tilespmem:s20+$0xFFFFFFC0]  }
0x83: {  	v53 =	vmul.f32 v22, v22;
	v4 =	vadd.f32 v52, v4  }
0x84: {  	v25 =	vld [tilespmem:s20+$0xFFFFFFD0]  }
0x85: {  	v54 =	vmul.f32 v23, v23;
	v4 =	vadd.f32 v53, v4  }
0x86: {  	v26 =	vld [tilespmem:s20+$0xFFFFFFE0]  }
0x87: {  	v55 =	vmul.f32 v24, v24;
	v4 =	vadd.f32 v54, v4  }
0x88: {  	v27 =	vld [tilespmem:s20+$0xFFFFFFF0]  }
0x89: {  	v56 =	vmul.f32 v25, v25;
	v4 =	vadd.f32 v55, v4  }
0x8a: {  	v28 =	vld [tilespmem:s20+$0x0]  }
0x8b: {  	v57 =	vmul.f32 v26, v26;
	v4 =	vadd.f32 v56, v4  }
0x8c: {  	v29 =	vld [tilespmem:s20+$0x10]  }
0x8d: {  	v58 =	vmul.f32 v27, v27;
	v4 =	vadd.f32 v57, v4  }
0x8e: {  	v30 =	vld [tilespmem:s20+$0x20]  }
0x8f: {  	v0 =	vadd.f32 $0.0e+00, v0;
	v59 =	vmul.f32 v28, v28;
	v4 =	vadd.f32 v58, v4  }
0x90: {  	v31 =	vld [tilespmem:s20+$0x30];
	v1 =	vadd.f32 $0.0e+00, v1  }
0x91: {  	v60 =	vmul.f32 v29, v29;
	v0 =	vadd.f32 v2, v0;
	v2 =	vadd.f32 v59, v4  }
0x92: {  	v1 =	vadd.f32 v3, v1;
	v3 =	vld [tilespmem:s20+$0x40]  }
0x93: {  	v61 =	vmul.f32 v30, v30;
	v0 =	vadd.f32 v6, v0;
	v2 =	vadd.f32 v60, v2  }
0x94: {  	v62 =	vld [tilespmem:s20+$0x50];
	v1 =	vadd.f32 v7, v1  }
0x95: {  	v63 =	vmul.f32 v31, v31;
	v0 =	vadd.f32 v8, v0;
	v2 =	vadd.f32 v61, v2  }
0x96: {  	v32 =	vld [tilespmem:s20+$0x60];
	v1 =	vadd.f32 v9, v1  }
0x97: {  	v33 =	vmul.f32 v3, v3;
	v0 =	vadd.f32 v10, v0;
	v2 =	vadd.f32 v63, v2  }
0x98: {  	v34 =	vld [tilespmem:s20+$0x70];
	v1 =	vadd.f32 v11, v1  }
0x99: {  	v35 =	vmul.f32 v62, v62;
	v0 =	vadd.f32 v12, v0;
	v2 =	vadd.f32 v33, v2  }
0x9a: {  	v36 =	vld [tilespmem:s20+$0x80];
	v1 =	vadd.f32 v13, v1  }
0x9b: {  	v37 =	vmul.f32 v32, v32;
	v0 =	vadd.f32 v14, v0;
	v2 =	vadd.f32 v35, v2  }
0x9c: {  	v38 =	vld [tilespmem:s20+$0x90];
	v1 =	vadd.f32 v15, v1  }
0x9d: {  	v39 =	vmul.f32 v34, v34;
	v0 =	vadd.f32 v16, v0;
	v2 =	vadd.f32 v37, v2  }
0x9e: {  	v1 =	vadd.f32 v17, v1;
	v40 =	vld [tilespmem:s20+$0xA0]  }
0x9f: {  	v0 =	vadd.f32 v18, v0;
	v41 =	vmul.f32 v36, v36;
	v2 =	vadd.f32 v39, v2  }
0xa0: {  	v1 =	vadd.f32 v19, v1;
	v42 =	vld [tilespmem:s20+$0xB0]  }
0xa1: {  	v0 =	vadd.f32 v20, v0;
	v43 =	vmul.f32 v38, v38;
	v2 =	vadd.f32 v41, v2  }
0xa2: {  	v1 =	vadd.f32 v21, v1;
	v44 =	vld [tilespmem:s20+$0xC0]  }
0xa3: {  	v0 =	vadd.f32 v22, v0;
	v45 =	vmul.f32 v40, v40;
	v2 =	vadd.f32 v43, v2  }
0xa4: {  	v1 =	vadd.f32 v23, v1;
	v46 =	vld [tilespmem:s20+$0xD0]  }
0xa5: {  	v0 =	vadd.f32 v24, v0;
	v47 =	vmul.f32 v42, v42;
	v2 =	vadd.f32 v45, v2  }
0xa6: {  	v1 =	vadd.f32 v25, v1;
	v48 =	vld [tilespmem:s20+$0xE0]  }
0xa7: {  	v0 =	vadd.f32 v26, v0;
	v49 =	vmul.f32 v44, v44;
	v2 =	vadd.f32 v47, v2  }
0xa8: {  	v1 =	vadd.f32 v27, v1;
	v50 =	vld [tilespmem:s20+$0xF0]  }
0xa9: {  	v0 =	vadd.f32 v28, v0;
	v51 =	vmul.f32 v46, v46;
	v2 =	vadd.f32 v49, v2  }
0xaa: {  	v1 =	vadd.f32 v29, v1;
	v52 =	vld [tilespmem:s20+$0x100]  }
0xab: {  	v0 =	vadd.f32 v30, v0;
	v53 =	vmul.f32 v48, v48;
	v2 =	vadd.f32 v51, v2  }
0xac: {  	v1 =	vadd.f32 v31, v1;
	v54 =	vld [tilespmem:s20+$0x110]  }
0xad: {  	v0 =	vadd.f32 v3, v0;
	v3 =	vmul.f32 v50, v50;
	v2 =	vadd.f32 v53, v2  }
0xae: {  	v1 =	vadd.f32 v62, v1;
	v55 =	vld [tilespmem:s20+$0x120]  }
0xaf: {  	v0 =	vadd.f32 v32, v0;
	v2 =	vadd.f32 v3, v2;
	v3 =	vmul.f32 v52, v52  }
0xb0: {  	v1 =	vadd.f32 v34, v1;
	v56 =	vld [tilespmem:s20+$0x130]  }
0xb1: {  	v0 =	vadd.f32 v36, v0;
	v2 =	vadd.f32 v3, v2;
	v3 =	vmul.f32 v54, v54  }
0xb2: {  	v1 =	vadd.f32 v38, v1;
	v57 =	vld [tilespmem:s20+$0x140]  }
0xb3: {  	v0 =	vadd.f32 v40, v0;
	v2 =	vadd.f32 v3, v2;
	v3 =	vmul.f32 v55, v55  }
0xb4: {  	v1 =	vadd.f32 v42, v1;
	v58 =	vld [tilespmem:s20+$0x150]  }
0xb5: {  	v0 =	vadd.f32 v44, v0;
	v2 =	vadd.f32 v3, v2;
	v3 =	vmul.f32 v56, v56  }
0xb6: {  	v1 =	vadd.f32 v46, v1;
	v59 =	vld [tilespmem:s20+$0x160]  }
0xb7: {  	v0 =	vadd.f32 v48, v0;
	v2 =	vadd.f32 v3, v2;
	v3 =	vmul.f32 v57, v57  }
0xb8: {  	v1 =	vadd.f32 v50, v1;
	v60 =	vld [tilespmem:s20+$0x170]  }
0xb9: {  	v0 =	vadd.f32 v52, v0;
	v2 =	vadd.f32 v3, v2;
	v3 =	vmul.f32 v58, v58  }
0xba: {  	v1 =	vadd.f32 v54, v1;
	v61 =	vld [tilespmem:s20+$0x180]  }
0xbb: {  	v0 =	vadd.f32 v55, v0;
	v2 =	vadd.f32 v3, v2;
	v3 =	vmul.f32 v59, v59  }
0xbc: {  	v62 =	vld [tilespmem:s20+$0x190];
	v1 =	vadd.f32 v56, v1  }
0xbd: {  	v0 =	vadd.f32 v57, v0;
	v2 =	vadd.f32 v3, v2;
	v3 =	vmul.f32 v60, v60  }
0xbe: {  	v1 =	vadd.f32 v58, v1  }
0xbf: {  	v63 =	vadd.f32 v59, v0;
	v2 =	vadd.f32 v3, v2;
	v3 =	vmul.f32 v61, v61  }
0xc0: {  	v0 =	vmov s13;
	v1 =	vadd.f32 v60, v1  }
0xc1: {  	v5 =	vadd.f32 v61, v63;
	v2 =	vadd.f32 v3, v2;
	v3 =	vmul.f32 v62, v62  }
0xc2: {  	v1 =	vadd.f32 v62, v1  }
0xc3: {  	[tilespmem:s14+$0xFFFFFFF0] =	vst v5;
	v2 =	vadd.f32 v3, v2  }
0xc4: {  	s23 =	simm.s32 $0x0;
	[tilespmem:s14+$0x0] =	vst v1  }
0xc5: {  	s18 =	simm.s32 $0x38E0;
	[tilespmem:v0+s23+$0x0 ss:$0x1] =	vst.idx.msk $0xffff, v2  }
0xc6: {  	v2 =	vld [tilespmem:s18+$0xFFFFFE60]  }
0xc7: {  	s6 =	simm.s32 $0x80;
	s20 =	smov.u32 s14;
	s23 =	simm.s32 $0x40;
	v1 =	vld [tilespmem:s18+$0xFFFFFE70]  }
.LBB2_3:
0xc8: {  	p0 =	sne.s32 s6, $0x3C0  }
0xc9: {  	v4 =	vld [tilespmem:s18+$0xFFFFFE80];
	_ =	sdelay $0x1  }
0xca: {  	v3 =	vld [tilespmem:s18+$0xFFFFFE90]  }
0xcb: {  	v6 =	vmul.f32 v2, v2;
	v7 =	vmul.f32 v1, v1  }
0xcc: {  	v5 =	vld [tilespmem:s18+$0xFFFFFEA0]  }
0xcd: {  	v7 =	vadd.f32 v7, v6;
	v8 =	vmul.f32 v4, v4  }
0xce: {  	v6 =	vld [tilespmem:s18+$0xFFFFFEB0]  }
0xcf: {  	v8 =	vadd.f32 v8, v7;
	v9 =	vmul.f32 v3, v3  }
0xd0: {  	v7 =	vld [tilespmem:s18+$0xFFFFFEC0]  }
0xd1: {  	v9 =	vadd.f32 v9, v8;
	v10 =	vmul.f32 v5, v5  }
0xd2: {  	v8 =	vld [tilespmem:s18+$0xFFFFFED0]  }
0xd3: {  	v10 =	vadd.f32 v10, v9;
	v11 =	vmul.f32 v6, v6  }
0xd4: {  	v9 =	vld [tilespmem:s18+$0xFFFFFEE0]  }
0xd5: {  	v11 =	vadd.f32 v11, v10;
	v12 =	vmul.f32 v7, v7  }
0xd6: {  	v10 =	vld [tilespmem:s18+$0xFFFFFEF0]  }
0xd7: {  	v11 =	vadd.f32 v12, v11;
	v12 =	vmul.f32 v8, v8  }
0xd8: {  	v13 =	vld [tilespmem:s18+$0xFFFFFF00]  }
0xd9: {  	v11 =	vadd.f32 v12, v11;
	v12 =	vmul.f32 v9, v9  }
0xda: {  	v14 =	vld [tilespmem:s18+$0xFFFFFF10]  }
0xdb: {  	v11 =	vadd.f32 v12, v11;
	v12 =	vmul.f32 v10, v10  }
0xdc: {  	v15 =	vld [tilespmem:s18+$0xFFFFFF20]  }
0xdd: {  	v11 =	vadd.f32 v12, v11;
	v12 =	vmul.f32 v13, v13  }
0xde: {  	v16 =	vld [tilespmem:s18+$0xFFFFFF30]  }
0xdf: {  	v11 =	vadd.f32 v12, v11;
	v12 =	vmul.f32 v14, v14  }
0xe0: {  	v17 =	vld [tilespmem:s18+$0xFFFFFF40]  }
0xe1: {  	v11 =	vadd.f32 v12, v11;
	v12 =	vmul.f32 v15, v15  }
0xe2: {  	v18 =	vld [tilespmem:s18+$0xFFFFFF50]  }
0xe3: {  	v11 =	vadd.f32 v12, v11;
	v12 =	vmul.f32 v16, v16  }
0xe4: {  	v19 =	vld [tilespmem:s18+$0xFFFFFF60]  }
0xe5: {  	v11 =	vadd.f32 v12, v11;
	v12 =	vmul.f32 v17, v17  }
0xe6: {  	v20 =	vld [tilespmem:s18+$0xFFFFFF70]  }
0xe7: {  	v11 =	vadd.f32 v12, v11;
	v12 =	vmul.f32 v18, v18  }
0xe8: {  	v21 =	vld [tilespmem:s18+$0xFFFFFF80]  }
0xe9: {  	v11 =	vadd.f32 v12, v11;
	v12 =	vmul.f32 v19, v19  }
0xea: {  	v22 =	vld [tilespmem:s18+$0xFFFFFF90]  }
0xeb: {  	v11 =	vadd.f32 v12, v11;
	v12 =	vmul.f32 v20, v20  }
0xec: {  	v23 =	vld [tilespmem:s18+$0xFFFFFFA0]  }
0xed: {  	v11 =	vadd.f32 v12, v11;
	v12 =	vmul.f32 v21, v21  }
0xee: {  	v24 =	vld [tilespmem:s18+$0xFFFFFFB0]  }
0xef: {  	v11 =	vadd.f32 v12, v11;
	v12 =	vmul.f32 v22, v22  }
0xf0: {  	v25 =	vld [tilespmem:s18+$0xFFFFFFC0]  }
0xf1: {  	v11 =	vadd.f32 v12, v11;
	v12 =	vmul.f32 v23, v23  }
0xf2: {  	v26 =	vld [tilespmem:s18+$0xFFFFFFD0]  }
0xf3: {  	v11 =	vadd.f32 v12, v11;
	v12 =	vmul.f32 v24, v24  }
0xf4: {  	v27 =	vld [tilespmem:s18+$0xFFFFFFE0]  }
0xf5: {  	v11 =	vadd.f32 v12, v11;
	v12 =	vmul.f32 v25, v25  }
0xf6: {  	v28 =	vld [tilespmem:s18+$0xFFFFFFF0]  }
0xf7: {  	v11 =	vadd.f32 v12, v11;
	v12 =	vmul.f32 v26, v26  }
0xf8: {  	v29 =	vld [tilespmem:s18+$0x0]  }
0xf9: {  	v11 =	vadd.f32 v12, v11;
	v12 =	vmul.f32 v27, v27  }
0xfa: {  	v30 =	vld [tilespmem:s18+$0x10]  }
0xfb: {  	v11 =	vadd.f32 v12, v11;
	v12 =	vmul.f32 v28, v28  }
0xfc: {  	v31 =	vld [tilespmem:s18+$0x20]  }
0xfd: {  	v2 =	vadd.f32 $0.0e+00, v2;
	v11 =	vadd.f32 v12, v11;
	v12 =	vmul.f32 v29, v29  }
0xfe: {  	v1 =	vadd.f32 $0.0e+00, v1;
	v32 =	vld [tilespmem:s18+$0x30]  }
0xff: {  	v2 =	vadd.f32 v4, v2;
	v4 =	vadd.f32 v12, v11;
	v11 =	vmul.f32 v30, v30  }
0x100: {  	v1 =	vadd.f32 v3, v1;
	v3 =	vld [tilespmem:s18+$0x40]  }
0x101: {  	v2 =	vadd.f32 v5, v2;
	v4 =	vadd.f32 v11, v4;
	v5 =	vmul.f32 v31, v31  }
0x102: {  	v1 =	vadd.f32 v6, v1;
	v6 =	vld [tilespmem:s18+$0x50]  }
0x103: {  	v2 =	vadd.f32 v7, v2;
	v4 =	vadd.f32 v5, v4;
	v5 =	vmul.f32 v32, v32  }
0x104: {  	v1 =	vadd.f32 v8, v1;
	v7 =	vld [tilespmem:s18+$0x60]  }
0x105: {  	v2 =	vadd.f32 v9, v2;
	v4 =	vadd.f32 v5, v4;
	v5 =	vmul.f32 v3, v3  }
0x106: {  	v1 =	vadd.f32 v10, v1;
	v8 =	vld [tilespmem:s18+$0x70]  }
0x107: {  	v2 =	vadd.f32 v13, v2;
	v4 =	vadd.f32 v5, v4;
	v5 =	vmul.f32 v6, v6  }
0x108: {  	v1 =	vadd.f32 v14, v1;
	v9 =	vld [tilespmem:s18+$0x80]  }
0x109: {  	v2 =	vadd.f32 v15, v2;
	v4 =	vadd.f32 v5, v4;
	v5 =	vmul.f32 v7, v7  }
0x10a: {  	v1 =	vadd.f32 v16, v1;
	v10 =	vld [tilespmem:s18+$0x90]  }
0x10b: {  	v2 =	vadd.f32 v17, v2;
	v4 =	vadd.f32 v5, v4;
	v5 =	vmul.f32 v8, v8  }
0x10c: {  	v1 =	vadd.f32 v18, v1;
	v11 =	vld [tilespmem:s18+$0xA0]  }
0x10d: {  	v2 =	vadd.f32 v19, v2;
	v4 =	vadd.f32 v5, v4;
	v5 =	vmul.f32 v9, v9  }
0x10e: {  	v1 =	vadd.f32 v20, v1;
	v12 =	vld [tilespmem:s18+$0xB0]  }
0x10f: {  	v2 =	vadd.f32 v21, v2;
	v4 =	vadd.f32 v5, v4;
	v5 =	vmul.f32 v10, v10  }
0x110: {  	v1 =	vadd.f32 v22, v1;
	v13 =	vld [tilespmem:s18+$0xC0]  }
0x111: {  	v2 =	vadd.f32 v23, v2;
	v4 =	vadd.f32 v5, v4;
	v5 =	vmul.f32 v11, v11  }
0x112: {  	v1 =	vadd.f32 v24, v1;
	v14 =	vld [tilespmem:s18+$0xD0]  }
0x113: {  	v2 =	vadd.f32 v25, v2;
	v4 =	vadd.f32 v5, v4;
	v5 =	vmul.f32 v12, v12  }
0x114: {  	v1 =	vadd.f32 v26, v1;
	v15 =	vld [tilespmem:s18+$0xE0]  }
0x115: {  	v2 =	vadd.f32 v27, v2;
	v4 =	vadd.f32 v5, v4;
	v5 =	vmul.f32 v13, v13  }
0x116: {  	v1 =	vadd.f32 v28, v1;
	v16 =	vld [tilespmem:s18+$0xF0]  }
0x117: {  	v2 =	vadd.f32 v29, v2;
	v4 =	vadd.f32 v5, v4;
	v5 =	vmul.f32 v14, v14  }
0x118: {  	v1 =	vadd.f32 v30, v1;
	v17 =	vld [tilespmem:s18+$0x100]  }
0x119: {  	v2 =	vadd.f32 v31, v2;
	v4 =	vadd.f32 v5, v4;
	v5 =	vmul.f32 v15, v15  }
0x11a: {  	v1 =	vadd.f32 v32, v1;
	v18 =	vld [tilespmem:s18+$0x110]  }
0x11b: {  	v2 =	vadd.f32 v3, v2;
	v3 =	vadd.f32 v5, v4;
	v4 =	vmul.f32 v16, v16  }
0x11c: {  	v1 =	vadd.f32 v6, v1;
	v5 =	vld [tilespmem:s18+$0x120]  }
0x11d: {  	v2 =	vadd.f32 v7, v2;
	v3 =	vadd.f32 v4, v3;
	v4 =	vmul.f32 v17, v17  }
0x11e: {  	v1 =	vadd.f32 v8, v1;
	v6 =	vld [tilespmem:s18+$0x130]  }
0x11f: {  	v2 =	vadd.f32 v9, v2;
	v3 =	vadd.f32 v4, v3;
	v4 =	vmul.f32 v18, v18  }
0x120: {  	v1 =	vadd.f32 v10, v1;
	v7 =	vld [tilespmem:s18+$0x140]  }
0x121: {  	v2 =	vadd.f32 v11, v2;
	v3 =	vadd.f32 v4, v3;
	v4 =	vmul.f32 v5, v5  }
0x122: {  	v1 =	vadd.f32 v12, v1;
	v8 =	vld [tilespmem:s18+$0x150]  }
0x123: {  	v2 =	vadd.f32 v13, v2;
	v3 =	vadd.f32 v4, v3;
	v4 =	vmul.f32 v6, v6  }
0x124: {  	v1 =	vadd.f32 v14, v1;
	v9 =	vld [tilespmem:s18+$0x160]  }
0x125: {  	v2 =	vadd.f32 v15, v2;
	v3 =	vadd.f32 v4, v3;
	v4 =	vmul.f32 v7, v7  }
0x126: {  	v1 =	vadd.f32 v16, v1;
	v10 =	vld [tilespmem:s18+$0x170]  }
0x127: {  	v2 =	vadd.f32 v17, v2;
	v3 =	vadd.f32 v4, v3;
	v4 =	vmul.f32 v8, v8  }
0x128: {  	v1 =	vadd.f32 v18, v1;
	v11 =	vld [tilespmem:s18+$0x180]  }
0x129: {  	v2 =	vadd.f32 v5, v2;
	v3 =	vadd.f32 v4, v3;
	v4 =	vmul.f32 v9, v9  }
0x12a: {  	v1 =	vadd.f32 v6, v1;
	v5 =	vld [tilespmem:s18+$0x190]  }
0x12b: {  	v2 =	vadd.f32 v7, v2;
	v3 =	vadd.f32 v4, v3;
	v4 =	vmul.f32 v10, v10  }
0x12c: {  	v1 =	vadd.f32 v8, v1  }
0x12d: {  	v2 =	vadd.f32 v9, v2;
	v3 =	vadd.f32 v4, v3;
	v4 =	vmul.f32 v11, v11  }
0x12e: {  	v1 =	vadd.f32 v10, v1  }
0x12f: {  	v2 =	vadd.f32 v11, v2;
	v3 =	vadd.f32 v4, v3;
	v4 =	vmul.f32 v5, v5  }
0x130: {  	s20 =	sadd.s32 $0x20, s20;
	v1 =	vadd.f32 v5, v1  }
.Ltmp0:
0x131: {  	v3 =	vadd.f32 v4, v3;
	[tilespmem:s20+$0xFFFFFFF0] =	vst v2;
	(pc) =	sbr.rel @p0 .LBB2_3-.Ltmp0, $4  }
0x132: {  	s7 =	sshra.s32 s23, $0x2;
	s23 =	smov.u32 s6;
	[tilespmem:s20+$0x0] =	vst v1  }
0x133: {  	s18 =	sadd.s32 $0x340, s18;
	[tilespmem:v0+s7+$0x0 ss:$0x1] =	vst.idx.msk $0xffff, v3  }
0x134: {  	v2 =	vld [tilespmem:s18+$0xFFFFFE60]  }
0x135: {  	s6 =	sadd.s32 $0x40, s6;
	v1 =	vld [tilespmem:s18+$0xFFFFFE70]  }
0x136: {  	_ = 	snop  }
0x137: {  	v3 =	vld [tilespmem:s18+$0xFFFFFE80];
	_ =	sdelay $0x1  }
0x138: {  	v4 =	vld [tilespmem:s18+$0xFFFFFE90]  }
0x139: {  	v5 =	vmul.f32 v2, v2;
	v6 =	vmul.f32 v1, v1  }
0x13a: {  	v7 =	vld [tilespmem:s18+$0xFFFFFEA0]  }
0x13b: {  	v23 =	vmul.f32 v3, v3;
	v5 =	vadd.f32 v6, v5  }
0x13c: {  	v8 =	vld [tilespmem:s18+$0xFFFFFEB0]  }
0x13d: {  	v24 =	vmul.f32 v4, v4;
	v5 =	vadd.f32 v23, v5  }
0x13e: {  	v9 =	vld [tilespmem:s18+$0xFFFFFEC0]  }
0x13f: {  	v25 =	vmul.f32 v7, v7;
	v5 =	vadd.f32 v24, v5  }
0x140: {  	v10 =	vld [tilespmem:s18+$0xFFFFFED0]  }
0x141: {  	v26 =	vmul.f32 v8, v8;
	v5 =	vadd.f32 v25, v5  }
0x142: {  	v11 =	vld [tilespmem:s18+$0xFFFFFEE0]  }
0x143: {  	v27 =	vmul.f32 v9, v9;
	v5 =	vadd.f32 v26, v5  }
0x144: {  	v12 =	vld [tilespmem:s18+$0xFFFFFEF0]  }
0x145: {  	v28 =	vmul.f32 v10, v10;
	v5 =	vadd.f32 v27, v5  }
0x146: {  	v13 =	vld [tilespmem:s18+$0xFFFFFF00]  }
0x147: {  	v29 =	vmul.f32 v11, v11;
	v5 =	vadd.f32 v28, v5  }
0x148: {  	v14 =	vld [tilespmem:s18+$0xFFFFFF10]  }
0x149: {  	v30 =	vmul.f32 v12, v12;
	v5 =	vadd.f32 v29, v5  }
0x14a: {  	v15 =	vld [tilespmem:s18+$0xFFFFFF20]  }
0x14b: {  	v31 =	vmul.f32 v13, v13;
	v5 =	vadd.f32 v30, v5  }
0x14c: {  	v16 =	vld [tilespmem:s18+$0xFFFFFF30]  }
0x14d: {  	v32 =	vmul.f32 v14, v14;
	v5 =	vadd.f32 v31, v5  }
0x14e: {  	v17 =	vld [tilespmem:s18+$0xFFFFFF40]  }
0x14f: {  	v33 =	vmul.f32 v15, v15;
	v5 =	vadd.f32 v32, v5  }
0x150: {  	v18 =	vld [tilespmem:s18+$0xFFFFFF50]  }
0x151: {  	v34 =	vmul.f32 v16, v16;
	v5 =	vadd.f32 v33, v5  }
0x152: {  	v19 =	vld [tilespmem:s18+$0xFFFFFF60]  }
0x153: {  	v35 =	vmul.f32 v17, v17;
	v5 =	vadd.f32 v34, v5  }
0x154: {  	v20 =	vld [tilespmem:s18+$0xFFFFFF70]  }
0x155: {  	v36 =	vmul.f32 v18, v18;
	v5 =	vadd.f32 v35, v5  }
0x156: {  	v21 =	vld [tilespmem:s18+$0xFFFFFF80]  }
0x157: {  	v37 =	vmul.f32 v19, v19;
	v5 =	vadd.f32 v36, v5  }
0x158: {  	v22 =	vld [tilespmem:s18+$0xFFFFFF90]  }
0x159: {  	v38 =	vmul.f32 v20, v20;
	v5 =	vadd.f32 v37, v5  }
0x15a: {  	v23 =	vld [tilespmem:s18+$0xFFFFFFA0]  }
0x15b: {  	v39 =	vmul.f32 v21, v21;
	v5 =	vadd.f32 v38, v5  }
0x15c: {  	v24 =	vld [tilespmem:s18+$0xFFFFFFB0]  }
0x15d: {  	v40 =	vmul.f32 v22, v22;
	v5 =	vadd.f32 v39, v5  }
0x15e: {  	v25 =	vld [tilespmem:s18+$0xFFFFFFC0]  }
0x15f: {  	v41 =	vmul.f32 v23, v23;
	v5 =	vadd.f32 v40, v5  }
0x160: {  	v26 =	vld [tilespmem:s18+$0xFFFFFFD0]  }
0x161: {  	v42 =	vmul.f32 v24, v24;
	v5 =	vadd.f32 v41, v5  }
0x162: {  	v27 =	vld [tilespmem:s18+$0xFFFFFFE0]  }
0x163: {  	v43 =	vmul.f32 v25, v25;
	v5 =	vadd.f32 v42, v5  }
0x164: {  	v28 =	vld [tilespmem:s18+$0xFFFFFFF0]  }
0x165: {  	v44 =	vmul.f32 v26, v26;
	v5 =	vadd.f32 v43, v5  }
0x166: {  	v29 =	vld [tilespmem:s18+$0x0]  }
0x167: {  	v45 =	vmul.f32 v27, v27;
	v5 =	vadd.f32 v44, v5  }
0x168: {  	v30 =	vld [tilespmem:s18+$0x10]  }
0x169: {  	v46 =	vmul.f32 v28, v28;
	v5 =	vadd.f32 v45, v5  }
0x16a: {  	v31 =	vld [tilespmem:s18+$0x20]  }
0x16b: {  	v2 =	vadd.f32 $0.0e+00, v2;
	v47 =	vmul.f32 v29, v29;
	v5 =	vadd.f32 v46, v5  }
0x16c: {  	v1 =	vadd.f32 $0.0e+00, v1;
	v32 =	vld [tilespmem:s18+$0x30]  }
0x16d: {  	v2 =	vadd.f32 v3, v2;
	v48 =	vmul.f32 v30, v30;
	v3 =	vadd.f32 v47, v5  }
0x16e: {  	v49 =	vld [tilespmem:s18+$0x40];
	v1 =	vadd.f32 v4, v1  }
0x16f: {  	v2 =	vadd.f32 v7, v2;
	v50 =	vmul.f32 v31, v31;
	v3 =	vadd.f32 v48, v3  }
0x170: {  	v51 =	vld [tilespmem:s18+$0x50];
	v1 =	vadd.f32 v8, v1  }
0x171: {  	v2 =	vadd.f32 v9, v2;
	v52 =	vmul.f32 v32, v32;
	v3 =	vadd.f32 v50, v3  }
0x172: {  	v53 =	vld [tilespmem:s18+$0x60];
	v1 =	vadd.f32 v10, v1  }
0x173: {  	v54 =	vmul.f32 v49, v49;
	v2 =	vadd.f32 v11, v2;
	v3 =	vadd.f32 v52, v3  }
0x174: {  	v55 =	vld [tilespmem:s18+$0x70];
	v1 =	vadd.f32 v12, v1  }
0x175: {  	v56 =	vmul.f32 v51, v51;
	v2 =	vadd.f32 v13, v2;
	v3 =	vadd.f32 v54, v3  }
0x176: {  	v57 =	vld [tilespmem:s18+$0x80];
	v1 =	vadd.f32 v14, v1  }
0x177: {  	v58 =	vmul.f32 v53, v53;
	v2 =	vadd.f32 v15, v2;
	v3 =	vadd.f32 v56, v3  }
0x178: {  	v59 =	vld [tilespmem:s18+$0x90];
	v1 =	vadd.f32 v16, v1  }
0x179: {  	v60 =	vmul.f32 v55, v55;
	v2 =	vadd.f32 v17, v2;
	v3 =	vadd.f32 v58, v3  }
0x17a: {  	v61 =	vld [tilespmem:s18+$0xA0];
	v1 =	vadd.f32 v18, v1  }
0x17b: {  	v62 =	vmul.f32 v57, v57;
	v2 =	vadd.f32 v19, v2;
	v3 =	vadd.f32 v60, v3  }
0x17c: {  	v63 =	vld [tilespmem:s18+$0xB0];
	v1 =	vadd.f32 v20, v1  }
0x17d: {  	v2 =	vadd.f32 v21, v2;
	v21 =	vmul.f32 v59, v59;
	v3 =	vadd.f32 v62, v3  }
0x17e: {  	v1 =	vadd.f32 v22, v1;
	v22 =	vld [tilespmem:s18+$0xC0]  }
0x17f: {  	v2 =	vadd.f32 v23, v2;
	v23 =	vmul.f32 v61, v61;
	v3 =	vadd.f32 v21, v3  }
0x180: {  	v1 =	vadd.f32 v24, v1;
	v24 =	vld [tilespmem:s18+$0xD0]  }
0x181: {  	v2 =	vadd.f32 v25, v2;
	v25 =	vmul.f32 v63, v63;
	v3 =	vadd.f32 v23, v3  }
0x182: {  	v1 =	vadd.f32 v26, v1;
	v33 =	vld [tilespmem:s18+$0xE0]  }
0x183: {  	v2 =	vadd.f32 v27, v2;
	v34 =	vmul.f32 v22, v22;
	v3 =	vadd.f32 v25, v3  }
0x184: {  	v1 =	vadd.f32 v28, v1;
	v35 =	vld [tilespmem:s18+$0xF0]  }
0x185: {  	v2 =	vadd.f32 v29, v2;
	v36 =	vmul.f32 v24, v24;
	v3 =	vadd.f32 v34, v3  }
0x186: {  	v1 =	vadd.f32 v30, v1;
	v37 =	vld [tilespmem:s18+$0x100]  }
0x187: {  	v2 =	vadd.f32 v31, v2;
	v38 =	vmul.f32 v33, v33;
	v3 =	vadd.f32 v36, v3  }
0x188: {  	v1 =	vadd.f32 v32, v1;
	v39 =	vld [tilespmem:s18+$0x110]  }
0x189: {  	v2 =	vadd.f32 v49, v2;
	v40 =	vmul.f32 v35, v35;
	v3 =	vadd.f32 v38, v3  }
0x18a: {  	v1 =	vadd.f32 v51, v1;
	v41 =	vld [tilespmem:s18+$0x120]  }
0x18b: {  	v2 =	vadd.f32 v53, v2;
	v42 =	vmul.f32 v37, v37;
	v3 =	vadd.f32 v40, v3  }
0x18c: {  	v1 =	vadd.f32 v55, v1;
	v43 =	vld [tilespmem:s18+$0x130]  }
0x18d: {  	v2 =	vadd.f32 v57, v2;
	v44 =	vmul.f32 v39, v39;
	v3 =	vadd.f32 v42, v3  }
0x18e: {  	v1 =	vadd.f32 v59, v1;
	v45 =	vld [tilespmem:s18+$0x140]  }
0x18f: {  	v2 =	vadd.f32 v61, v2;
	v46 =	vmul.f32 v41, v41;
	v3 =	vadd.f32 v44, v3  }
0x190: {  	v1 =	vadd.f32 v63, v1;
	v47 =	vld [tilespmem:s18+$0x150]  }
0x191: {  	v2 =	vadd.f32 v22, v2;
	v48 =	vmul.f32 v43, v43;
	v3 =	vadd.f32 v46, v3  }
0x192: {  	v49 =	vld [tilespmem:s18+$0x160];
	v1 =	vadd.f32 v24, v1  }
0x193: {  	v2 =	vadd.f32 v33, v2;
	v50 =	vmul.f32 v45, v45;
	v3 =	vadd.f32 v48, v3  }
0x194: {  	v51 =	vld [tilespmem:s18+$0x170];
	v1 =	vadd.f32 v35, v1  }
0x195: {  	v2 =	vadd.f32 v37, v2;
	v52 =	vmul.f32 v47, v47;
	v3 =	vadd.f32 v50, v3  }
0x196: {  	v53 =	vld [tilespmem:s18+$0x180];
	v1 =	vadd.f32 v39, v1  }
0x197: {  	v2 =	vadd.f32 v41, v2;
	v54 =	vmul.f32 v49, v49;
	v3 =	vadd.f32 v52, v3  }
0x198: {  	v55 =	vld [tilespmem:s18+$0x190];
	v1 =	vadd.f32 v43, v1  }
0x199: {  	v2 =	vadd.f32 v45, v2;
	v56 =	vmul.f32 v51, v51;
	v3 =	vadd.f32 v54, v3  }
0x19a: {  	v1 =	vadd.f32 v47, v1  }
0x19b: {  	v57 =	vmul.f32 v53, v53;
	v2 =	vadd.f32 v49, v2;
	v3 =	vadd.f32 v56, v3  }
0x19c: {  	v1 =	vadd.f32 v51, v1  }
0x19d: {  	v2 =	vadd.f32 v53, v2;
	v58 =	vmul.f32 v55, v55;
	v3 =	vadd.f32 v57, v3  }
0x19e: {  	s6 =	sadd.s32 $0x20, s20;
	p0 =	seq.s32 s17, $0x7;
	v1 =	vadd.f32 v55, v1  }
0x19f: {  	s20 =	smul.u32 @!p0 $0x680, s17;
	[tilespmem:s6+$0xFFFFFFF0] =	vst v2;
	v3 =	vadd.f32 v58, v3  }
0x1a0: {  	s9 =	sshra.s32 s23, $0x2;
	[tilespmem:s6+$0x0] =	vst v1  }
0x1a1: {  	s7 =	simm.s32 @!p0 $0x68;
	s18 =	simm.s32 @!p0 $0x3400;
	s6 =	sadd.s32 @!p0 $0x680, s20;
	[tilespmem:v0+s9+$0x0 ss:$0x1] =	vst.idx.msk $0xffff, v3  }
0x1a2: {  	[tilespmem:s18], [sflag:$0x1] =	stream.indirect.gather @!p0 [hbm4b:s3+s7], $0x20, s6, s7, $0xb8;
	[tilespmem:$0x19800] =	vst v63  }
0x1a3: {  	s23 =	simm.s32 @!p0 $0x4100;
	s18 =	sadd.s32 @!p0 $0x6E8, s20  }
0x1a4: {  	[tilespmem:s23], [sflag:$0x1] =	stream.indirect.gather @!p0 [hbm4b:s3+s7], $0x20, s18, s7, $0xb8;
	[tilespmem:$0x19800] =	vst v63  }
0x1a5: {  	s8 =	simm.s32 @!p0 $0x4E00;
	s23 =	sadd.s32 @!p0 $0x750, s20  }
0x1a6: {  	[tilespmem:s8], [sflag:$0x1] =	stream.indirect.gather @!p0 [hbm4b:s3+s7], $0x20, s23, s7, $0xb8;
	[tilespmem:$0x19800] =	vst v63  }
0x1a7: {  	s9 =	simm.s32 @!p0 $0x5B00;
	s8 =	sadd.s32 @!p0 $0x7B8, s20  }
0x1a8: {  	[tilespmem:s9], [sflag:$0x1] =	stream.indirect.gather @!p0 [hbm4b:s3+s7], $0x20, s8, s7, $0xb8;
	[tilespmem:$0x19800] =	vst v63  }
0x1a9: {  	s9 =	sadd.s32 @!p0 $0x10A80, s20  }
0x1aa: {  	[tilespmem:s9], [sflag:$0x5] =	stream.indirect.gather @!p0 [hbm4b:s4+s7], $0x1, s6, s7, $0xb8;
	[tilespmem:$0x19800] =	vst v63  }
0x1ab: {  	s6 =	sadd.s32 @!p0 $0x10AE8, s20  }
0x1ac: {  	[tilespmem:s6], [sflag:$0x5] =	stream.indirect.gather @!p0 [hbm4b:s4+s7], $0x1, s18, s7, $0xb8;
	[tilespmem:$0x19800] =	vst v63  }
0x1ad: {  	s6 =	sadd.s32 @!p0 $0x10B50, s20  }
0x1ae: {  	[tilespmem:s6], [sflag:$0x5] =	stream.indirect.gather @!p0 [hbm4b:s4+s7], $0x1, s23, s7, $0xb8;
	[tilespmem:$0x19800] =	vst v63  }
0x1af: {  	s6 =	sadd.s32 @!p0 $0x10BB8, s20  }
0x1b0: {  	[tilespmem:s6], [sflag:$0x5] =	stream.indirect.gather @!p0 [hbm4b:s4+s7], $0x1, s8, s7, $0xb8;
	[tilespmem:$0x19800] =	vst v63  }
0x1b1: {  	_ =	swait.ge [sflag:s25], $0x3400  }
0x1b2: {  	[sflag:s25] =	ssyncset.done $0x0  }
0x1b3: {  	s18 =	simm.s32 $0x69A0;
	[sflag:s25] =	ssyncadd.s32 $0xFFFFCC00  }
0x1b4: {  	v0 =	vld [tilespmem:s18+$0xFFFFFE60]  }
0x1b5: {  	v1 =	vld [tilespmem:s18+$0xFFFFFE70];
	_ =	sdelay $0x1  }
0x1b6: {  	v2 =	vld [tilespmem:s18+$0xFFFFFE80];
	_ =	sdelay $0x1  }
0x1b7: {  	v3 =	vld [tilespmem:s18+$0xFFFFFE90]  }
0x1b8: {  	v59 =	vmul.f32 v0, v0;
	v60 =	vmul.f32 v1, v1  }
0x1b9: {  	v6 =	vld [tilespmem:s18+$0xFFFFFEA0]  }
0x1ba: {  	v61 =	vmul.f32 v2, v2;
	v4 =	vadd.f32 v60, v59  }
0x1bb: {  	v7 =	vld [tilespmem:s18+$0xFFFFFEB0]  }
0x1bc: {  	v62 =	vmul.f32 v3, v3;
	v4 =	vadd.f32 v61, v4  }
0x1bd: {  	v63 =	vld [tilespmem:s18+$0xFFFFFEC0]  }
0x1be: {  	v31 =	vmul.f32 v6, v6;
	v4 =	vadd.f32 v62, v4  }
0x1bf: {  	v9 =	vld [tilespmem:s18+$0xFFFFFED0]  }
0x1c0: {  	v32 =	vmul.f32 v7, v7;
	v4 =	vadd.f32 v31, v4  }
0x1c1: {  	v10 =	vld [tilespmem:s18+$0xFFFFFEE0]  }
0x1c2: {  	v33 =	vmul.f32 v63, v63;
	v4 =	vadd.f32 v32, v4  }
0x1c3: {  	v11 =	vld [tilespmem:s18+$0xFFFFFEF0]  }
0x1c4: {  	v34 =	vmul.f32 v9, v9;
	v4 =	vadd.f32 v33, v4  }
0x1c5: {  	v12 =	vld [tilespmem:s18+$0xFFFFFF00]  }
0x1c6: {  	v35 =	vmul.f32 v10, v10;
	v4 =	vadd.f32 v34, v4  }
0x1c7: {  	v13 =	vld [tilespmem:s18+$0xFFFFFF10]  }
0x1c8: {  	v36 =	vmul.f32 v11, v11;
	v4 =	vadd.f32 v35, v4  }
0x1c9: {  	v14 =	vld [tilespmem:s18+$0xFFFFFF20]  }
0x1ca: {  	v37 =	vmul.f32 v12, v12;
	v4 =	vadd.f32 v36, v4  }
0x1cb: {  	v15 =	vld [tilespmem:s18+$0xFFFFFF30]  }
0x1cc: {  	v38 =	vmul.f32 v13, v13;
	v4 =	vadd.f32 v37, v4  }
0x1cd: {  	v16 =	vld [tilespmem:s18+$0xFFFFFF40]  }
0x1ce: {  	v39 =	vmul.f32 v14, v14;
	v4 =	vadd.f32 v38, v4  }
0x1cf: {  	v17 =	vld [tilespmem:s18+$0xFFFFFF50]  }
0x1d0: {  	v40 =	vmul.f32 v15, v15;
	v4 =	vadd.f32 v39, v4  }
0x1d1: {  	v18 =	vld [tilespmem:s18+$0xFFFFFF60]  }
0x1d2: {  	v41 =	vmul.f32 v16, v16;
	v4 =	vadd.f32 v40, v4  }
0x1d3: {  	v19 =	vld [tilespmem:s18+$0xFFFFFF70]  }
0x1d4: {  	v42 =	vmul.f32 v17, v17;
	v4 =	vadd.f32 v41, v4  }
0x1d5: {  	v20 =	vld [tilespmem:s18+$0xFFFFFF80]  }
0x1d6: {  	v43 =	vmul.f32 v18, v18;
	v4 =	vadd.f32 v42, v4  }
0x1d7: {  	v21 =	vld [tilespmem:s18+$0xFFFFFF90]  }
0x1d8: {  	v44 =	vmul.f32 v19, v19;
	v4 =	vadd.f32 v43, v4  }
0x1d9: {  	v22 =	vld [tilespmem:s18+$0xFFFFFFA0]  }
0x1da: {  	v45 =	vmul.f32 v20, v20;
	v4 =	vadd.f32 v44, v4  }
0x1db: {  	v23 =	vld [tilespmem:s18+$0xFFFFFFB0]  }
0x1dc: {  	v46 =	vmul.f32 v21, v21;
	v4 =	vadd.f32 v45, v4  }
0x1dd: {  	v24 =	vld [tilespmem:s18+$0xFFFFFFC0]  }
0x1de: {  	v47 =	vmul.f32 v22, v22;
	v4 =	vadd.f32 v46, v4  }
0x1df: {  	v25 =	vld [tilespmem:s18+$0xFFFFFFD0]  }
0x1e0: {  	v48 =	vmul.f32 v23, v23;
	v4 =	vadd.f32 v47, v4  }
0x1e1: {  	v49 =	vld [tilespmem:s18+$0xFFFFFFE0]  }
0x1e2: {  	v50 =	vmul.f32 v24, v24;
	v4 =	vadd.f32 v48, v4  }
0x1e3: {  	v51 =	vld [tilespmem:s18+$0xFFFFFFF0]  }
0x1e4: {  	v52 =	vmul.f32 v25, v25;
	v4 =	vadd.f32 v50, v4  }
0x1e5: {  	v53 =	vld [tilespmem:s18+$0x0]  }
0x1e6: {  	v54 =	vmul.f32 v49, v49;
	v4 =	vadd.f32 v52, v4  }
0x1e7: {  	v55 =	vld [tilespmem:s18+$0x10]  }
0x1e8: {  	v56 =	vmul.f32 v51, v51;
	v4 =	vadd.f32 v54, v4  }
0x1e9: {  	v57 =	vld [tilespmem:s18+$0x20]  }
0x1ea: {  	v0 =	vadd.f32 $0.0e+00, v0;
	v58 =	vmul.f32 v53, v53;
	v4 =	vadd.f32 v56, v4  }
0x1eb: {  	v1 =	vadd.f32 $0.0e+00, v1;
	v59 =	vld [tilespmem:s18+$0x30]  }
0x1ec: {  	v0 =	vadd.f32 v2, v0;
	v60 =	vmul.f32 v55, v55;
	v2 =	vadd.f32 v58, v4  }
0x1ed: {  	v1 =	vadd.f32 v3, v1;
	v3 =	vld [tilespmem:s18+$0x40]  }
0x1ee: {  	v0 =	vadd.f32 v6, v0;
	v61 =	vmul.f32 v57, v57;
	v2 =	vadd.f32 v60, v2  }
0x1ef: {  	v1 =	vadd.f32 v7, v1;
	v62 =	vld [tilespmem:s18+$0x50]  }
0x1f0: {  	v0 =	vadd.f32 v63, v0;
	v63 =	vmul.f32 v59, v59;
	v2 =	vadd.f32 v61, v2  }
0x1f1: {  	v1 =	vadd.f32 v9, v1;
	v32 =	vld [tilespmem:s18+$0x60]  }
0x1f2: {  	v0 =	vadd.f32 v10, v0;
	v33 =	vmul.f32 v3, v3;
	v2 =	vadd.f32 v63, v2  }
0x1f3: {  	v1 =	vadd.f32 v11, v1;
	v34 =	vld [tilespmem:s18+$0x70]  }
0x1f4: {  	v0 =	vadd.f32 v12, v0;
	v35 =	vmul.f32 v62, v62;
	v2 =	vadd.f32 v33, v2  }
0x1f5: {  	v1 =	vadd.f32 v13, v1;
	v36 =	vld [tilespmem:s18+$0x80]  }
0x1f6: {  	v0 =	vadd.f32 v14, v0;
	v37 =	vmul.f32 v32, v32;
	v2 =	vadd.f32 v35, v2  }
0x1f7: {  	v1 =	vadd.f32 v15, v1;
	v38 =	vld [tilespmem:s18+$0x90]  }
0x1f8: {  	v0 =	vadd.f32 v16, v0;
	v39 =	vmul.f32 v34, v34;
	v2 =	vadd.f32 v37, v2  }
0x1f9: {  	v1 =	vadd.f32 v17, v1;
	v40 =	vld [tilespmem:s18+$0xA0]  }
0x1fa: {  	v0 =	vadd.f32 v18, v0;
	v41 =	vmul.f32 v36, v36;
	v2 =	vadd.f32 v39, v2  }
0x1fb: {  	v1 =	vadd.f32 v19, v1;
	v42 =	vld [tilespmem:s18+$0xB0]  }
0x1fc: {  	v0 =	vadd.f32 v20, v0;
	v43 =	vmul.f32 v38, v38;
	v2 =	vadd.f32 v41, v2  }
0x1fd: {  	v1 =	vadd.f32 v21, v1;
	v44 =	vld [tilespmem:s18+$0xC0]  }
0x1fe: {  	v0 =	vadd.f32 v22, v0;
	v45 =	vmul.f32 v40, v40;
	v2 =	vadd.f32 v43, v2  }
0x1ff: {  	v1 =	vadd.f32 v23, v1;
	v46 =	vld [tilespmem:s18+$0xD0]  }
0x200: {  	v0 =	vadd.f32 v24, v0;
	v47 =	vmul.f32 v42, v42;
	v2 =	vadd.f32 v45, v2  }
0x201: {  	v1 =	vadd.f32 v25, v1;
	v48 =	vld [tilespmem:s18+$0xE0]  }
0x202: {  	v0 =	vadd.f32 v49, v0;
	v49 =	vmul.f32 v44, v44;
	v2 =	vadd.f32 v47, v2  }
0x203: {  	v1 =	vadd.f32 v51, v1;
	v50 =	vld [tilespmem:s18+$0xF0]  }
0x204: {  	v0 =	vadd.f32 v53, v0;
	v51 =	vmul.f32 v46, v46;
	v2 =	vadd.f32 v49, v2  }
0x205: {  	v1 =	vadd.f32 v55, v1;
	v52 =	vld [tilespmem:s18+$0x100]  }
0x206: {  	v0 =	vadd.f32 v57, v0;
	v53 =	vmul.f32 v48, v48;
	v2 =	vadd.f32 v51, v2  }
0x207: {  	v1 =	vadd.f32 v59, v1;
	v54 =	vld [tilespmem:s18+$0x110]  }
0x208: {  	v0 =	vadd.f32 v3, v0;
	v3 =	vmul.f32 v50, v50;
	v2 =	vadd.f32 v53, v2  }
0x209: {  	v55 =	vld [tilespmem:s18+$0x120];
	v1 =	vadd.f32 v62, v1  }
0x20a: {  	v0 =	vadd.f32 v32, v0;
	v2 =	vadd.f32 v3, v2;
	v3 =	vmul.f32 v52, v52  }
0x20b: {  	v1 =	vadd.f32 v34, v1;
	v56 =	vld [tilespmem:s18+$0x130]  }
0x20c: {  	v0 =	vadd.f32 v36, v0;
	v2 =	vadd.f32 v3, v2;
	v3 =	vmul.f32 v54, v54  }
0x20d: {  	v57 =	vld [tilespmem:s18+$0x140];
	v1 =	vadd.f32 v38, v1  }
0x20e: {  	v0 =	vadd.f32 v40, v0;
	v2 =	vadd.f32 v3, v2;
	v3 =	vmul.f32 v55, v55  }
0x20f: {  	v1 =	vadd.f32 v42, v1;
	v58 =	vld [tilespmem:s18+$0x150]  }
0x210: {  	v0 =	vadd.f32 v44, v0;
	v2 =	vadd.f32 v3, v2;
	v3 =	vmul.f32 v56, v56  }
0x211: {  	v59 =	vld [tilespmem:s18+$0x160];
	v1 =	vadd.f32 v46, v1  }
0x212: {  	v0 =	vadd.f32 v48, v0;
	v2 =	vadd.f32 v3, v2;
	v3 =	vmul.f32 v57, v57  }
0x213: {  	v1 =	vadd.f32 v50, v1;
	v60 =	vld [tilespmem:s18+$0x170]  }
0x214: {  	v0 =	vadd.f32 v52, v0;
	v2 =	vadd.f32 v3, v2;
	v3 =	vmul.f32 v58, v58  }
0x215: {  	v1 =	vadd.f32 v54, v1;
	v61 =	vld [tilespmem:s18+$0x180]  }
0x216: {  	v0 =	vadd.f32 v55, v0;
	v2 =	vadd.f32 v3, v2;
	v3 =	vmul.f32 v59, v59  }
0x217: {  	v62 =	vld [tilespmem:s18+$0x190];
	v1 =	vadd.f32 v56, v1  }
0x218: {  	v0 =	vadd.f32 v57, v0;
	v2 =	vadd.f32 v3, v2;
	v3 =	vmul.f32 v60, v60  }
0x219: {  	v1 =	vadd.f32 v58, v1  }
0x21a: {  	v63 =	vadd.f32 v59, v0;
	v2 =	vadd.f32 v3, v2;
	v3 =	vmul.f32 v61, v61  }
0x21b: {  	v0 =	vmov s16;
	v1 =	vadd.f32 v60, v1  }
0x21c: {  	v5 =	vadd.f32 v61, v63;
	v2 =	vadd.f32 v3, v2;
	v3 =	vmul.f32 v62, v62  }
0x21d: {  	v1 =	vadd.f32 v62, v1  }
0x21e: {  	[tilespmem:s5+$0xFFFFFFF0] =	vst v5;
	v2 =	vadd.f32 v3, v2  }
0x21f: {  	s23 =	simm.s32 $0x0;
	[tilespmem:s5+$0x0] =	vst v1  }
0x220: {  	s6 =	simm.s32 $0x6CE0;
	[tilespmem:v0+s23+$0x0 ss:$0x1] =	vst.idx.msk $0xffff, v2  }
0x221: {  	v2 =	vld [tilespmem:s6+$0xFFFFFE60]  }
0x222: {  	s7 =	simm.s32 $0x80;
	s18 =	smov.u32 s5;
	s23 =	simm.s32 $0x40;
	v1 =	vld [tilespmem:s6+$0xFFFFFE70]  }
.LBB2_5:
0x223: {  	p1 =	sne.s32 s7, $0x3C0  }
0x224: {  	v4 =	vld [tilespmem:s6+$0xFFFFFE80];
	_ =	sdelay $0x1  }
0x225: {  	v3 =	vld [tilespmem:s6+$0xFFFFFE90]  }
0x226: {  	v6 =	vmul.f32 v2, v2;
	v7 =	vmul.f32 v1, v1  }
0x227: {  	v5 =	vld [tilespmem:s6+$0xFFFFFEA0]  }
0x228: {  	v7 =	vadd.f32 v7, v6;
	v8 =	vmul.f32 v4, v4  }
0x229: {  	v6 =	vld [tilespmem:s6+$0xFFFFFEB0]  }
0x22a: {  	v8 =	vadd.f32 v8, v7;
	v9 =	vmul.f32 v3, v3  }
0x22b: {  	v7 =	vld [tilespmem:s6+$0xFFFFFEC0]  }
0x22c: {  	v9 =	vadd.f32 v9, v8;
	v10 =	vmul.f32 v5, v5  }
0x22d: {  	v8 =	vld [tilespmem:s6+$0xFFFFFED0]  }
0x22e: {  	v10 =	vadd.f32 v10, v9;
	v11 =	vmul.f32 v6, v6  }
0x22f: {  	v9 =	vld [tilespmem:s6+$0xFFFFFEE0]  }
0x230: {  	v11 =	vadd.f32 v11, v10;
	v12 =	vmul.f32 v7, v7  }
0x231: {  	v10 =	vld [tilespmem:s6+$0xFFFFFEF0]  }
0x232: {  	v11 =	vadd.f32 v12, v11;
	v12 =	vmul.f32 v8, v8  }
0x233: {  	v13 =	vld [tilespmem:s6+$0xFFFFFF00]  }
0x234: {  	v11 =	vadd.f32 v12, v11;
	v12 =	vmul.f32 v9, v9  }
0x235: {  	v14 =	vld [tilespmem:s6+$0xFFFFFF10]  }
0x236: {  	v11 =	vadd.f32 v12, v11;
	v12 =	vmul.f32 v10, v10  }
0x237: {  	v15 =	vld [tilespmem:s6+$0xFFFFFF20]  }
0x238: {  	v11 =	vadd.f32 v12, v11;
	v12 =	vmul.f32 v13, v13  }
0x239: {  	v16 =	vld [tilespmem:s6+$0xFFFFFF30]  }
0x23a: {  	v11 =	vadd.f32 v12, v11;
	v12 =	vmul.f32 v14, v14  }
0x23b: {  	v17 =	vld [tilespmem:s6+$0xFFFFFF40]  }
0x23c: {  	v11 =	vadd.f32 v12, v11;
	v12 =	vmul.f32 v15, v15  }
0x23d: {  	v18 =	vld [tilespmem:s6+$0xFFFFFF50]  }
0x23e: {  	v11 =	vadd.f32 v12, v11;
	v12 =	vmul.f32 v16, v16  }
0x23f: {  	v19 =	vld [tilespmem:s6+$0xFFFFFF60]  }
0x240: {  	v11 =	vadd.f32 v12, v11;
	v12 =	vmul.f32 v17, v17  }
0x241: {  	v20 =	vld [tilespmem:s6+$0xFFFFFF70]  }
0x242: {  	v11 =	vadd.f32 v12, v11;
	v12 =	vmul.f32 v18, v18  }
0x243: {  	v21 =	vld [tilespmem:s6+$0xFFFFFF80]  }
0x244: {  	v11 =	vadd.f32 v12, v11;
	v12 =	vmul.f32 v19, v19  }
0x245: {  	v22 =	vld [tilespmem:s6+$0xFFFFFF90]  }
0x246: {  	v11 =	vadd.f32 v12, v11;
	v12 =	vmul.f32 v20, v20  }
0x247: {  	v23 =	vld [tilespmem:s6+$0xFFFFFFA0]  }
0x248: {  	v11 =	vadd.f32 v12, v11;
	v12 =	vmul.f32 v21, v21  }
0x249: {  	v24 =	vld [tilespmem:s6+$0xFFFFFFB0]  }
0x24a: {  	v11 =	vadd.f32 v12, v11;
	v12 =	vmul.f32 v22, v22  }
0x24b: {  	v25 =	vld [tilespmem:s6+$0xFFFFFFC0]  }
0x24c: {  	v11 =	vadd.f32 v12, v11;
	v12 =	vmul.f32 v23, v23  }
0x24d: {  	v26 =	vld [tilespmem:s6+$0xFFFFFFD0]  }
0x24e: {  	v11 =	vadd.f32 v12, v11;
	v12 =	vmul.f32 v24, v24  }
0x24f: {  	v27 =	vld [tilespmem:s6+$0xFFFFFFE0]  }
0x250: {  	v11 =	vadd.f32 v12, v11;
	v12 =	vmul.f32 v25, v25  }
0x251: {  	v28 =	vld [tilespmem:s6+$0xFFFFFFF0]  }
0x252: {  	v11 =	vadd.f32 v12, v11;
	v12 =	vmul.f32 v26, v26  }
0x253: {  	v29 =	vld [tilespmem:s6+$0x0]  }
0x254: {  	v11 =	vadd.f32 v12, v11;
	v12 =	vmul.f32 v27, v27  }
0x255: {  	v30 =	vld [tilespmem:s6+$0x10]  }
0x256: {  	v11 =	vadd.f32 v12, v11;
	v12 =	vmul.f32 v28, v28  }
0x257: {  	v31 =	vld [tilespmem:s6+$0x20]  }
0x258: {  	v2 =	vadd.f32 $0.0e+00, v2;
	v11 =	vadd.f32 v12, v11;
	v12 =	vmul.f32 v29, v29  }
0x259: {  	v1 =	vadd.f32 $0.0e+00, v1;
	v32 =	vld [tilespmem:s6+$0x30]  }
0x25a: {  	v2 =	vadd.f32 v4, v2;
	v4 =	vadd.f32 v12, v11;
	v11 =	vmul.f32 v30, v30  }
0x25b: {  	v1 =	vadd.f32 v3, v1;
	v3 =	vld [tilespmem:s6+$0x40]  }
0x25c: {  	v2 =	vadd.f32 v5, v2;
	v4 =	vadd.f32 v11, v4;
	v5 =	vmul.f32 v31, v31  }
0x25d: {  	v1 =	vadd.f32 v6, v1;
	v6 =	vld [tilespmem:s6+$0x50]  }
0x25e: {  	v2 =	vadd.f32 v7, v2;
	v4 =	vadd.f32 v5, v4;
	v5 =	vmul.f32 v32, v32  }
0x25f: {  	v1 =	vadd.f32 v8, v1;
	v7 =	vld [tilespmem:s6+$0x60]  }
0x260: {  	v2 =	vadd.f32 v9, v2;
	v4 =	vadd.f32 v5, v4;
	v5 =	vmul.f32 v3, v3  }
0x261: {  	v1 =	vadd.f32 v10, v1;
	v8 =	vld [tilespmem:s6+$0x70]  }
0x262: {  	v2 =	vadd.f32 v13, v2;
	v4 =	vadd.f32 v5, v4;
	v5 =	vmul.f32 v6, v6  }
0x263: {  	v1 =	vadd.f32 v14, v1;
	v9 =	vld [tilespmem:s6+$0x80]  }
0x264: {  	v2 =	vadd.f32 v15, v2;
	v4 =	vadd.f32 v5, v4;
	v5 =	vmul.f32 v7, v7  }
0x265: {  	v1 =	vadd.f32 v16, v1;
	v10 =	vld [tilespmem:s6+$0x90]  }
0x266: {  	v2 =	vadd.f32 v17, v2;
	v4 =	vadd.f32 v5, v4;
	v5 =	vmul.f32 v8, v8  }
0x267: {  	v1 =	vadd.f32 v18, v1;
	v11 =	vld [tilespmem:s6+$0xA0]  }
0x268: {  	v2 =	vadd.f32 v19, v2;
	v4 =	vadd.f32 v5, v4;
	v5 =	vmul.f32 v9, v9  }
0x269: {  	v1 =	vadd.f32 v20, v1;
	v12 =	vld [tilespmem:s6+$0xB0]  }
0x26a: {  	v2 =	vadd.f32 v21, v2;
	v4 =	vadd.f32 v5, v4;
	v5 =	vmul.f32 v10, v10  }
0x26b: {  	v1 =	vadd.f32 v22, v1;
	v13 =	vld [tilespmem:s6+$0xC0]  }
0x26c: {  	v2 =	vadd.f32 v23, v2;
	v4 =	vadd.f32 v5, v4;
	v5 =	vmul.f32 v11, v11  }
0x26d: {  	v1 =	vadd.f32 v24, v1;
	v14 =	vld [tilespmem:s6+$0xD0]  }
0x26e: {  	v2 =	vadd.f32 v25, v2;
	v4 =	vadd.f32 v5, v4;
	v5 =	vmul.f32 v12, v12  }
0x26f: {  	v1 =	vadd.f32 v26, v1;
	v15 =	vld [tilespmem:s6+$0xE0]  }
0x270: {  	v2 =	vadd.f32 v27, v2;
	v4 =	vadd.f32 v5, v4;
	v5 =	vmul.f32 v13, v13  }
0x271: {  	v1 =	vadd.f32 v28, v1;
	v16 =	vld [tilespmem:s6+$0xF0]  }
0x272: {  	v2 =	vadd.f32 v29, v2;
	v4 =	vadd.f32 v5, v4;
	v5 =	vmul.f32 v14, v14  }
0x273: {  	v1 =	vadd.f32 v30, v1;
	v17 =	vld [tilespmem:s6+$0x100]  }
0x274: {  	v2 =	vadd.f32 v31, v2;
	v4 =	vadd.f32 v5, v4;
	v5 =	vmul.f32 v15, v15  }
0x275: {  	v1 =	vadd.f32 v32, v1;
	v18 =	vld [tilespmem:s6+$0x110]  }
0x276: {  	v2 =	vadd.f32 v3, v2;
	v3 =	vadd.f32 v5, v4;
	v4 =	vmul.f32 v16, v16  }
0x277: {  	v1 =	vadd.f32 v6, v1;
	v5 =	vld [tilespmem:s6+$0x120]  }
0x278: {  	v2 =	vadd.f32 v7, v2;
	v3 =	vadd.f32 v4, v3;
	v4 =	vmul.f32 v17, v17  }
0x279: {  	v1 =	vadd.f32 v8, v1;
	v6 =	vld [tilespmem:s6+$0x130]  }
0x27a: {  	v2 =	vadd.f32 v9, v2;
	v3 =	vadd.f32 v4, v3;
	v4 =	vmul.f32 v18, v18  }
0x27b: {  	v1 =	vadd.f32 v10, v1;
	v7 =	vld [tilespmem:s6+$0x140]  }
0x27c: {  	v2 =	vadd.f32 v11, v2;
	v3 =	vadd.f32 v4, v3;
	v4 =	vmul.f32 v5, v5  }
0x27d: {  	v1 =	vadd.f32 v12, v1;
	v8 =	vld [tilespmem:s6+$0x150]  }
0x27e: {  	v2 =	vadd.f32 v13, v2;
	v3 =	vadd.f32 v4, v3;
	v4 =	vmul.f32 v6, v6  }
0x27f: {  	v1 =	vadd.f32 v14, v1;
	v9 =	vld [tilespmem:s6+$0x160]  }
0x280: {  	v2 =	vadd.f32 v15, v2;
	v3 =	vadd.f32 v4, v3;
	v4 =	vmul.f32 v7, v7  }
0x281: {  	v1 =	vadd.f32 v16, v1;
	v10 =	vld [tilespmem:s6+$0x170]  }
0x282: {  	v2 =	vadd.f32 v17, v2;
	v3 =	vadd.f32 v4, v3;
	v4 =	vmul.f32 v8, v8  }
0x283: {  	v1 =	vadd.f32 v18, v1;
	v11 =	vld [tilespmem:s6+$0x180]  }
0x284: {  	v2 =	vadd.f32 v5, v2;
	v3 =	vadd.f32 v4, v3;
	v4 =	vmul.f32 v9, v9  }
0x285: {  	v1 =	vadd.f32 v6, v1;
	v5 =	vld [tilespmem:s6+$0x190]  }
0x286: {  	v2 =	vadd.f32 v7, v2;
	v3 =	vadd.f32 v4, v3;
	v4 =	vmul.f32 v10, v10  }
0x287: {  	v1 =	vadd.f32 v8, v1  }
0x288: {  	v2 =	vadd.f32 v9, v2;
	v3 =	vadd.f32 v4, v3;
	v4 =	vmul.f32 v11, v11  }
0x289: {  	v1 =	vadd.f32 v10, v1  }
0x28a: {  	v2 =	vadd.f32 v11, v2;
	v3 =	vadd.f32 v4, v3;
	v4 =	vmul.f32 v5, v5  }
0x28b: {  	s18 =	sadd.s32 $0x20, s18;
	v1 =	vadd.f32 v5, v1  }
.Ltmp1:
0x28c: {  	v3 =	vadd.f32 v4, v3;
	[tilespmem:s18+$0xFFFFFFF0] =	vst v2;
	(pc) =	sbr.rel @p1 .LBB2_5-.Ltmp1, $4  }
0x28d: {  	s8 =	sshra.s32 s23, $0x2;
	s23 =	smov.u32 s7;
	[tilespmem:s18+$0x0] =	vst v1  }
0x28e: {  	s6 =	sadd.s32 $0x340, s6;
	[tilespmem:v0+s8+$0x0 ss:$0x1] =	vst.idx.msk $0xffff, v3  }
0x28f: {  	v2 =	vld [tilespmem:s6+$0xFFFFFE60]  }
0x290: {  	s7 =	sadd.s32 $0x40, s7;
	v1 =	vld [tilespmem:s6+$0xFFFFFE70]  }
0x291: {  	_ = 	snop  }
0x292: {  	v3 =	vld [tilespmem:s6+$0xFFFFFE80];
	_ =	sdelay $0x1  }
0x293: {  	v4 =	vld [tilespmem:s6+$0xFFFFFE90]  }
0x294: {  	v5 =	vmul.f32 v2, v2;
	v6 =	vmul.f32 v1, v1  }
0x295: {  	v7 =	vld [tilespmem:s6+$0xFFFFFEA0]  }
0x296: {  	v23 =	vmul.f32 v3, v3;
	v5 =	vadd.f32 v6, v5  }
0x297: {  	v8 =	vld [tilespmem:s6+$0xFFFFFEB0]  }
0x298: {  	v24 =	vmul.f32 v4, v4;
	v5 =	vadd.f32 v23, v5  }
0x299: {  	v9 =	vld [tilespmem:s6+$0xFFFFFEC0]  }
0x29a: {  	v25 =	vmul.f32 v7, v7;
	v5 =	vadd.f32 v24, v5  }
0x29b: {  	v10 =	vld [tilespmem:s6+$0xFFFFFED0]  }
0x29c: {  	v26 =	vmul.f32 v8, v8;
	v5 =	vadd.f32 v25, v5  }
0x29d: {  	v11 =	vld [tilespmem:s6+$0xFFFFFEE0]  }
0x29e: {  	v27 =	vmul.f32 v9, v9;
	v5 =	vadd.f32 v26, v5  }
0x29f: {  	v12 =	vld [tilespmem:s6+$0xFFFFFEF0]  }
0x2a0: {  	v28 =	vmul.f32 v10, v10;
	v5 =	vadd.f32 v27, v5  }
0x2a1: {  	v13 =	vld [tilespmem:s6+$0xFFFFFF00]  }
0x2a2: {  	v29 =	vmul.f32 v11, v11;
	v5 =	vadd.f32 v28, v5  }
0x2a3: {  	v14 =	vld [tilespmem:s6+$0xFFFFFF10]  }
0x2a4: {  	v30 =	vmul.f32 v12, v12;
	v5 =	vadd.f32 v29, v5  }
0x2a5: {  	v15 =	vld [tilespmem:s6+$0xFFFFFF20]  }
0x2a6: {  	v31 =	vmul.f32 v13, v13;
	v5 =	vadd.f32 v30, v5  }
0x2a7: {  	v16 =	vld [tilespmem:s6+$0xFFFFFF30]  }
0x2a8: {  	v32 =	vmul.f32 v14, v14;
	v5 =	vadd.f32 v31, v5  }
0x2a9: {  	v17 =	vld [tilespmem:s6+$0xFFFFFF40]  }
0x2aa: {  	v33 =	vmul.f32 v15, v15;
	v5 =	vadd.f32 v32, v5  }
0x2ab: {  	v18 =	vld [tilespmem:s6+$0xFFFFFF50]  }
0x2ac: {  	v34 =	vmul.f32 v16, v16;
	v5 =	vadd.f32 v33, v5  }
0x2ad: {  	v19 =	vld [tilespmem:s6+$0xFFFFFF60]  }
0x2ae: {  	v35 =	vmul.f32 v17, v17;
	v5 =	vadd.f32 v34, v5  }
0x2af: {  	v20 =	vld [tilespmem:s6+$0xFFFFFF70]  }
0x2b0: {  	v36 =	vmul.f32 v18, v18;
	v5 =	vadd.f32 v35, v5  }
0x2b1: {  	v21 =	vld [tilespmem:s6+$0xFFFFFF80]  }
0x2b2: {  	v37 =	vmul.f32 v19, v19;
	v5 =	vadd.f32 v36, v5  }
0x2b3: {  	v22 =	vld [tilespmem:s6+$0xFFFFFF90]  }
0x2b4: {  	v38 =	vmul.f32 v20, v20;
	v5 =	vadd.f32 v37, v5  }
0x2b5: {  	v23 =	vld [tilespmem:s6+$0xFFFFFFA0]  }
0x2b6: {  	v39 =	vmul.f32 v21, v21;
	v5 =	vadd.f32 v38, v5  }
0x2b7: {  	v24 =	vld [tilespmem:s6+$0xFFFFFFB0]  }
0x2b8: {  	v40 =	vmul.f32 v22, v22;
	v5 =	vadd.f32 v39, v5  }
0x2b9: {  	v25 =	vld [tilespmem:s6+$0xFFFFFFC0]  }
0x2ba: {  	v41 =	vmul.f32 v23, v23;
	v5 =	vadd.f32 v40, v5  }
0x2bb: {  	v26 =	vld [tilespmem:s6+$0xFFFFFFD0]  }
0x2bc: {  	v42 =	vmul.f32 v24, v24;
	v5 =	vadd.f32 v41, v5  }
0x2bd: {  	v27 =	vld [tilespmem:s6+$0xFFFFFFE0]  }
0x2be: {  	v43 =	vmul.f32 v25, v25;
	v5 =	vadd.f32 v42, v5  }
0x2bf: {  	v28 =	vld [tilespmem:s6+$0xFFFFFFF0]  }
0x2c0: {  	v44 =	vmul.f32 v26, v26;
	v5 =	vadd.f32 v43, v5  }
0x2c1: {  	v29 =	vld [tilespmem:s6+$0x0]  }
0x2c2: {  	v45 =	vmul.f32 v27, v27;
	v5 =	vadd.f32 v44, v5  }
0x2c3: {  	v30 =	vld [tilespmem:s6+$0x10]  }
0x2c4: {  	v46 =	vmul.f32 v28, v28;
	v5 =	vadd.f32 v45, v5  }
0x2c5: {  	v31 =	vld [tilespmem:s6+$0x20]  }
0x2c6: {  	v2 =	vadd.f32 $0.0e+00, v2;
	v47 =	vmul.f32 v29, v29;
	v5 =	vadd.f32 v46, v5  }
0x2c7: {  	v1 =	vadd.f32 $0.0e+00, v1;
	v32 =	vld [tilespmem:s6+$0x30]  }
0x2c8: {  	v2 =	vadd.f32 v3, v2;
	v48 =	vmul.f32 v30, v30;
	v3 =	vadd.f32 v47, v5  }
0x2c9: {  	v49 =	vld [tilespmem:s6+$0x40];
	v1 =	vadd.f32 v4, v1  }
0x2ca: {  	v2 =	vadd.f32 v7, v2;
	v50 =	vmul.f32 v31, v31;
	v3 =	vadd.f32 v48, v3  }
0x2cb: {  	v51 =	vld [tilespmem:s6+$0x50];
	v1 =	vadd.f32 v8, v1  }
0x2cc: {  	v2 =	vadd.f32 v9, v2;
	v52 =	vmul.f32 v32, v32;
	v3 =	vadd.f32 v50, v3  }
0x2cd: {  	v53 =	vld [tilespmem:s6+$0x60];
	v1 =	vadd.f32 v10, v1  }
0x2ce: {  	v54 =	vmul.f32 v49, v49;
	v2 =	vadd.f32 v11, v2;
	v3 =	vadd.f32 v52, v3  }
0x2cf: {  	v55 =	vld [tilespmem:s6+$0x70];
	v1 =	vadd.f32 v12, v1  }
0x2d0: {  	v56 =	vmul.f32 v51, v51;
	v2 =	vadd.f32 v13, v2;
	v3 =	vadd.f32 v54, v3  }
0x2d1: {  	v57 =	vld [tilespmem:s6+$0x80];
	v1 =	vadd.f32 v14, v1  }
0x2d2: {  	v58 =	vmul.f32 v53, v53;
	v2 =	vadd.f32 v15, v2;
	v3 =	vadd.f32 v56, v3  }
0x2d3: {  	v59 =	vld [tilespmem:s6+$0x90];
	v1 =	vadd.f32 v16, v1  }
0x2d4: {  	v60 =	vmul.f32 v55, v55;
	v2 =	vadd.f32 v17, v2;
	v3 =	vadd.f32 v58, v3  }
0x2d5: {  	v61 =	vld [tilespmem:s6+$0xA0];
	v1 =	vadd.f32 v18, v1  }
0x2d6: {  	v62 =	vmul.f32 v57, v57;
	v2 =	vadd.f32 v19, v2;
	v3 =	vadd.f32 v60, v3  }
0x2d7: {  	v63 =	vld [tilespmem:s6+$0xB0];
	v1 =	vadd.f32 v20, v1  }
0x2d8: {  	v2 =	vadd.f32 v21, v2;
	v21 =	vmul.f32 v59, v59;
	v3 =	vadd.f32 v62, v3  }
0x2d9: {  	v1 =	vadd.f32 v22, v1;
	v22 =	vld [tilespmem:s6+$0xC0]  }
0x2da: {  	v2 =	vadd.f32 v23, v2;
	v23 =	vmul.f32 v61, v61;
	v3 =	vadd.f32 v21, v3  }
0x2db: {  	v1 =	vadd.f32 v24, v1;
	v24 =	vld [tilespmem:s6+$0xD0]  }
0x2dc: {  	v2 =	vadd.f32 v25, v2;
	v25 =	vmul.f32 v63, v63;
	v3 =	vadd.f32 v23, v3  }
0x2dd: {  	v1 =	vadd.f32 v26, v1;
	v33 =	vld [tilespmem:s6+$0xE0]  }
0x2de: {  	v2 =	vadd.f32 v27, v2;
	v34 =	vmul.f32 v22, v22;
	v3 =	vadd.f32 v25, v3  }
0x2df: {  	v1 =	vadd.f32 v28, v1;
	v35 =	vld [tilespmem:s6+$0xF0]  }
0x2e0: {  	v2 =	vadd.f32 v29, v2;
	v36 =	vmul.f32 v24, v24;
	v3 =	vadd.f32 v34, v3  }
0x2e1: {  	v1 =	vadd.f32 v30, v1;
	v37 =	vld [tilespmem:s6+$0x100]  }
0x2e2: {  	v2 =	vadd.f32 v31, v2;
	v38 =	vmul.f32 v33, v33;
	v3 =	vadd.f32 v36, v3  }
0x2e3: {  	v1 =	vadd.f32 v32, v1;
	v39 =	vld [tilespmem:s6+$0x110]  }
0x2e4: {  	v2 =	vadd.f32 v49, v2;
	v40 =	vmul.f32 v35, v35;
	v3 =	vadd.f32 v38, v3  }
0x2e5: {  	v1 =	vadd.f32 v51, v1;
	v41 =	vld [tilespmem:s6+$0x120]  }
0x2e6: {  	v2 =	vadd.f32 v53, v2;
	v42 =	vmul.f32 v37, v37;
	v3 =	vadd.f32 v40, v3  }
0x2e7: {  	v1 =	vadd.f32 v55, v1;
	v43 =	vld [tilespmem:s6+$0x130]  }
0x2e8: {  	v2 =	vadd.f32 v57, v2;
	v44 =	vmul.f32 v39, v39;
	v3 =	vadd.f32 v42, v3  }
0x2e9: {  	v1 =	vadd.f32 v59, v1;
	v45 =	vld [tilespmem:s6+$0x140]  }
0x2ea: {  	v2 =	vadd.f32 v61, v2;
	v46 =	vmul.f32 v41, v41;
	v3 =	vadd.f32 v44, v3  }
0x2eb: {  	v1 =	vadd.f32 v63, v1;
	v47 =	vld [tilespmem:s6+$0x150]  }
0x2ec: {  	v2 =	vadd.f32 v22, v2;
	v48 =	vmul.f32 v43, v43;
	v3 =	vadd.f32 v46, v3  }
0x2ed: {  	v49 =	vld [tilespmem:s6+$0x160];
	v1 =	vadd.f32 v24, v1  }
0x2ee: {  	v2 =	vadd.f32 v33, v2;
	v50 =	vmul.f32 v45, v45;
	v3 =	vadd.f32 v48, v3  }
0x2ef: {  	v51 =	vld [tilespmem:s6+$0x170];
	v1 =	vadd.f32 v35, v1  }
0x2f0: {  	v2 =	vadd.f32 v37, v2;
	v52 =	vmul.f32 v47, v47;
	v3 =	vadd.f32 v50, v3  }
0x2f1: {  	v53 =	vld [tilespmem:s6+$0x180];
	v1 =	vadd.f32 v39, v1  }
0x2f2: {  	v2 =	vadd.f32 v41, v2;
	v54 =	vmul.f32 v49, v49;
	v3 =	vadd.f32 v52, v3  }
0x2f3: {  	v55 =	vld [tilespmem:s6+$0x190];
	v1 =	vadd.f32 v43, v1  }
0x2f4: {  	v2 =	vadd.f32 v45, v2;
	v56 =	vmul.f32 v51, v51;
	v3 =	vadd.f32 v54, v3  }
0x2f5: {  	v1 =	vadd.f32 v47, v1  }
0x2f6: {  	v57 =	vmul.f32 v53, v53;
	v2 =	vadd.f32 v49, v2;
	v3 =	vadd.f32 v56, v3  }
0x2f7: {  	v1 =	vadd.f32 v51, v1  }
0x2f8: {  	v2 =	vadd.f32 v53, v2;
	v58 =	vmul.f32 v55, v55;
	v3 =	vadd.f32 v57, v3  }
0x2f9: {  	s8 =	sadd.s32 $0x20, s18;
	v1 =	vadd.f32 v55, v1  }
0x2fa: {  	[tilespmem:s8+$0xFFFFFFF0] =	vst v2;
	v3 =	vadd.f32 v58, v3  }
0x2fb: {  	s9 =	sshra.s32 s23, $0x2;
	[tilespmem:s8+$0x0] =	vst v1  }
0x2fc: {  	s7 =	simm.s32 @!p0 $0x68;
	s6 =	sadd.s32 @!p0 $0x820, s20;
	s8 =	simm.s32 @!p0 $0x6800;
	[tilespmem:v0+s9+$0x0 ss:$0x1] =	vst.idx.msk $0xffff, v3  }
0x2fd: {  	[tilespmem:s8], [sflag:$0x2] =	stream.indirect.gather @!p0 [hbm4b:s3+s7], $0x20, s6, s7, $0xb8;
	[tilespmem:$0x19800] =	vst v63  }
0x2fe: {  	s9 =	simm.s32 @!p0 $0x7500;
	s8 =	sadd.s32 @!p0 $0x888, s20  }
0x2ff: {  	[tilespmem:s9], [sflag:$0x2] =	stream.indirect.gather @!p0 [hbm4b:s3+s7], $0x20, s8, s7, $0xb8;
	[tilespmem:$0x19800] =	vst v63  }
0x300: {  	s18 =	simm.s32 @!p0 $0x8200;
	s9 =	sadd.s32 @!p0 $0x8F0, s20  }
0x301: {  	[tilespmem:s18], [sflag:$0x2] =	stream.indirect.gather @!p0 [hbm4b:s3+s7], $0x20, s9, s7, $0xb8;
	[tilespmem:$0x19800] =	vst v63  }
0x302: {  	s23 =	simm.s32 @!p0 $0x8F00;
	s18 =	sadd.s32 @!p0 $0x958, s20  }
0x303: {  	[tilespmem:s23], [sflag:$0x2] =	stream.indirect.gather @!p0 [hbm4b:s3+s7], $0x20, s18, s7, $0xb8;
	[tilespmem:$0x19800] =	vst v63  }
0x304: {  	s23 =	sadd.s32 @!p0 $0x10C20, s20  }
0x305: {  	[tilespmem:s23], [sflag:$0x5] =	stream.indirect.gather @!p0 [hbm4b:s4+s7], $0x1, s6, s7, $0xb8;
	[tilespmem:$0x19800] =	vst v63  }
0x306: {  	s6 =	sadd.s32 @!p0 $0x10C88, s20  }
0x307: {  	[tilespmem:s6], [sflag:$0x5] =	stream.indirect.gather @!p0 [hbm4b:s4+s7], $0x1, s8, s7, $0xb8;
	[tilespmem:$0x19800] =	vst v63  }
0x308: {  	s6 =	sadd.s32 @!p0 $0x10CF0, s20  }
0x309: {  	[tilespmem:s6], [sflag:$0x5] =	stream.indirect.gather @!p0 [hbm4b:s4+s7], $0x1, s9, s7, $0xb8;
	[tilespmem:$0x19800] =	vst v63  }
0x30a: {  	s6 =	sadd.s32 @!p0 $0x10D58, s20  }
0x30b: {  	[tilespmem:s6], [sflag:$0x5] =	stream.indirect.gather @!p0 [hbm4b:s4+s7], $0x1, s18, s7, $0xb8;
	[tilespmem:$0x19800] =	vst v63  }
0x30c: {  	_ =	swait.ge [sflag:s28], $0x3400  }
0x30d: {  	[sflag:s28] =	ssyncset.done $0x0  }
0x30e: {  	s18 =	simm.s32 $0x9DA0;
	[sflag:s28] =	ssyncadd.s32 $0xFFFFCC00  }
0x30f: {  	v0 =	vld [tilespmem:s18+$0xFFFFFE60]  }
0x310: {  	v1 =	vld [tilespmem:s18+$0xFFFFFE70];
	_ =	sdelay $0x1  }
0x311: {  	v2 =	vld [tilespmem:s18+$0xFFFFFE80];
	_ =	sdelay $0x1  }
0x312: {  	v3 =	vld [tilespmem:s18+$0xFFFFFE90]  }
0x313: {  	v59 =	vmul.f32 v0, v0;
	v60 =	vmul.f32 v1, v1  }
0x314: {  	v6 =	vld [tilespmem:s18+$0xFFFFFEA0]  }
0x315: {  	v61 =	vmul.f32 v2, v2;
	v4 =	vadd.f32 v60, v59  }
0x316: {  	v7 =	vld [tilespmem:s18+$0xFFFFFEB0]  }
0x317: {  	v62 =	vmul.f32 v3, v3;
	v4 =	vadd.f32 v61, v4  }
0x318: {  	v63 =	vld [tilespmem:s18+$0xFFFFFEC0]  }
0x319: {  	v31 =	vmul.f32 v6, v6;
	v4 =	vadd.f32 v62, v4  }
0x31a: {  	v9 =	vld [tilespmem:s18+$0xFFFFFED0]  }
0x31b: {  	v32 =	vmul.f32 v7, v7;
	v4 =	vadd.f32 v31, v4  }
0x31c: {  	v10 =	vld [tilespmem:s18+$0xFFFFFEE0]  }
0x31d: {  	v33 =	vmul.f32 v63, v63;
	v4 =	vadd.f32 v32, v4  }
0x31e: {  	v11 =	vld [tilespmem:s18+$0xFFFFFEF0]  }
0x31f: {  	v34 =	vmul.f32 v9, v9;
	v4 =	vadd.f32 v33, v4  }
0x320: {  	v12 =	vld [tilespmem:s18+$0xFFFFFF00]  }
0x321: {  	v35 =	vmul.f32 v10, v10;
	v4 =	vadd.f32 v34, v4  }
0x322: {  	v13 =	vld [tilespmem:s18+$0xFFFFFF10]  }
0x323: {  	v36 =	vmul.f32 v11, v11;
	v4 =	vadd.f32 v35, v4  }
0x324: {  	v14 =	vld [tilespmem:s18+$0xFFFFFF20]  }
0x325: {  	v37 =	vmul.f32 v12, v12;
	v4 =	vadd.f32 v36, v4  }
0x326: {  	v15 =	vld [tilespmem:s18+$0xFFFFFF30]  }
0x327: {  	v38 =	vmul.f32 v13, v13;
	v4 =	vadd.f32 v37, v4  }
0x328: {  	v16 =	vld [tilespmem:s18+$0xFFFFFF40]  }
0x329: {  	v39 =	vmul.f32 v14, v14;
	v4 =	vadd.f32 v38, v4  }
0x32a: {  	v17 =	vld [tilespmem:s18+$0xFFFFFF50]  }
0x32b: {  	v40 =	vmul.f32 v15, v15;
	v4 =	vadd.f32 v39, v4  }
0x32c: {  	v18 =	vld [tilespmem:s18+$0xFFFFFF60]  }
0x32d: {  	v41 =	vmul.f32 v16, v16;
	v4 =	vadd.f32 v40, v4  }
0x32e: {  	v19 =	vld [tilespmem:s18+$0xFFFFFF70]  }
0x32f: {  	v42 =	vmul.f32 v17, v17;
	v4 =	vadd.f32 v41, v4  }
0x330: {  	v20 =	vld [tilespmem:s18+$0xFFFFFF80]  }
0x331: {  	v43 =	vmul.f32 v18, v18;
	v4 =	vadd.f32 v42, v4  }
0x332: {  	v21 =	vld [tilespmem:s18+$0xFFFFFF90]  }
0x333: {  	v44 =	vmul.f32 v19, v19;
	v4 =	vadd.f32 v43, v4  }
0x334: {  	v22 =	vld [tilespmem:s18+$0xFFFFFFA0]  }
0x335: {  	v45 =	vmul.f32 v20, v20;
	v4 =	vadd.f32 v44, v4  }
0x336: {  	v23 =	vld [tilespmem:s18+$0xFFFFFFB0]  }
0x337: {  	v46 =	vmul.f32 v21, v21;
	v4 =	vadd.f32 v45, v4  }
0x338: {  	v24 =	vld [tilespmem:s18+$0xFFFFFFC0]  }
0x339: {  	v47 =	vmul.f32 v22, v22;
	v4 =	vadd.f32 v46, v4  }
0x33a: {  	v25 =	vld [tilespmem:s18+$0xFFFFFFD0]  }
0x33b: {  	v48 =	vmul.f32 v23, v23;
	v4 =	vadd.f32 v47, v4  }
0x33c: {  	v49 =	vld [tilespmem:s18+$0xFFFFFFE0]  }
0x33d: {  	v50 =	vmul.f32 v24, v24;
	v4 =	vadd.f32 v48, v4  }
0x33e: {  	v51 =	vld [tilespmem:s18+$0xFFFFFFF0]  }
0x33f: {  	v52 =	vmul.f32 v25, v25;
	v4 =	vadd.f32 v50, v4  }
0x340: {  	v53 =	vld [tilespmem:s18+$0x0]  }
0x341: {  	v54 =	vmul.f32 v49, v49;
	v4 =	vadd.f32 v52, v4  }
0x342: {  	v55 =	vld [tilespmem:s18+$0x10]  }
0x343: {  	v56 =	vmul.f32 v51, v51;
	v4 =	vadd.f32 v54, v4  }
0x344: {  	v57 =	vld [tilespmem:s18+$0x20]  }
0x345: {  	v0 =	vadd.f32 $0.0e+00, v0;
	v58 =	vmul.f32 v53, v53;
	v4 =	vadd.f32 v56, v4  }
0x346: {  	v1 =	vadd.f32 $0.0e+00, v1;
	v59 =	vld [tilespmem:s18+$0x30]  }
0x347: {  	v0 =	vadd.f32 v2, v0;
	v60 =	vmul.f32 v55, v55;
	v2 =	vadd.f32 v58, v4  }
0x348: {  	v1 =	vadd.f32 v3, v1;
	v3 =	vld [tilespmem:s18+$0x40]  }
0x349: {  	v0 =	vadd.f32 v6, v0;
	v61 =	vmul.f32 v57, v57;
	v2 =	vadd.f32 v60, v2  }
0x34a: {  	v1 =	vadd.f32 v7, v1;
	v62 =	vld [tilespmem:s18+$0x50]  }
0x34b: {  	v0 =	vadd.f32 v63, v0;
	v63 =	vmul.f32 v59, v59;
	v2 =	vadd.f32 v61, v2  }
0x34c: {  	v1 =	vadd.f32 v9, v1;
	v32 =	vld [tilespmem:s18+$0x60]  }
0x34d: {  	v0 =	vadd.f32 v10, v0;
	v33 =	vmul.f32 v3, v3;
	v2 =	vadd.f32 v63, v2  }
0x34e: {  	v1 =	vadd.f32 v11, v1;
	v34 =	vld [tilespmem:s18+$0x70]  }
0x34f: {  	v0 =	vadd.f32 v12, v0;
	v35 =	vmul.f32 v62, v62;
	v2 =	vadd.f32 v33, v2  }
0x350: {  	v1 =	vadd.f32 v13, v1;
	v36 =	vld [tilespmem:s18+$0x80]  }
0x351: {  	v0 =	vadd.f32 v14, v0;
	v37 =	vmul.f32 v32, v32;
	v2 =	vadd.f32 v35, v2  }
0x352: {  	v1 =	vadd.f32 v15, v1;
	v38 =	vld [tilespmem:s18+$0x90]  }
0x353: {  	v0 =	vadd.f32 v16, v0;
	v39 =	vmul.f32 v34, v34;
	v2 =	vadd.f32 v37, v2  }
0x354: {  	v1 =	vadd.f32 v17, v1;
	v40 =	vld [tilespmem:s18+$0xA0]  }
0x355: {  	v0 =	vadd.f32 v18, v0;
	v41 =	vmul.f32 v36, v36;
	v2 =	vadd.f32 v39, v2  }
0x356: {  	v1 =	vadd.f32 v19, v1;
	v42 =	vld [tilespmem:s18+$0xB0]  }
0x357: {  	v0 =	vadd.f32 v20, v0;
	v43 =	vmul.f32 v38, v38;
	v2 =	vadd.f32 v41, v2  }
0x358: {  	v1 =	vadd.f32 v21, v1;
	v44 =	vld [tilespmem:s18+$0xC0]  }
0x359: {  	v0 =	vadd.f32 v22, v0;
	v45 =	vmul.f32 v40, v40;
	v2 =	vadd.f32 v43, v2  }
0x35a: {  	v1 =	vadd.f32 v23, v1;
	v46 =	vld [tilespmem:s18+$0xD0]  }
0x35b: {  	v0 =	vadd.f32 v24, v0;
	v47 =	vmul.f32 v42, v42;
	v2 =	vadd.f32 v45, v2  }
0x35c: {  	v1 =	vadd.f32 v25, v1;
	v48 =	vld [tilespmem:s18+$0xE0]  }
0x35d: {  	v0 =	vadd.f32 v49, v0;
	v49 =	vmul.f32 v44, v44;
	v2 =	vadd.f32 v47, v2  }
0x35e: {  	v1 =	vadd.f32 v51, v1;
	v50 =	vld [tilespmem:s18+$0xF0]  }
0x35f: {  	v0 =	vadd.f32 v53, v0;
	v51 =	vmul.f32 v46, v46;
	v2 =	vadd.f32 v49, v2  }
0x360: {  	v1 =	vadd.f32 v55, v1;
	v52 =	vld [tilespmem:s18+$0x100]  }
0x361: {  	v0 =	vadd.f32 v57, v0;
	v53 =	vmul.f32 v48, v48;
	v2 =	vadd.f32 v51, v2  }
0x362: {  	v1 =	vadd.f32 v59, v1;
	v54 =	vld [tilespmem:s18+$0x110]  }
0x363: {  	v0 =	vadd.f32 v3, v0;
	v3 =	vmul.f32 v50, v50;
	v2 =	vadd.f32 v53, v2  }
0x364: {  	v55 =	vld [tilespmem:s18+$0x120];
	v1 =	vadd.f32 v62, v1  }
0x365: {  	v0 =	vadd.f32 v32, v0;
	v2 =	vadd.f32 v3, v2;
	v3 =	vmul.f32 v52, v52  }
0x366: {  	v1 =	vadd.f32 v34, v1;
	v56 =	vld [tilespmem:s18+$0x130]  }
0x367: {  	v0 =	vadd.f32 v36, v0;
	v2 =	vadd.f32 v3, v2;
	v3 =	vmul.f32 v54, v54  }
0x368: {  	v57 =	vld [tilespmem:s18+$0x140];
	v1 =	vadd.f32 v38, v1  }
0x369: {  	v0 =	vadd.f32 v40, v0;
	v2 =	vadd.f32 v3, v2;
	v3 =	vmul.f32 v55, v55  }
0x36a: {  	v1 =	vadd.f32 v42, v1;
	v58 =	vld [tilespmem:s18+$0x150]  }
0x36b: {  	v0 =	vadd.f32 v44, v0;
	v2 =	vadd.f32 v3, v2;
	v3 =	vmul.f32 v56, v56  }
0x36c: {  	v59 =	vld [tilespmem:s18+$0x160];
	v1 =	vadd.f32 v46, v1  }
0x36d: {  	v0 =	vadd.f32 v48, v0;
	v2 =	vadd.f32 v3, v2;
	v3 =	vmul.f32 v57, v57  }
0x36e: {  	v1 =	vadd.f32 v50, v1;
	v60 =	vld [tilespmem:s18+$0x170]  }
0x36f: {  	v0 =	vadd.f32 v52, v0;
	v2 =	vadd.f32 v3, v2;
	v3 =	vmul.f32 v58, v58  }
0x370: {  	v1 =	vadd.f32 v54, v1;
	v61 =	vld [tilespmem:s18+$0x180]  }
0x371: {  	v0 =	vadd.f32 v55, v0;
	v2 =	vadd.f32 v3, v2;
	v3 =	vmul.f32 v59, v59  }
0x372: {  	v62 =	vld [tilespmem:s18+$0x190];
	v1 =	vadd.f32 v56, v1  }
0x373: {  	v0 =	vadd.f32 v57, v0;
	v2 =	vadd.f32 v3, v2;
	v3 =	vmul.f32 v60, v60  }
0x374: {  	v1 =	vadd.f32 v58, v1  }
0x375: {  	v63 =	vadd.f32 v59, v0;
	v2 =	vadd.f32 v3, v2;
	v3 =	vmul.f32 v61, v61  }
0x376: {  	v0 =	vmov s22;
	v1 =	vadd.f32 v60, v1  }
0x377: {  	v5 =	vadd.f32 v61, v63;
	v2 =	vadd.f32 v3, v2;
	v3 =	vmul.f32 v62, v62  }
0x378: {  	v1 =	vadd.f32 v62, v1  }
0x379: {  	[tilespmem:s24+$0xFFFFFFF0] =	vst v5;
	v2 =	vadd.f32 v3, v2  }
0x37a: {  	s23 =	simm.s32 $0x0;
	[tilespmem:s24+$0x0] =	vst v1  }
0x37b: {  	s6 =	simm.s32 $0xA0E0;
	[tilespmem:v0+s23+$0x0 ss:$0x1] =	vst.idx.msk $0xffff, v2  }
0x37c: {  	v2 =	vld [tilespmem:s6+$0xFFFFFE60]  }
0x37d: {  	s7 =	simm.s32 $0x80;
	s18 =	smov.u32 s24;
	s23 =	simm.s32 $0x40;
	v1 =	vld [tilespmem:s6+$0xFFFFFE70]  }
.LBB2_7:
0x37e: {  	p1 =	sne.s32 s7, $0x3C0  }
0x37f: {  	v4 =	vld [tilespmem:s6+$0xFFFFFE80];
	_ =	sdelay $0x1  }
0x380: {  	v3 =	vld [tilespmem:s6+$0xFFFFFE90]  }
0x381: {  	v6 =	vmul.f32 v2, v2;
	v7 =	vmul.f32 v1, v1  }
0x382: {  	v5 =	vld [tilespmem:s6+$0xFFFFFEA0]  }
0x383: {  	v7 =	vadd.f32 v7, v6;
	v8 =	vmul.f32 v4, v4  }
0x384: {  	v6 =	vld [tilespmem:s6+$0xFFFFFEB0]  }
0x385: {  	v8 =	vadd.f32 v8, v7;
	v9 =	vmul.f32 v3, v3  }
0x386: {  	v7 =	vld [tilespmem:s6+$0xFFFFFEC0]  }
0x387: {  	v9 =	vadd.f32 v9, v8;
	v10 =	vmul.f32 v5, v5  }
0x388: {  	v8 =	vld [tilespmem:s6+$0xFFFFFED0]  }
0x389: {  	v10 =	vadd.f32 v10, v9;
	v11 =	vmul.f32 v6, v6  }
0x38a: {  	v9 =	vld [tilespmem:s6+$0xFFFFFEE0]  }
0x38b: {  	v11 =	vadd.f32 v11, v10;
	v12 =	vmul.f32 v7, v7  }
0x38c: {  	v10 =	vld [tilespmem:s6+$0xFFFFFEF0]  }
0x38d: {  	v11 =	vadd.f32 v12, v11;
	v12 =	vmul.f32 v8, v8  }
0x38e: {  	v13 =	vld [tilespmem:s6+$0xFFFFFF00]  }
0x38f: {  	v11 =	vadd.f32 v12, v11;
	v12 =	vmul.f32 v9, v9  }
0x390: {  	v14 =	vld [tilespmem:s6+$0xFFFFFF10]  }
0x391: {  	v11 =	vadd.f32 v12, v11;
	v12 =	vmul.f32 v10, v10  }
0x392: {  	v15 =	vld [tilespmem:s6+$0xFFFFFF20]  }
0x393: {  	v11 =	vadd.f32 v12, v11;
	v12 =	vmul.f32 v13, v13  }
0x394: {  	v16 =	vld [tilespmem:s6+$0xFFFFFF30]  }
0x395: {  	v11 =	vadd.f32 v12, v11;
	v12 =	vmul.f32 v14, v14  }
0x396: {  	v17 =	vld [tilespmem:s6+$0xFFFFFF40]  }
0x397: {  	v11 =	vadd.f32 v12, v11;
	v12 =	vmul.f32 v15, v15  }
0x398: {  	v18 =	vld [tilespmem:s6+$0xFFFFFF50]  }
0x399: {  	v11 =	vadd.f32 v12, v11;
	v12 =	vmul.f32 v16, v16  }
0x39a: {  	v19 =	vld [tilespmem:s6+$0xFFFFFF60]  }
0x39b: {  	v11 =	vadd.f32 v12, v11;
	v12 =	vmul.f32 v17, v17  }
0x39c: {  	v20 =	vld [tilespmem:s6+$0xFFFFFF70]  }
0x39d: {  	v11 =	vadd.f32 v12, v11;
	v12 =	vmul.f32 v18, v18  }
0x39e: {  	v21 =	vld [tilespmem:s6+$0xFFFFFF80]  }
0x39f: {  	v11 =	vadd.f32 v12, v11;
	v12 =	vmul.f32 v19, v19  }
0x3a0: {  	v22 =	vld [tilespmem:s6+$0xFFFFFF90]  }
0x3a1: {  	v11 =	vadd.f32 v12, v11;
	v12 =	vmul.f32 v20, v20  }
0x3a2: {  	v23 =	vld [tilespmem:s6+$0xFFFFFFA0]  }
0x3a3: {  	v11 =	vadd.f32 v12, v11;
	v12 =	vmul.f32 v21, v21  }
0x3a4: {  	v24 =	vld [tilespmem:s6+$0xFFFFFFB0]  }
0x3a5: {  	v11 =	vadd.f32 v12, v11;
	v12 =	vmul.f32 v22, v22  }
0x3a6: {  	v25 =	vld [tilespmem:s6+$0xFFFFFFC0]  }
0x3a7: {  	v11 =	vadd.f32 v12, v11;
	v12 =	vmul.f32 v23, v23  }
0x3a8: {  	v26 =	vld [tilespmem:s6+$0xFFFFFFD0]  }
0x3a9: {  	v11 =	vadd.f32 v12, v11;
	v12 =	vmul.f32 v24, v24  }
0x3aa: {  	v27 =	vld [tilespmem:s6+$0xFFFFFFE0]  }
0x3ab: {  	v11 =	vadd.f32 v12, v11;
	v12 =	vmul.f32 v25, v25  }
0x3ac: {  	v28 =	vld [tilespmem:s6+$0xFFFFFFF0]  }
0x3ad: {  	v11 =	vadd.f32 v12, v11;
	v12 =	vmul.f32 v26, v26  }
0x3ae: {  	v29 =	vld [tilespmem:s6+$0x0]  }
0x3af: {  	v11 =	vadd.f32 v12, v11;
	v12 =	vmul.f32 v27, v27  }
0x3b0: {  	v30 =	vld [tilespmem:s6+$0x10]  }
0x3b1: {  	v11 =	vadd.f32 v12, v11;
	v12 =	vmul.f32 v28, v28  }
0x3b2: {  	v31 =	vld [tilespmem:s6+$0x20]  }
0x3b3: {  	v2 =	vadd.f32 $0.0e+00, v2;
	v11 =	vadd.f32 v12, v11;
	v12 =	vmul.f32 v29, v29  }
0x3b4: {  	v1 =	vadd.f32 $0.0e+00, v1;
	v32 =	vld [tilespmem:s6+$0x30]  }
0x3b5: {  	v2 =	vadd.f32 v4, v2;
	v4 =	vadd.f32 v12, v11;
	v11 =	vmul.f32 v30, v30  }
0x3b6: {  	v1 =	vadd.f32 v3, v1;
	v3 =	vld [tilespmem:s6+$0x40]  }
0x3b7: {  	v2 =	vadd.f32 v5, v2;
	v4 =	vadd.f32 v11, v4;
	v5 =	vmul.f32 v31, v31  }
0x3b8: {  	v1 =	vadd.f32 v6, v1;
	v6 =	vld [tilespmem:s6+$0x50]  }
0x3b9: {  	v2 =	vadd.f32 v7, v2;
	v4 =	vadd.f32 v5, v4;
	v5 =	vmul.f32 v32, v32  }
0x3ba: {  	v1 =	vadd.f32 v8, v1;
	v7 =	vld [tilespmem:s6+$0x60]  }
0x3bb: {  	v2 =	vadd.f32 v9, v2;
	v4 =	vadd.f32 v5, v4;
	v5 =	vmul.f32 v3, v3  }
0x3bc: {  	v1 =	vadd.f32 v10, v1;
	v8 =	vld [tilespmem:s6+$0x70]  }
0x3bd: {  	v2 =	vadd.f32 v13, v2;
	v4 =	vadd.f32 v5, v4;
	v5 =	vmul.f32 v6, v6  }
0x3be: {  	v1 =	vadd.f32 v14, v1;
	v9 =	vld [tilespmem:s6+$0x80]  }
0x3bf: {  	v2 =	vadd.f32 v15, v2;
	v4 =	vadd.f32 v5, v4;
	v5 =	vmul.f32 v7, v7  }
0x3c0: {  	v1 =	vadd.f32 v16, v1;
	v10 =	vld [tilespmem:s6+$0x90]  }
0x3c1: {  	v2 =	vadd.f32 v17, v2;
	v4 =	vadd.f32 v5, v4;
	v5 =	vmul.f32 v8, v8  }
0x3c2: {  	v1 =	vadd.f32 v18, v1;
	v11 =	vld [tilespmem:s6+$0xA0]  }
0x3c3: {  	v2 =	vadd.f32 v19, v2;
	v4 =	vadd.f32 v5, v4;
	v5 =	vmul.f32 v9, v9  }
0x3c4: {  	v1 =	vadd.f32 v20, v1;
	v12 =	vld [tilespmem:s6+$0xB0]  }
0x3c5: {  	v2 =	vadd.f32 v21, v2;
	v4 =	vadd.f32 v5, v4;
	v5 =	vmul.f32 v10, v10  }
0x3c6: {  	v1 =	vadd.f32 v22, v1;
	v13 =	vld [tilespmem:s6+$0xC0]  }
0x3c7: {  	v2 =	vadd.f32 v23, v2;
	v4 =	vadd.f32 v5, v4;
	v5 =	vmul.f32 v11, v11  }
0x3c8: {  	v1 =	vadd.f32 v24, v1;
	v14 =	vld [tilespmem:s6+$0xD0]  }
0x3c9: {  	v2 =	vadd.f32 v25, v2;
	v4 =	vadd.f32 v5, v4;
	v5 =	vmul.f32 v12, v12  }
0x3ca: {  	v1 =	vadd.f32 v26, v1;
	v15 =	vld [tilespmem:s6+$0xE0]  }
0x3cb: {  	v2 =	vadd.f32 v27, v2;
	v4 =	vadd.f32 v5, v4;
	v5 =	vmul.f32 v13, v13  }
0x3cc: {  	v1 =	vadd.f32 v28, v1;
	v16 =	vld [tilespmem:s6+$0xF0]  }
0x3cd: {  	v2 =	vadd.f32 v29, v2;
	v4 =	vadd.f32 v5, v4;
	v5 =	vmul.f32 v14, v14  }
0x3ce: {  	v1 =	vadd.f32 v30, v1;
	v17 =	vld [tilespmem:s6+$0x100]  }
0x3cf: {  	v2 =	vadd.f32 v31, v2;
	v4 =	vadd.f32 v5, v4;
	v5 =	vmul.f32 v15, v15  }
0x3d0: {  	v1 =	vadd.f32 v32, v1;
	v18 =	vld [tilespmem:s6+$0x110]  }
0x3d1: {  	v2 =	vadd.f32 v3, v2;
	v3 =	vadd.f32 v5, v4;
	v4 =	vmul.f32 v16, v16  }
0x3d2: {  	v1 =	vadd.f32 v6, v1;
	v5 =	vld [tilespmem:s6+$0x120]  }
0x3d3: {  	v2 =	vadd.f32 v7, v2;
	v3 =	vadd.f32 v4, v3;
	v4 =	vmul.f32 v17, v17  }
0x3d4: {  	v1 =	vadd.f32 v8, v1;
	v6 =	vld [tilespmem:s6+$0x130]  }
0x3d5: {  	v2 =	vadd.f32 v9, v2;
	v3 =	vadd.f32 v4, v3;
	v4 =	vmul.f32 v18, v18  }
0x3d6: {  	v1 =	vadd.f32 v10, v1;
	v7 =	vld [tilespmem:s6+$0x140]  }
0x3d7: {  	v2 =	vadd.f32 v11, v2;
	v3 =	vadd.f32 v4, v3;
	v4 =	vmul.f32 v5, v5  }
0x3d8: {  	v1 =	vadd.f32 v12, v1;
	v8 =	vld [tilespmem:s6+$0x150]  }
0x3d9: {  	v2 =	vadd.f32 v13, v2;
	v3 =	vadd.f32 v4, v3;
	v4 =	vmul.f32 v6, v6  }
0x3da: {  	v1 =	vadd.f32 v14, v1;
	v9 =	vld [tilespmem:s6+$0x160]  }
0x3db: {  	v2 =	vadd.f32 v15, v2;
	v3 =	vadd.f32 v4, v3;
	v4 =	vmul.f32 v7, v7  }
0x3dc: {  	v1 =	vadd.f32 v16, v1;
	v10 =	vld [tilespmem:s6+$0x170]  }
0x3dd: {  	v2 =	vadd.f32 v17, v2;
	v3 =	vadd.f32 v4, v3;
	v4 =	vmul.f32 v8, v8  }
0x3de: {  	v1 =	vadd.f32 v18, v1;
	v11 =	vld [tilespmem:s6+$0x180]  }
0x3df: {  	v2 =	vadd.f32 v5, v2;
	v3 =	vadd.f32 v4, v3;
	v4 =	vmul.f32 v9, v9  }
0x3e0: {  	v1 =	vadd.f32 v6, v1;
	v5 =	vld [tilespmem:s6+$0x190]  }
0x3e1: {  	v2 =	vadd.f32 v7, v2;
	v3 =	vadd.f32 v4, v3;
	v4 =	vmul.f32 v10, v10  }
0x3e2: {  	v1 =	vadd.f32 v8, v1  }
0x3e3: {  	v2 =	vadd.f32 v9, v2;
	v3 =	vadd.f32 v4, v3;
	v4 =	vmul.f32 v11, v11  }
0x3e4: {  	v1 =	vadd.f32 v10, v1  }
0x3e5: {  	v2 =	vadd.f32 v11, v2;
	v3 =	vadd.f32 v4, v3;
	v4 =	vmul.f32 v5, v5  }
0x3e6: {  	s18 =	sadd.s32 $0x20, s18;
	v1 =	vadd.f32 v5, v1  }
.Ltmp2:
0x3e7: {  	v3 =	vadd.f32 v4, v3;
	[tilespmem:s18+$0xFFFFFFF0] =	vst v2;
	(pc) =	sbr.rel @p1 .LBB2_7-.Ltmp2, $4  }
0x3e8: {  	s8 =	sshra.s32 s23, $0x2;
	s23 =	smov.u32 s7;
	[tilespmem:s18+$0x0] =	vst v1  }
0x3e9: {  	s6 =	sadd.s32 $0x340, s6;
	[tilespmem:v0+s8+$0x0 ss:$0x1] =	vst.idx.msk $0xffff, v3  }
0x3ea: {  	v2 =	vld [tilespmem:s6+$0xFFFFFE60]  }
0x3eb: {  	s7 =	sadd.s32 $0x40, s7;
	v1 =	vld [tilespmem:s6+$0xFFFFFE70]  }
0x3ec: {  	_ = 	snop  }
0x3ed: {  	v3 =	vld [tilespmem:s6+$0xFFFFFE80];
	_ =	sdelay $0x1  }
0x3ee: {  	v4 =	vld [tilespmem:s6+$0xFFFFFE90]  }
0x3ef: {  	v5 =	vmul.f32 v2, v2;
	v6 =	vmul.f32 v1, v1  }
0x3f0: {  	v7 =	vld [tilespmem:s6+$0xFFFFFEA0]  }
0x3f1: {  	v23 =	vmul.f32 v3, v3;
	v5 =	vadd.f32 v6, v5  }
0x3f2: {  	v8 =	vld [tilespmem:s6+$0xFFFFFEB0]  }
0x3f3: {  	v24 =	vmul.f32 v4, v4;
	v5 =	vadd.f32 v23, v5  }
0x3f4: {  	v9 =	vld [tilespmem:s6+$0xFFFFFEC0]  }
0x3f5: {  	v25 =	vmul.f32 v7, v7;
	v5 =	vadd.f32 v24, v5  }
0x3f6: {  	v10 =	vld [tilespmem:s6+$0xFFFFFED0]  }
0x3f7: {  	v26 =	vmul.f32 v8, v8;
	v5 =	vadd.f32 v25, v5  }
0x3f8: {  	v11 =	vld [tilespmem:s6+$0xFFFFFEE0]  }
0x3f9: {  	v27 =	vmul.f32 v9, v9;
	v5 =	vadd.f32 v26, v5  }
0x3fa: {  	v12 =	vld [tilespmem:s6+$0xFFFFFEF0]  }
0x3fb: {  	v28 =	vmul.f32 v10, v10;
	v5 =	vadd.f32 v27, v5  }
0x3fc: {  	v13 =	vld [tilespmem:s6+$0xFFFFFF00]  }
0x3fd: {  	v29 =	vmul.f32 v11, v11;
	v5 =	vadd.f32 v28, v5  }
0x3fe: {  	v14 =	vld [tilespmem:s6+$0xFFFFFF10]  }
0x3ff: {  	v30 =	vmul.f32 v12, v12;
	v5 =	vadd.f32 v29, v5  }
0x400: {  	v15 =	vld [tilespmem:s6+$0xFFFFFF20]  }
0x401: {  	v31 =	vmul.f32 v13, v13;
	v5 =	vadd.f32 v30, v5  }
0x402: {  	v16 =	vld [tilespmem:s6+$0xFFFFFF30]  }
0x403: {  	v32 =	vmul.f32 v14, v14;
	v5 =	vadd.f32 v31, v5  }
0x404: {  	v17 =	vld [tilespmem:s6+$0xFFFFFF40]  }
0x405: {  	v33 =	vmul.f32 v15, v15;
	v5 =	vadd.f32 v32, v5  }
0x406: {  	v18 =	vld [tilespmem:s6+$0xFFFFFF50]  }
0x407: {  	v34 =	vmul.f32 v16, v16;
	v5 =	vadd.f32 v33, v5  }
0x408: {  	v19 =	vld [tilespmem:s6+$0xFFFFFF60]  }
0x409: {  	v35 =	vmul.f32 v17, v17;
	v5 =	vadd.f32 v34, v5  }
0x40a: {  	v20 =	vld [tilespmem:s6+$0xFFFFFF70]  }
0x40b: {  	v36 =	vmul.f32 v18, v18;
	v5 =	vadd.f32 v35, v5  }
0x40c: {  	v21 =	vld [tilespmem:s6+$0xFFFFFF80]  }
0x40d: {  	v37 =	vmul.f32 v19, v19;
	v5 =	vadd.f32 v36, v5  }
0x40e: {  	v22 =	vld [tilespmem:s6+$0xFFFFFF90]  }
0x40f: {  	v38 =	vmul.f32 v20, v20;
	v5 =	vadd.f32 v37, v5  }
0x410: {  	v23 =	vld [tilespmem:s6+$0xFFFFFFA0]  }
0x411: {  	v39 =	vmul.f32 v21, v21;
	v5 =	vadd.f32 v38, v5  }
0x412: {  	v24 =	vld [tilespmem:s6+$0xFFFFFFB0]  }
0x413: {  	v40 =	vmul.f32 v22, v22;
	v5 =	vadd.f32 v39, v5  }
0x414: {  	v25 =	vld [tilespmem:s6+$0xFFFFFFC0]  }
0x415: {  	v41 =	vmul.f32 v23, v23;
	v5 =	vadd.f32 v40, v5  }
0x416: {  	v26 =	vld [tilespmem:s6+$0xFFFFFFD0]  }
0x417: {  	v42 =	vmul.f32 v24, v24;
	v5 =	vadd.f32 v41, v5  }
0x418: {  	v27 =	vld [tilespmem:s6+$0xFFFFFFE0]  }
0x419: {  	v43 =	vmul.f32 v25, v25;
	v5 =	vadd.f32 v42, v5  }
0x41a: {  	v28 =	vld [tilespmem:s6+$0xFFFFFFF0]  }
0x41b: {  	v44 =	vmul.f32 v26, v26;
	v5 =	vadd.f32 v43, v5  }
0x41c: {  	v29 =	vld [tilespmem:s6+$0x0]  }
0x41d: {  	v45 =	vmul.f32 v27, v27;
	v5 =	vadd.f32 v44, v5  }
0x41e: {  	v30 =	vld [tilespmem:s6+$0x10]  }
0x41f: {  	v46 =	vmul.f32 v28, v28;
	v5 =	vadd.f32 v45, v5  }
0x420: {  	v31 =	vld [tilespmem:s6+$0x20]  }
0x421: {  	v2 =	vadd.f32 $0.0e+00, v2;
	v47 =	vmul.f32 v29, v29;
	v5 =	vadd.f32 v46, v5  }
0x422: {  	v1 =	vadd.f32 $0.0e+00, v1;
	v32 =	vld [tilespmem:s6+$0x30]  }
0x423: {  	v2 =	vadd.f32 v3, v2;
	v48 =	vmul.f32 v30, v30;
	v3 =	vadd.f32 v47, v5  }
0x424: {  	v49 =	vld [tilespmem:s6+$0x40];
	v1 =	vadd.f32 v4, v1  }
0x425: {  	v2 =	vadd.f32 v7, v2;
	v50 =	vmul.f32 v31, v31;
	v3 =	vadd.f32 v48, v3  }
0x426: {  	v51 =	vld [tilespmem:s6+$0x50];
	v1 =	vadd.f32 v8, v1  }
0x427: {  	v2 =	vadd.f32 v9, v2;
	v52 =	vmul.f32 v32, v32;
	v3 =	vadd.f32 v50, v3  }
0x428: {  	v53 =	vld [tilespmem:s6+$0x60];
	v1 =	vadd.f32 v10, v1  }
0x429: {  	v54 =	vmul.f32 v49, v49;
	v2 =	vadd.f32 v11, v2;
	v3 =	vadd.f32 v52, v3  }
0x42a: {  	v55 =	vld [tilespmem:s6+$0x70];
	v1 =	vadd.f32 v12, v1  }
0x42b: {  	v56 =	vmul.f32 v51, v51;
	v2 =	vadd.f32 v13, v2;
	v3 =	vadd.f32 v54, v3  }
0x42c: {  	v57 =	vld [tilespmem:s6+$0x80];
	v1 =	vadd.f32 v14, v1  }
0x42d: {  	v58 =	vmul.f32 v53, v53;
	v2 =	vadd.f32 v15, v2;
	v3 =	vadd.f32 v56, v3  }
0x42e: {  	v59 =	vld [tilespmem:s6+$0x90];
	v1 =	vadd.f32 v16, v1  }
0x42f: {  	v60 =	vmul.f32 v55, v55;
	v2 =	vadd.f32 v17, v2;
	v3 =	vadd.f32 v58, v3  }
0x430: {  	v61 =	vld [tilespmem:s6+$0xA0];
	v1 =	vadd.f32 v18, v1  }
0x431: {  	v62 =	vmul.f32 v57, v57;
	v2 =	vadd.f32 v19, v2;
	v3 =	vadd.f32 v60, v3  }
0x432: {  	v63 =	vld [tilespmem:s6+$0xB0];
	v1 =	vadd.f32 v20, v1  }
0x433: {  	v2 =	vadd.f32 v21, v2;
	v21 =	vmul.f32 v59, v59;
	v3 =	vadd.f32 v62, v3  }
0x434: {  	v1 =	vadd.f32 v22, v1;
	v22 =	vld [tilespmem:s6+$0xC0]  }
0x435: {  	v2 =	vadd.f32 v23, v2;
	v23 =	vmul.f32 v61, v61;
	v3 =	vadd.f32 v21, v3  }
0x436: {  	v1 =	vadd.f32 v24, v1;
	v24 =	vld [tilespmem:s6+$0xD0]  }
0x437: {  	v2 =	vadd.f32 v25, v2;
	v25 =	vmul.f32 v63, v63;
	v3 =	vadd.f32 v23, v3  }
0x438: {  	v1 =	vadd.f32 v26, v1;
	v33 =	vld [tilespmem:s6+$0xE0]  }
0x439: {  	v2 =	vadd.f32 v27, v2;
	v34 =	vmul.f32 v22, v22;
	v3 =	vadd.f32 v25, v3  }
0x43a: {  	v1 =	vadd.f32 v28, v1;
	v35 =	vld [tilespmem:s6+$0xF0]  }
0x43b: {  	v2 =	vadd.f32 v29, v2;
	v36 =	vmul.f32 v24, v24;
	v3 =	vadd.f32 v34, v3  }
0x43c: {  	v1 =	vadd.f32 v30, v1;
	v37 =	vld [tilespmem:s6+$0x100]  }
0x43d: {  	v2 =	vadd.f32 v31, v2;
	v38 =	vmul.f32 v33, v33;
	v3 =	vadd.f32 v36, v3  }
0x43e: {  	v1 =	vadd.f32 v32, v1;
	v39 =	vld [tilespmem:s6+$0x110]  }
0x43f: {  	v2 =	vadd.f32 v49, v2;
	v40 =	vmul.f32 v35, v35;
	v3 =	vadd.f32 v38, v3  }
0x440: {  	v1 =	vadd.f32 v51, v1;
	v41 =	vld [tilespmem:s6+$0x120]  }
0x441: {  	v2 =	vadd.f32 v53, v2;
	v42 =	vmul.f32 v37, v37;
	v3 =	vadd.f32 v40, v3  }
0x442: {  	v1 =	vadd.f32 v55, v1;
	v43 =	vld [tilespmem:s6+$0x130]  }
0x443: {  	v2 =	vadd.f32 v57, v2;
	v44 =	vmul.f32 v39, v39;
	v3 =	vadd.f32 v42, v3  }
0x444: {  	v1 =	vadd.f32 v59, v1;
	v45 =	vld [tilespmem:s6+$0x140]  }
0x445: {  	v2 =	vadd.f32 v61, v2;
	v46 =	vmul.f32 v41, v41;
	v3 =	vadd.f32 v44, v3  }
0x446: {  	v1 =	vadd.f32 v63, v1;
	v47 =	vld [tilespmem:s6+$0x150]  }
0x447: {  	v2 =	vadd.f32 v22, v2;
	v48 =	vmul.f32 v43, v43;
	v3 =	vadd.f32 v46, v3  }
0x448: {  	v49 =	vld [tilespmem:s6+$0x160];
	v1 =	vadd.f32 v24, v1  }
0x449: {  	v2 =	vadd.f32 v33, v2;
	v50 =	vmul.f32 v45, v45;
	v3 =	vadd.f32 v48, v3  }
0x44a: {  	v51 =	vld [tilespmem:s6+$0x170];
	v1 =	vadd.f32 v35, v1  }
0x44b: {  	v2 =	vadd.f32 v37, v2;
	v52 =	vmul.f32 v47, v47;
	v3 =	vadd.f32 v50, v3  }
0x44c: {  	v53 =	vld [tilespmem:s6+$0x180];
	v1 =	vadd.f32 v39, v1  }
0x44d: {  	v2 =	vadd.f32 v41, v2;
	v54 =	vmul.f32 v49, v49;
	v3 =	vadd.f32 v52, v3  }
0x44e: {  	v55 =	vld [tilespmem:s6+$0x190];
	v1 =	vadd.f32 v43, v1  }
0x44f: {  	v2 =	vadd.f32 v45, v2;
	v56 =	vmul.f32 v51, v51;
	v3 =	vadd.f32 v54, v3  }
0x450: {  	v1 =	vadd.f32 v47, v1  }
0x451: {  	v57 =	vmul.f32 v53, v53;
	v2 =	vadd.f32 v49, v2;
	v3 =	vadd.f32 v56, v3  }
0x452: {  	v1 =	vadd.f32 v51, v1  }
0x453: {  	v2 =	vadd.f32 v53, v2;
	v58 =	vmul.f32 v55, v55;
	v3 =	vadd.f32 v57, v3  }
0x454: {  	s9 =	sadd.s32 $0x20, s18;
	v1 =	vadd.f32 v55, v1  }
0x455: {  	[tilespmem:s9+$0xFFFFFFF0] =	vst v2;
	v3 =	vadd.f32 v58, v3  }
0x456: {  	s18 =	sshra.s32 s23, $0x2;
	[tilespmem:s9+$0x0] =	vst v1  }
0x457: {  	s7 =	simm.s32 @!p0 $0x68;
	s8 =	simm.s32 @!p0 $0x9C00;
	s6 =	sadd.s32 @!p0 $0x9C0, s20;
	[tilespmem:v0+s18+$0x0 ss:$0x1] =	vst.idx.msk $0xffff, v3  }
0x458: {  	[tilespmem:s8], [sflag:$0x3] =	stream.indirect.gather @!p0 [hbm4b:s3+s7], $0x20, s6, s7, $0xb8;
	[tilespmem:$0x19800] =	vst v63  }
0x459: {  	s9 =	simm.s32 @!p0 $0xA900;
	s8 =	sadd.s32 @!p0 $0xA28, s20  }
0x45a: {  	[tilespmem:s9], [sflag:$0x3] =	stream.indirect.gather @!p0 [hbm4b:s3+s7], $0x20, s8, s7, $0xb8;
	[tilespmem:$0x19800] =	vst v63  }
0x45b: {  	s18 =	simm.s32 @!p0 $0xB600;
	s9 =	sadd.s32 @!p0 $0xA90, s20  }
0x45c: {  	[tilespmem:s18], [sflag:$0x3] =	stream.indirect.gather @!p0 [hbm4b:s3+s7], $0x20, s9, s7, $0xb8;
	[tilespmem:$0x19800] =	vst v63  }
0x45d: {  	s23 =	simm.s32 @!p0 $0xC300;
	s18 =	sadd.s32 @!p0 $0xAF8, s20  }
0x45e: {  	[tilespmem:s23], [sflag:$0x3] =	stream.indirect.gather @!p0 [hbm4b:s3+s7], $0x20, s18, s7, $0xb8;
	[tilespmem:$0x19800] =	vst v63  }
0x45f: {  	s23 =	sadd.s32 @!p0 $0x10DC0, s20  }
0x460: {  	[tilespmem:s23], [sflag:$0x5] =	stream.indirect.gather @!p0 [hbm4b:s4+s7], $0x1, s6, s7, $0xb8;
	[tilespmem:$0x19800] =	vst v63  }
0x461: {  	s6 =	sadd.s32 @!p0 $0x10E28, s20  }
0x462: {  	[tilespmem:s6], [sflag:$0x5] =	stream.indirect.gather @!p0 [hbm4b:s4+s7], $0x1, s8, s7, $0xb8;
	[tilespmem:$0x19800] =	vst v63  }
0x463: {  	s6 =	sadd.s32 @!p0 $0x10E90, s20  }
0x464: {  	[tilespmem:s6], [sflag:$0x5] =	stream.indirect.gather @!p0 [hbm4b:s4+s7], $0x1, s9, s7, $0xb8;
	[tilespmem:$0x19800] =	vst v63  }
0x465: {  	s6 =	sadd.s32 @!p0 $0x10EF8, s20  }
0x466: {  	[tilespmem:s6], [sflag:$0x5] =	stream.indirect.gather @!p0 [hbm4b:s4+s7], $0x1, s18, s7, $0xb8;
	[tilespmem:$0x19800] =	vst v63  }
0x467: {  	_ =	swait.ge [sflag:s30], $0x3400  }
0x468: {  	[sflag:s30] =	ssyncset.done $0x0  }
0x469: {  	s20 =	simm.s32 $0xD1A0;
	[sflag:s30] =	ssyncadd.s32 $0xFFFFCC00  }
0x46a: {  	v0 =	vld [tilespmem:s20+$0xFFFFFE60]  }
0x46b: {  	v1 =	vld [tilespmem:s20+$0xFFFFFE70];
	_ =	sdelay $0x1  }
0x46c: {  	v2 =	vld [tilespmem:s20+$0xFFFFFE80];
	_ =	sdelay $0x1  }
0x46d: {  	v3 =	vld [tilespmem:s20+$0xFFFFFE90]  }
0x46e: {  	v59 =	vmul.f32 v0, v0;
	v60 =	vmul.f32 v1, v1  }
0x46f: {  	v6 =	vld [tilespmem:s20+$0xFFFFFEA0]  }
0x470: {  	v61 =	vmul.f32 v2, v2;
	v4 =	vadd.f32 v60, v59  }
0x471: {  	v7 =	vld [tilespmem:s20+$0xFFFFFEB0]  }
0x472: {  	v62 =	vmul.f32 v3, v3;
	v4 =	vadd.f32 v61, v4  }
0x473: {  	v63 =	vld [tilespmem:s20+$0xFFFFFEC0]  }
0x474: {  	v31 =	vmul.f32 v6, v6;
	v4 =	vadd.f32 v62, v4  }
0x475: {  	v9 =	vld [tilespmem:s20+$0xFFFFFED0]  }
0x476: {  	v32 =	vmul.f32 v7, v7;
	v4 =	vadd.f32 v31, v4  }
0x477: {  	v10 =	vld [tilespmem:s20+$0xFFFFFEE0]  }
0x478: {  	v33 =	vmul.f32 v63, v63;
	v4 =	vadd.f32 v32, v4  }
0x479: {  	v11 =	vld [tilespmem:s20+$0xFFFFFEF0]  }
0x47a: {  	v34 =	vmul.f32 v9, v9;
	v4 =	vadd.f32 v33, v4  }
0x47b: {  	v12 =	vld [tilespmem:s20+$0xFFFFFF00]  }
0x47c: {  	v35 =	vmul.f32 v10, v10;
	v4 =	vadd.f32 v34, v4  }
0x47d: {  	v13 =	vld [tilespmem:s20+$0xFFFFFF10]  }
0x47e: {  	v36 =	vmul.f32 v11, v11;
	v4 =	vadd.f32 v35, v4  }
0x47f: {  	v14 =	vld [tilespmem:s20+$0xFFFFFF20]  }
0x480: {  	v37 =	vmul.f32 v12, v12;
	v4 =	vadd.f32 v36, v4  }
0x481: {  	v15 =	vld [tilespmem:s20+$0xFFFFFF30]  }
0x482: {  	v38 =	vmul.f32 v13, v13;
	v4 =	vadd.f32 v37, v4  }
0x483: {  	v16 =	vld [tilespmem:s20+$0xFFFFFF40]  }
0x484: {  	v39 =	vmul.f32 v14, v14;
	v4 =	vadd.f32 v38, v4  }
0x485: {  	v17 =	vld [tilespmem:s20+$0xFFFFFF50]  }
0x486: {  	v40 =	vmul.f32 v15, v15;
	v4 =	vadd.f32 v39, v4  }
0x487: {  	v18 =	vld [tilespmem:s20+$0xFFFFFF60]  }
0x488: {  	v41 =	vmul.f32 v16, v16;
	v4 =	vadd.f32 v40, v4  }
0x489: {  	v19 =	vld [tilespmem:s20+$0xFFFFFF70]  }
0x48a: {  	v42 =	vmul.f32 v17, v17;
	v4 =	vadd.f32 v41, v4  }
0x48b: {  	v20 =	vld [tilespmem:s20+$0xFFFFFF80]  }
0x48c: {  	v43 =	vmul.f32 v18, v18;
	v4 =	vadd.f32 v42, v4  }
0x48d: {  	v21 =	vld [tilespmem:s20+$0xFFFFFF90]  }
0x48e: {  	v44 =	vmul.f32 v19, v19;
	v4 =	vadd.f32 v43, v4  }
0x48f: {  	v22 =	vld [tilespmem:s20+$0xFFFFFFA0]  }
0x490: {  	v45 =	vmul.f32 v20, v20;
	v4 =	vadd.f32 v44, v4  }
0x491: {  	v23 =	vld [tilespmem:s20+$0xFFFFFFB0]  }
0x492: {  	v46 =	vmul.f32 v21, v21;
	v4 =	vadd.f32 v45, v4  }
0x493: {  	v24 =	vld [tilespmem:s20+$0xFFFFFFC0]  }
0x494: {  	v47 =	vmul.f32 v22, v22;
	v4 =	vadd.f32 v46, v4  }
0x495: {  	v25 =	vld [tilespmem:s20+$0xFFFFFFD0]  }
0x496: {  	v48 =	vmul.f32 v23, v23;
	v4 =	vadd.f32 v47, v4  }
0x497: {  	v49 =	vld [tilespmem:s20+$0xFFFFFFE0]  }
0x498: {  	v50 =	vmul.f32 v24, v24;
	v4 =	vadd.f32 v48, v4  }
0x499: {  	v51 =	vld [tilespmem:s20+$0xFFFFFFF0]  }
0x49a: {  	v52 =	vmul.f32 v25, v25;
	v4 =	vadd.f32 v50, v4  }
0x49b: {  	v53 =	vld [tilespmem:s20+$0x0]  }
0x49c: {  	v54 =	vmul.f32 v49, v49;
	v4 =	vadd.f32 v52, v4  }
0x49d: {  	v55 =	vld [tilespmem:s20+$0x10]  }
0x49e: {  	v56 =	vmul.f32 v51, v51;
	v4 =	vadd.f32 v54, v4  }
0x49f: {  	v57 =	vld [tilespmem:s20+$0x20]  }
0x4a0: {  	v0 =	vadd.f32 $0.0e+00, v0;
	v58 =	vmul.f32 v53, v53;
	v4 =	vadd.f32 v56, v4  }
0x4a1: {  	v1 =	vadd.f32 $0.0e+00, v1;
	v59 =	vld [tilespmem:s20+$0x30]  }
0x4a2: {  	v0 =	vadd.f32 v2, v0;
	v60 =	vmul.f32 v55, v55;
	v2 =	vadd.f32 v58, v4  }
0x4a3: {  	v1 =	vadd.f32 v3, v1;
	v3 =	vld [tilespmem:s20+$0x40]  }
0x4a4: {  	v0 =	vadd.f32 v6, v0;
	v61 =	vmul.f32 v57, v57;
	v2 =	vadd.f32 v60, v2  }
0x4a5: {  	v1 =	vadd.f32 v7, v1;
	v62 =	vld [tilespmem:s20+$0x50]  }
0x4a6: {  	v0 =	vadd.f32 v63, v0;
	v63 =	vmul.f32 v59, v59;
	v2 =	vadd.f32 v61, v2  }
0x4a7: {  	v1 =	vadd.f32 v9, v1;
	v32 =	vld [tilespmem:s20+$0x60]  }
0x4a8: {  	v0 =	vadd.f32 v10, v0;
	v33 =	vmul.f32 v3, v3;
	v2 =	vadd.f32 v63, v2  }
0x4a9: {  	v1 =	vadd.f32 v11, v1;
	v34 =	vld [tilespmem:s20+$0x70]  }
0x4aa: {  	v0 =	vadd.f32 v12, v0;
	v35 =	vmul.f32 v62, v62;
	v2 =	vadd.f32 v33, v2  }
0x4ab: {  	v1 =	vadd.f32 v13, v1;
	v36 =	vld [tilespmem:s20+$0x80]  }
0x4ac: {  	v0 =	vadd.f32 v14, v0;
	v37 =	vmul.f32 v32, v32;
	v2 =	vadd.f32 v35, v2  }
0x4ad: {  	v1 =	vadd.f32 v15, v1;
	v38 =	vld [tilespmem:s20+$0x90]  }
0x4ae: {  	v0 =	vadd.f32 v16, v0;
	v39 =	vmul.f32 v34, v34;
	v2 =	vadd.f32 v37, v2  }
0x4af: {  	v1 =	vadd.f32 v17, v1;
	v40 =	vld [tilespmem:s20+$0xA0]  }
0x4b0: {  	v0 =	vadd.f32 v18, v0;
	v41 =	vmul.f32 v36, v36;
	v2 =	vadd.f32 v39, v2  }
0x4b1: {  	v1 =	vadd.f32 v19, v1;
	v42 =	vld [tilespmem:s20+$0xB0]  }
0x4b2: {  	v0 =	vadd.f32 v20, v0;
	v43 =	vmul.f32 v38, v38;
	v2 =	vadd.f32 v41, v2  }
0x4b3: {  	v1 =	vadd.f32 v21, v1;
	v44 =	vld [tilespmem:s20+$0xC0]  }
0x4b4: {  	v0 =	vadd.f32 v22, v0;
	v45 =	vmul.f32 v40, v40;
	v2 =	vadd.f32 v43, v2  }
0x4b5: {  	v1 =	vadd.f32 v23, v1;
	v46 =	vld [tilespmem:s20+$0xD0]  }
0x4b6: {  	v0 =	vadd.f32 v24, v0;
	v47 =	vmul.f32 v42, v42;
	v2 =	vadd.f32 v45, v2  }
0x4b7: {  	v1 =	vadd.f32 v25, v1;
	v48 =	vld [tilespmem:s20+$0xE0]  }
0x4b8: {  	v0 =	vadd.f32 v49, v0;
	v49 =	vmul.f32 v44, v44;
	v2 =	vadd.f32 v47, v2  }
0x4b9: {  	v1 =	vadd.f32 v51, v1;
	v50 =	vld [tilespmem:s20+$0xF0]  }
0x4ba: {  	v0 =	vadd.f32 v53, v0;
	v51 =	vmul.f32 v46, v46;
	v2 =	vadd.f32 v49, v2  }
0x4bb: {  	v1 =	vadd.f32 v55, v1;
	v52 =	vld [tilespmem:s20+$0x100]  }
0x4bc: {  	v0 =	vadd.f32 v57, v0;
	v53 =	vmul.f32 v48, v48;
	v2 =	vadd.f32 v51, v2  }
0x4bd: {  	v1 =	vadd.f32 v59, v1;
	v54 =	vld [tilespmem:s20+$0x110]  }
0x4be: {  	v0 =	vadd.f32 v3, v0;
	v3 =	vmul.f32 v50, v50;
	v2 =	vadd.f32 v53, v2  }
0x4bf: {  	v55 =	vld [tilespmem:s20+$0x120];
	v1 =	vadd.f32 v62, v1  }
0x4c0: {  	v0 =	vadd.f32 v32, v0;
	v2 =	vadd.f32 v3, v2;
	v3 =	vmul.f32 v52, v52  }
0x4c1: {  	v1 =	vadd.f32 v34, v1;
	v56 =	vld [tilespmem:s20+$0x130]  }
0x4c2: {  	v0 =	vadd.f32 v36, v0;
	v2 =	vadd.f32 v3, v2;
	v3 =	vmul.f32 v54, v54  }
0x4c3: {  	v57 =	vld [tilespmem:s20+$0x140];
	v1 =	vadd.f32 v38, v1  }
0x4c4: {  	v0 =	vadd.f32 v40, v0;
	v2 =	vadd.f32 v3, v2;
	v3 =	vmul.f32 v55, v55  }
0x4c5: {  	v1 =	vadd.f32 v42, v1;
	v58 =	vld [tilespmem:s20+$0x150]  }
0x4c6: {  	v0 =	vadd.f32 v44, v0;
	v2 =	vadd.f32 v3, v2;
	v3 =	vmul.f32 v56, v56  }
0x4c7: {  	v59 =	vld [tilespmem:s20+$0x160];
	v1 =	vadd.f32 v46, v1  }
0x4c8: {  	v0 =	vadd.f32 v48, v0;
	v2 =	vadd.f32 v3, v2;
	v3 =	vmul.f32 v57, v57  }
0x4c9: {  	v1 =	vadd.f32 v50, v1;
	v60 =	vld [tilespmem:s20+$0x170]  }
0x4ca: {  	v0 =	vadd.f32 v52, v0;
	v2 =	vadd.f32 v3, v2;
	v3 =	vmul.f32 v58, v58  }
0x4cb: {  	v1 =	vadd.f32 v54, v1;
	v61 =	vld [tilespmem:s20+$0x180]  }
0x4cc: {  	v0 =	vadd.f32 v55, v0;
	v2 =	vadd.f32 v3, v2;
	v3 =	vmul.f32 v59, v59  }
0x4cd: {  	v62 =	vld [tilespmem:s20+$0x190];
	v1 =	vadd.f32 v56, v1  }
0x4ce: {  	v0 =	vadd.f32 v57, v0;
	v2 =	vadd.f32 v3, v2;
	v3 =	vmul.f32 v60, v60  }
0x4cf: {  	v1 =	vadd.f32 v58, v1  }
0x4d0: {  	v63 =	vadd.f32 v59, v0;
	v2 =	vadd.f32 v3, v2;
	v3 =	vmul.f32 v61, v61  }
0x4d1: {  	v0 =	vmov s29;
	v1 =	vadd.f32 v60, v1  }
0x4d2: {  	v5 =	vadd.f32 v61, v63;
	v2 =	vadd.f32 v3, v2;
	v3 =	vmul.f32 v62, v62  }
0x4d3: {  	v1 =	vadd.f32 v62, v1  }
0x4d4: {  	[tilespmem:s26+$0xFFFFFFF0] =	vst v5;
	v2 =	vadd.f32 v3, v2  }
0x4d5: {  	s23 =	simm.s32 $0x0;
	[tilespmem:s26+$0x0] =	vst v1  }
0x4d6: {  	s6 =	simm.s32 $0xD4E0;
	[tilespmem:v0+s23+$0x0 ss:$0x1] =	vst.idx.msk $0xffff, v2  }
0x4d7: {  	v2 =	vld [tilespmem:s6+$0xFFFFFE60]  }
0x4d8: {  	s7 =	simm.s32 $0x80;
	s18 =	smov.u32 s26;
	s20 =	simm.s32 $0x40;
	v1 =	vld [tilespmem:s6+$0xFFFFFE70]  }
.LBB2_9:
0x4d9: {  	p0 =	sne.s32 s7, $0x3C0  }
0x4da: {  	v4 =	vld [tilespmem:s6+$0xFFFFFE80];
	_ =	sdelay $0x1  }
0x4db: {  	v3 =	vld [tilespmem:s6+$0xFFFFFE90]  }
0x4dc: {  	v6 =	vmul.f32 v2, v2;
	v7 =	vmul.f32 v1, v1  }
0x4dd: {  	v5 =	vld [tilespmem:s6+$0xFFFFFEA0]  }
0x4de: {  	v7 =	vadd.f32 v7, v6;
	v8 =	vmul.f32 v4, v4  }
0x4df: {  	v6 =	vld [tilespmem:s6+$0xFFFFFEB0]  }
0x4e0: {  	v8 =	vadd.f32 v8, v7;
	v9 =	vmul.f32 v3, v3  }
0x4e1: {  	v7 =	vld [tilespmem:s6+$0xFFFFFEC0]  }
0x4e2: {  	v9 =	vadd.f32 v9, v8;
	v10 =	vmul.f32 v5, v5  }
0x4e3: {  	v8 =	vld [tilespmem:s6+$0xFFFFFED0]  }
0x4e4: {  	v10 =	vadd.f32 v10, v9;
	v11 =	vmul.f32 v6, v6  }
0x4e5: {  	v9 =	vld [tilespmem:s6+$0xFFFFFEE0]  }
0x4e6: {  	v11 =	vadd.f32 v11, v10;
	v12 =	vmul.f32 v7, v7  }
0x4e7: {  	v10 =	vld [tilespmem:s6+$0xFFFFFEF0]  }
0x4e8: {  	v11 =	vadd.f32 v12, v11;
	v12 =	vmul.f32 v8, v8  }
0x4e9: {  	v13 =	vld [tilespmem:s6+$0xFFFFFF00]  }
0x4ea: {  	v11 =	vadd.f32 v12, v11;
	v12 =	vmul.f32 v9, v9  }
0x4eb: {  	v14 =	vld [tilespmem:s6+$0xFFFFFF10]  }
0x4ec: {  	v11 =	vadd.f32 v12, v11;
	v12 =	vmul.f32 v10, v10  }
0x4ed: {  	v15 =	vld [tilespmem:s6+$0xFFFFFF20]  }
0x4ee: {  	v11 =	vadd.f32 v12, v11;
	v12 =	vmul.f32 v13, v13  }
0x4ef: {  	v16 =	vld [tilespmem:s6+$0xFFFFFF30]  }
0x4f0: {  	v11 =	vadd.f32 v12, v11;
	v12 =	vmul.f32 v14, v14  }
0x4f1: {  	v17 =	vld [tilespmem:s6+$0xFFFFFF40]  }
0x4f2: {  	v11 =	vadd.f32 v12, v11;
	v12 =	vmul.f32 v15, v15  }
0x4f3: {  	v18 =	vld [tilespmem:s6+$0xFFFFFF50]  }
0x4f4: {  	v11 =	vadd.f32 v12, v11;
	v12 =	vmul.f32 v16, v16  }
0x4f5: {  	v19 =	vld [tilespmem:s6+$0xFFFFFF60]  }
0x4f6: {  	v11 =	vadd.f32 v12, v11;
	v12 =	vmul.f32 v17, v17  }
0x4f7: {  	v20 =	vld [tilespmem:s6+$0xFFFFFF70]  }
0x4f8: {  	v11 =	vadd.f32 v12, v11;
	v12 =	vmul.f32 v18, v18  }
0x4f9: {  	v21 =	vld [tilespmem:s6+$0xFFFFFF80]  }
0x4fa: {  	v11 =	vadd.f32 v12, v11;
	v12 =	vmul.f32 v19, v19  }
0x4fb: {  	v22 =	vld [tilespmem:s6+$0xFFFFFF90]  }
0x4fc: {  	v11 =	vadd.f32 v12, v11;
	v12 =	vmul.f32 v20, v20  }
0x4fd: {  	v23 =	vld [tilespmem:s6+$0xFFFFFFA0]  }
0x4fe: {  	v11 =	vadd.f32 v12, v11;
	v12 =	vmul.f32 v21, v21  }
0x4ff: {  	v24 =	vld [tilespmem:s6+$0xFFFFFFB0]  }
0x500: {  	v11 =	vadd.f32 v12, v11;
	v12 =	vmul.f32 v22, v22  }
0x501: {  	v25 =	vld [tilespmem:s6+$0xFFFFFFC0]  }
0x502: {  	v11 =	vadd.f32 v12, v11;
	v12 =	vmul.f32 v23, v23  }
0x503: {  	v26 =	vld [tilespmem:s6+$0xFFFFFFD0]  }
0x504: {  	v11 =	vadd.f32 v12, v11;
	v12 =	vmul.f32 v24, v24  }
0x505: {  	v27 =	vld [tilespmem:s6+$0xFFFFFFE0]  }
0x506: {  	v11 =	vadd.f32 v12, v11;
	v12 =	vmul.f32 v25, v25  }
0x507: {  	v28 =	vld [tilespmem:s6+$0xFFFFFFF0]  }
0x508: {  	v11 =	vadd.f32 v12, v11;
	v12 =	vmul.f32 v26, v26  }
0x509: {  	v29 =	vld [tilespmem:s6+$0x0]  }
0x50a: {  	v11 =	vadd.f32 v12, v11;
	v12 =	vmul.f32 v27, v27  }
0x50b: {  	v30 =	vld [tilespmem:s6+$0x10]  }
0x50c: {  	v11 =	vadd.f32 v12, v11;
	v12 =	vmul.f32 v28, v28  }
0x50d: {  	v31 =	vld [tilespmem:s6+$0x20]  }
0x50e: {  	v2 =	vadd.f32 $0.0e+00, v2;
	v11 =	vadd.f32 v12, v11;
	v12 =	vmul.f32 v29, v29  }
0x50f: {  	v1 =	vadd.f32 $0.0e+00, v1;
	v32 =	vld [tilespmem:s6+$0x30]  }
0x510: {  	v2 =	vadd.f32 v4, v2;
	v4 =	vadd.f32 v12, v11;
	v11 =	vmul.f32 v30, v30  }
0x511: {  	v1 =	vadd.f32 v3, v1;
	v3 =	vld [tilespmem:s6+$0x40]  }
0x512: {  	v2 =	vadd.f32 v5, v2;
	v4 =	vadd.f32 v11, v4;
	v5 =	vmul.f32 v31, v31  }
0x513: {  	v1 =	vadd.f32 v6, v1;
	v6 =	vld [tilespmem:s6+$0x50]  }
0x514: {  	v2 =	vadd.f32 v7, v2;
	v4 =	vadd.f32 v5, v4;
	v5 =	vmul.f32 v32, v32  }
0x515: {  	v1 =	vadd.f32 v8, v1;
	v7 =	vld [tilespmem:s6+$0x60]  }
0x516: {  	v2 =	vadd.f32 v9, v2;
	v4 =	vadd.f32 v5, v4;
	v5 =	vmul.f32 v3, v3  }
0x517: {  	v1 =	vadd.f32 v10, v1;
	v8 =	vld [tilespmem:s6+$0x70]  }
0x518: {  	v2 =	vadd.f32 v13, v2;
	v4 =	vadd.f32 v5, v4;
	v5 =	vmul.f32 v6, v6  }
0x519: {  	v1 =	vadd.f32 v14, v1;
	v9 =	vld [tilespmem:s6+$0x80]  }
0x51a: {  	v2 =	vadd.f32 v15, v2;
	v4 =	vadd.f32 v5, v4;
	v5 =	vmul.f32 v7, v7  }
0x51b: {  	v1 =	vadd.f32 v16, v1;
	v10 =	vld [tilespmem:s6+$0x90]  }
0x51c: {  	v2 =	vadd.f32 v17, v2;
	v4 =	vadd.f32 v5, v4;
	v5 =	vmul.f32 v8, v8  }
0x51d: {  	v1 =	vadd.f32 v18, v1;
	v11 =	vld [tilespmem:s6+$0xA0]  }
0x51e: {  	v2 =	vadd.f32 v19, v2;
	v4 =	vadd.f32 v5, v4;
	v5 =	vmul.f32 v9, v9  }
0x51f: {  	v1 =	vadd.f32 v20, v1;
	v12 =	vld [tilespmem:s6+$0xB0]  }
0x520: {  	v2 =	vadd.f32 v21, v2;
	v4 =	vadd.f32 v5, v4;
	v5 =	vmul.f32 v10, v10  }
0x521: {  	v1 =	vadd.f32 v22, v1;
	v13 =	vld [tilespmem:s6+$0xC0]  }
0x522: {  	v2 =	vadd.f32 v23, v2;
	v4 =	vadd.f32 v5, v4;
	v5 =	vmul.f32 v11, v11  }
0x523: {  	v1 =	vadd.f32 v24, v1;
	v14 =	vld [tilespmem:s6+$0xD0]  }
0x524: {  	v2 =	vadd.f32 v25, v2;
	v4 =	vadd.f32 v5, v4;
	v5 =	vmul.f32 v12, v12  }
0x525: {  	v1 =	vadd.f32 v26, v1;
	v15 =	vld [tilespmem:s6+$0xE0]  }
0x526: {  	v2 =	vadd.f32 v27, v2;
	v4 =	vadd.f32 v5, v4;
	v5 =	vmul.f32 v13, v13  }
0x527: {  	v1 =	vadd.f32 v28, v1;
	v16 =	vld [tilespmem:s6+$0xF0]  }
0x528: {  	v2 =	vadd.f32 v29, v2;
	v4 =	vadd.f32 v5, v4;
	v5 =	vmul.f32 v14, v14  }
0x529: {  	v1 =	vadd.f32 v30, v1;
	v17 =	vld [tilespmem:s6+$0x100]  }
0x52a: {  	v2 =	vadd.f32 v31, v2;
	v4 =	vadd.f32 v5, v4;
	v5 =	vmul.f32 v15, v15  }
0x52b: {  	v1 =	vadd.f32 v32, v1;
	v18 =	vld [tilespmem:s6+$0x110]  }
0x52c: {  	v2 =	vadd.f32 v3, v2;
	v3 =	vadd.f32 v5, v4;
	v4 =	vmul.f32 v16, v16  }
0x52d: {  	v1 =	vadd.f32 v6, v1;
	v5 =	vld [tilespmem:s6+$0x120]  }
0x52e: {  	v2 =	vadd.f32 v7, v2;
	v3 =	vadd.f32 v4, v3;
	v4 =	vmul.f32 v17, v17  }
0x52f: {  	v1 =	vadd.f32 v8, v1;
	v6 =	vld [tilespmem:s6+$0x130]  }
0x530: {  	v2 =	vadd.f32 v9, v2;
	v3 =	vadd.f32 v4, v3;
	v4 =	vmul.f32 v18, v18  }
0x531: {  	v1 =	vadd.f32 v10, v1;
	v7 =	vld [tilespmem:s6+$0x140]  }
0x532: {  	v2 =	vadd.f32 v11, v2;
	v3 =	vadd.f32 v4, v3;
	v4 =	vmul.f32 v5, v5  }
0x533: {  	v1 =	vadd.f32 v12, v1;
	v8 =	vld [tilespmem:s6+$0x150]  }
0x534: {  	v2 =	vadd.f32 v13, v2;
	v3 =	vadd.f32 v4, v3;
	v4 =	vmul.f32 v6, v6  }
0x535: {  	v1 =	vadd.f32 v14, v1;
	v9 =	vld [tilespmem:s6+$0x160]  }
0x536: {  	v2 =	vadd.f32 v15, v2;
	v3 =	vadd.f32 v4, v3;
	v4 =	vmul.f32 v7, v7  }
0x537: {  	v1 =	vadd.f32 v16, v1;
	v10 =	vld [tilespmem:s6+$0x170]  }
0x538: {  	v2 =	vadd.f32 v17, v2;
	v3 =	vadd.f32 v4, v3;
	v4 =	vmul.f32 v8, v8  }
0x539: {  	v1 =	vadd.f32 v18, v1;
	v11 =	vld [tilespmem:s6+$0x180]  }
0x53a: {  	v2 =	vadd.f32 v5, v2;
	v3 =	vadd.f32 v4, v3;
	v4 =	vmul.f32 v9, v9  }
0x53b: {  	v1 =	vadd.f32 v6, v1;
	v5 =	vld [tilespmem:s6+$0x190]  }
0x53c: {  	v2 =	vadd.f32 v7, v2;
	v3 =	vadd.f32 v4, v3;
	v4 =	vmul.f32 v10, v10  }
0x53d: {  	v1 =	vadd.f32 v8, v1  }
0x53e: {  	v2 =	vadd.f32 v9, v2;
	v3 =	vadd.f32 v4, v3;
	v4 =	vmul.f32 v11, v11  }
0x53f: {  	v1 =	vadd.f32 v10, v1  }
0x540: {  	v2 =	vadd.f32 v11, v2;
	v3 =	vadd.f32 v4, v3;
	v4 =	vmul.f32 v5, v5  }
0x541: {  	s18 =	sadd.s32 $0x20, s18;
	v1 =	vadd.f32 v5, v1  }
.Ltmp3:
0x542: {  	v3 =	vadd.f32 v4, v3;
	[tilespmem:s18+$0xFFFFFFF0] =	vst v2;
	(pc) =	sbr.rel @p0 .LBB2_9-.Ltmp3, $4  }
0x543: {  	s8 =	sshra.s32 s20, $0x2;
	s20 =	smov.u32 s7;
	[tilespmem:s18+$0x0] =	vst v1  }
0x544: {  	s6 =	sadd.s32 $0x340, s6;
	[tilespmem:v0+s8+$0x0 ss:$0x1] =	vst.idx.msk $0xffff, v3  }
0x545: {  	v2 =	vld [tilespmem:s6+$0xFFFFFE60]  }
0x546: {  	s7 =	sadd.s32 $0x40, s7;
	v1 =	vld [tilespmem:s6+$0xFFFFFE70]  }
0x547: {  	_ = 	snop  }
0x548: {  	v3 =	vld [tilespmem:s6+$0xFFFFFE80];
	_ =	sdelay $0x1  }
0x549: {  	v4 =	vld [tilespmem:s6+$0xFFFFFE90]  }
0x54a: {  	v5 =	vmul.f32 v2, v2;
	v6 =	vmul.f32 v1, v1  }
0x54b: {  	v7 =	vld [tilespmem:s6+$0xFFFFFEA0]  }
0x54c: {  	v20 =	vmul.f32 v3, v3;
	v5 =	vadd.f32 v6, v5  }
0x54d: {  	v8 =	vld [tilespmem:s6+$0xFFFFFEB0]  }
0x54e: {  	v21 =	vmul.f32 v4, v4;
	v5 =	vadd.f32 v20, v5  }
0x54f: {  	v9 =	vld [tilespmem:s6+$0xFFFFFEC0]  }
0x550: {  	v22 =	vmul.f32 v7, v7;
	v5 =	vadd.f32 v21, v5  }
0x551: {  	v10 =	vld [tilespmem:s6+$0xFFFFFED0]  }
0x552: {  	v23 =	vmul.f32 v8, v8;
	v5 =	vadd.f32 v22, v5  }
0x553: {  	v11 =	vld [tilespmem:s6+$0xFFFFFEE0]  }
0x554: {  	v24 =	vmul.f32 v9, v9;
	v5 =	vadd.f32 v23, v5  }
0x555: {  	v12 =	vld [tilespmem:s6+$0xFFFFFEF0]  }
0x556: {  	v25 =	vmul.f32 v10, v10;
	v5 =	vadd.f32 v24, v5  }
0x557: {  	v13 =	vld [tilespmem:s6+$0xFFFFFF00]  }
0x558: {  	v26 =	vmul.f32 v11, v11;
	v5 =	vadd.f32 v25, v5  }
0x559: {  	v14 =	vld [tilespmem:s6+$0xFFFFFF10]  }
0x55a: {  	v27 =	vmul.f32 v12, v12;
	v5 =	vadd.f32 v26, v5  }
0x55b: {  	v15 =	vld [tilespmem:s6+$0xFFFFFF20]  }
0x55c: {  	v28 =	vmul.f32 v13, v13;
	v5 =	vadd.f32 v27, v5  }
0x55d: {  	v16 =	vld [tilespmem:s6+$0xFFFFFF30]  }
0x55e: {  	v29 =	vmul.f32 v14, v14;
	v5 =	vadd.f32 v28, v5  }
0x55f: {  	v17 =	vld [tilespmem:s6+$0xFFFFFF40]  }
0x560: {  	v30 =	vmul.f32 v15, v15;
	v5 =	vadd.f32 v29, v5  }
0x561: {  	v18 =	vld [tilespmem:s6+$0xFFFFFF50]  }
0x562: {  	v31 =	vmul.f32 v16, v16;
	v5 =	vadd.f32 v30, v5  }
0x563: {  	v19 =	vld [tilespmem:s6+$0xFFFFFF60]  }
0x564: {  	v32 =	vmul.f32 v17, v17;
	v5 =	vadd.f32 v31, v5  }
0x565: {  	v20 =	vld [tilespmem:s6+$0xFFFFFF70]  }
0x566: {  	v33 =	vmul.f32 v18, v18;
	v5 =	vadd.f32 v32, v5  }
0x567: {  	v21 =	vld [tilespmem:s6+$0xFFFFFF80]  }
0x568: {  	v34 =	vmul.f32 v19, v19;
	v5 =	vadd.f32 v33, v5  }
0x569: {  	v22 =	vld [tilespmem:s6+$0xFFFFFF90]  }
0x56a: {  	v35 =	vmul.f32 v20, v20;
	v5 =	vadd.f32 v34, v5  }
0x56b: {  	v23 =	vld [tilespmem:s6+$0xFFFFFFA0]  }
0x56c: {  	v36 =	vmul.f32 v21, v21;
	v5 =	vadd.f32 v35, v5  }
0x56d: {  	v24 =	vld [tilespmem:s6+$0xFFFFFFB0]  }
0x56e: {  	v37 =	vmul.f32 v22, v22;
	v5 =	vadd.f32 v36, v5  }
0x56f: {  	v25 =	vld [tilespmem:s6+$0xFFFFFFC0]  }
0x570: {  	v38 =	vmul.f32 v23, v23;
	v5 =	vadd.f32 v37, v5  }
0x571: {  	v26 =	vld [tilespmem:s6+$0xFFFFFFD0]  }
0x572: {  	v39 =	vmul.f32 v24, v24;
	v5 =	vadd.f32 v38, v5  }
0x573: {  	v27 =	vld [tilespmem:s6+$0xFFFFFFE0]  }
0x574: {  	v40 =	vmul.f32 v25, v25;
	v5 =	vadd.f32 v39, v5  }
0x575: {  	v28 =	vld [tilespmem:s6+$0xFFFFFFF0]  }
0x576: {  	v41 =	vmul.f32 v26, v26;
	v5 =	vadd.f32 v40, v5  }
0x577: {  	v29 =	vld [tilespmem:s6+$0x0]  }
0x578: {  	v42 =	vmul.f32 v27, v27;
	v5 =	vadd.f32 v41, v5  }
0x579: {  	v30 =	vld [tilespmem:s6+$0x10]  }
0x57a: {  	v43 =	vmul.f32 v28, v28;
	v5 =	vadd.f32 v42, v5  }
0x57b: {  	v31 =	vld [tilespmem:s6+$0x20]  }
0x57c: {  	v44 =	vadd.f32 $0.0e+00, v2;
	v45 =	vmul.f32 v29, v29;
	v5 =	vadd.f32 v43, v5  }
0x57d: {  	v46 =	vadd.f32 $0.0e+00, v1;
	v32 =	vld [tilespmem:s6+$0x30]  }
0x57e: {  	v2 =	vadd.f32 v3, v44;
	v48 =	vmul.f32 v30, v30;
	v47 =	vadd.f32 v45, v5  }
0x57f: {  	v49 =	vld [tilespmem:s6+$0x40];
	v1 =	vadd.f32 v4, v46  }
0x580: {  	v2 =	vadd.f32 v7, v2;
	v50 =	vmul.f32 v31, v31;
	v3 =	vadd.f32 v48, v47  }
0x581: {  	v51 =	vld [tilespmem:s6+$0x50];
	v1 =	vadd.f32 v8, v1  }
0x582: {  	v2 =	vadd.f32 v9, v2;
	v52 =	vmul.f32 v32, v32;
	v3 =	vadd.f32 v50, v3  }
0x583: {  	v53 =	vld [tilespmem:s6+$0x60];
	v1 =	vadd.f32 v10, v1  }
0x584: {  	v54 =	vmul.f32 v49, v49;
	v2 =	vadd.f32 v11, v2;
	v3 =	vadd.f32 v52, v3  }
0x585: {  	v55 =	vld [tilespmem:s6+$0x70];
	v1 =	vadd.f32 v12, v1  }
0x586: {  	v56 =	vmul.f32 v51, v51;
	v2 =	vadd.f32 v13, v2;
	v3 =	vadd.f32 v54, v3  }
0x587: {  	v57 =	vld [tilespmem:s6+$0x80];
	v1 =	vadd.f32 v14, v1  }
0x588: {  	v58 =	vmul.f32 v53, v53;
	v2 =	vadd.f32 v15, v2;
	v3 =	vadd.f32 v56, v3  }
0x589: {  	v59 =	vld [tilespmem:s6+$0x90];
	v1 =	vadd.f32 v16, v1  }
0x58a: {  	v60 =	vmul.f32 v55, v55;
	v2 =	vadd.f32 v17, v2;
	v3 =	vadd.f32 v58, v3  }
0x58b: {  	v61 =	vld [tilespmem:s6+$0xA0];
	v1 =	vadd.f32 v18, v1  }
0x58c: {  	v62 =	vmul.f32 v57, v57;
	v2 =	vadd.f32 v19, v2;
	v3 =	vadd.f32 v60, v3  }
0x58d: {  	v63 =	vld [tilespmem:s6+$0xB0];
	v1 =	vadd.f32 v20, v1  }
0x58e: {  	v2 =	vadd.f32 v21, v2;
	v33 =	vmul.f32 v59, v59;
	v3 =	vadd.f32 v62, v3  }
0x58f: {  	v1 =	vadd.f32 v22, v1;
	v34 =	vld [tilespmem:s6+$0xC0]  }
0x590: {  	v2 =	vadd.f32 v23, v2;
	v35 =	vmul.f32 v61, v61;
	v3 =	vadd.f32 v33, v3  }
0x591: {  	v1 =	vadd.f32 v24, v1;
	v36 =	vld [tilespmem:s6+$0xD0]  }
0x592: {  	v2 =	vadd.f32 v25, v2;
	v37 =	vmul.f32 v63, v63;
	v3 =	vadd.f32 v35, v3  }
0x593: {  	v1 =	vadd.f32 v26, v1;
	v38 =	vld [tilespmem:s6+$0xE0]  }
0x594: {  	v2 =	vadd.f32 v27, v2;
	v39 =	vmul.f32 v34, v34;
	v3 =	vadd.f32 v37, v3  }
0x595: {  	v1 =	vadd.f32 v28, v1;
	v40 =	vld [tilespmem:s6+$0xF0]  }
0x596: {  	v2 =	vadd.f32 v29, v2;
	v41 =	vmul.f32 v36, v36;
	v3 =	vadd.f32 v39, v3  }
0x597: {  	v1 =	vadd.f32 v30, v1;
	v42 =	vld [tilespmem:s6+$0x100]  }
0x598: {  	v2 =	vadd.f32 v31, v2;
	v43 =	vmul.f32 v38, v38;
	v3 =	vadd.f32 v41, v3  }
0x599: {  	v44 =	vld [tilespmem:s6+$0x110];
	v1 =	vadd.f32 v32, v1  }
0x59a: {  	v2 =	vadd.f32 v49, v2;
	v45 =	vmul.f32 v40, v40;
	v3 =	vadd.f32 v43, v3  }
0x59b: {  	v46 =	vld [tilespmem:s6+$0x120];
	v1 =	vadd.f32 v51, v1  }
0x59c: {  	v2 =	vadd.f32 v53, v2;
	v47 =	vmul.f32 v42, v42;
	v3 =	vadd.f32 v45, v3  }
0x59d: {  	v1 =	vadd.f32 v55, v1;
	v48 =	vld [tilespmem:s6+$0x130]  }
0x59e: {  	v49 =	vmul.f32 v44, v44;
	v2 =	vadd.f32 v57, v2;
	v3 =	vadd.f32 v47, v3  }
0x59f: {  	v1 =	vadd.f32 v59, v1;
	v50 =	vld [tilespmem:s6+$0x140]  }
0x5a0: {  	v51 =	vmul.f32 v46, v46;
	v2 =	vadd.f32 v61, v2;
	v3 =	vadd.f32 v49, v3  }
0x5a1: {  	v1 =	vadd.f32 v63, v1;
	v52 =	vld [tilespmem:s6+$0x150]  }
0x5a2: {  	v2 =	vadd.f32 v34, v2;
	v53 =	vmul.f32 v48, v48;
	v3 =	vadd.f32 v51, v3  }
0x5a3: {  	v1 =	vadd.f32 v36, v1;
	v54 =	vld [tilespmem:s6+$0x160]  }
0x5a4: {  	v2 =	vadd.f32 v38, v2;
	v55 =	vmul.f32 v50, v50;
	v3 =	vadd.f32 v53, v3  }
0x5a5: {  	v1 =	vadd.f32 v40, v1;
	v56 =	vld [tilespmem:s6+$0x170]  }
0x5a6: {  	v2 =	vadd.f32 v42, v2;
	v57 =	vmul.f32 v52, v52;
	v3 =	vadd.f32 v55, v3  }
0x5a7: {  	v1 =	vadd.f32 v44, v1;
	v58 =	vld [tilespmem:s6+$0x180]  }
0x5a8: {  	v2 =	vadd.f32 v46, v2;
	v59 =	vmul.f32 v54, v54;
	v3 =	vadd.f32 v57, v3  }
0x5a9: {  	v1 =	vadd.f32 v48, v1;
	v60 =	vld [tilespmem:s6+$0x190]  }
0x5aa: {  	v2 =	vadd.f32 v50, v2;
	v61 =	vmul.f32 v56, v56;
	v3 =	vadd.f32 v59, v3  }
0x5ab: {  	v1 =	vadd.f32 v52, v1  }
0x5ac: {  	s17 =	sadd.s32 $0x1, s17;
	v2 =	vadd.f32 v54, v2;
	v62 =	vmul.f32 v58, v58;
	v3 =	vadd.f32 v61, v3  }
0x5ad: {  	p0 =	sne.s32 s17, $0x8;
	v1 =	vadd.f32 v56, v1  }
.Ltmp4:
0x5ae: {  	v2 =	vadd.f32 v58, v2;
	v63 =	vmul.f32 v60, v60;
	v3 =	vadd.f32 v62, v3;
	(pc) =	sbr.rel @p0 .LBB2_2-.Ltmp4, $4  }
0x5af: {  	s23 =	sadd.s32 $0x20, s18;
	v1 =	vadd.f32 v60, v1  }
0x5b0: {  	s7 =	sshra.s32 s20, $0x2;
	s14 =	sadd.s32 $0x800, s14;
	s13 =	sadd.s32 $0x400, s13;
	[tilespmem:s23+$0xFFFFFFF0] =	vst v2;
	v3 =	vadd.f32 v63, v3  }
0x5b1: {  	s16 =	sadd.s32 $0x400, s16;
	s5 =	sadd.s32 $0x800, s5;
	s22 =	sadd.s32 $0x400, s22;
	[tilespmem:s23+$0x0] =	vst v1  }
0x5b2: {  	s24 =	sadd.s32 $0x800, s24;
	s26 =	sadd.s32 $0x800, s26;
	s29 =	sadd.s32 $0x400, s29;
	[tilespmem:v0+s7+$0x0 ss:$0x1] =	vst.idx.msk $0xffff, v3  }
0x5b3: {  	s5 =	rddreg [dreg:$0x3];
	s6 =	simm.s32 $0x13800  }
0x5b4: {  	[hbm4b:s5+s2] =	stream.linear.scatter [tilespmem:s6], [sflag:$0x6], $0x4000, $0x38;
	[tilespmem:$0x19800] =	vst v63  }
0x5b5: {  	_ =	swait.ge [sflag:s10], $0x4000  }
0x5b6: {  	[sflag:s10] =	ssyncset.done $0x0  }
0x5b7: {  	s24 =	simm.s32 $0x17800;
	s23 =	rddreg [dreg:$0x4];
	[sflag:s10] =	ssyncadd.s32 $0xFFFFC000  }
0x5b8: {  	[hbm4b:s23+s2] =	stream.linear.scatter [tilespmem:s24], [sflag:$0x6], $0x2000, $0x38;
	[tilespmem:$0x19800] =	vst v63  }
0x5b9: {  	_ =	swait.ge [sflag:s10], $0x2000  }
0x5ba: {  	[sflag:s10] =	ssyncset.done $0x0  }
0x5bb: {  	[sflag:s10] =	ssyncadd.s32 $0xFFFFE000  }
0x5bc: {  	_ =	swait.ge [sflag:s31], $0x3400  }
0x5bd: {  	[sflag:s31] =	ssyncset.done $0x0  }
0x5be: {  	s8 =	simm.s32 $0x10400;
	s26 =	rddreg [dreg:$0x5];
	[sflag:s31] =	ssyncadd.s32 $0xFFFFCC00  }
0x5bf: {  	[hbm4b:s26+s2] =	stream.linear.scatter [tilespmem:s8], [sflag:$0x6], $0x3400, $0x38;
	[tilespmem:$0x19800] =	vst v63  }
0x5c0: {  	_ =	swait.ge [sflag:s10], $0x3400  }
0x5c1: {  	s0 =	sadd.s32 $0x1, s0;
	s29 =	rddreg [dreg:$0x6]  }
0x5c2: {  	p0 =	sne.s32 s0, s29  }
.Ltmp5:
0x5c3: {  	_ = 	snop;
	(pc) =	sbr.rel @p0 .LBB2_1-.Ltmp5, $3  }
0x5c4: {  	_ =	sdelay $0x1  }
0x5c5: {  	[sflag:s10] =	ssyncset.done $0x0  }
0x5c6: {  	[sflag:s10] =	ssyncadd.s32 $0xFFFFCC00  }
0x5c7: {  	_ =	sfence.sel $0x180000  }
0x5c8: {  	[bflag:$0x0] =	sbarrier.arrive $0xFFFF  }
0x5c9: {  	_ =	strace $0x90000047  }
0x5ca: {  	s0 =	stileid.u32;
	[bflag:$0x2] =	sbarrier.arrive $0xFFFF  }
0x5cb: {  	p0 =	sne.s32 s0, $0x0;
	s0 =	rddreg [dreg:$0x1]  }
0x5cc: {  	s0 =	sadd.s32 @!p0 $0x100000, s0  }
0x5cd: {  	[sflag:s0] =	ssyncadd.tile.s32 @!p0 $0x1;
	_ =	shalt  }
.Lfunc_end2:
_tile_overlayer_lowered:
.L_overlay_start_2:
0x5ce: {  	(tag) =	ssettag $0x2  }
0x5cf: {  	s0 =	rddreg [dreg:$0x0];
	s2 =	stileid.u32  }
0x5d0: {  	s1 =	rddreg [dreg:$0x1];
	p0 =	sne.s32 s2, $0x0  }
0x5d1: {  	s3 =	rddreg [dreg:$0x2];
	[bflag:$0x3] =	sbarrier.arrive $0xFFFF;
	s2 =	simm.s32 @!p0 $0x1C06  }
0x5d2: {  	[timem:s3], [sflag:s2] =	dma.local @!p0 [hbm:s0], s1  }
0x5d3: {  	s0 =	simm.s32 @!p0 $0x6  }
0x5d4: {  	_ =	swait.ge @!p0 [sflag:s0], s1  }
0x5d5: {  	s1 =	ssub.s32 @!p0 $0x0, s1;
	[sflag:s0] =	ssyncset.done @!p0 $0x0  }
0x5d6: {  	[sflag:s0] =	ssyncadd.s32 @!p0 s1  }
0x5d7: {  	[bflag:$0x3] =	sbarrier.arrive $0xFFFF  }
0x5d8: {  	_ =	shalt  }

</sc_bundles>
